<compile_context>
chip_gen: v7x
topology: tpu7x:2x2x1
jax: 0.10.2.dev20260603
libtpu: 0.0.44.dev20260713+nightly
codegen_flags: <defaults>
</compile_context>

<pallas_src>
import functools

import jax
import jax.numpy as jnp
from jax import lax
from jax.experimental import pallas as pl
from jax.experimental.pallas import tpu as pltpu
from jax.experimental.pallas import tpu_sc as plsc

N = 10000
E = 320000
H = 128
G = 128
NUM_ATOM = 100
NUM_BOND = 10
NBP = 16
L = 4

NW = 16
CHUNK = 80
NCHUNK = E // NW // CHUNK
GCHUNK = 50
NGRP = NCHUNK // GCHUNK
NPAD = 10112
RPS = NPAD // 16
BLK = 1000



def _sc_body(aug_hbm, comb_hbm, dst_hbm, out_hbm,
             combg, dstg, r0, r1, r2, aggr_sh, gsem0, gsem1, gsem2, ssem):
    sid = lax.axis_index("s")

    zero16 = jnp.zeros((16,), jnp.float32)

    def _zrow(i, c):
        for k in range(H // 16):
            r0[i, pl.ds(k * 16, 16)] = zero16
        return c

    lax.fori_loop(0, CHUNK, _zrow, 0)
    for q in range(RPS // CHUNK):
        pltpu.sync_copy(r0, aggr_sh.at[pl.ds(sid * RPS + q * CHUNK, CHUNK)])
    rem = RPS % CHUNK
    if rem:
        pltpu.sync_copy(
            r0.at[pl.ds(0, rem)],
            aggr_sh.at[pl.ds(sid * RPS + (RPS // CHUNK) * CHUNK, rem)])
    plsc.subcore_barrier()

    bufs = (r0, r1, r2)
    gsems = (gsem0, gsem1, gsem2)

    def _group(g, c):
        pltpu.sync_copy(comb_hbm.at[sid, g], combg)
        pltpu.sync_copy(dst_hbm.at[sid, g], dstg)
        pltpu.async_copy(aug_hbm.at[combg.at[0]], r0, gsem0)
        pltpu.async_copy(aug_hbm.at[combg.at[1]], r1, gsem1)

        def _chunk(j, c2):
            def emit(cur, nxt, gcur, gnxt):
                pltpu.make_async_copy(
                    aug_hbm.at[combg.at[j]], cur, gcur).wait()

                @pl.when(j > 0)
                def _():
                    pltpu.make_async_copy(
                        nxt, aggr_sh.at[dstg.at[j - 1]], ssem).wait()

                @pl.when(j < GCHUNK - 2)
                def _():
                    pltpu.async_copy(aug_hbm.at[combg.at[j + 2]], nxt, gnxt)

                pltpu.async_copy(cur, aggr_sh.at[dstg.at[j]], ssem, add=True)

            for r in range(3):
                @pl.when(j % 3 == r)
                def _(r=r):
                    emit(bufs[r], bufs[(r + 2) % 3],
                         gsems[r], gsems[(r + 2) % 3])

            return c2

        lax.fori_loop(0, GCHUNK, _chunk, 0)
        pltpu.make_async_copy(
            bufs[(GCHUNK - 1) % 3],
            aggr_sh.at[dstg.at[GCHUNK - 1]], ssem).wait()
        return c

    lax.fori_loop(0, NGRP, _group, 0)
    plsc.subcore_barrier()

    r = sid * RPS
    pltpu.sync_copy(aggr_sh.at[pl.ds(r, RPS)],
                    out_hbm.at[pl.ds(r, RPS)])


def _sc_aggregate(aug, comb4, dst4):
    f = pl.kernel(
        _sc_body,
        out_type=jax.ShapeDtypeStruct((NPAD, H), jnp.float32),
        mesh=plsc.VectorSubcoreMesh(core_axis_name="c", subcore_axis_name="s",
                                    num_cores=1),
        scratch_types=[
            pltpu.VMEM((GCHUNK, CHUNK), jnp.int32),
            pltpu.VMEM((GCHUNK, CHUNK), jnp.int32),
            pltpu.VMEM((CHUNK, H), jnp.float32),
            pltpu.VMEM((CHUNK, H), jnp.float32),
            pltpu.VMEM((CHUNK, H), jnp.float32),
            pltpu.VMEM_SHARED((NPAD, H), jnp.float32),
            pltpu.SemaphoreType.DMA,
            pltpu.SemaphoreType.DMA,
            pltpu.SemaphoreType.DMA,
            pltpu.SemaphoreType.DMA,
        ],
    )
    return f(aug, comb4, dst4)



def _comb_body(src_ref, e_ref, out_ref):
    out_ref[...] = e_ref[...] * N + src_ref[...]


def _tc_comb(src2, e2):
    return pl.pallas_call(
        _comb_body,
        out_shape=jax.ShapeDtypeStruct((E // 128, 128), jnp.int32),
    )(src2, e2)


def _embed_body(h_ref, embh_ref, embe_ref, hx_ref, aug_ref):
    hb = h_ref[0, 0, :]
    onehot = (hb[:, None] == lax.broadcasted_iota(jnp.int32, (BLK, 128), 1))
    hx = jnp.dot(onehot.astype(jnp.float32), embh_ref[...],
                 preferred_element_type=jnp.float32, precision=lax.Precision.HIGHEST)
    hx_ref[...] = hx
    aug_ref[...] = jax.nn.relu(embe_ref[...][:NUM_BOND, None, :]
                               + hx[None, :, :])


def _tc_embed(h3, embh_p, embe_p):
    return pl.pallas_call(
        _embed_body,
        grid=(N // BLK,),
        in_specs=[
            pl.BlockSpec((1, 1, BLK), lambda i: (i, 0, 0)),
            pl.BlockSpec((128, 128), lambda i: (0, 0)),
            pl.BlockSpec((NBP, H), lambda i: (0, 0)),
        ],
        out_specs=[
            pl.BlockSpec((BLK, H), lambda i: (i, 0)),
            pl.BlockSpec((NUM_BOND, BLK, H), lambda i: (0, i, 0)),
        ],
        out_shape=[
            jax.ShapeDtypeStruct((N, H), jnp.float32),
            jax.ShapeDtypeStruct((NUM_BOND, N, H), jnp.float32),
        ],
    )(h3, embh_p, embe_p)


def _mlp_core(hx_ref, aggr_ref, w1_ref, b1_ref, w2_ref, b2_ref):
    z = hx_ref[...] + aggr_ref[...]
    t = jax.nn.relu(jnp.dot(z, w1_ref[...],
                            preferred_element_type=jnp.float32) + b1_ref[...])
    return jnp.dot(t, w2_ref[...],
                   preferred_element_type=jnp.float32) + b2_ref[...]


def _mlp_aug_body(hx_ref, aggr_ref, w1_ref, b1_ref, w2_ref, b2_ref, embe_ref,
                  nh_ref, aug_ref):
    nh = _mlp_core(hx_ref, aggr_ref, w1_ref, b1_ref, w2_ref, b2_ref)
    nh_ref[...] = nh
    aug_ref[...] = jax.nn.relu(embe_ref[...][:NUM_BOND, None, :]
                               + nh[None, :, :])


def _mlp_last_body(hx_ref, aggr_ref, w1_ref, b1_ref, w2_ref, b2_ref, nh_ref):
    nh_ref[...] = _mlp_core(hx_ref, aggr_ref, w1_ref, b1_ref, w2_ref, b2_ref)


def _tc_mlp(hx, aggr, w1, b1, w2, b2, embe_p, with_aug):
    wspec = pl.BlockSpec((128, 128), lambda i: (0, 0))
    bspec = pl.BlockSpec((1, 128), lambda i: (0, 0))
    in_specs = [
        pl.BlockSpec((BLK, H), lambda i: (i, 0)),
        pl.BlockSpec((BLK, H), lambda i: (i, 0)),
        wspec, bspec, wspec, bspec,
    ]
    args = [hx, aggr, w1, b1, w2, b2]
    if with_aug:
        in_specs.append(pl.BlockSpec((NBP, H), lambda i: (0, 0)))
        args.append(embe_p)
        return pl.pallas_call(
            _mlp_aug_body,
            grid=(N // BLK,),
            in_specs=in_specs,
            out_specs=[
                pl.BlockSpec((BLK, H), lambda i: (i, 0)),
                pl.BlockSpec((NUM_BOND, BLK, H), lambda i: (0, i, 0)),
            ],
            out_shape=[
                jax.ShapeDtypeStruct((N, H), jnp.float32),
                jax.ShapeDtypeStruct((NUM_BOND, N, H), jnp.float32),
            ],
        )(*args)
    return pl.pallas_call(
        _mlp_last_body,
        grid=(N // BLK,),
        in_specs=in_specs,
        out_specs=pl.BlockSpec((BLK, H), lambda i: (i, 0)),
        out_shape=jax.ShapeDtypeStruct((N, H), jnp.float32),
    )(*args)


def _readout_body(gid_ref, hx_ref, wr0_ref, br0_ref, wr1_ref, br1_ref,
                  wr2_ref, br2_ref, out_ref, acc_ref, cnt_ref):
    i = pl.program_id(0)

    @pl.when(i == 0)
    def _():
        acc_ref[...] = jnp.zeros_like(acc_ref)
        cnt_ref[...] = jnp.zeros_like(cnt_ref)

    gid = gid_ref[0, 0, :]
    onehot = (gid[:, None] == lax.broadcasted_iota(jnp.int32, (BLK, G), 1)
              ).astype(jnp.float32)
    acc_ref[...] += lax.dot_general(
        onehot, hx_ref[...], (((0,), (0,)), ((), ())),
        preferred_element_type=jnp.float32, precision=lax.Precision.HIGHEST)
    cnt_ref[...] += jnp.sum(onehot, axis=0, keepdims=True)

    @pl.when(i == pl.num_programs(0) - 1)
    def _():
        hg = acc_ref[...] / jnp.maximum(cnt_ref[...], 1.0).reshape(G, 1)
        y = jax.nn.relu(jnp.dot(hg, wr0_ref[...],
                                preferred_element_type=jnp.float32, precision=lax.Precision.HIGHEST)
                        + br0_ref[...])
        y = jax.nn.relu(jnp.dot(y, wr1_ref[...],
                                preferred_element_type=jnp.float32, precision=lax.Precision.HIGHEST)
                        + br1_ref[...])
        y2 = jnp.sum(y * wr2_ref[...], axis=1, keepdims=True)
        out_ref[...] = y2 + br2_ref[...]


def _tc_readout(g3, hx, wr0p, br0p, wr1p, br1p, wr2p, br2p):
    wspec = pl.BlockSpec((128, 128), lambda i: (0, 0))
    bspec = pl.BlockSpec((1, 128), lambda i: (0, 0))
    return pl.pallas_call(
        _readout_body,
        grid=(N // BLK,),
        in_specs=[
            pl.BlockSpec((1, 1, BLK), lambda i: (i, 0, 0)),
            pl.BlockSpec((BLK, H), lambda i: (i, 0)),
            wspec, bspec, wspec, bspec, bspec, bspec,
        ],
        out_specs=pl.BlockSpec((G, 128), lambda i: (0, 0)),
        out_shape=jax.ShapeDtypeStruct((G, 128), jnp.float32),
        scratch_shapes=[
            pltpu.VMEM((G, G), jnp.float32),
            pltpu.VMEM((1, G), jnp.float32),
        ],
    )(g3, hx, wr0p, br0p, wr1p, br1p, wr2p, br2p)



def kernel(h, e, p, snorm_n, edge_index, graph_ids, emb_h, emb_e,
           W1s, b1s, W2s, b2s, Wr0, br0, Wr1, br1, Wr2, br2):
    f32 = jnp.float32
    src2 = edge_index[0].astype(jnp.int32).reshape(E // 128, 128)
    e2 = e.astype(jnp.int32).reshape(E // 128, 128)
    comb4 = _tc_comb(src2, e2).reshape(NW, NGRP, GCHUNK, CHUNK)
    dst4 = edge_index[1].astype(jnp.int32).reshape(NW, NGRP, GCHUNK, CHUNK)
    h3 = h.astype(jnp.int32).reshape(N // BLK, 1, BLK)
    g3 = graph_ids.astype(jnp.int32).reshape(N // BLK, 1, BLK)

    embh_p = jnp.zeros((128, 128), f32).at[:NUM_ATOM].set(emb_h)
    embe_p = jnp.zeros((NBP, H), f32).at[:NUM_BOND].set(emb_e)

    wr0p = jnp.zeros((128, 128), f32).at[:, :H // 2].set(Wr0)
    br0p = jnp.zeros((1, 128), f32).at[0, :H // 2].set(br0)
    wr1p = jnp.zeros((128, 128), f32).at[:H // 2, :H // 4].set(Wr1)
    br1p = jnp.zeros((1, 128), f32).at[0, :H // 4].set(br1)
    wr2p = jnp.zeros((1, 128), f32).at[0, :H // 4].set(Wr2[:, 0])
    br2p = jnp.broadcast_to(br2.reshape(1, 1), (1, 128)).astype(f32)

    hx, aug = _tc_embed(h3, embh_p, embe_p)
    for l in range(L):
        aggr = _sc_aggregate(aug.reshape(NUM_BOND * N, H), comb4, dst4)
        b1 = b1s[l].reshape(1, H)
        b2 = b2s[l].reshape(1, H)
        if l < L - 1:
            hx, aug = _tc_mlp(hx, aggr, W1s[l], b1, W2s[l], b2, embe_p, True)
        else:
            hx = _tc_mlp(hx, aggr, W1s[l], b1, W2s[l], b2, None, False)

    y = _tc_readout(g3, hx, wr0p, br0p, wr1p, br1p, wr2p, br2p)
    return y[:, :1]

# --- scband reference (transcript-rebuilt; emitter-appended) ---
"""Pipeline reference for scband-ginnet-44384192037164 (READ-ONLY COPY).

The authoritative reference and input builder live on the scoring server;
editing this copy changes nothing except your own understanding.
"""

import jax, jax.numpy as jnp
import numpy as np

N = 10000
E = 320000
H = 128
G = 128
NUM_ATOM = 100
NUM_BOND = 10
L = 4


def setup_inputs(seed: int = 0) -> dict:
    key = jax.random.key(seed)
    ks = jax.random.split(key, 16)
    h = jax.random.randint(ks[0], (N,), 0, NUM_ATOM)
    e = jax.random.randint(ks[1], (E,), 0, NUM_BOND)
    edge_index = jax.random.randint(ks[2], (2, E), 0, N)
    graph_ids = jnp.sort(jax.random.randint(ks[3], (N,), 0, G))
    p = jnp.zeros((N, 8), jnp.float32)
    snorm_n = jnp.ones((N, 1), jnp.float32)
    emb_h = jax.random.normal(ks[4], (NUM_ATOM, H), jnp.float32) * 0.1
    emb_e = jax.random.normal(ks[5], (NUM_BOND, H), jnp.float32) * 0.1
    W1s = jax.random.normal(ks[6], (L, H, H), jnp.float32) * 0.05
    b1s = jnp.zeros((L, H), jnp.float32)
    W2s = jax.random.normal(ks[7], (L, H, H), jnp.float32) * 0.05
    b2s = jnp.zeros((L, H), jnp.float32)
    Wr0 = jax.random.normal(ks[8], (H, H // 2), jnp.float32) * 0.05
    br0 = jnp.zeros((H // 2,), jnp.float32)
    Wr1 = jax.random.normal(ks[9], (H // 2, H // 4), jnp.float32) * 0.05
    br1 = jnp.zeros((H // 4,), jnp.float32)
    Wr2 = jax.random.normal(ks[10], (H // 4, 1), jnp.float32) * 0.05
    br2 = jnp.zeros((1,), jnp.float32)
    return {
        "h": h, "e": e, "p": p, "snorm_n": snorm_n,
        "edge_index": edge_index, "graph_ids": graph_ids,
        "emb_h": emb_h, "emb_e": emb_e,
        "W1s": W1s, "b1s": b1s, "W2s": W2s, "b2s": b2s,
        "Wr0": Wr0, "br0": br0, "Wr1": Wr1, "br1": br1, "Wr2": Wr2, "br2": br2,
    }


def reference(h, e, p, snorm_n, edge_index, graph_ids, emb_h, emb_e,
              W1s, b1s, W2s, b2s, Wr0, br0, Wr1, br1, Wr2, br2):
    # embedding lookups (embedding_h / embedding_e)
    hx = jnp.take(emb_h, h, axis=0)          # [N, H]
    ex = jnp.take(emb_e, e, axis=0)          # [E, H]
    src = edge_index[0]
    dst = edge_index[1]
    # GIN (GINE-style) layers: msg = relu(h_src + e); sum-aggregate; MLP((1+eps)h + aggr), eps=0
    for l in range(L):
        msg = jax.nn.relu(jnp.take(hx, src, axis=0) + ex)   # gather [E, H]
        aggr = jax.ops.segment_sum(msg, dst, num_segments=N)  # scatter-add [N, H]
        z = hx + aggr
        hx = jax.nn.relu(z @ W1s[l] + b1s[l]) @ W2s[l] + b2s[l]
    # dgl.mean_nodes readout over batched graphs
    counts = jax.ops.segment_sum(jnp.ones((N,), jnp.float32), graph_ids, num_segments=G)
    hg = jax.ops.segment_sum(hx, graph_ids, num_segments=G) / jnp.clip(counts, 1.0)[:, None]
    # MLPReadout (L=2): Linear-ReLU-Linear-ReLU-Linear -> scalar
    y = jax.nn.relu(hg @ Wr0 + br0)
    y = jax.nn.relu(y @ Wr1 + br1)
    y = y @ Wr2 + br2
    return y

if __name__ == "__main__":
    import jax
    _d = setup_inputs()
    print(jax.jit(kernel)(*tuple(_d.values())))

</pallas_src>

<mosaic_0001>
#map = affine_map<(d0, d1) -> (0, 0)>
#map1 = affine_map<(d0, d1) -> (0, 0, 0, 0)>
module attributes {stable_mosaic.version = 14 : i64} {
  func.func @_sc_body(%arg0: i32, %arg1: i32, %arg2: memref<100000x128xf32, #tpu.memory_space<hbm>>, %arg3: memref<16x5x50x80xi32, #tpu.memory_space<hbm>>, %arg4: memref<16x5x50x80xi32, #tpu.memory_space<hbm>>, %arg5: memref<10112x128xf32, #tpu.memory_space<hbm>>, %arg6: memref<50x80xi32, #tpu.memory_space<vmem>>, %arg7: memref<50x80xi32, #tpu.memory_space<vmem>>, %arg8: memref<80x128xf32, #tpu.memory_space<vmem>>, %arg9: memref<80x128xf32, #tpu.memory_space<vmem>>, %arg10: memref<80x128xf32, #tpu.memory_space<vmem>>, %arg11: memref<10112x128xf32, #tpu.memory_space<vmem_shared>>, %arg12: memref<!tpu.dma_semaphore, #tpu.memory_space<semaphore_mem>>, %arg13: memref<!tpu.dma_semaphore, #tpu.memory_space<semaphore_mem>>, %arg14: memref<!tpu.dma_semaphore, #tpu.memory_space<semaphore_mem>>, %arg15: memref<!tpu.dma_semaphore, #tpu.memory_space<semaphore_mem>>) attributes {dimension_semantics = [#tpu.dimension_semantics<core_parallel>, #tpu.dimension_semantics<subcore_parallel>], iteration_bounds = array<i64: 1, 16>, scalar_prefetch = 0 : i64, scratch_operands = 10 : i64, tpu.core_type = #tpu.core_type<sc_vector_subcore>, window_params = [{transform_indices = #map}, {transform_indices = #map1}, {transform_indices = #map1}, {transform_indices = #map}]} {
    %broadcast_in_dim3A = arith.constant 0.000000e+00 : f32
    %broadcast_in_dim3A_0 = vector.broadcast %broadcast_in_dim3A : f32 to vector<16xf32>
    %scan3A = arith.constant 0 : i32
    %scan3A_1 = arith.constant 0 : i32
    %scan3A_2 = arith.constant 80 : i32
    %scan3A_3 = arith.addi %scan3A_1, %scan3A_2 : i32
    %scan3A_4 = arith.constant 1 : i32
    scf.for %scan3A_45 = %scan3A_1 to %scan3A_3 step %scan3A_4  : i32 {
      %swap3A = arith.index_cast %scan3A_45 : i32 to index
      %swap3A_46 = arith.constant 0 : index
      %swap3A_47 = tpu.vector_load %arg8[%swap3A, %swap3A_46] {strides = array<i32>} : memref<80x128xf32, #tpu.memory_space<vmem>>, vector<1x16xf32>,
      %swap3A_48 = vector.shape_cast %swap3A_47 : vector<1x16xf32> to vector<16xf32>
      %swap3A_49 = vector.shape_cast %broadcast_in_dim3A_0 : vector<16xf32> to vector<1x16xf32>
      tpu.vector_store %arg8[%swap3A, %swap3A_46], %swap3A_49 {strides = array<i32>} : memref<80x128xf32, #tpu.memory_space<vmem>>, vector<1x16xf32>,
      %swap3A_50 = arith.index_cast %scan3A_45 : i32 to index
      %swap3A_51 = arith.constant 16 : index
      %swap3A_52 = tpu.vector_load %arg8[%swap3A_50, %swap3A_51] {strides = array<i32>} : memref<80x128xf32, #tpu.memory_space<vmem>>, vector<1x16xf32>,
      %swap3A_53 = vector.shape_cast %swap3A_52 : vector<1x16xf32> to vector<16xf32>
      %swap3A_54 = vector.shape_cast %broadcast_in_dim3A_0 : vector<16xf32> to vector<1x16xf32>
      tpu.vector_store %arg8[%swap3A_50, %swap3A_51], %swap3A_54 {strides = array<i32>} : memref<80x128xf32, #tpu.memory_space<vmem>>, vector<1x16xf32>,
      %swap3A_55 = arith.index_cast %scan3A_45 : i32 to index
      %swap3A_56 = arith.constant 32 : index
      %swap3A_57 = tpu.vector_load %arg8[%swap3A_55, %swap3A_56] {strides = array<i32>} : memref<80x128xf32, #tpu.memory_space<vmem>>, vector<1x16xf32>,
      %swap3A_58 = vector.shape_cast %swap3A_57 : vector<1x16xf32> to vector<16xf32>
      %swap3A_59 = vector.shape_cast %broadcast_in_dim3A_0 : vector<16xf32> to vector<1x16xf32>
      tpu.vector_store %arg8[%swap3A_55, %swap3A_56], %swap3A_59 {strides = array<i32>} : memref<80x128xf32, #tpu.memory_space<vmem>>, vector<1x16xf32>,
      %swap3A_60 = arith.index_cast %scan3A_45 : i32 to index
      %swap3A_61 = arith.constant 48 : index
      %swap3A_62 = tpu.vector_load %arg8[%swap3A_60, %swap3A_61] {strides = array<i32>} : memref<80x128xf32, #tpu.memory_space<vmem>>, vector<1x16xf32>,
      %swap3A_63 = vector.shape_cast %swap3A_62 : vector<1x16xf32> to vector<16xf32>
      %swap3A_64 = vector.shape_cast %broadcast_in_dim3A_0 : vector<16xf32> to vector<1x16xf32>
      tpu.vector_store %arg8[%swap3A_60, %swap3A_61], %swap3A_64 {strides = array<i32>} : memref<80x128xf32, #tpu.memory_space<vmem>>, vector<1x16xf32>,
      %swap3A_65 = arith.index_cast %scan3A_45 : i32 to index
      %swap3A_66 = arith.constant 64 : index
      %swap3A_67 = tpu.vector_load %arg8[%swap3A_65, %swap3A_66] {strides = array<i32>} : memref<80x128xf32, #tpu.memory_space<vmem>>, vector<1x16xf32>,
      %swap3A_68 = vector.shape_cast %swap3A_67 : vector<1x16xf32> to vector<16xf32>
      %swap3A_69 = vector.shape_cast %broadcast_in_dim3A_0 : vector<16xf32> to vector<1x16xf32>
      tpu.vector_store %arg8[%swap3A_65, %swap3A_66], %swap3A_69 {strides = array<i32>} : memref<80x128xf32, #tpu.memory_space<vmem>>, vector<1x16xf32>,
      %swap3A_70 = arith.index_cast %scan3A_45 : i32 to index
      %swap3A_71 = arith.constant 80 : index
      %swap3A_72 = tpu.vector_load %arg8[%swap3A_70, %swap3A_71] {strides = array<i32>} : memref<80x128xf32, #tpu.memory_space<vmem>>, vector<1x16xf32>,
      %swap3A_73 = vector.shape_cast %swap3A_72 : vector<1x16xf32> to vector<16xf32>
      %swap3A_74 = vector.shape_cast %broadcast_in_dim3A_0 : vector<16xf32> to vector<1x16xf32>
      tpu.vector_store %arg8[%swap3A_70, %swap3A_71], %swap3A_74 {strides = array<i32>} : memref<80x128xf32, #tpu.memory_space<vmem>>, vector<1x16xf32>,
      %swap3A_75 = arith.index_cast %scan3A_45 : i32 to index
      %swap3A_76 = arith.constant 96 : index
      %swap3A_77 = tpu.vector_load %arg8[%swap3A_75, %swap3A_76] {strides = array<i32>} : memref<80x128xf32, #tpu.memory_space<vmem>>, vector<1x16xf32>,
      %swap3A_78 = vector.shape_cast %swap3A_77 : vector<1x16xf32> to vector<16xf32>
      %swap3A_79 = vector.shape_cast %broadcast_in_dim3A_0 : vector<16xf32> to vector<1x16xf32>
      tpu.vector_store %arg8[%swap3A_75, %swap3A_76], %swap3A_79 {strides = array<i32>} : memref<80x128xf32, #tpu.memory_space<vmem>>, vector<1x16xf32>,
      %swap3A_80 = arith.index_cast %scan3A_45 : i32 to index
      %swap3A_81 = arith.constant 112 : index
      %swap3A_82 = tpu.vector_load %arg8[%swap3A_80, %swap3A_81] {strides = array<i32>} : memref<80x128xf32, #tpu.memory_space<vmem>>, vector<1x16xf32>,
      %swap3A_83 = vector.shape_cast %swap3A_82 : vector<1x16xf32> to vector<16xf32>
      %swap3A_84 = vector.shape_cast %broadcast_in_dim3A_0 : vector<16xf32> to vector<1x16xf32>
      tpu.vector_store %arg8[%swap3A_80, %swap3A_81], %swap3A_84 {strides = array<i32>} : memref<80x128xf32, #tpu.memory_space<vmem>>, vector<1x16xf32>,
    }
    %scan3A_5 = arith.constant 80 : i32
    %mul3A = arith.constant 632 : i32
    %mul3A_6 = arith.muli %arg1, %mul3A : i32
    %add3A = arith.constant 0 : i32
    %add3A_7 = arith.addi %mul3A_6, %add3A : i32
    "tpu.region"() ({
      %run_scoped3A = tpu.sem_alloc : memref<!tpu.dma_semaphore, #tpu.memory_space<semaphore_mem>>
      %dma_start3A = arith.constant 0 : i32
      %dma_start3A_45 = tpu.memref_slice %arg11[%add3A_7, %dma_start3A] : memref<10112x128xf32, #tpu.memory_space<vmem_shared>> -> memref<80x128xf32, #tpu.memory_space<vmem_shared>>
      %dma_start3A_46 = arith.constant 0 : i32
      %dma_start3A_47 = tpu.memref_slice %arg11[%add3A_7, %dma_start3A_46] : memref<10112x128xf32, #tpu.memory_space<vmem_shared>> -> memref<80x128xf32, #tpu.memory_space<vmem_shared>>
      tpu.enqueue_dma source(%arg8 : memref<80x128xf32, #tpu.memory_space<vmem>>) target(%dma_start3A_47 : memref<80x128xf32, #tpu.memory_space<vmem_shared>>) target_semaphore(%run_scoped3A : memref<!tpu.dma_semaphore, #tpu.memory_space<semaphore_mem>>)
      %dma_wait3A = arith.constant 0 : i32
      %dma_wait3A_48 = tpu.memref_slice %arg11[%add3A_7, %dma_wait3A] : memref<10112x128xf32, #tpu.memory_space<vmem_shared>> -> memref<80x128xf32, #tpu.memory_space<vmem_shared>>
      %dma_wait3A_49 = arith.constant 0 : i32
      %dma_wait3A_50 = tpu.memref_slice %arg11[%add3A_7, %dma_wait3A_49] : memref<10112x128xf32, #tpu.memory_space<vmem_shared>> -> memref<80x128xf32, #tpu.memory_space<vmem_shared>>
      tpu.wait_dma2 semaphore(%run_scoped3A : memref<!tpu.dma_semaphore, #tpu.memory_space<semaphore_mem>>) src(%arg8 : memref<80x128xf32, #tpu.memory_space<vmem>>) dst(%dma_wait3A_50 : memref<80x128xf32, #tpu.memory_space<vmem_shared>>)
      tpu.yield
    }) : () -> ()
    %mul3A_8 = arith.constant 632 : i32
    %mul3A_9 = arith.muli %arg1, %mul3A_8 : i32
    %add3A_10 = arith.constant 80 : i32
    %add3A_11 = arith.addi %mul3A_9, %add3A_10 : i32
    "tpu.region"() ({
      %run_scoped3A = tpu.sem_alloc : memref<!tpu.dma_semaphore, #tpu.memory_space<semaphore_mem>>
      %dma_start3A = arith.constant 0 : i32
      %dma_start3A_45 = tpu.memref_slice %arg11[%add3A_11, %dma_start3A] : memref<10112x128xf32, #tpu.memory_space<vmem_shared>> -> memref<80x128xf32, #tpu.memory_space<vmem_shared>>
      %dma_start3A_46 = arith.constant 0 : i32
      %dma_start3A_47 = tpu.memref_slice %arg11[%add3A_11, %dma_start3A_46] : memref<10112x128xf32, #tpu.memory_space<vmem_shared>> -> memref<80x128xf32, #tpu.memory_space<vmem_shared>>
      tpu.enqueue_dma source(%arg8 : memref<80x128xf32, #tpu.memory_space<vmem>>) target(%dma_start3A_47 : memref<80x128xf32, #tpu.memory_space<vmem_shared>>) target_semaphore(%run_scoped3A : memref<!tpu.dma_semaphore, #tpu.memory_space<semaphore_mem>>)
      %dma_wait3A = arith.constant 0 : i32
      %dma_wait3A_48 = tpu.memref_slice %arg11[%add3A_11, %dma_wait3A] : memref<10112x128xf32, #tpu.memory_space<vmem_shared>> -> memref<80x128xf32, #tpu.memory_space<vmem_shared>>
      %dma_wait3A_49 = arith.constant 0 : i32
      %dma_wait3A_50 = tpu.memref_slice %arg11[%add3A_11, %dma_wait3A_49] : memref<10112x128xf32, #tpu.memory_space<vmem_shared>> -> memref<80x128xf32, #tpu.memory_space<vmem_shared>>
      tpu.wait_dma2 semaphore(%run_scoped3A : memref<!tpu.dma_semaphore, #tpu.memory_space<semaphore_mem>>) src(%arg8 : memref<80x128xf32, #tpu.memory_space<vmem>>) dst(%dma_wait3A_50 : memref<80x128xf32, #tpu.memory_space<vmem_shared>>)
      tpu.yield
    }) : () -> ()
    %mul3A_12 = arith.constant 632 : i32
    %mul3A_13 = arith.muli %arg1, %mul3A_12 : i32
    %add3A_14 = arith.constant 160 : i32
    %add3A_15 = arith.addi %mul3A_13, %add3A_14 : i32
    "tpu.region"() ({
      %run_scoped3A = tpu.sem_alloc : memref<!tpu.dma_semaphore, #tpu.memory_space<semaphore_mem>>
      %dma_start3A = arith.constant 0 : i32
      %dma_start3A_45 = tpu.memref_slice %arg11[%add3A_15, %dma_start3A] : memref<10112x128xf32, #tpu.memory_space<vmem_shared>> -> memref<80x128xf32, #tpu.memory_space<vmem_shared>>
      %dma_start3A_46 = arith.constant 0 : i32
      %dma_start3A_47 = tpu.memref_slice %arg11[%add3A_15, %dma_start3A_46] : memref<10112x128xf32, #tpu.memory_space<vmem_shared>> -> memref<80x128xf32, #tpu.memory_space<vmem_shared>>
      tpu.enqueue_dma source(%arg8 : memref<80x128xf32, #tpu.memory_space<vmem>>) target(%dma_start3A_47 : memref<80x128xf32, #tpu.memory_space<vmem_shared>>) target_semaphore(%run_scoped3A : memref<!tpu.dma_semaphore, #tpu.memory_space<semaphore_mem>>)
      %dma_wait3A = arith.constant 0 : i32
      %dma_wait3A_48 = tpu.memref_slice %arg11[%add3A_15, %dma_wait3A] : memref<10112x128xf32, #tpu.memory_space<vmem_shared>> -> memref<80x128xf32, #tpu.memory_space<vmem_shared>>
      %dma_wait3A_49 = arith.constant 0 : i32
      %dma_wait3A_50 = tpu.memref_slice %arg11[%add3A_15, %dma_wait3A_49] : memref<10112x128xf32, #tpu.memory_space<vmem_shared>> -> memref<80x128xf32, #tpu.memory_space<vmem_shared>>
      tpu.wait_dma2 semaphore(%run_scoped3A : memref<!tpu.dma_semaphore, #tpu.memory_space<semaphore_mem>>) src(%arg8 : memref<80x128xf32, #tpu.memory_space<vmem>>) dst(%dma_wait3A_50 : memref<80x128xf32, #tpu.memory_space<vmem_shared>>)
      tpu.yield
    }) : () -> ()
    %mul3A_16 = arith.constant 632 : i32
    %mul3A_17 = arith.muli %arg1, %mul3A_16 : i32
    %add3A_18 = arith.constant 240 : i32
    %add3A_19 = arith.addi %mul3A_17, %add3A_18 : i32
    "tpu.region"() ({
      %run_scoped3A = tpu.sem_alloc : memref<!tpu.dma_semaphore, #tpu.memory_space<semaphore_mem>>
      %dma_start3A = arith.constant 0 : i32
      %dma_start3A_45 = tpu.memref_slice %arg11[%add3A_19, %dma_start3A] : memref<10112x128xf32, #tpu.memory_space<vmem_shared>> -> memref<80x128xf32, #tpu.memory_space<vmem_shared>>
      %dma_start3A_46 = arith.constant 0 : i32
      %dma_start3A_47 = tpu.memref_slice %arg11[%add3A_19, %dma_start3A_46] : memref<10112x128xf32, #tpu.memory_space<vmem_shared>> -> memref<80x128xf32, #tpu.memory_space<vmem_shared>>
      tpu.enqueue_dma source(%arg8 : memref<80x128xf32, #tpu.memory_space<vmem>>) target(%dma_start3A_47 : memref<80x128xf32, #tpu.memory_space<vmem_shared>>) target_semaphore(%run_scoped3A : memref<!tpu.dma_semaphore, #tpu.memory_space<semaphore_mem>>)
      %dma_wait3A = arith.constant 0 : i32
      %dma_wait3A_48 = tpu.memref_slice %arg11[%add3A_19, %dma_wait3A] : memref<10112x128xf32, #tpu.memory_space<vmem_shared>> -> memref<80x128xf32, #tpu.memory_space<vmem_shared>>
      %dma_wait3A_49 = arith.constant 0 : i32
      %dma_wait3A_50 = tpu.memref_slice %arg11[%add3A_19, %dma_wait3A_49] : memref<10112x128xf32, #tpu.memory_space<vmem_shared>> -> memref<80x128xf32, #tpu.memory_space<vmem_shared>>
      tpu.wait_dma2 semaphore(%run_scoped3A : memref<!tpu.dma_semaphore, #tpu.memory_space<semaphore_mem>>) src(%arg8 : memref<80x128xf32, #tpu.memory_space<vmem>>) dst(%dma_wait3A_50 : memref<80x128xf32, #tpu.memory_space<vmem_shared>>)
      tpu.yield
    }) : () -> ()
    %mul3A_20 = arith.constant 632 : i32
    %mul3A_21 = arith.muli %arg1, %mul3A_20 : i32
    %add3A_22 = arith.constant 320 : i32
    %add3A_23 = arith.addi %mul3A_21, %add3A_22 : i32
    "tpu.region"() ({
      %run_scoped3A = tpu.sem_alloc : memref<!tpu.dma_semaphore, #tpu.memory_space<semaphore_mem>>
      %dma_start3A = arith.constant 0 : i32
      %dma_start3A_45 = tpu.memref_slice %arg11[%add3A_23, %dma_start3A] : memref<10112x128xf32, #tpu.memory_space<vmem_shared>> -> memref<80x128xf32, #tpu.memory_space<vmem_shared>>
      %dma_start3A_46 = arith.constant 0 : i32
      %dma_start3A_47 = tpu.memref_slice %arg11[%add3A_23, %dma_start3A_46] : memref<10112x128xf32, #tpu.memory_space<vmem_shared>> -> memref<80x128xf32, #tpu.memory_space<vmem_shared>>
      tpu.enqueue_dma source(%arg8 : memref<80x128xf32, #tpu.memory_space<vmem>>) target(%dma_start3A_47 : memref<80x128xf32, #tpu.memory_space<vmem_shared>>) target_semaphore(%run_scoped3A : memref<!tpu.dma_semaphore, #tpu.memory_space<semaphore_mem>>)
      %dma_wait3A = arith.constant 0 : i32
      %dma_wait3A_48 = tpu.memref_slice %arg11[%add3A_23, %dma_wait3A] : memref<10112x128xf32, #tpu.memory_space<vmem_shared>> -> memref<80x128xf32, #tpu.memory_space<vmem_shared>>
      %dma_wait3A_49 = arith.constant 0 : i32
      %dma_wait3A_50 = tpu.memref_slice %arg11[%add3A_23, %dma_wait3A_49] : memref<10112x128xf32, #tpu.memory_space<vmem_shared>> -> memref<80x128xf32, #tpu.memory_space<vmem_shared>>
      tpu.wait_dma2 semaphore(%run_scoped3A : memref<!tpu.dma_semaphore, #tpu.memory_space<semaphore_mem>>) src(%arg8 : memref<80x128xf32, #tpu.memory_space<vmem>>) dst(%dma_wait3A_50 : memref<80x128xf32, #tpu.memory_space<vmem_shared>>)
      tpu.yield
    }) : () -> ()
    %mul3A_24 = arith.constant 632 : i32
    %mul3A_25 = arith.muli %arg1, %mul3A_24 : i32
    %add3A_26 = arith.constant 400 : i32
    %add3A_27 = arith.addi %mul3A_25, %add3A_26 : i32
    "tpu.region"() ({
      %run_scoped3A = tpu.sem_alloc : memref<!tpu.dma_semaphore, #tpu.memory_space<semaphore_mem>>
      %dma_start3A = arith.constant 0 : i32
      %dma_start3A_45 = tpu.memref_slice %arg11[%add3A_27, %dma_start3A] : memref<10112x128xf32, #tpu.memory_space<vmem_shared>> -> memref<80x128xf32, #tpu.memory_space<vmem_shared>>
      %dma_start3A_46 = arith.constant 0 : i32
      %dma_start3A_47 = tpu.memref_slice %arg11[%add3A_27, %dma_start3A_46] : memref<10112x128xf32, #tpu.memory_space<vmem_shared>> -> memref<80x128xf32, #tpu.memory_space<vmem_shared>>
      tpu.enqueue_dma source(%arg8 : memref<80x128xf32, #tpu.memory_space<vmem>>) target(%dma_start3A_47 : memref<80x128xf32, #tpu.memory_space<vmem_shared>>) target_semaphore(%run_scoped3A : memref<!tpu.dma_semaphore, #tpu.memory_space<semaphore_mem>>)
      %dma_wait3A = arith.constant 0 : i32
      %dma_wait3A_48 = tpu.memref_slice %arg11[%add3A_27, %dma_wait3A] : memref<10112x128xf32, #tpu.memory_space<vmem_shared>> -> memref<80x128xf32, #tpu.memory_space<vmem_shared>>
      %dma_wait3A_49 = arith.constant 0 : i32
      %dma_wait3A_50 = tpu.memref_slice %arg11[%add3A_27, %dma_wait3A_49] : memref<10112x128xf32, #tpu.memory_space<vmem_shared>> -> memref<80x128xf32, #tpu.memory_space<vmem_shared>>
      tpu.wait_dma2 semaphore(%run_scoped3A : memref<!tpu.dma_semaphore, #tpu.memory_space<semaphore_mem>>) src(%arg8 : memref<80x128xf32, #tpu.memory_space<vmem>>) dst(%dma_wait3A_50 : memref<80x128xf32, #tpu.memory_space<vmem_shared>>)
      tpu.yield
    }) : () -> ()
    %mul3A_28 = arith.constant 632 : i32
    %mul3A_29 = arith.muli %arg1, %mul3A_28 : i32
    %add3A_30 = arith.constant 480 : i32
    %add3A_31 = arith.addi %mul3A_29, %add3A_30 : i32
    "tpu.region"() ({
      %run_scoped3A = tpu.sem_alloc : memref<!tpu.dma_semaphore, #tpu.memory_space<semaphore_mem>>
      %dma_start3A = arith.constant 0 : i32
      %dma_start3A_45 = tpu.memref_slice %arg11[%add3A_31, %dma_start3A] : memref<10112x128xf32, #tpu.memory_space<vmem_shared>> -> memref<80x128xf32, #tpu.memory_space<vmem_shared>>
      %dma_start3A_46 = arith.constant 0 : i32
      %dma_start3A_47 = tpu.memref_slice %arg11[%add3A_31, %dma_start3A_46] : memref<10112x128xf32, #tpu.memory_space<vmem_shared>> -> memref<80x128xf32, #tpu.memory_space<vmem_shared>>
      tpu.enqueue_dma source(%arg8 : memref<80x128xf32, #tpu.memory_space<vmem>>) target(%dma_start3A_47 : memref<80x128xf32, #tpu.memory_space<vmem_shared>>) target_semaphore(%run_scoped3A : memref<!tpu.dma_semaphore, #tpu.memory_space<semaphore_mem>>)
      %dma_wait3A = arith.constant 0 : i32
      %dma_wait3A_48 = tpu.memref_slice %arg11[%add3A_31, %dma_wait3A] : memref<10112x128xf32, #tpu.memory_space<vmem_shared>> -> memref<80x128xf32, #tpu.memory_space<vmem_shared>>
      %dma_wait3A_49 = arith.constant 0 : i32
      %dma_wait3A_50 = tpu.memref_slice %arg11[%add3A_31, %dma_wait3A_49] : memref<10112x128xf32, #tpu.memory_space<vmem_shared>> -> memref<80x128xf32, #tpu.memory_space<vmem_shared>>
      tpu.wait_dma2 semaphore(%run_scoped3A : memref<!tpu.dma_semaphore, #tpu.memory_space<semaphore_mem>>) src(%arg8 : memref<80x128xf32, #tpu.memory_space<vmem>>) dst(%dma_wait3A_50 : memref<80x128xf32, #tpu.memory_space<vmem_shared>>)
      tpu.yield
    }) : () -> ()
    %mul3A_32 = arith.constant 632 : i32
    %mul3A_33 = arith.muli %arg1, %mul3A_32 : i32
    %add3A_34 = arith.constant 560 : i32
    %add3A_35 = arith.addi %mul3A_33, %add3A_34 : i32
    "tpu.region"() ({
      %run_scoped3A = tpu.sem_alloc : memref<!tpu.dma_semaphore, #tpu.memory_space<semaphore_mem>>
      %dma_start3A = arith.constant 0 : i32
      %dma_start3A_45 = arith.constant 0 : i32
      %dma_start3A_46 = tpu.memref_slice %arg8[%dma_start3A, %dma_start3A_45] : memref<80x128xf32, #tpu.memory_space<vmem>> -> memref<72x128xf32, #tpu.memory_space<vmem>>
      %dma_start3A_47 = arith.constant 0 : i32
      %dma_start3A_48 = tpu.memref_slice %arg11[%add3A_35, %dma_start3A_47] : memref<10112x128xf32, #tpu.memory_space<vmem_shared>> -> memref<72x128xf32, #tpu.memory_space<vmem_shared>>
      %dma_start3A_49 = arith.constant 0 : i32
      %dma_start3A_50 = tpu.memref_slice %arg11[%add3A_35, %dma_start3A_49] : memref<10112x128xf32, #tpu.memory_space<vmem_shared>> -> memref<72x128xf32, #tpu.memory_space<vmem_shared>>
      %dma_start3A_51 = arith.constant 0 : i32
      %dma_start3A_52 = arith.constant 0 : i32
      %dma_start3A_53 = tpu.memref_slice %arg8[%dma_start3A_51, %dma_start3A_52] : memref<80x128xf32, #tpu.memory_space<vmem>> -> memref<72x128xf32, #tpu.memory_space<vmem>>
      tpu.enqueue_dma source(%dma_start3A_53 : memref<72x128xf32, #tpu.memory_space<vmem>>) target(%dma_start3A_50 : memref<72x128xf32, #tpu.memory_space<vmem_shared>>) target_semaphore(%run_scoped3A : memref<!tpu.dma_semaphore, #tpu.memory_space<semaphore_mem>>)
      %dma_wait3A = arith.constant 0 : i32
      %dma_wait3A_54 = arith.constant 0 : i32
      %dma_wait3A_55 = tpu.memref_slice %arg8[%dma_wait3A, %dma_wait3A_54] : memref<80x128xf32, #tpu.memory_space<vmem>> -> memref<72x128xf32, #tpu.memory_space<vmem>>
      %dma_wait3A_56 = arith.constant 0 : i32
      %dma_wait3A_57 = tpu.memref_slice %arg11[%add3A_35, %dma_wait3A_56] : memref<10112x128xf32, #tpu.memory_space<vmem_shared>> -> memref<72x128xf32, #tpu.memory_space<vmem_shared>>
      %dma_wait3A_58 = arith.constant 0 : i32
      %dma_wait3A_59 = tpu.memref_slice %arg11[%add3A_35, %dma_wait3A_58] : memref<10112x128xf32, #tpu.memory_space<vmem_shared>> -> memref<72x128xf32, #tpu.memory_space<vmem_shared>>
      %dma_wait3A_60 = arith.constant 0 : i32
      %dma_wait3A_61 = arith.constant 0 : i32
      %dma_wait3A_62 = tpu.memref_slice %arg8[%dma_wait3A_60, %dma_wait3A_61] : memref<80x128xf32, #tpu.memory_space<vmem>> -> memref<72x128xf32, #tpu.memory_space<vmem>>
      tpu.wait_dma2 semaphore(%run_scoped3A : memref<!tpu.dma_semaphore, #tpu.memory_space<semaphore_mem>>) src(%dma_wait3A_62 : memref<72x128xf32, #tpu.memory_space<vmem>>) dst(%dma_wait3A_59 : memref<72x128xf32, #tpu.memory_space<vmem_shared>>)
      tpu.yield
    }) : () -> ()
    %barrier3A = arith.constant 0 : index
    tpu.barrier barrier_id(%barrier3A)
    %scan3A_36 = arith.constant 0 : i32
    %scan3A_37 = arith.constant 0 : i32
    %scan3A_38 = arith.constant 5 : i32
    %scan3A_39 = arith.addi %scan3A_37, %scan3A_38 : i32
    %scan3A_40 = arith.constant 1 : i32
    scf.for %scan3A_45 = %scan3A_37 to %scan3A_39 step %scan3A_40  : i32 {
      "tpu.region"() ({
        %run_scoped3A = tpu.sem_alloc : memref<!tpu.dma_semaphore, #tpu.memory_space<semaphore_mem>>
        %dma_start3A_71 = arith.constant 0 : i32
        %dma_start3A_72 = arith.constant 0 : i32
        %dma_start3A_73 = tpu.memref_slice %arg3[%arg1, %scan3A_45, %dma_start3A_71, %dma_start3A_72] : memref<16x5x50x80xi32, #tpu.memory_space<hbm>> -> memref<1x1x50x80xi32, #tpu.memory_space<hbm>>
        %dma_start3A_74 = tpu.memref_squeeze %dma_start3A_73 : memref<1x1x50x80xi32, #tpu.memory_space<hbm>> -> memref<50x80xi32, #tpu.memory_space<hbm>>
        %dma_start3A_75 = arith.constant 0 : i32
        %dma_start3A_76 = arith.constant 0 : i32
        %dma_start3A_77 = tpu.memref_slice %arg3[%arg1, %scan3A_45, %dma_start3A_75, %dma_start3A_76] : memref<16x5x50x80xi32, #tpu.memory_space<hbm>> -> memref<1x1x50x80xi32, #tpu.memory_space<hbm>>
        %dma_start3A_78 = tpu.memref_squeeze %dma_start3A_77 : memref<1x1x50x80xi32, #tpu.memory_space<hbm>> -> memref<50x80xi32, #tpu.memory_space<hbm>>
        tpu.enqueue_dma source(%dma_start3A_78 : memref<50x80xi32, #tpu.memory_space<hbm>>) target(%arg6 : memref<50x80xi32, #tpu.memory_space<vmem>>) target_semaphore(%run_scoped3A : memref<!tpu.dma_semaphore, #tpu.memory_space<semaphore_mem>>)
        %dma_wait3A_79 = arith.constant 0 : i32
        %dma_wait3A_80 = arith.constant 0 : i32
        %dma_wait3A_81 = tpu.memref_slice %arg3[%arg1, %scan3A_45, %dma_wait3A_79, %dma_wait3A_80] : memref<16x5x50x80xi32, #tpu.memory_space<hbm>> -> memref<1x1x50x80xi32, #tpu.memory_space<hbm>>
        %dma_wait3A_82 = tpu.memref_squeeze %dma_wait3A_81 : memref<1x1x50x80xi32, #tpu.memory_space<hbm>> -> memref<50x80xi32, #tpu.memory_space<hbm>>
        %dma_wait3A_83 = arith.constant 0 : i32
        %dma_wait3A_84 = arith.constant 0 : i32
        %dma_wait3A_85 = tpu.memref_slice %arg3[%arg1, %scan3A_45, %dma_wait3A_83, %dma_wait3A_84] : memref<16x5x50x80xi32, #tpu.memory_space<hbm>> -> memref<1x1x50x80xi32, #tpu.memory_space<hbm>>
        %dma_wait3A_86 = tpu.memref_squeeze %dma_wait3A_85 : memref<1x1x50x80xi32, #tpu.memory_space<hbm>> -> memref<50x80xi32, #tpu.memory_space<hbm>>
        tpu.wait_dma2 semaphore(%run_scoped3A : memref<!tpu.dma_semaphore, #tpu.memory_space<semaphore_mem>>) src(%dma_wait3A_86 : memref<50x80xi32, #tpu.memory_space<hbm>>) dst(%arg6 : memref<50x80xi32, #tpu.memory_space<vmem>>)
        tpu.yield
      }) : () -> ()
      "tpu.region"() ({
        %run_scoped3A = tpu.sem_alloc : memref<!tpu.dma_semaphore, #tpu.memory_space<semaphore_mem>>
        %dma_start3A_71 = arith.constant 0 : i32
        %dma_start3A_72 = arith.constant 0 : i32
        %dma_start3A_73 = tpu.memref_slice %arg4[%arg1, %scan3A_45, %dma_start3A_71, %dma_start3A_72] : memref<16x5x50x80xi32, #tpu.memory_space<hbm>> -> memref<1x1x50x80xi32, #tpu.memory_space<hbm>>
        %dma_start3A_74 = tpu.memref_squeeze %dma_start3A_73 : memref<1x1x50x80xi32, #tpu.memory_space<hbm>> -> memref<50x80xi32, #tpu.memory_space<hbm>>
        %dma_start3A_75 = arith.constant 0 : i32
        %dma_start3A_76 = arith.constant 0 : i32
        %dma_start3A_77 = tpu.memref_slice %arg4[%arg1, %scan3A_45, %dma_start3A_75, %dma_start3A_76] : memref<16x5x50x80xi32, #tpu.memory_space<hbm>> -> memref<1x1x50x80xi32, #tpu.memory_space<hbm>>
        %dma_start3A_78 = tpu.memref_squeeze %dma_start3A_77 : memref<1x1x50x80xi32, #tpu.memory_space<hbm>> -> memref<50x80xi32, #tpu.memory_space<hbm>>
        tpu.enqueue_dma source(%dma_start3A_78 : memref<50x80xi32, #tpu.memory_space<hbm>>) target(%arg7 : memref<50x80xi32, #tpu.memory_space<vmem>>) target_semaphore(%run_scoped3A : memref<!tpu.dma_semaphore, #tpu.memory_space<semaphore_mem>>)
        %dma_wait3A_79 = arith.constant 0 : i32
        %dma_wait3A_80 = arith.constant 0 : i32
        %dma_wait3A_81 = tpu.memref_slice %arg4[%arg1, %scan3A_45, %dma_wait3A_79, %dma_wait3A_80] : memref<16x5x50x80xi32, #tpu.memory_space<hbm>> -> memref<1x1x50x80xi32, #tpu.memory_space<hbm>>
        %dma_wait3A_82 = tpu.memref_squeeze %dma_wait3A_81 : memref<1x1x50x80xi32, #tpu.memory_space<hbm>> -> memref<50x80xi32, #tpu.memory_space<hbm>>
        %dma_wait3A_83 = arith.constant 0 : i32
        %dma_wait3A_84 = arith.constant 0 : i32
        %dma_wait3A_85 = tpu.memref_slice %arg4[%arg1, %scan3A_45, %dma_wait3A_83, %dma_wait3A_84] : memref<16x5x50x80xi32, #tpu.memory_space<hbm>> -> memref<1x1x50x80xi32, #tpu.memory_space<hbm>>
        %dma_wait3A_86 = tpu.memref_squeeze %dma_wait3A_85 : memref<1x1x50x80xi32, #tpu.memory_space<hbm>> -> memref<50x80xi32, #tpu.memory_space<hbm>>
        tpu.wait_dma2 semaphore(%run_scoped3A : memref<!tpu.dma_semaphore, #tpu.memory_space<semaphore_mem>>) src(%dma_wait3A_86 : memref<50x80xi32, #tpu.memory_space<hbm>>) dst(%arg7 : memref<50x80xi32, #tpu.memory_space<vmem>>)
        tpu.yield
      }) : () -> ()
      %dma_start3A = arith.constant 0 : i32
      %dma_start3A_46 = arith.constant 0 : i32
      %dma_start3A_47 = tpu.memref_slice %arg6[%dma_start3A, %dma_start3A_46] : memref<50x80xi32, #tpu.memory_space<vmem>> -> memref<1x80xi32, #tpu.memory_space<vmem>>
      %dma_start3A_48 = tpu.memref_squeeze %dma_start3A_47 : memref<1x80xi32, #tpu.memory_space<vmem>> -> memref<80xi32, #tpu.memory_space<vmem>>
      %dma_start3A_49 = arith.constant 0 : i32
      %dma_start3A_50 = arith.constant 0 : i32
      %dma_start3A_51 = tpu.memref_slice %arg2[%dma_start3A_49, %dma_start3A_50] : memref<100000x128xf32, #tpu.memory_space<hbm>> -> memref<100000x128xf32, #tpu.memory_space<hbm>>
      tpu.enqueue_indirect_dma source(%dma_start3A_51 : memref<100000x128xf32, #tpu.memory_space<hbm>>) target(%arg8 : memref<80x128xf32, #tpu.memory_space<vmem>>) offsets(%dma_start3A_48 : memref<80xi32, #tpu.memory_space<vmem>>) semaphore(%arg12 : memref<!tpu.dma_semaphore, #tpu.memory_space<semaphore_mem>>)
      %dma_start3A_52 = arith.constant 1 : i32
      %dma_start3A_53 = arith.constant 0 : i32
      %dma_start3A_54 = tpu.memref_slice %arg6[%dma_start3A_52, %dma_start3A_53] : memref<50x80xi32, #tpu.memory_space<vmem>> -> memref<1x80xi32, #tpu.memory_space<vmem>>
      %dma_start3A_55 = tpu.memref_squeeze %dma_start3A_54 : memref<1x80xi32, #tpu.memory_space<vmem>> -> memref<80xi32, #tpu.memory_space<vmem>>
      %dma_start3A_56 = arith.constant 0 : i32
      %dma_start3A_57 = arith.constant 0 : i32
      %dma_start3A_58 = tpu.memref_slice %arg2[%dma_start3A_56, %dma_start3A_57] : memref<100000x128xf32, #tpu.memory_space<hbm>> -> memref<100000x128xf32, #tpu.memory_space<hbm>>
      tpu.enqueue_indirect_dma source(%dma_start3A_58 : memref<100000x128xf32, #tpu.memory_space<hbm>>) target(%arg9 : memref<80x128xf32, #tpu.memory_space<vmem>>) offsets(%dma_start3A_55 : memref<80xi32, #tpu.memory_space<vmem>>) semaphore(%arg13 : memref<!tpu.dma_semaphore, #tpu.memory_space<semaphore_mem>>)
      %scan3A_59 = arith.constant 0 : i32
      %scan3A_60 = arith.constant 0 : i32
      %scan3A_61 = arith.constant 50 : i32
      %scan3A_62 = arith.addi %scan3A_60, %scan3A_61 : i32
      %scan3A_63 = arith.constant 1 : i32
      scf.for %scan3A_71 = %scan3A_60 to %scan3A_62 step %scan3A_63  : i32 {
        %jit3A = arith.constant 3 : i32
        %eq3A = arith.constant 0 : i32
        %eq3A_72 = arith.cmpi eq, %jit3A, %eq3A : i32
        %jit3A_73 = arith.constant 1 : i32
        %select_n3A = arith.select %eq3A_72, %jit3A_73, %jit3A : i32
        %rem3A = arith.remsi %scan3A_71, %select_n3A : i32
        %ne3A = arith.constant 0 : i32
        %ne3A_74 = arith.cmpi ne, %rem3A, %ne3A : i32
        %lt3A = arith.constant 0 : i32
        %lt3A_75 = arith.cmpi slt, %rem3A, %lt3A : i32
        %lt3A_76 = arith.constant 0 : i32
        %lt3A_77 = arith.cmpi slt, %select_n3A, %lt3A_76 : i32
        %ne3A_78 = arith.xori %lt3A_75, %lt3A_77 : i1
        %and3A = arith.andi %ne3A_78, %ne3A_74 : i1
        %add3A_79 = arith.addi %rem3A, %select_n3A : i32
        %select_n3A_80 = arith.select %and3A, %add3A_79, %rem3A : i32
        %eq3A_81 = arith.constant 0 : i32
        %eq3A_82 = arith.cmpi eq, %select_n3A_80, %eq3A_81 : i32
        %convert_element_type3A = arith.extui %eq3A_82 : i1 to i32
        %cond3A = arith.constant 0 : i32
        %cond3A_83 = arith.cmpi ne, %convert_element_type3A, %cond3A : i32
        scf.if %cond3A_83 {
          %dma_wait3A_126 = arith.constant 0 : i32
          %dma_wait3A_127 = tpu.memref_slice %arg6[%scan3A_71, %dma_wait3A_126] : memref<50x80xi32, #tpu.memory_space<vmem>> -> memref<1x80xi32, #tpu.memory_space<vmem>>
          %dma_wait3A_128 = tpu.memref_squeeze %dma_wait3A_127 : memref<1x80xi32, #tpu.memory_space<vmem>> -> memref<80xi32, #tpu.memory_space<vmem>>
          %dma_wait3A_129 = arith.constant 0 : i32
          %dma_wait3A_130 = arith.constant 0 : i32
          %dma_wait3A_131 = tpu.memref_slice %arg2[%dma_wait3A_129, %dma_wait3A_130] : memref<100000x128xf32, #tpu.memory_space<hbm>> -> memref<100000x128xf32, #tpu.memory_space<hbm>>
          tpu.wait_indirect_dma semaphore(%arg12 : memref<!tpu.dma_semaphore, #tpu.memory_space<semaphore_mem>>) src(%dma_wait3A_131 : memref<100000x128xf32, #tpu.memory_space<hbm>>) dst(%arg8 : memref<80x128xf32, #tpu.memory_space<vmem>>)
          %gt3A = arith.constant 0 : i32
          %gt3A_132 = arith.cmpi sgt, %scan3A_71, %gt3A : i32
          %convert_element_type3A_133 = arith.extui %gt3A_132 : i1 to i32
          %cond3A_134 = arith.constant 0 : i32
          %cond3A_135 = arith.cmpi ne, %convert_element_type3A_133, %cond3A_134 : i32
          scf.if %cond3A_135 {
            %sub3A = arith.constant 1 : i32
            %sub3A_147 = arith.subi %scan3A_71, %sub3A : i32
            %dma_wait3A_148 = arith.constant 0 : i32
            %dma_wait3A_149 = tpu.memref_slice %arg7[%sub3A_147, %dma_wait3A_148] : memref<50x80xi32, #tpu.memory_space<vmem>> -> memref<1x80xi32, #tpu.memory_space<vmem>>
            %dma_wait3A_150 = tpu.memref_squeeze %dma_wait3A_149 : memref<1x80xi32, #tpu.memory_space<vmem>> -> memref<80xi32, #tpu.memory_space<vmem>>
            %dma_wait3A_151 = arith.constant 0 : i32
            %dma_wait3A_152 = arith.constant 0 : i32
            %dma_wait3A_153 = tpu.memref_slice %arg11[%dma_wait3A_151, %dma_wait3A_152] : memref<10112x128xf32, #tpu.memory_space<vmem_shared>> -> memref<10112x128xf32, #tpu.memory_space<vmem_shared>>
            tpu.wait_indirect_dma semaphore(%arg15 : memref<!tpu.dma_semaphore, #tpu.memory_space<semaphore_mem>>) src(%arg10 : memref<80x128xf32, #tpu.memory_space<vmem>>) dst(%dma_wait3A_153 : memref<10112x128xf32, #tpu.memory_space<vmem_shared>>)
          } else {
          }
          %lt3A_136 = arith.constant 48 : i32
          %lt3A_137 = arith.cmpi slt, %scan3A_71, %lt3A_136 : i32
          %convert_element_type3A_138 = arith.extui %lt3A_137 : i1 to i32
          %cond3A_139 = arith.constant 0 : i32
          %cond3A_140 = arith.cmpi ne, %convert_element_type3A_138, %cond3A_139 : i32
          scf.if %cond3A_140 {
            %add3A_147 = arith.constant 2 : i32
            %add3A_148 = arith.addi %scan3A_71, %add3A_147 : i32
            %dma_start3A_149 = arith.constant 0 : i32
            %dma_start3A_150 = tpu.memref_slice %arg6[%add3A_148, %dma_start3A_149] : memref<50x80xi32, #tpu.memory_space<vmem>> -> memref<1x80xi32, #tpu.memory_space<vmem>>
            %dma_start3A_151 = tpu.memref_squeeze %dma_start3A_150 : memref<1x80xi32, #tpu.memory_space<vmem>> -> memref<80xi32, #tpu.memory_space<vmem>>
            %dma_start3A_152 = arith.constant 0 : i32
            %dma_start3A_153 = arith.constant 0 : i32
            %dma_start3A_154 = tpu.memref_slice %arg2[%dma_start3A_152, %dma_start3A_153] : memref<100000x128xf32, #tpu.memory_space<hbm>> -> memref<100000x128xf32, #tpu.memory_space<hbm>>
            tpu.enqueue_indirect_dma source(%dma_start3A_154 : memref<100000x128xf32, #tpu.memory_space<hbm>>) target(%arg10 : memref<80x128xf32, #tpu.memory_space<vmem>>) offsets(%dma_start3A_151 : memref<80xi32, #tpu.memory_space<vmem>>) semaphore(%arg14 : memref<!tpu.dma_semaphore, #tpu.memory_space<semaphore_mem>>)
          } else {
          }
          %dma_start3A_141 = arith.constant 0 : i32
          %dma_start3A_142 = tpu.memref_slice %arg7[%scan3A_71, %dma_start3A_141] : memref<50x80xi32, #tpu.memory_space<vmem>> -> memref<1x80xi32, #tpu.memory_space<vmem>>
          %dma_start3A_143 = tpu.memref_squeeze %dma_start3A_142 : memref<1x80xi32, #tpu.memory_space<vmem>> -> memref<80xi32, #tpu.memory_space<vmem>>
          %dma_start3A_144 = arith.constant 0 : i32
          %dma_start3A_145 = arith.constant 0 : i32
          %dma_start3A_146 = tpu.memref_slice %arg11[%dma_start3A_144, %dma_start3A_145] : memref<10112x128xf32, #tpu.memory_space<vmem_shared>> -> memref<10112x128xf32, #tpu.memory_space<vmem_shared>>
          tpu.enqueue_indirect_dma source(%arg8 : memref<80x128xf32, #tpu.memory_space<vmem>>) target(%dma_start3A_146 : memref<10112x128xf32, #tpu.memory_space<vmem_shared>>) offsets(%dma_start3A_143 : memref<80xi32, #tpu.memory_space<vmem>>) semaphore(%arg15 : memref<!tpu.dma_semaphore, #tpu.memory_space<semaphore_mem>>) {add = true}
        } else {
        }
        %jit3A_84 = arith.constant 3 : i32
        %eq3A_85 = arith.constant 0 : i32
        %eq3A_86 = arith.cmpi eq, %jit3A_84, %eq3A_85 : i32
        %jit3A_87 = arith.constant 1 : i32
        %select_n3A_88 = arith.select %eq3A_86, %jit3A_87, %jit3A_84 : i32
        %rem3A_89 = arith.remsi %scan3A_71, %select_n3A_88 : i32
        %ne3A_90 = arith.constant 0 : i32
        %ne3A_91 = arith.cmpi ne, %rem3A_89, %ne3A_90 : i32
        %lt3A_92 = arith.constant 0 : i32
        %lt3A_93 = arith.cmpi slt, %rem3A_89, %lt3A_92 : i32
        %lt3A_94 = arith.constant 0 : i32
        %lt3A_95 = arith.cmpi slt, %select_n3A_88, %lt3A_94 : i32
        %ne3A_96 = arith.xori %lt3A_93, %lt3A_95 : i1
        %and3A_97 = arith.andi %ne3A_96, %ne3A_91 : i1
        %add3A_98 = arith.addi %rem3A_89, %select_n3A_88 : i32
        %select_n3A_99 = arith.select %and3A_97, %add3A_98, %rem3A_89 : i32
        %eq3A_100 = arith.constant 1 : i32
        %eq3A_101 = arith.cmpi eq, %select_n3A_99, %eq3A_100 : i32
        %convert_element_type3A_102 = arith.extui %eq3A_101 : i1 to i32
        %cond3A_103 = arith.constant 0 : i32
        %cond3A_104 = arith.cmpi ne, %convert_element_type3A_102, %cond3A_103 : i32
        scf.if %cond3A_104 {
          %dma_wait3A_126 = arith.constant 0 : i32
          %dma_wait3A_127 = tpu.memref_slice %arg6[%scan3A_71, %dma_wait3A_126] : memref<50x80xi32, #tpu.memory_space<vmem>> -> memref<1x80xi32, #tpu.memory_space<vmem>>
          %dma_wait3A_128 = tpu.memref_squeeze %dma_wait3A_127 : memref<1x80xi32, #tpu.memory_space<vmem>> -> memref<80xi32, #tpu.memory_space<vmem>>
          %dma_wait3A_129 = arith.constant 0 : i32
          %dma_wait3A_130 = arith.constant 0 : i32
          %dma_wait3A_131 = tpu.memref_slice %arg2[%dma_wait3A_129, %dma_wait3A_130] : memref<100000x128xf32, #tpu.memory_space<hbm>> -> memref<100000x128xf32, #tpu.memory_space<hbm>>
          tpu.wait_indirect_dma semaphore(%arg13 : memref<!tpu.dma_semaphore, #tpu.memory_space<semaphore_mem>>) src(%dma_wait3A_131 : memref<100000x128xf32, #tpu.memory_space<hbm>>) dst(%arg9 : memref<80x128xf32, #tpu.memory_space<vmem>>)
          %gt3A = arith.constant 0 : i32
          %gt3A_132 = arith.cmpi sgt, %scan3A_71, %gt3A : i32
          %convert_element_type3A_133 = arith.extui %gt3A_132 : i1 to i32
          %cond3A_134 = arith.constant 0 : i32
          %cond3A_135 = arith.cmpi ne, %convert_element_type3A_133, %cond3A_134 : i32
          scf.if %cond3A_135 {
            %sub3A = arith.constant 1 : i32
            %sub3A_147 = arith.subi %scan3A_71, %sub3A : i32
            %dma_wait3A_148 = arith.constant 0 : i32
            %dma_wait3A_149 = tpu.memref_slice %arg7[%sub3A_147, %dma_wait3A_148] : memref<50x80xi32, #tpu.memory_space<vmem>> -> memref<1x80xi32, #tpu.memory_space<vmem>>
            %dma_wait3A_150 = tpu.memref_squeeze %dma_wait3A_149 : memref<1x80xi32, #tpu.memory_space<vmem>> -> memref<80xi32, #tpu.memory_space<vmem>>
            %dma_wait3A_151 = arith.constant 0 : i32
            %dma_wait3A_152 = arith.constant 0 : i32
            %dma_wait3A_153 = tpu.memref_slice %arg11[%dma_wait3A_151, %dma_wait3A_152] : memref<10112x128xf32, #tpu.memory_space<vmem_shared>> -> memref<10112x128xf32, #tpu.memory_space<vmem_shared>>
            tpu.wait_indirect_dma semaphore(%arg15 : memref<!tpu.dma_semaphore, #tpu.memory_space<semaphore_mem>>) src(%arg8 : memref<80x128xf32, #tpu.memory_space<vmem>>) dst(%dma_wait3A_153 : memref<10112x128xf32, #tpu.memory_space<vmem_shared>>)
          } else {
          }
          %lt3A_136 = arith.constant 48 : i32
          %lt3A_137 = arith.cmpi slt, %scan3A_71, %lt3A_136 : i32
          %convert_element_type3A_138 = arith.extui %lt3A_137 : i1 to i32
          %cond3A_139 = arith.constant 0 : i32
          %cond3A_140 = arith.cmpi ne, %convert_element_type3A_138, %cond3A_139 : i32
          scf.if %cond3A_140 {
            %add3A_147 = arith.constant 2 : i32
            %add3A_148 = arith.addi %scan3A_71, %add3A_147 : i32
            %dma_start3A_149 = arith.constant 0 : i32
            %dma_start3A_150 = tpu.memref_slice %arg6[%add3A_148, %dma_start3A_149] : memref<50x80xi32, #tpu.memory_space<vmem>> -> memref<1x80xi32, #tpu.memory_space<vmem>>
            %dma_start3A_151 = tpu.memref_squeeze %dma_start3A_150 : memref<1x80xi32, #tpu.memory_space<vmem>> -> memref<80xi32, #tpu.memory_space<vmem>>
            %dma_start3A_152 = arith.constant 0 : i32
            %dma_start3A_153 = arith.constant 0 : i32
            %dma_start3A_154 = tpu.memref_slice %arg2[%dma_start3A_152, %dma_start3A_153] : memref<100000x128xf32, #tpu.memory_space<hbm>> -> memref<100000x128xf32, #tpu.memory_space<hbm>>
            tpu.enqueue_indirect_dma source(%dma_start3A_154 : memref<100000x128xf32, #tpu.memory_space<hbm>>) target(%arg8 : memref<80x128xf32, #tpu.memory_space<vmem>>) offsets(%dma_start3A_151 : memref<80xi32, #tpu.memory_space<vmem>>) semaphore(%arg12 : memref<!tpu.dma_semaphore, #tpu.memory_space<semaphore_mem>>)
          } else {
          }
          %dma_start3A_141 = arith.constant 0 : i32
          %dma_start3A_142 = tpu.memref_slice %arg7[%scan3A_71, %dma_start3A_141] : memref<50x80xi32, #tpu.memory_space<vmem>> -> memref<1x80xi32, #tpu.memory_space<vmem>>
          %dma_start3A_143 = tpu.memref_squeeze %dma_start3A_142 : memref<1x80xi32, #tpu.memory_space<vmem>> -> memref<80xi32, #tpu.memory_space<vmem>>
          %dma_start3A_144 = arith.constant 0 : i32
          %dma_start3A_145 = arith.constant 0 : i32
          %dma_start3A_146 = tpu.memref_slice %arg11[%dma_start3A_144, %dma_start3A_145] : memref<10112x128xf32, #tpu.memory_space<vmem_shared>> -> memref<10112x128xf32, #tpu.memory_space<vmem_shared>>
          tpu.enqueue_indirect_dma source(%arg9 : memref<80x128xf32, #tpu.memory_space<vmem>>) target(%dma_start3A_146 : memref<10112x128xf32, #tpu.memory_space<vmem_shared>>) offsets(%dma_start3A_143 : memref<80xi32, #tpu.memory_space<vmem>>) semaphore(%arg15 : memref<!tpu.dma_semaphore, #tpu.memory_space<semaphore_mem>>) {add = true}
        } else {
        }
        %jit3A_105 = arith.constant 3 : i32
        %eq3A_106 = arith.constant 0 : i32
        %eq3A_107 = arith.cmpi eq, %jit3A_105, %eq3A_106 : i32
        %jit3A_108 = arith.constant 1 : i32
        %select_n3A_109 = arith.select %eq3A_107, %jit3A_108, %jit3A_105 : i32
        %rem3A_110 = arith.remsi %scan3A_71, %select_n3A_109 : i32
        %ne3A_111 = arith.constant 0 : i32
        %ne3A_112 = arith.cmpi ne, %rem3A_110, %ne3A_111 : i32
        %lt3A_113 = arith.constant 0 : i32
        %lt3A_114 = arith.cmpi slt, %rem3A_110, %lt3A_113 : i32
        %lt3A_115 = arith.constant 0 : i32
        %lt3A_116 = arith.cmpi slt, %select_n3A_109, %lt3A_115 : i32
        %ne3A_117 = arith.xori %lt3A_114, %lt3A_116 : i1
        %and3A_118 = arith.andi %ne3A_117, %ne3A_112 : i1
        %add3A_119 = arith.addi %rem3A_110, %select_n3A_109 : i32
        %select_n3A_120 = arith.select %and3A_118, %add3A_119, %rem3A_110 : i32
        %eq3A_121 = arith.constant 2 : i32
        %eq3A_122 = arith.cmpi eq, %select_n3A_120, %eq3A_121 : i32
        %convert_element_type3A_123 = arith.extui %eq3A_122 : i1 to i32
        %cond3A_124 = arith.constant 0 : i32
        %cond3A_125 = arith.cmpi ne, %convert_element_type3A_123, %cond3A_124 : i32
        scf.if %cond3A_125 {
          %dma_wait3A_126 = arith.constant 0 : i32
          %dma_wait3A_127 = tpu.memref_slice %arg6[%scan3A_71, %dma_wait3A_126] : memref<50x80xi32, #tpu.memory_space<vmem>> -> memref<1x80xi32, #tpu.memory_space<vmem>>
          %dma_wait3A_128 = tpu.memref_squeeze %dma_wait3A_127 : memref<1x80xi32, #tpu.memory_space<vmem>> -> memref<80xi32, #tpu.memory_space<vmem>>
          %dma_wait3A_129 = arith.constant 0 : i32
          %dma_wait3A_130 = arith.constant 0 : i32
          %dma_wait3A_131 = tpu.memref_slice %arg2[%dma_wait3A_129, %dma_wait3A_130] : memref<100000x128xf32, #tpu.memory_space<hbm>> -> memref<100000x128xf32, #tpu.memory_space<hbm>>
          tpu.wait_indirect_dma semaphore(%arg14 : memref<!tpu.dma_semaphore, #tpu.memory_space<semaphore_mem>>) src(%dma_wait3A_131 : memref<100000x128xf32, #tpu.memory_space<hbm>>) dst(%arg10 : memref<80x128xf32, #tpu.memory_space<vmem>>)
          %gt3A = arith.constant 0 : i32
          %gt3A_132 = arith.cmpi sgt, %scan3A_71, %gt3A : i32
          %convert_element_type3A_133 = arith.extui %gt3A_132 : i1 to i32
          %cond3A_134 = arith.constant 0 : i32
          %cond3A_135 = arith.cmpi ne, %convert_element_type3A_133, %cond3A_134 : i32
          scf.if %cond3A_135 {
            %sub3A = arith.constant 1 : i32
            %sub3A_147 = arith.subi %scan3A_71, %sub3A : i32
            %dma_wait3A_148 = arith.constant 0 : i32
            %dma_wait3A_149 = tpu.memref_slice %arg7[%sub3A_147, %dma_wait3A_148] : memref<50x80xi32, #tpu.memory_space<vmem>> -> memref<1x80xi32, #tpu.memory_space<vmem>>
            %dma_wait3A_150 = tpu.memref_squeeze %dma_wait3A_149 : memref<1x80xi32, #tpu.memory_space<vmem>> -> memref<80xi32, #tpu.memory_space<vmem>>
            %dma_wait3A_151 = arith.constant 0 : i32
            %dma_wait3A_152 = arith.constant 0 : i32
            %dma_wait3A_153 = tpu.memref_slice %arg11[%dma_wait3A_151, %dma_wait3A_152] : memref<10112x128xf32, #tpu.memory_space<vmem_shared>> -> memref<10112x128xf32, #tpu.memory_space<vmem_shared>>
            tpu.wait_indirect_dma semaphore(%arg15 : memref<!tpu.dma_semaphore, #tpu.memory_space<semaphore_mem>>) src(%arg9 : memref<80x128xf32, #tpu.memory_space<vmem>>) dst(%dma_wait3A_153 : memref<10112x128xf32, #tpu.memory_space<vmem_shared>>)
          } else {
          }
          %lt3A_136 = arith.constant 48 : i32
          %lt3A_137 = arith.cmpi slt, %scan3A_71, %lt3A_136 : i32
          %convert_element_type3A_138 = arith.extui %lt3A_137 : i1 to i32
          %cond3A_139 = arith.constant 0 : i32
          %cond3A_140 = arith.cmpi ne, %convert_element_type3A_138, %cond3A_139 : i32
          scf.if %cond3A_140 {
            %add3A_147 = arith.constant 2 : i32
            %add3A_148 = arith.addi %scan3A_71, %add3A_147 : i32
            %dma_start3A_149 = arith.constant 0 : i32
            %dma_start3A_150 = tpu.memref_slice %arg6[%add3A_148, %dma_start3A_149] : memref<50x80xi32, #tpu.memory_space<vmem>> -> memref<1x80xi32, #tpu.memory_space<vmem>>
            %dma_start3A_151 = tpu.memref_squeeze %dma_start3A_150 : memref<1x80xi32, #tpu.memory_space<vmem>> -> memref<80xi32, #tpu.memory_space<vmem>>
            %dma_start3A_152 = arith.constant 0 : i32
            %dma_start3A_153 = arith.constant 0 : i32
            %dma_start3A_154 = tpu.memref_slice %arg2[%dma_start3A_152, %dma_start3A_153] : memref<100000x128xf32, #tpu.memory_space<hbm>> -> memref<100000x128xf32, #tpu.memory_space<hbm>>
            tpu.enqueue_indirect_dma source(%dma_start3A_154 : memref<100000x128xf32, #tpu.memory_space<hbm>>) target(%arg9 : memref<80x128xf32, #tpu.memory_space<vmem>>) offsets(%dma_start3A_151 : memref<80xi32, #tpu.memory_space<vmem>>) semaphore(%arg13 : memref<!tpu.dma_semaphore, #tpu.memory_space<semaphore_mem>>)
          } else {
          }
          %dma_start3A_141 = arith.constant 0 : i32
          %dma_start3A_142 = tpu.memref_slice %arg7[%scan3A_71, %dma_start3A_141] : memref<50x80xi32, #tpu.memory_space<vmem>> -> memref<1x80xi32, #tpu.memory_space<vmem>>
          %dma_start3A_143 = tpu.memref_squeeze %dma_start3A_142 : memref<1x80xi32, #tpu.memory_space<vmem>> -> memref<80xi32, #tpu.memory_space<vmem>>
          %dma_start3A_144 = arith.constant 0 : i32
          %dma_start3A_145 = arith.constant 0 : i32
          %dma_start3A_146 = tpu.memref_slice %arg11[%dma_start3A_144, %dma_start3A_145] : memref<10112x128xf32, #tpu.memory_space<vmem_shared>> -> memref<10112x128xf32, #tpu.memory_space<vmem_shared>>
          tpu.enqueue_indirect_dma source(%arg10 : memref<80x128xf32, #tpu.memory_space<vmem>>) target(%dma_start3A_146 : memref<10112x128xf32, #tpu.memory_space<vmem_shared>>) offsets(%dma_start3A_143 : memref<80xi32, #tpu.memory_space<vmem>>) semaphore(%arg15 : memref<!tpu.dma_semaphore, #tpu.memory_space<semaphore_mem>>) {add = true}
        } else {
        }
      }
      %scan3A_64 = arith.constant 50 : i32
      %dma_wait3A = arith.constant 49 : i32
      %dma_wait3A_65 = arith.constant 0 : i32
      %dma_wait3A_66 = tpu.memref_slice %arg7[%dma_wait3A, %dma_wait3A_65] : memref<50x80xi32, #tpu.memory_space<vmem>> -> memref<1x80xi32, #tpu.memory_space<vmem>>
      %dma_wait3A_67 = tpu.memref_squeeze %dma_wait3A_66 : memref<1x80xi32, #tpu.memory_space<vmem>> -> memref<80xi32, #tpu.memory_space<vmem>>
      %dma_wait3A_68 = arith.constant 0 : i32
      %dma_wait3A_69 = arith.constant 0 : i32
      %dma_wait3A_70 = tpu.memref_slice %arg11[%dma_wait3A_68, %dma_wait3A_69] : memref<10112x128xf32, #tpu.memory_space<vmem_shared>> -> memref<10112x128xf32, #tpu.memory_space<vmem_shared>>
      tpu.wait_indirect_dma semaphore(%arg15 : memref<!tpu.dma_semaphore, #tpu.memory_space<semaphore_mem>>) src(%arg9 : memref<80x128xf32, #tpu.memory_space<vmem>>) dst(%dma_wait3A_70 : memref<10112x128xf32, #tpu.memory_space<vmem_shared>>)
    }
    %scan3A_41 = arith.constant 5 : i32
    %barrier3A_42 = arith.constant 0 : index
    tpu.barrier barrier_id(%barrier3A_42)
    %mul3A_43 = arith.constant 632 : i32
    %mul3A_44 = arith.muli %arg1, %mul3A_43 : i32
    "tpu.region"() ({
      %run_scoped3A = tpu.sem_alloc : memref<!tpu.dma_semaphore, #tpu.memory_space<semaphore_mem>>
      %dma_start3A = arith.constant 0 : i32
      %dma_start3A_45 = tpu.memref_slice %arg5[%mul3A_44, %dma_start3A] : memref<10112x128xf32, #tpu.memory_space<hbm>> -> memref<632x128xf32, #tpu.memory_space<hbm>>
      %dma_start3A_46 = arith.constant 0 : i32
      %dma_start3A_47 = tpu.memref_slice %arg11[%mul3A_44, %dma_start3A_46] : memref<10112x128xf32, #tpu.memory_space<vmem_shared>> -> memref<632x128xf32, #tpu.memory_space<vmem_shared>>
      tpu.enqueue_dma source(%dma_start3A_47 : memref<632x128xf32, #tpu.memory_space<vmem_shared>>) target(%dma_start3A_45 : memref<632x128xf32, #tpu.memory_space<hbm>>) target_semaphore(%run_scoped3A : memref<!tpu.dma_semaphore, #tpu.memory_space<semaphore_mem>>)
      %dma_wait3A = arith.constant 0 : i32
      %dma_wait3A_48 = tpu.memref_slice %arg5[%mul3A_44, %dma_wait3A] : memref<10112x128xf32, #tpu.memory_space<hbm>> -> memref<632x128xf32, #tpu.memory_space<hbm>>
      %dma_wait3A_49 = arith.constant 0 : i32
      %dma_wait3A_50 = tpu.memref_slice %arg11[%mul3A_44, %dma_wait3A_49] : memref<10112x128xf32, #tpu.memory_space<vmem_shared>> -> memref<632x128xf32, #tpu.memory_space<vmem_shared>>
      tpu.wait_dma2 semaphore(%run_scoped3A : memref<!tpu.dma_semaphore, #tpu.memory_space<semaphore_mem>>) src(%dma_wait3A_50 : memref<632x128xf32, #tpu.memory_space<vmem_shared>>) dst(%dma_wait3A_48 : memref<632x128xf32, #tpu.memory_space<hbm>>)
      tpu.yield
    }) : () -> ()
    return
  }
}

#map = affine_map<(d0, d1) -> (0, 0)>
#map1 = affine_map<(d0, d1) -> (0, 0, 0, 0)>
module attributes {stable_mosaic.version = 14 : i64} {
  func.func @_sc_body(%arg0: i32, %arg1: i32, %arg2: memref<100000x128xf32, #tpu.memory_space<hbm>>, %arg3: memref<16x5x50x80xi32, #tpu.memory_space<hbm>>, %arg4: memref<16x5x50x80xi32, #tpu.memory_space<hbm>>, %arg5: memref<10112x128xf32, #tpu.memory_space<hbm>>, %arg6: memref<50x80xi32, #tpu.memory_space<vmem>>, %arg7: memref<50x80xi32, #tpu.memory_space<vmem>>, %arg8: memref<80x128xf32, #tpu.memory_space<vmem>>, %arg9: memref<80x128xf32, #tpu.memory_space<vmem>>, %arg10: memref<80x128xf32, #tpu.memory_space<vmem>>, %arg11: memref<10112x128xf32, #tpu.memory_space<vmem_shared>>, %arg12: memref<!tpu.dma_semaphore, #tpu.memory_space<semaphore_mem>>, %arg13: memref<!tpu.dma_semaphore, #tpu.memory_space<semaphore_mem>>, %arg14: memref<!tpu.dma_semaphore, #tpu.memory_space<semaphore_mem>>, %arg15: memref<!tpu.dma_semaphore, #tpu.memory_space<semaphore_mem>>) attributes {dimension_semantics = [#tpu.dimension_semantics<core_parallel>, #tpu.dimension_semantics<subcore_parallel>], iteration_bounds = array<i64: 1, 16>, scalar_prefetch = 0 : i64, scratch_operands = 10 : i64, tpu.core_type = #tpu.core_type<sc_vector_subcore>, window_params = [{transform_indices = #map}, {transform_indices = #map1}, {transform_indices = #map1}, {transform_indices = #map}]} {
    %broadcast_in_dim3A = arith.constant 0.000000e+00 : f32
    %broadcast_in_dim3A_0 = vector.broadcast %broadcast_in_dim3A : f32 to vector<16xf32>
    %scan3A = arith.constant 0 : i32
    %scan3A_1 = arith.constant 0 : i32
    %scan3A_2 = arith.constant 80 : i32
    %scan3A_3 = arith.addi %scan3A_1, %scan3A_2 : i32
    %scan3A_4 = arith.constant 1 : i32
    scf.for %scan3A_45 = %scan3A_1 to %scan3A_3 step %scan3A_4  : i32 {
      %swap3A = arith.index_cast %scan3A_45 : i32 to index
      %swap3A_46 = arith.constant 0 : index
      %swap3A_47 = tpu.vector_load %arg8[%swap3A, %swap3A_46] {strides = array<i32>} : memref<80x128xf32, #tpu.memory_space<vmem>>, vector<1x16xf32>,
      %swap3A_48 = vector.shape_cast %swap3A_47 : vector<1x16xf32> to vector<16xf32>
      %swap3A_49 = vector.shape_cast %broadcast_in_dim3A_0 : vector<16xf32> to vector<1x16xf32>
      tpu.vector_store %arg8[%swap3A, %swap3A_46], %swap3A_49 {strides = array<i32>} : memref<80x128xf32, #tpu.memory_space<vmem>>, vector<1x16xf32>,
      %swap3A_50 = arith.index_cast %scan3A_45 : i32 to index
      %swap3A_51 = arith.constant 16 : index
      %swap3A_52 = tpu.vector_load %arg8[%swap3A_50, %swap3A_51] {strides = array<i32>} : memref<80x128xf32, #tpu.memory_space<vmem>>, vector<1x16xf32>,
      %swap3A_53 = vector.shape_cast %swap3A_52 : vector<1x16xf32> to vector<16xf32>
      %swap3A_54 = vector.shape_cast %broadcast_in_dim3A_0 : vector<16xf32> to vector<1x16xf32>
      tpu.vector_store %arg8[%swap3A_50, %swap3A_51], %swap3A_54 {strides = array<i32>} : memref<80x128xf32, #tpu.memory_space<vmem>>, vector<1x16xf32>,
      %swap3A_55 = arith.index_cast %scan3A_45 : i32 to index
      %swap3A_56 = arith.constant 32 : index
      %swap3A_57 = tpu.vector_load %arg8[%swap3A_55, %swap3A_56] {strides = array<i32>} : memref<80x128xf32, #tpu.memory_space<vmem>>, vector<1x16xf32>,
      %swap3A_58 = vector.shape_cast %swap3A_57 : vector<1x16xf32> to vector<16xf32>
      %swap3A_59 = vector.shape_cast %broadcast_in_dim3A_0 : vector<16xf32> to vector<1x16xf32>
      tpu.vector_store %arg8[%swap3A_55, %swap3A_56], %swap3A_59 {strides = array<i32>} : memref<80x128xf32, #tpu.memory_space<vmem>>, vector<1x16xf32>,
      %swap3A_60 = arith.index_cast %scan3A_45 : i32 to index
      %swap3A_61 = arith.constant 48 : index
      %swap3A_62 = tpu.vector_load %arg8[%swap3A_60, %swap3A_61] {strides = array<i32>} : memref<80x128xf32, #tpu.memory_space<vmem>>, vector<1x16xf32>,
      %swap3A_63 = vector.shape_cast %swap3A_62 : vector<1x16xf32> to vector<16xf32>
      %swap3A_64 = vector.shape_cast %broadcast_in_dim3A_0 : vector<16xf32> to vector<1x16xf32>
      tpu.vector_store %arg8[%swap3A_60, %swap3A_61], %swap3A_64 {strides = array<i32>} : memref<80x128xf32, #tpu.memory_space<vmem>>, vector<1x16xf32>,
      %swap3A_65 = arith.index_cast %scan3A_45 : i32 to index
      %swap3A_66 = arith.constant 64 : index
      %swap3A_67 = tpu.vector_load %arg8[%swap3A_65, %swap3A_66] {strides = array<i32>} : memref<80x128xf32, #tpu.memory_space<vmem>>, vector<1x16xf32>,
      %swap3A_68 = vector.shape_cast %swap3A_67 : vector<1x16xf32> to vector<16xf32>
      %swap3A_69 = vector.shape_cast %broadcast_in_dim3A_0 : vector<16xf32> to vector<1x16xf32>
      tpu.vector_store %arg8[%swap3A_65, %swap3A_66], %swap3A_69 {strides = array<i32>} : memref<80x128xf32, #tpu.memory_space<vmem>>, vector<1x16xf32>,
      %swap3A_70 = arith.index_cast %scan3A_45 : i32 to index
      %swap3A_71 = arith.constant 80 : index
      %swap3A_72 = tpu.vector_load %arg8[%swap3A_70, %swap3A_71] {strides = array<i32>} : memref<80x128xf32, #tpu.memory_space<vmem>>, vector<1x16xf32>,
      %swap3A_73 = vector.shape_cast %swap3A_72 : vector<1x16xf32> to vector<16xf32>
      %swap3A_74 = vector.shape_cast %broadcast_in_dim3A_0 : vector<16xf32> to vector<1x16xf32>
      tpu.vector_store %arg8[%swap3A_70, %swap3A_71], %swap3A_74 {strides = array<i32>} : memref<80x128xf32, #tpu.memory_space<vmem>>, vector<1x16xf32>,
      %swap3A_75 = arith.index_cast %scan3A_45 : i32 to index
      %swap3A_76 = arith.constant 96 : index
      %swap3A_77 = tpu.vector_load %arg8[%swap3A_75, %swap3A_76] {strides = array<i32>} : memref<80x128xf32, #tpu.memory_space<vmem>>, vector<1x16xf32>,
      %swap3A_78 = vector.shape_cast %swap3A_77 : vector<1x16xf32> to vector<16xf32>
      %swap3A_79 = vector.shape_cast %broadcast_in_dim3A_0 : vector<16xf32> to vector<1x16xf32>
      tpu.vector_store %arg8[%swap3A_75, %swap3A_76], %swap3A_79 {strides = array<i32>} : memref<80x128xf32, #tpu.memory_space<vmem>>, vector<1x16xf32>,
      %swap3A_80 = arith.index_cast %scan3A_45 : i32 to index
      %swap3A_81 = arith.constant 112 : index
      %swap3A_82 = tpu.vector_load %arg8[%swap3A_80, %swap3A_81] {strides = array<i32>} : memref<80x128xf32, #tpu.memory_space<vmem>>, vector<1x16xf32>,
      %swap3A_83 = vector.shape_cast %swap3A_82 : vector<1x16xf32> to vector<16xf32>
      %swap3A_84 = vector.shape_cast %broadcast_in_dim3A_0 : vector<16xf32> to vector<1x16xf32>
      tpu.vector_store %arg8[%swap3A_80, %swap3A_81], %swap3A_84 {strides = array<i32>} : memref<80x128xf32, #tpu.memory_space<vmem>>, vector<1x16xf32>,
    }
    %scan3A_5 = arith.constant 80 : i32
    %mul3A = arith.constant 632 : i32
    %mul3A_6 = arith.muli %arg1, %mul3A : i32
    %add3A = arith.constant 0 : i32
    %add3A_7 = arith.addi %mul3A_6, %add3A : i32
    "tpu.region"() ({
      %run_scoped3A = tpu.sem_alloc : memref<!tpu.dma_semaphore, #tpu.memory_space<semaphore_mem>>
      %dma_start3A = arith.constant 0 : i32
      %dma_start3A_45 = tpu.memref_slice %arg11[%add3A_7, %dma_start3A] : memref<10112x128xf32, #tpu.memory_space<vmem_shared>> -> memref<80x128xf32, #tpu.memory_space<vmem_shared>>
      %dma_start3A_46 = arith.constant 0 : i32
      %dma_start3A_47 = tpu.memref_slice %arg11[%add3A_7, %dma_start3A_46] : memref<10112x128xf32, #tpu.memory_space<vmem_shared>> -> memref<80x128xf32, #tpu.memory_space<vmem_shared>>
      tpu.enqueue_dma source(%arg8 : memref<80x128xf32, #tpu.memory_space<vmem>>) target(%dma_start3A_47 : memref<80x128xf32, #tpu.memory_space<vmem_shared>>) target_semaphore(%run_scoped3A : memref<!tpu.dma_semaphore, #tpu.memory_space<semaphore_mem>>)
      %dma_wait3A = arith.constant 0 : i32
      %dma_wait3A_48 = tpu.memref_slice %arg11[%add3A_7, %dma_wait3A] : memref<10112x128xf32, #tpu.memory_space<vmem_shared>> -> memref<80x128xf32, #tpu.memory_space<vmem_shared>>
      %dma_wait3A_49 = arith.constant 0 : i32
      %dma_wait3A_50 = tpu.memref_slice %arg11[%add3A_7, %dma_wait3A_49] : memref<10112x128xf32, #tpu.memory_space<vmem_shared>> -> memref<80x128xf32, #tpu.memory_space<vmem_shared>>
      tpu.wait_dma2 semaphore(%run_scoped3A : memref<!tpu.dma_semaphore, #tpu.memory_space<semaphore_mem>>) src(%arg8 : memref<80x128xf32, #tpu.memory_space<vmem>>) dst(%dma_wait3A_50 : memref<80x128xf32, #tpu.memory_space<vmem_shared>>)
      tpu.yield
    }) : () -> ()
    %mul3A_8 = arith.constant 632 : i32
    %mul3A_9 = arith.muli %arg1, %mul3A_8 : i32
    %add3A_10 = arith.constant 80 : i32
    %add3A_11 = arith.addi %mul3A_9, %add3A_10 : i32
    "tpu.region"() ({
      %run_scoped3A = tpu.sem_alloc : memref<!tpu.dma_semaphore, #tpu.memory_space<semaphore_mem>>
      %dma_start3A = arith.constant 0 : i32
      %dma_start3A_45 = tpu.memref_slice %arg11[%add3A_11, %dma_start3A] : memref<10112x128xf32, #tpu.memory_space<vmem_shared>> -> memref<80x128xf32, #tpu.memory_space<vmem_shared>>
      %dma_start3A_46 = arith.constant 0 : i32
      %dma_start3A_47 = tpu.memref_slice %arg11[%add3A_11, %dma_start3A_46] : memref<10112x128xf32, #tpu.memory_space<vmem_shared>> -> memref<80x128xf32, #tpu.memory_space<vmem_shared>>
      tpu.enqueue_dma source(%arg8 : memref<80x128xf32, #tpu.memory_space<vmem>>) target(%dma_start3A_47 : memref<80x128xf32, #tpu.memory_space<vmem_shared>>) target_semaphore(%run_scoped3A : memref<!tpu.dma_semaphore, #tpu.memory_space<semaphore_mem>>)
      %dma_wait3A = arith.constant 0 : i32
      %dma_wait3A_48 = tpu.memref_slice %arg11[%add3A_11, %dma_wait3A] : memref<10112x128xf32, #tpu.memory_space<vmem_shared>> -> memref<80x128xf32, #tpu.memory_space<vmem_shared>>
      %dma_wait3A_49 = arith.constant 0 : i32
      %dma_wait3A_50 = tpu.memref_slice %arg11[%add3A_11, %dma_wait3A_49] : memref<10112x128xf32, #tpu.memory_space<vmem_shared>> -> memref<80x128xf32, #tpu.memory_space<vmem_shared>>
      tpu.wait_dma2 semaphore(%run_scoped3A : memref<!tpu.dma_semaphore, #tpu.memory_space<semaphore_mem>>) src(%arg8 : memref<80x128xf32, #tpu.memory_space<vmem>>) dst(%dma_wait3A_50 : memref<80x128xf32, #tpu.memory_space<vmem_shared>>)
      tpu.yield
    }) : () -> ()
    %mul3A_12 = arith.constant 632 : i32
    %mul3A_13 = arith.muli %arg1, %mul3A_12 : i32
    %add3A_14 = arith.constant 160 : i32
    %add3A_15 = arith.addi %mul3A_13, %add3A_14 : i32
    "tpu.region"() ({
      %run_scoped3A = tpu.sem_alloc : memref<!tpu.dma_semaphore, #tpu.memory_space<semaphore_mem>>
      %dma_start3A = arith.constant 0 : i32
      %dma_start3A_45 = tpu.memref_slice %arg11[%add3A_15, %dma_start3A] : memref<10112x128xf32, #tpu.memory_space<vmem_shared>> -> memref<80x128xf32, #tpu.memory_space<vmem_shared>>
      %dma_start3A_46 = arith.constant 0 : i32
      %dma_start3A_47 = tpu.memref_slice %arg11[%add3A_15, %dma_start3A_46] : memref<10112x128xf32, #tpu.memory_space<vmem_shared>> -> memref<80x128xf32, #tpu.memory_space<vmem_shared>>
      tpu.enqueue_dma source(%arg8 : memref<80x128xf32, #tpu.memory_space<vmem>>) target(%dma_start3A_47 : memref<80x128xf32, #tpu.memory_space<vmem_shared>>) target_semaphore(%run_scoped3A : memref<!tpu.dma_semaphore, #tpu.memory_space<semaphore_mem>>)
      %dma_wait3A = arith.constant 0 : i32
      %dma_wait3A_48 = tpu.memref_slice %arg11[%add3A_15, %dma_wait3A] : memref<10112x128xf32, #tpu.memory_space<vmem_shared>> -> memref<80x128xf32, #tpu.memory_space<vmem_shared>>
      %dma_wait3A_49 = arith.constant 0 : i32
      %dma_wait3A_50 = tpu.memref_slice %arg11[%add3A_15, %dma_wait3A_49] : memref<10112x128xf32, #tpu.memory_space<vmem_shared>> -> memref<80x128xf32, #tpu.memory_space<vmem_shared>>
      tpu.wait_dma2 semaphore(%run_scoped3A : memref<!tpu.dma_semaphore, #tpu.memory_space<semaphore_mem>>) src(%arg8 : memref<80x128xf32, #tpu.memory_space<vmem>>) dst(%dma_wait3A_50 : memref<80x128xf32, #tpu.memory_space<vmem_shared>>)
      tpu.yield
    }) : () -> ()
    %mul3A_16 = arith.constant 632 : i32
    %mul3A_17 = arith.muli %arg1, %mul3A_16 : i32
    %add3A_18 = arith.constant 240 : i32
    %add3A_19 = arith.addi %mul3A_17, %add3A_18 : i32
    "tpu.region"() ({
      %run_scoped3A = tpu.sem_alloc : memref<!tpu.dma_semaphore, #tpu.memory_space<semaphore_mem>>
      %dma_start3A = arith.constant 0 : i32
      %dma_start3A_45 = tpu.memref_slice %arg11[%add3A_19, %dma_start3A] : memref<10112x128xf32, #tpu.memory_space<vmem_shared>> -> memref<80x128xf32, #tpu.memory_space<vmem_shared>>
      %dma_start3A_46 = arith.constant 0 : i32
      %dma_start3A_47 = tpu.memref_slice %arg11[%add3A_19, %dma_start3A_46] : memref<10112x128xf32, #tpu.memory_space<vmem_shared>> -> memref<80x128xf32, #tpu.memory_space<vmem_shared>>
      tpu.enqueue_dma source(%arg8 : memref<80x128xf32, #tpu.memory_space<vmem>>) target(%dma_start3A_47 : memref<80x128xf32, #tpu.memory_space<vmem_shared>>) target_semaphore(%run_scoped3A : memref<!tpu.dma_semaphore, #tpu.memory_space<semaphore_mem>>)
      %dma_wait3A = arith.constant 0 : i32
      %dma_wait3A_48 = tpu.memref_slice %arg11[%add3A_19, %dma_wait3A] : memref<10112x128xf32, #tpu.memory_space<vmem_shared>> -> memref<80x128xf32, #tpu.memory_space<vmem_shared>>
      %dma_wait3A_49 = arith.constant 0 : i32
      %dma_wait3A_50 = tpu.memref_slice %arg11[%add3A_19, %dma_wait3A_49] : memref<10112x128xf32, #tpu.memory_space<vmem_shared>> -> memref<80x128xf32, #tpu.memory_space<vmem_shared>>
      tpu.wait_dma2 semaphore(%run_scoped3A : memref<!tpu.dma_semaphore, #tpu.memory_space<semaphore_mem>>) src(%arg8 : memref<80x128xf32, #tpu.memory_space<vmem>>) dst(%dma_wait3A_50 : memref<80x128xf32, #tpu.memory_space<vmem_shared>>)
      tpu.yield
    }) : () -> ()
    %mul3A_20 = arith.constant 632 : i32
    %mul3A_21 = arith.muli %arg1, %mul3A_20 : i32
    %add3A_22 = arith.constant 320 : i32
    %add3A_23 = arith.addi %mul3A_21, %add3A_22 : i32
    "tpu.region"() ({
      %run_scoped3A = tpu.sem_alloc : memref<!tpu.dma_semaphore, #tpu.memory_space<semaphore_mem>>
      %dma_start3A = arith.constant 0 : i32
      %dma_start3A_45 = tpu.memref_slice %arg11[%add3A_23, %dma_start3A] : memref<10112x128xf32, #tpu.memory_space<vmem_shared>> -> memref<80x128xf32, #tpu.memory_space<vmem_shared>>
      %dma_start3A_46 = arith.constant 0 : i32
      %dma_start3A_47 = tpu.memref_slice %arg11[%add3A_23, %dma_start3A_46] : memref<10112x128xf32, #tpu.memory_space<vmem_shared>> -> memref<80x128xf32, #tpu.memory_space<vmem_shared>>
      tpu.enqueue_dma source(%arg8 : memref<80x128xf32, #tpu.memory_space<vmem>>) target(%dma_start3A_47 : memref<80x128xf32, #tpu.memory_space<vmem_shared>>) target_semaphore(%run_scoped3A : memref<!tpu.dma_semaphore, #tpu.memory_space<semaphore_mem>>)
      %dma_wait3A = arith.constant 0 : i32
      %dma_wait3A_48 = tpu.memref_slice %arg11[%add3A_23, %dma_wait3A] : memref<10112x128xf32, #tpu.memory_space<vmem_shared>> -> memref<80x128xf32, #tpu.memory_space<vmem_shared>>
      %dma_wait3A_49 = arith.constant 0 : i32
      %dma_wait3A_50 = tpu.memref_slice %arg11[%add3A_23, %dma_wait3A_49] : memref<10112x128xf32, #tpu.memory_space<vmem_shared>> -> memref<80x128xf32, #tpu.memory_space<vmem_shared>>
      tpu.wait_dma2 semaphore(%run_scoped3A : memref<!tpu.dma_semaphore, #tpu.memory_space<semaphore_mem>>) src(%arg8 : memref<80x128xf32, #tpu.memory_space<vmem>>) dst(%dma_wait3A_50 : memref<80x128xf32, #tpu.memory_space<vmem_shared>>)
      tpu.yield
    }) : () -> ()
    %mul3A_24 = arith.constant 632 : i32
    %mul3A_25 = arith.muli %arg1, %mul3A_24 : i32
    %add3A_26 = arith.constant 400 : i32
    %add3A_27 = arith.addi %mul3A_25, %add3A_26 : i32
    "tpu.region"() ({
      %run_scoped3A = tpu.sem_alloc : memref<!tpu.dma_semaphore, #tpu.memory_space<semaphore_mem>>
      %dma_start3A = arith.constant 0 : i32
      %dma_start3A_45 = tpu.memref_slice %arg11[%add3A_27, %dma_start3A] : memref<10112x128xf32, #tpu.memory_space<vmem_shared>> -> memref<80x128xf32, #tpu.memory_space<vmem_shared>>
      %dma_start3A_46 = arith.constant 0 : i32
      %dma_start3A_47 = tpu.memref_slice %arg11[%add3A_27, %dma_start3A_46] : memref<10112x128xf32, #tpu.memory_space<vmem_shared>> -> memref<80x128xf32, #tpu.memory_space<vmem_shared>>
      tpu.enqueue_dma source(%arg8 : memref<80x128xf32, #tpu.memory_space<vmem>>) target(%dma_start3A_47 : memref<80x128xf32, #tpu.memory_space<vmem_shared>>) target_semaphore(%run_scoped3A : memref<!tpu.dma_semaphore, #tpu.memory_space<semaphore_mem>>)
      %dma_wait3A = arith.constant 0 : i32
      %dma_wait3A_48 = tpu.memref_slice %arg11[%add3A_27, %dma_wait3A] : memref<10112x128xf32, #tpu.memory_space<vmem_shared>> -> memref<80x128xf32, #tpu.memory_space<vmem_shared>>
      %dma_wait3A_49 = arith.constant 0 : i32
      %dma_wait3A_50 = tpu.memref_slice %arg11[%add3A_27, %dma_wait3A_49] : memref<10112x128xf32, #tpu.memory_space<vmem_shared>> -> memref<80x128xf32, #tpu.memory_space<vmem_shared>>
      tpu.wait_dma2 semaphore(%run_scoped3A : memref<!tpu.dma_semaphore, #tpu.memory_space<semaphore_mem>>) src(%arg8 : memref<80x128xf32, #tpu.memory_space<vmem>>) dst(%dma_wait3A_50 : memref<80x128xf32, #tpu.memory_space<vmem_shared>>)
      tpu.yield
    }) : () -> ()
    %mul3A_28 = arith.constant 632 : i32
    %mul3A_29 = arith.muli %arg1, %mul3A_28 : i32
    %add3A_30 = arith.constant 480 : i32
    %add3A_31 = arith.addi %mul3A_29, %add3A_30 : i32
    "tpu.region"() ({
      %run_scoped3A = tpu.sem_alloc : memref<!tpu.dma_semaphore, #tpu.memory_space<semaphore_mem>>
      %dma_start3A = arith.constant 0 : i32
      %dma_start3A_45 = tpu.memref_slice %arg11[%add3A_31, %dma_start3A] : memref<10112x128xf32, #tpu.memory_space<vmem_shared>> -> memref<80x128xf32, #tpu.memory_space<vmem_shared>>
      %dma_start3A_46 = arith.constant 0 : i32
      %dma_start3A_47 = tpu.memref_slice %arg11[%add3A_31, %dma_start3A_46] : memref<10112x128xf32, #tpu.memory_space<vmem_shared>> -> memref<80x128xf32, #tpu.memory_space<vmem_shared>>
      tpu.enqueue_dma source(%arg8 : memref<80x128xf32, #tpu.memory_space<vmem>>) target(%dma_start3A_47 : memref<80x128xf32, #tpu.memory_space<vmem_shared>>) target_semaphore(%run_scoped3A : memref<!tpu.dma_semaphore, #tpu.memory_space<semaphore_mem>>)
      %dma_wait3A = arith.constant 0 : i32
      %dma_wait3A_48 = tpu.memref_slice %arg11[%add3A_31, %dma_wait3A] : memref<10112x128xf32, #tpu.memory_space<vmem_shared>> -> memref<80x128xf32, #tpu.memory_space<vmem_shared>>
      %dma_wait3A_49 = arith.constant 0 : i32
      %dma_wait3A_50 = tpu.memref_slice %arg11[%add3A_31, %dma_wait3A_49] : memref<10112x128xf32, #tpu.memory_space<vmem_shared>> -> memref<80x128xf32, #tpu.memory_space<vmem_shared>>
      tpu.wait_dma2 semaphore(%run_scoped3A : memref<!tpu.dma_semaphore, #tpu.memory_space<semaphore_mem>>) src(%arg8 : memref<80x128xf32, #tpu.memory_space<vmem>>) dst(%dma_wait3A_50 : memref<80x128xf32, #tpu.memory_space<vmem_shared>>)
      tpu.yield
    }) : () -> ()
    %mul3A_32 = arith.constant 632 : i32
    %mul3A_33 = arith.muli %arg1, %mul3A_32 : i32
    %add3A_34 = arith.constant 560 : i32
    %add3A_35 = arith.addi %mul3A_33, %add3A_34 : i32
    "tpu.region"() ({
      %run_scoped3A = tpu.sem_alloc : memref<!tpu.dma_semaphore, #tpu.memory_space<semaphore_mem>>
      %dma_start3A = arith.constant 0 : i32
      %dma_start3A_45 = arith.constant 0 : i32
      %dma_start3A_46 = tpu.memref_slice %arg8[%dma_start3A, %dma_start3A_45] : memref<80x128xf32, #tpu.memory_space<vmem>> -> memref<72x128xf32, #tpu.memory_space<vmem>>
      %dma_start3A_47 = arith.constant 0 : i32
      %dma_start3A_48 = tpu.memref_slice %arg11[%add3A_35, %dma_start3A_47] : memref<10112x128xf32, #tpu.memory_space<vmem_shared>> -> memref<72x128xf32, #tpu.memory_space<vmem_shared>>
      %dma_start3A_49 = arith.constant 0 : i32
      %dma_start3A_50 = tpu.memref_slice %arg11[%add3A_35, %dma_start3A_49] : memref<10112x128xf32, #tpu.memory_space<vmem_shared>> -> memref<72x128xf32, #tpu.memory_space<vmem_shared>>
      %dma_start3A_51 = arith.constant 0 : i32
      %dma_start3A_52 = arith.constant 0 : i32
      %dma_start3A_53 = tpu.memref_slice %arg8[%dma_start3A_51, %dma_start3A_52] : memref<80x128xf32, #tpu.memory_space<vmem>> -> memref<72x128xf32, #tpu.memory_space<vmem>>
      tpu.enqueue_dma source(%dma_start3A_53 : memref<72x128xf32, #tpu.memory_space<vmem>>) target(%dma_start3A_50 : memref<72x128xf32, #tpu.memory_space<vmem_shared>>) target_semaphore(%run_scoped3A : memref<!tpu.dma_semaphore, #tpu.memory_space<semaphore_mem>>)
      %dma_wait3A = arith.constant 0 : i32
      %dma_wait3A_54 = arith.constant 0 : i32
      %dma_wait3A_55 = tpu.memref_slice %arg8[%dma_wait3A, %dma_wait3A_54] : memref<80x128xf32, #tpu.memory_space<vmem>> -> memref<72x128xf32, #tpu.memory_space<vmem>>
      %dma_wait3A_56 = arith.constant 0 : i32
      %dma_wait3A_57 = tpu.memref_slice %arg11[%add3A_35, %dma_wait3A_56] : memref<10112x128xf32, #tpu.memory_space<vmem_shared>> -> memref<72x128xf32, #tpu.memory_space<vmem_shared>>
      %dma_wait3A_58 = arith.constant 0 : i32
      %dma_wait3A_59 = tpu.memref_slice %arg11[%add3A_35, %dma_wait3A_58] : memref<10112x128xf32, #tpu.memory_space<vmem_shared>> -> memref<72x128xf32, #tpu.memory_space<vmem_shared>>
      %dma_wait3A_60 = arith.constant 0 : i32
      %dma_wait3A_61 = arith.constant 0 : i32
      %dma_wait3A_62 = tpu.memref_slice %arg8[%dma_wait3A_60, %dma_wait3A_61] : memref<80x128xf32, #tpu.memory_space<vmem>> -> memref<72x128xf32, #tpu.memory_space<vmem>>
      tpu.wait_dma2 semaphore(%run_scoped3A : memref<!tpu.dma_semaphore, #tpu.memory_space<semaphore_mem>>) src(%dma_wait3A_62 : memref<72x128xf32, #tpu.memory_space<vmem>>) dst(%dma_wait3A_59 : memref<72x128xf32, #tpu.memory_space<vmem_shared>>)
      tpu.yield
    }) : () -> ()
    %barrier3A = arith.constant 0 : index
    tpu.barrier barrier_id(%barrier3A)
    %scan3A_36 = arith.constant 0 : i32
    %scan3A_37 = arith.constant 0 : i32
    %scan3A_38 = arith.constant 5 : i32
    %scan3A_39 = arith.addi %scan3A_37, %scan3A_38 : i32
    %scan3A_40 = arith.constant 1 : i32
    scf.for %scan3A_45 = %scan3A_37 to %scan3A_39 step %scan3A_40  : i32 {
      "tpu.region"() ({
        %run_scoped3A = tpu.sem_alloc : memref<!tpu.dma_semaphore, #tpu.memory_space<semaphore_mem>>
        %dma_start3A_71 = arith.constant 0 : i32
        %dma_start3A_72 = arith.constant 0 : i32
        %dma_start3A_73 = tpu.memref_slice %arg3[%arg1, %scan3A_45, %dma_start3A_71, %dma_start3A_72] : memref<16x5x50x80xi32, #tpu.memory_space<hbm>> -> memref<1x1x50x80xi32, #tpu.memory_space<hbm>>
        %dma_start3A_74 = tpu.memref_squeeze %dma_start3A_73 : memref<1x1x50x80xi32, #tpu.memory_space<hbm>> -> memref<50x80xi32, #tpu.memory_space<hbm>>
        %dma_start3A_75 = arith.constant 0 : i32
        %dma_start3A_76 = arith.constant 0 : i32
        %dma_start3A_77 = tpu.memref_slice %arg3[%arg1, %scan3A_45, %dma_start3A_75, %dma_start3A_76] : memref<16x5x50x80xi32, #tpu.memory_space<hbm>> -> memref<1x1x50x80xi32, #tpu.memory_space<hbm>>
        %dma_start3A_78 = tpu.memref_squeeze %dma_start3A_77 : memref<1x1x50x80xi32, #tpu.memory_space<hbm>> -> memref<50x80xi32, #tpu.memory_space<hbm>>
        tpu.enqueue_dma source(%dma_start3A_78 : memref<50x80xi32, #tpu.memory_space<hbm>>) target(%arg6 : memref<50x80xi32, #tpu.memory_space<vmem>>) target_semaphore(%run_scoped3A : memref<!tpu.dma_semaphore, #tpu.memory_space<semaphore_mem>>)
        %dma_wait3A_79 = arith.constant 0 : i32
        %dma_wait3A_80 = arith.constant 0 : i32
        %dma_wait3A_81 = tpu.memref_slice %arg3[%arg1, %scan3A_45, %dma_wait3A_79, %dma_wait3A_80] : memref<16x5x50x80xi32, #tpu.memory_space<hbm>> -> memref<1x1x50x80xi32, #tpu.memory_space<hbm>>
        %dma_wait3A_82 = tpu.memref_squeeze %dma_wait3A_81 : memref<1x1x50x80xi32, #tpu.memory_space<hbm>> -> memref<50x80xi32, #tpu.memory_space<hbm>>
        %dma_wait3A_83 = arith.constant 0 : i32
        %dma_wait3A_84 = arith.constant 0 : i32
        %dma_wait3A_85 = tpu.memref_slice %arg3[%arg1, %scan3A_45, %dma_wait3A_83, %dma_wait3A_84] : memref<16x5x50x80xi32, #tpu.memory_space<hbm>> -> memref<1x1x50x80xi32, #tpu.memory_space<hbm>>
        %dma_wait3A_86 = tpu.memref_squeeze %dma_wait3A_85 : memref<1x1x50x80xi32, #tpu.memory_space<hbm>> -> memref<50x80xi32, #tpu.memory_space<hbm>>
        tpu.wait_dma2 semaphore(%run_scoped3A : memref<!tpu.dma_semaphore, #tpu.memory_space<semaphore_mem>>) src(%dma_wait3A_86 : memref<50x80xi32, #tpu.memory_space<hbm>>) dst(%arg6 : memref<50x80xi32, #tpu.memory_space<vmem>>)
        tpu.yield
      }) : () -> ()
      "tpu.region"() ({
        %run_scoped3A = tpu.sem_alloc : memref<!tpu.dma_semaphore, #tpu.memory_space<semaphore_mem>>
        %dma_start3A_71 = arith.constant 0 : i32
        %dma_start3A_72 = arith.constant 0 : i32
        %dma_start3A_73 = tpu.memref_slice %arg4[%arg1, %scan3A_45, %dma_start3A_71, %dma_start3A_72] : memref<16x5x50x80xi32, #tpu.memory_space<hbm>> -> memref<1x1x50x80xi32, #tpu.memory_space<hbm>>
        %dma_start3A_74 = tpu.memref_squeeze %dma_start3A_73 : memref<1x1x50x80xi32, #tpu.memory_space<hbm>> -> memref<50x80xi32, #tpu.memory_space<hbm>>
        %dma_start3A_75 = arith.constant 0 : i32
        %dma_start3A_76 = arith.constant 0 : i32
        %dma_start3A_77 = tpu.memref_slice %arg4[%arg1, %scan3A_45, %dma_start3A_75, %dma_start3A_76] : memref<16x5x50x80xi32, #tpu.memory_space<hbm>> -> memref<1x1x50x80xi32, #tpu.memory_space<hbm>>
        %dma_start3A_78 = tpu.memref_squeeze %dma_start3A_77 : memref<1x1x50x80xi32, #tpu.memory_space<hbm>> -> memref<50x80xi32, #tpu.memory_space<hbm>>
        tpu.enqueue_dma source(%dma_start3A_78 : memref<50x80xi32, #tpu.memory_space<hbm>>) target(%arg7 : memref<50x80xi32, #tpu.memory_space<vmem>>) target_semaphore(%run_scoped3A : memref<!tpu.dma_semaphore, #tpu.memory_space<semaphore_mem>>)
        %dma_wait3A_79 = arith.constant 0 : i32
        %dma_wait3A_80 = arith.constant 0 : i32
        %dma_wait3A_81 = tpu.memref_slice %arg4[%arg1, %scan3A_45, %dma_wait3A_79, %dma_wait3A_80] : memref<16x5x50x80xi32, #tpu.memory_space<hbm>> -> memref<1x1x50x80xi32, #tpu.memory_space<hbm>>
        %dma_wait3A_82 = tpu.memref_squeeze %dma_wait3A_81 : memref<1x1x50x80xi32, #tpu.memory_space<hbm>> -> memref<50x80xi32, #tpu.memory_space<hbm>>
        %dma_wait3A_83 = arith.constant 0 : i32
        %dma_wait3A_84 = arith.constant 0 : i32
        %dma_wait3A_85 = tpu.memref_slice %arg4[%arg1, %scan3A_45, %dma_wait3A_83, %dma_wait3A_84] : memref<16x5x50x80xi32, #tpu.memory_space<hbm>> -> memref<1x1x50x80xi32, #tpu.memory_space<hbm>>
        %dma_wait3A_86 = tpu.memref_squeeze %dma_wait3A_85 : memref<1x1x50x80xi32, #tpu.memory_space<hbm>> -> memref<50x80xi32, #tpu.memory_space<hbm>>
        tpu.wait_dma2 semaphore(%run_scoped3A : memref<!tpu.dma_semaphore, #tpu.memory_space<semaphore_mem>>) src(%dma_wait3A_86 : memref<50x80xi32, #tpu.memory_space<hbm>>) dst(%arg7 : memref<50x80xi32, #tpu.memory_space<vmem>>)
        tpu.yield
      }) : () -> ()
      %dma_start3A = arith.constant 0 : i32
      %dma_start3A_46 = arith.constant 0 : i32
      %dma_start3A_47 = tpu.memref_slice %arg6[%dma_start3A, %dma_start3A_46] : memref<50x80xi32, #tpu.memory_space<vmem>> -> memref<1x80xi32, #tpu.memory_space<vmem>>
      %dma_start3A_48 = tpu.memref_squeeze %dma_start3A_47 : memref<1x80xi32, #tpu.memory_space<vmem>> -> memref<80xi32, #tpu.memory_space<vmem>>
      %dma_start3A_49 = arith.constant 0 : i32
      %dma_start3A_50 = arith.constant 0 : i32
      %dma_start3A_51 = tpu.memref_slice %arg2[%dma_start3A_49, %dma_start3A_50] : memref<100000x128xf32, #tpu.memory_space<hbm>> -> memref<100000x128xf32, #tpu.memory_space<hbm>>
      tpu.enqueue_indirect_dma source(%dma_start3A_51 : memref<100000x128xf32, #tpu.memory_space<hbm>>) target(%arg8 : memref<80x128xf32, #tpu.memory_space<vmem>>) offsets(%dma_start3A_48 : memref<80xi32, #tpu.memory_space<vmem>>) semaphore(%arg12 : memref<!tpu.dma_semaphore, #tpu.memory_space<semaphore_mem>>)
      %dma_start3A_52 = arith.constant 1 : i32
      %dma_start3A_53 = arith.constant 0 : i32
      %dma_start3A_54 = tpu.memref_slice %arg6[%dma_start3A_52, %dma_start3A_53] : memref<50x80xi32, #tpu.memory_space<vmem>> -> memref<1x80xi32, #tpu.memory_space<vmem>>
      %dma_start3A_55 = tpu.memref_squeeze %dma_start3A_54 : memref<1x80xi32, #tpu.memory_space<vmem>> -> memref<80xi32, #tpu.memory_space<vmem>>
      %dma_start3A_56 = arith.constant 0 : i32
      %dma_start3A_57 = arith.constant 0 : i32
      %dma_start3A_58 = tpu.memref_slice %arg2[%dma_start3A_56, %dma_start3A_57] : memref<100000x128xf32, #tpu.memory_space<hbm>> -> memref<100000x128xf32, #tpu.memory_space<hbm>>
      tpu.enqueue_indirect_dma source(%dma_start3A_58 : memref<100000x128xf32, #tpu.memory_space<hbm>>) target(%arg9 : memref<80x128xf32, #tpu.memory_space<vmem>>) offsets(%dma_start3A_55 : memref<80xi32, #tpu.memory_space<vmem>>) semaphore(%arg13 : memref<!tpu.dma_semaphore, #tpu.memory_space<semaphore_mem>>)
      %scan3A_59 = arith.constant 0 : i32
      %scan3A_60 = arith.constant 0 : i32
      %scan3A_61 = arith.constant 50 : i32
      %scan3A_62 = arith.addi %scan3A_60, %scan3A_61 : i32
      %scan3A_63 = arith.constant 1 : i32
      scf.for %scan3A_71 = %scan3A_60 to %scan3A_62 step %scan3A_63  : i32 {
        %jit3A = arith.constant 3 : i32
        %eq3A = arith.constant 0 : i32
        %eq3A_72 = arith.cmpi eq, %jit3A, %eq3A : i32
        %jit3A_73 = arith.constant 1 : i32
        %select_n3A = arith.select %eq3A_72, %jit3A_73, %jit3A : i32
        %rem3A = arith.remsi %scan3A_71, %select_n3A : i32
        %ne3A = arith.constant 0 : i32
        %ne3A_74 = arith.cmpi ne, %rem3A, %ne3A : i32
        %lt3A = arith.constant 0 : i32
        %lt3A_75 = arith.cmpi slt, %rem3A, %lt3A : i32
        %lt3A_76 = arith.constant 0 : i32
        %lt3A_77 = arith.cmpi slt, %select_n3A, %lt3A_76 : i32
        %ne3A_78 = arith.xori %lt3A_75, %lt3A_77 : i1
        %and3A = arith.andi %ne3A_78, %ne3A_74 : i1
        %add3A_79 = arith.addi %rem3A, %select_n3A : i32
        %select_n3A_80 = arith.select %and3A, %add3A_79, %rem3A : i32
        %eq3A_81 = arith.constant 0 : i32
        %eq3A_82 = arith.cmpi eq, %select_n3A_80, %eq3A_81 : i32
        %convert_element_type3A = arith.extui %eq3A_82 : i1 to i32
        %cond3A = arith.constant 0 : i32
        %cond3A_83 = arith.cmpi ne, %convert_element_type3A, %cond3A : i32
        scf.if %cond3A_83 {
          %dma_wait3A_126 = arith.constant 0 : i32
          %dma_wait3A_127 = tpu.memref_slice %arg6[%scan3A_71, %dma_wait3A_126] : memref<50x80xi32, #tpu.memory_space<vmem>> -> memref<1x80xi32, #tpu.memory_space<vmem>>
          %dma_wait3A_128 = tpu.memref_squeeze %dma_wait3A_127 : memref<1x80xi32, #tpu.memory_space<vmem>> -> memref<80xi32, #tpu.memory_space<vmem>>
          %dma_wait3A_129 = arith.constant 0 : i32
          %dma_wait3A_130 = arith.constant 0 : i32
          %dma_wait3A_131 = tpu.memref_slice %arg2[%dma_wait3A_129, %dma_wait3A_130] : memref<100000x128xf32, #tpu.memory_space<hbm>> -> memref<100000x128xf32, #tpu.memory_space<hbm>>
          tpu.wait_indirect_dma semaphore(%arg12 : memref<!tpu.dma_semaphore, #tpu.memory_space<semaphore_mem>>) src(%dma_wait3A_131 : memref<100000x128xf32, #tpu.memory_space<hbm>>) dst(%arg8 : memref<80x128xf32, #tpu.memory_space<vmem>>)
          %gt3A = arith.constant 0 : i32
          %gt3A_132 = arith.cmpi sgt, %scan3A_71, %gt3A : i32
          %convert_element_type3A_133 = arith.extui %gt3A_132 : i1 to i32
          %cond3A_134 = arith.constant 0 : i32
          %cond3A_135 = arith.cmpi ne, %convert_element_type3A_133, %cond3A_134 : i32
          scf.if %cond3A_135 {
            %sub3A = arith.constant 1 : i32
            %sub3A_147 = arith.subi %scan3A_71, %sub3A : i32
            %dma_wait3A_148 = arith.constant 0 : i32
            %dma_wait3A_149 = tpu.memref_slice %arg7[%sub3A_147, %dma_wait3A_148] : memref<50x80xi32, #tpu.memory_space<vmem>> -> memref<1x80xi32, #tpu.memory_space<vmem>>
            %dma_wait3A_150 = tpu.memref_squeeze %dma_wait3A_149 : memref<1x80xi32, #tpu.memory_space<vmem>> -> memref<80xi32, #tpu.memory_space<vmem>>
            %dma_wait3A_151 = arith.constant 0 : i32
            %dma_wait3A_152 = arith.constant 0 : i32
            %dma_wait3A_153 = tpu.memref_slice %arg11[%dma_wait3A_151, %dma_wait3A_152] : memref<10112x128xf32, #tpu.memory_space<vmem_shared>> -> memref<10112x128xf32, #tpu.memory_space<vmem_shared>>
            tpu.wait_indirect_dma semaphore(%arg15 : memref<!tpu.dma_semaphore, #tpu.memory_space<semaphore_mem>>) src(%arg10 : memref<80x128xf32, #tpu.memory_space<vmem>>) dst(%dma_wait3A_153 : memref<10112x128xf32, #tpu.memory_space<vmem_shared>>)
          } else {
          }
          %lt3A_136 = arith.constant 48 : i32
          %lt3A_137 = arith.cmpi slt, %scan3A_71, %lt3A_136 : i32
          %convert_element_type3A_138 = arith.extui %lt3A_137 : i1 to i32
          %cond3A_139 = arith.constant 0 : i32
          %cond3A_140 = arith.cmpi ne, %convert_element_type3A_138, %cond3A_139 : i32
          scf.if %cond3A_140 {
            %add3A_147 = arith.constant 2 : i32
            %add3A_148 = arith.addi %scan3A_71, %add3A_147 : i32
            %dma_start3A_149 = arith.constant 0 : i32
            %dma_start3A_150 = tpu.memref_slice %arg6[%add3A_148, %dma_start3A_149] : memref<50x80xi32, #tpu.memory_space<vmem>> -> memref<1x80xi32, #tpu.memory_space<vmem>>
            %dma_start3A_151 = tpu.memref_squeeze %dma_start3A_150 : memref<1x80xi32, #tpu.memory_space<vmem>> -> memref<80xi32, #tpu.memory_space<vmem>>
            %dma_start3A_152 = arith.constant 0 : i32
            %dma_start3A_153 = arith.constant 0 : i32
            %dma_start3A_154 = tpu.memref_slice %arg2[%dma_start3A_152, %dma_start3A_153] : memref<100000x128xf32, #tpu.memory_space<hbm>> -> memref<100000x128xf32, #tpu.memory_space<hbm>>
            tpu.enqueue_indirect_dma source(%dma_start3A_154 : memref<100000x128xf32, #tpu.memory_space<hbm>>) target(%arg10 : memref<80x128xf32, #tpu.memory_space<vmem>>) offsets(%dma_start3A_151 : memref<80xi32, #tpu.memory_space<vmem>>) semaphore(%arg14 : memref<!tpu.dma_semaphore, #tpu.memory_space<semaphore_mem>>)
          } else {
          }
          %dma_start3A_141 = arith.constant 0 : i32
          %dma_start3A_142 = tpu.memref_slice %arg7[%scan3A_71, %dma_start3A_141] : memref<50x80xi32, #tpu.memory_space<vmem>> -> memref<1x80xi32, #tpu.memory_space<vmem>>
          %dma_start3A_143 = tpu.memref_squeeze %dma_start3A_142 : memref<1x80xi32, #tpu.memory_space<vmem>> -> memref<80xi32, #tpu.memory_space<vmem>>
          %dma_start3A_144 = arith.constant 0 : i32
          %dma_start3A_145 = arith.constant 0 : i32
          %dma_start3A_146 = tpu.memref_slice %arg11[%dma_start3A_144, %dma_start3A_145] : memref<10112x128xf32, #tpu.memory_space<vmem_shared>> -> memref<10112x128xf32, #tpu.memory_space<vmem_shared>>
          tpu.enqueue_indirect_dma source(%arg8 : memref<80x128xf32, #tpu.memory_space<vmem>>) target(%dma_start3A_146 : memref<10112x128xf32, #tpu.memory_space<vmem_shared>>) offsets(%dma_start3A_143 : memref<80xi32, #tpu.memory_space<vmem>>) semaphore(%arg15 : memref<!tpu.dma_semaphore, #tpu.memory_space<semaphore_mem>>) {add = true}
        } else {
        }
        %jit3A_84 = arith.constant 3 : i32
        %eq3A_85 = arith.constant 0 : i32
        %eq3A_86 = arith.cmpi eq, %jit3A_84, %eq3A_85 : i32
        %jit3A_87 = arith.constant 1 : i32
        %select_n3A_88 = arith.select %eq3A_86, %jit3A_87, %jit3A_84 : i32
        %rem3A_89 = arith.remsi %scan3A_71, %select_n3A_88 : i32
        %ne3A_90 = arith.constant 0 : i32
        %ne3A_91 = arith.cmpi ne, %rem3A_89, %ne3A_90 : i32
        %lt3A_92 = arith.constant 0 : i32
        %lt3A_93 = arith.cmpi slt, %rem3A_89, %lt3A_92 : i32
        %lt3A_94 = arith.constant 0 : i32
        %lt3A_95 = arith.cmpi slt, %select_n3A_88, %lt3A_94 : i32
        %ne3A_96 = arith.xori %lt3A_93, %lt3A_95 : i1
        %and3A_97 = arith.andi %ne3A_96, %ne3A_91 : i1
        %add3A_98 = arith.addi %rem3A_89, %select_n3A_88 : i32
        %select_n3A_99 = arith.select %and3A_97, %add3A_98, %rem3A_89 : i32
        %eq3A_100 = arith.constant 1 : i32
        %eq3A_101 = arith.cmpi eq, %select_n3A_99, %eq3A_100 : i32
        %convert_element_type3A_102 = arith.extui %eq3A_101 : i1 to i32
        %cond3A_103 = arith.constant 0 : i32
        %cond3A_104 = arith.cmpi ne, %convert_element_type3A_102, %cond3A_103 : i32
        scf.if %cond3A_104 {
          %dma_wait3A_126 = arith.constant 0 : i32
          %dma_wait3A_127 = tpu.memref_slice %arg6[%scan3A_71, %dma_wait3A_126] : memref<50x80xi32, #tpu.memory_space<vmem>> -> memref<1x80xi32, #tpu.memory_space<vmem>>
          %dma_wait3A_128 = tpu.memref_squeeze %dma_wait3A_127 : memref<1x80xi32, #tpu.memory_space<vmem>> -> memref<80xi32, #tpu.memory_space<vmem>>
          %dma_wait3A_129 = arith.constant 0 : i32
          %dma_wait3A_130 = arith.constant 0 : i32
          %dma_wait3A_131 = tpu.memref_slice %arg2[%dma_wait3A_129, %dma_wait3A_130] : memref<100000x128xf32, #tpu.memory_space<hbm>> -> memref<100000x128xf32, #tpu.memory_space<hbm>>
          tpu.wait_indirect_dma semaphore(%arg13 : memref<!tpu.dma_semaphore, #tpu.memory_space<semaphore_mem>>) src(%dma_wait3A_131 : memref<100000x128xf32, #tpu.memory_space<hbm>>) dst(%arg9 : memref<80x128xf32, #tpu.memory_space<vmem>>)
          %gt3A = arith.constant 0 : i32
          %gt3A_132 = arith.cmpi sgt, %scan3A_71, %gt3A : i32
          %convert_element_type3A_133 = arith.extui %gt3A_132 : i1 to i32
          %cond3A_134 = arith.constant 0 : i32
          %cond3A_135 = arith.cmpi ne, %convert_element_type3A_133, %cond3A_134 : i32
          scf.if %cond3A_135 {
            %sub3A = arith.constant 1 : i32
            %sub3A_147 = arith.subi %scan3A_71, %sub3A : i32
            %dma_wait3A_148 = arith.constant 0 : i32
            %dma_wait3A_149 = tpu.memref_slice %arg7[%sub3A_147, %dma_wait3A_148] : memref<50x80xi32, #tpu.memory_space<vmem>> -> memref<1x80xi32, #tpu.memory_space<vmem>>
            %dma_wait3A_150 = tpu.memref_squeeze %dma_wait3A_149 : memref<1x80xi32, #tpu.memory_space<vmem>> -> memref<80xi32, #tpu.memory_space<vmem>>
            %dma_wait3A_151 = arith.constant 0 : i32
            %dma_wait3A_152 = arith.constant 0 : i32
            %dma_wait3A_153 = tpu.memref_slice %arg11[%dma_wait3A_151, %dma_wait3A_152] : memref<10112x128xf32, #tpu.memory_space<vmem_shared>> -> memref<10112x128xf32, #tpu.memory_space<vmem_shared>>
            tpu.wait_indirect_dma semaphore(%arg15 : memref<!tpu.dma_semaphore, #tpu.memory_space<semaphore_mem>>) src(%arg8 : memref<80x128xf32, #tpu.memory_space<vmem>>) dst(%dma_wait3A_153 : memref<10112x128xf32, #tpu.memory_space<vmem_shared>>)
          } else {
          }
          %lt3A_136 = arith.constant 48 : i32
          %lt3A_137 = arith.cmpi slt, %scan3A_71, %lt3A_136 : i32
          %convert_element_type3A_138 = arith.extui %lt3A_137 : i1 to i32
          %cond3A_139 = arith.constant 0 : i32
          %cond3A_140 = arith.cmpi ne, %convert_element_type3A_138, %cond3A_139 : i32
          scf.if %cond3A_140 {
            %add3A_147 = arith.constant 2 : i32
            %add3A_148 = arith.addi %scan3A_71, %add3A_147 : i32
            %dma_start3A_149 = arith.constant 0 : i32
            %dma_start3A_150 = tpu.memref_slice %arg6[%add3A_148, %dma_start3A_149] : memref<50x80xi32, #tpu.memory_space<vmem>> -> memref<1x80xi32, #tpu.memory_space<vmem>>
            %dma_start3A_151 = tpu.memref_squeeze %dma_start3A_150 : memref<1x80xi32, #tpu.memory_space<vmem>> -> memref<80xi32, #tpu.memory_space<vmem>>
            %dma_start3A_152 = arith.constant 0 : i32
            %dma_start3A_153 = arith.constant 0 : i32
            %dma_start3A_154 = tpu.memref_slice %arg2[%dma_start3A_152, %dma_start3A_153] : memref<100000x128xf32, #tpu.memory_space<hbm>> -> memref<100000x128xf32, #tpu.memory_space<hbm>>
            tpu.enqueue_indirect_dma source(%dma_start3A_154 : memref<100000x128xf32, #tpu.memory_space<hbm>>) target(%arg8 : memref<80x128xf32, #tpu.memory_space<vmem>>) offsets(%dma_start3A_151 : memref<80xi32, #tpu.memory_space<vmem>>) semaphore(%arg12 : memref<!tpu.dma_semaphore, #tpu.memory_space<semaphore_mem>>)
          } else {
          }
          %dma_start3A_141 = arith.constant 0 : i32
          %dma_start3A_142 = tpu.memref_slice %arg7[%scan3A_71, %dma_start3A_141] : memref<50x80xi32, #tpu.memory_space<vmem>> -> memref<1x80xi32, #tpu.memory_space<vmem>>
          %dma_start3A_143 = tpu.memref_squeeze %dma_start3A_142 : memref<1x80xi32, #tpu.memory_space<vmem>> -> memref<80xi32, #tpu.memory_space<vmem>>
          %dma_start3A_144 = arith.constant 0 : i32
          %dma_start3A_145 = arith.constant 0 : i32
          %dma_start3A_146 = tpu.memref_slice %arg11[%dma_start3A_144, %dma_start3A_145] : memref<10112x128xf32, #tpu.memory_space<vmem_shared>> -> memref<10112x128xf32, #tpu.memory_space<vmem_shared>>
          tpu.enqueue_indirect_dma source(%arg9 : memref<80x128xf32, #tpu.memory_space<vmem>>) target(%dma_start3A_146 : memref<10112x128xf32, #tpu.memory_space<vmem_shared>>) offsets(%dma_start3A_143 : memref<80xi32, #tpu.memory_space<vmem>>) semaphore(%arg15 : memref<!tpu.dma_semaphore, #tpu.memory_space<semaphore_mem>>) {add = true}
        } else {
        }
        %jit3A_105 = arith.constant 3 : i32
        %eq3A_106 = arith.constant 0 : i32
        %eq3A_107 = arith.cmpi eq, %jit3A_105, %eq3A_106 : i32
        %jit3A_108 = arith.constant 1 : i32
        %select_n3A_109 = arith.select %eq3A_107, %jit3A_108, %jit3A_105 : i32
        %rem3A_110 = arith.remsi %scan3A_71, %select_n3A_109 : i32
        %ne3A_111 = arith.constant 0 : i32
        %ne3A_112 = arith.cmpi ne, %rem3A_110, %ne3A_111 : i32
        %lt3A_113 = arith.constant 0 : i32
        %lt3A_114 = arith.cmpi slt, %rem3A_110, %lt3A_113 : i32
        %lt3A_115 = arith.constant 0 : i32
        %lt3A_116 = arith.cmpi slt, %select_n3A_109, %lt3A_115 : i32
        %ne3A_117 = arith.xori %lt3A_114, %lt3A_116 : i1
        %and3A_118 = arith.andi %ne3A_117, %ne3A_112 : i1
        %add3A_119 = arith.addi %rem3A_110, %select_n3A_109 : i32
        %select_n3A_120 = arith.select %and3A_118, %add3A_119, %rem3A_110 : i32
        %eq3A_121 = arith.constant 2 : i32
        %eq3A_122 = arith.cmpi eq, %select_n3A_120, %eq3A_121 : i32
        %convert_element_type3A_123 = arith.extui %eq3A_122 : i1 to i32
        %cond3A_124 = arith.constant 0 : i32
        %cond3A_125 = arith.cmpi ne, %convert_element_type3A_123, %cond3A_124 : i32
        scf.if %cond3A_125 {
          %dma_wait3A_126 = arith.constant 0 : i32
          %dma_wait3A_127 = tpu.memref_slice %arg6[%scan3A_71, %dma_wait3A_126] : memref<50x80xi32, #tpu.memory_space<vmem>> -> memref<1x80xi32, #tpu.memory_space<vmem>>
          %dma_wait3A_128 = tpu.memref_squeeze %dma_wait3A_127 : memref<1x80xi32, #tpu.memory_space<vmem>> -> memref<80xi32, #tpu.memory_space<vmem>>
          %dma_wait3A_129 = arith.constant 0 : i32
          %dma_wait3A_130 = arith.constant 0 : i32
          %dma_wait3A_131 = tpu.memref_slice %arg2[%dma_wait3A_129, %dma_wait3A_130] : memref<100000x128xf32, #tpu.memory_space<hbm>> -> memref<100000x128xf32, #tpu.memory_space<hbm>>
          tpu.wait_indirect_dma semaphore(%arg14 : memref<!tpu.dma_semaphore, #tpu.memory_space<semaphore_mem>>) src(%dma_wait3A_131 : memref<100000x128xf32, #tpu.memory_space<hbm>>) dst(%arg10 : memref<80x128xf32, #tpu.memory_space<vmem>>)
          %gt3A = arith.constant 0 : i32
          %gt3A_132 = arith.cmpi sgt, %scan3A_71, %gt3A : i32
          %convert_element_type3A_133 = arith.extui %gt3A_132 : i1 to i32
          %cond3A_134 = arith.constant 0 : i32
          %cond3A_135 = arith.cmpi ne, %convert_element_type3A_133, %cond3A_134 : i32
          scf.if %cond3A_135 {
            %sub3A = arith.constant 1 : i32
            %sub3A_147 = arith.subi %scan3A_71, %sub3A : i32
            %dma_wait3A_148 = arith.constant 0 : i32
            %dma_wait3A_149 = tpu.memref_slice %arg7[%sub3A_147, %dma_wait3A_148] : memref<50x80xi32, #tpu.memory_space<vmem>> -> memref<1x80xi32, #tpu.memory_space<vmem>>
            %dma_wait3A_150 = tpu.memref_squeeze %dma_wait3A_149 : memref<1x80xi32, #tpu.memory_space<vmem>> -> memref<80xi32, #tpu.memory_space<vmem>>
            %dma_wait3A_151 = arith.constant 0 : i32
            %dma_wait3A_152 = arith.constant 0 : i32
            %dma_wait3A_153 = tpu.memref_slice %arg11[%dma_wait3A_151, %dma_wait3A_152] : memref<10112x128xf32, #tpu.memory_space<vmem_shared>> -> memref<10112x128xf32, #tpu.memory_space<vmem_shared>>
            tpu.wait_indirect_dma semaphore(%arg15 : memref<!tpu.dma_semaphore, #tpu.memory_space<semaphore_mem>>) src(%arg9 : memref<80x128xf32, #tpu.memory_space<vmem>>) dst(%dma_wait3A_153 : memref<10112x128xf32, #tpu.memory_space<vmem_shared>>)
          } else {
          }
          %lt3A_136 = arith.constant 48 : i32
          %lt3A_137 = arith.cmpi slt, %scan3A_71, %lt3A_136 : i32
          %convert_element_type3A_138 = arith.extui %lt3A_137 : i1 to i32
          %cond3A_139 = arith.constant 0 : i32
          %cond3A_140 = arith.cmpi ne, %convert_element_type3A_138, %cond3A_139 : i32
          scf.if %cond3A_140 {
            %add3A_147 = arith.constant 2 : i32
            %add3A_148 = arith.addi %scan3A_71, %add3A_147 : i32
            %dma_start3A_149 = arith.constant 0 : i32
            %dma_start3A_150 = tpu.memref_slice %arg6[%add3A_148, %dma_start3A_149] : memref<50x80xi32, #tpu.memory_space<vmem>> -> memref<1x80xi32, #tpu.memory_space<vmem>>
            %dma_start3A_151 = tpu.memref_squeeze %dma_start3A_150 : memref<1x80xi32, #tpu.memory_space<vmem>> -> memref<80xi32, #tpu.memory_space<vmem>>
            %dma_start3A_152 = arith.constant 0 : i32
            %dma_start3A_153 = arith.constant 0 : i32
            %dma_start3A_154 = tpu.memref_slice %arg2[%dma_start3A_152, %dma_start3A_153] : memref<100000x128xf32, #tpu.memory_space<hbm>> -> memref<100000x128xf32, #tpu.memory_space<hbm>>
            tpu.enqueue_indirect_dma source(%dma_start3A_154 : memref<100000x128xf32, #tpu.memory_space<hbm>>) target(%arg9 : memref<80x128xf32, #tpu.memory_space<vmem>>) offsets(%dma_start3A_151 : memref<80xi32, #tpu.memory_space<vmem>>) semaphore(%arg13 : memref<!tpu.dma_semaphore, #tpu.memory_space<semaphore_mem>>)
          } else {
          }
          %dma_start3A_141 = arith.constant 0 : i32
          %dma_start3A_142 = tpu.memref_slice %arg7[%scan3A_71, %dma_start3A_141] : memref<50x80xi32, #tpu.memory_space<vmem>> -> memref<1x80xi32, #tpu.memory_space<vmem>>
          %dma_start3A_143 = tpu.memref_squeeze %dma_start3A_142 : memref<1x80xi32, #tpu.memory_space<vmem>> -> memref<80xi32, #tpu.memory_space<vmem>>
          %dma_start3A_144 = arith.constant 0 : i32
          %dma_start3A_145 = arith.constant 0 : i32
          %dma_start3A_146 = tpu.memref_slice %arg11[%dma_start3A_144, %dma_start3A_145] : memref<10112x128xf32, #tpu.memory_space<vmem_shared>> -> memref<10112x128xf32, #tpu.memory_space<vmem_shared>>
          tpu.enqueue_indirect_dma source(%arg10 : memref<80x128xf32, #tpu.memory_space<vmem>>) target(%dma_start3A_146 : memref<10112x128xf32, #tpu.memory_space<vmem_shared>>) offsets(%dma_start3A_143 : memref<80xi32, #tpu.memory_space<vmem>>) semaphore(%arg15 : memref<!tpu.dma_semaphore, #tpu.memory_space<semaphore_mem>>) {add = true}
        } else {
        }
      }
      %scan3A_64 = arith.constant 50 : i32
      %dma_wait3A = arith.constant 49 : i32
      %dma_wait3A_65 = arith.constant 0 : i32
      %dma_wait3A_66 = tpu.memref_slice %arg7[%dma_wait3A, %dma_wait3A_65] : memref<50x80xi32, #tpu.memory_space<vmem>> -> memref<1x80xi32, #tpu.memory_space<vmem>>
      %dma_wait3A_67 = tpu.memref_squeeze %dma_wait3A_66 : memref<1x80xi32, #tpu.memory_space<vmem>> -> memref<80xi32, #tpu.memory_space<vmem>>
      %dma_wait3A_68 = arith.constant 0 : i32
      %dma_wait3A_69 = arith.constant 0 : i32
      %dma_wait3A_70 = tpu.memref_slice %arg11[%dma_wait3A_68, %dma_wait3A_69] : memref<10112x128xf32, #tpu.memory_space<vmem_shared>> -> memref<10112x128xf32, #tpu.memory_space<vmem_shared>>
      tpu.wait_indirect_dma semaphore(%arg15 : memref<!tpu.dma_semaphore, #tpu.memory_space<semaphore_mem>>) src(%arg9 : memref<80x128xf32, #tpu.memory_space<vmem>>) dst(%dma_wait3A_70 : memref<10112x128xf32, #tpu.memory_space<vmem_shared>>)
    }
    %scan3A_41 = arith.constant 5 : i32
    %barrier3A_42 = arith.constant 0 : index
    tpu.barrier barrier_id(%barrier3A_42)
    %mul3A_43 = arith.constant 632 : i32
    %mul3A_44 = arith.muli %arg1, %mul3A_43 : i32
    "tpu.region"() ({
      %run_scoped3A = tpu.sem_alloc : memref<!tpu.dma_semaphore, #tpu.memory_space<semaphore_mem>>
      %dma_start3A = arith.constant 0 : i32
      %dma_start3A_45 = tpu.memref_slice %arg5[%mul3A_44, %dma_start3A] : memref<10112x128xf32, #tpu.memory_space<hbm>> -> memref<632x128xf32, #tpu.memory_space<hbm>>
      %dma_start3A_46 = arith.constant 0 : i32
      %dma_start3A_47 = tpu.memref_slice %arg11[%mul3A_44, %dma_start3A_46] : memref<10112x128xf32, #tpu.memory_space<vmem_shared>> -> memref<632x128xf32, #tpu.memory_space<vmem_shared>>
      tpu.enqueue_dma source(%dma_start3A_47 : memref<632x128xf32, #tpu.memory_space<vmem_shared>>) target(%dma_start3A_45 : memref<632x128xf32, #tpu.memory_space<hbm>>) target_semaphore(%run_scoped3A : memref<!tpu.dma_semaphore, #tpu.memory_space<semaphore_mem>>)
      %dma_wait3A = arith.constant 0 : i32
      %dma_wait3A_48 = tpu.memref_slice %arg5[%mul3A_44, %dma_wait3A] : memref<10112x128xf32, #tpu.memory_space<hbm>> -> memref<632x128xf32, #tpu.memory_space<hbm>>
      %dma_wait3A_49 = arith.constant 0 : i32
      %dma_wait3A_50 = tpu.memref_slice %arg11[%mul3A_44, %dma_wait3A_49] : memref<10112x128xf32, #tpu.memory_space<vmem_shared>> -> memref<632x128xf32, #tpu.memory_space<vmem_shared>>
      tpu.wait_dma2 semaphore(%run_scoped3A : memref<!tpu.dma_semaphore, #tpu.memory_space<semaphore_mem>>) src(%dma_wait3A_50 : memref<632x128xf32, #tpu.memory_space<vmem_shared>>) dst(%dma_wait3A_48 : memref<632x128xf32, #tpu.memory_space<hbm>>)
      tpu.yield
    }) : () -> ()
    return
  }
}

#map = affine_map<(d0, d1) -> (0, 0)>
#map1 = affine_map<(d0, d1) -> (0, 0, 0, 0)>
module attributes {stable_mosaic.version = 14 : i64} {
  func.func @_sc_body(%arg0: i32, %arg1: i32, %arg2: memref<100000x128xf32, #tpu.memory_space<hbm>>, %arg3: memref<16x5x50x80xi32, #tpu.memory_space<hbm>>, %arg4: memref<16x5x50x80xi32, #tpu.memory_space<hbm>>, %arg5: memref<10112x128xf32, #tpu.memory_space<hbm>>, %arg6: memref<50x80xi32, #tpu.memory_space<vmem>>, %arg7: memref<50x80xi32, #tpu.memory_space<vmem>>, %arg8: memref<80x128xf32, #tpu.memory_space<vmem>>, %arg9: memref<80x128xf32, #tpu.memory_space<vmem>>, %arg10: memref<80x128xf32, #tpu.memory_space<vmem>>, %arg11: memref<10112x128xf32, #tpu.memory_space<vmem_shared>>, %arg12: memref<!tpu.dma_semaphore, #tpu.memory_space<semaphore_mem>>, %arg13: memref<!tpu.dma_semaphore, #tpu.memory_space<semaphore_mem>>, %arg14: memref<!tpu.dma_semaphore, #tpu.memory_space<semaphore_mem>>, %arg15: memref<!tpu.dma_semaphore, #tpu.memory_space<semaphore_mem>>) attributes {dimension_semantics = [#tpu.dimension_semantics<core_parallel>, #tpu.dimension_semantics<subcore_parallel>], iteration_bounds = array<i64: 1, 16>, scalar_prefetch = 0 : i64, scratch_operands = 10 : i64, tpu.core_type = #tpu.core_type<sc_vector_subcore>, window_params = [{transform_indices = #map}, {transform_indices = #map1}, {transform_indices = #map1}, {transform_indices = #map}]} {
    %broadcast_in_dim3A = arith.constant 0.000000e+00 : f32
    %broadcast_in_dim3A_0 = vector.broadcast %broadcast_in_dim3A : f32 to vector<16xf32>
    %scan3A = arith.constant 0 : i32
    %scan3A_1 = arith.constant 0 : i32
    %scan3A_2 = arith.constant 80 : i32
    %scan3A_3 = arith.addi %scan3A_1, %scan3A_2 : i32
    %scan3A_4 = arith.constant 1 : i32
    scf.for %scan3A_45 = %scan3A_1 to %scan3A_3 step %scan3A_4  : i32 {
      %swap3A = arith.index_cast %scan3A_45 : i32 to index
      %swap3A_46 = arith.constant 0 : index
      %swap3A_47 = tpu.vector_load %arg8[%swap3A, %swap3A_46] {strides = array<i32>} : memref<80x128xf32, #tpu.memory_space<vmem>>, vector<1x16xf32>,
      %swap3A_48 = vector.shape_cast %swap3A_47 : vector<1x16xf32> to vector<16xf32>
      %swap3A_49 = vector.shape_cast %broadcast_in_dim3A_0 : vector<16xf32> to vector<1x16xf32>
      tpu.vector_store %arg8[%swap3A, %swap3A_46], %swap3A_49 {strides = array<i32>} : memref<80x128xf32, #tpu.memory_space<vmem>>, vector<1x16xf32>,
      %swap3A_50 = arith.index_cast %scan3A_45 : i32 to index
      %swap3A_51 = arith.constant 16 : index
      %swap3A_52 = tpu.vector_load %arg8[%swap3A_50, %swap3A_51] {strides = array<i32>} : memref<80x128xf32, #tpu.memory_space<vmem>>, vector<1x16xf32>,
      %swap3A_53 = vector.shape_cast %swap3A_52 : vector<1x16xf32> to vector<16xf32>
      %swap3A_54 = vector.shape_cast %broadcast_in_dim3A_0 : vector<16xf32> to vector<1x16xf32>
      tpu.vector_store %arg8[%swap3A_50, %swap3A_51], %swap3A_54 {strides = array<i32>} : memref<80x128xf32, #tpu.memory_space<vmem>>, vector<1x16xf32>,
      %swap3A_55 = arith.index_cast %scan3A_45 : i32 to index
      %swap3A_56 = arith.constant 32 : index
      %swap3A_57 = tpu.vector_load %arg8[%swap3A_55, %swap3A_56] {strides = array<i32>} : memref<80x128xf32, #tpu.memory_space<vmem>>, vector<1x16xf32>,
      %swap3A_58 = vector.shape_cast %swap3A_57 : vector<1x16xf32> to vector<16xf32>
      %swap3A_59 = vector.shape_cast %broadcast_in_dim3A_0 : vector<16xf32> to vector<1x16xf32>
      tpu.vector_store %arg8[%swap3A_55, %swap3A_56], %swap3A_59 {strides = array<i32>} : memref<80x128xf32, #tpu.memory_space<vmem>>, vector<1x16xf32>,
      %swap3A_60 = arith.index_cast %scan3A_45 : i32 to index
      %swap3A_61 = arith.constant 48 : index
      %swap3A_62 = tpu.vector_load %arg8[%swap3A_60, %swap3A_61] {strides = array<i32>} : memref<80x128xf32, #tpu.memory_space<vmem>>, vector<1x16xf32>,
      %swap3A_63 = vector.shape_cast %swap3A_62 : vector<1x16xf32> to vector<16xf32>
      %swap3A_64 = vector.shape_cast %broadcast_in_dim3A_0 : vector<16xf32> to vector<1x16xf32>
      tpu.vector_store %arg8[%swap3A_60, %swap3A_61], %swap3A_64 {strides = array<i32>} : memref<80x128xf32, #tpu.memory_space<vmem>>, vector<1x16xf32>,
      %swap3A_65 = arith.index_cast %scan3A_45 : i32 to index
      %swap3A_66 = arith.constant 64 : index
      %swap3A_67 = tpu.vector_load %arg8[%swap3A_65, %swap3A_66] {strides = array<i32>} : memref<80x128xf32, #tpu.memory_space<vmem>>, vector<1x16xf32>,
      %swap3A_68 = vector.shape_cast %swap3A_67 : vector<1x16xf32> to vector<16xf32>
      %swap3A_69 = vector.shape_cast %broadcast_in_dim3A_0 : vector<16xf32> to vector<1x16xf32>
      tpu.vector_store %arg8[%swap3A_65, %swap3A_66], %swap3A_69 {strides = array<i32>} : memref<80x128xf32, #tpu.memory_space<vmem>>, vector<1x16xf32>,
      %swap3A_70 = arith.index_cast %scan3A_45 : i32 to index
      %swap3A_71 = arith.constant 80 : index
      %swap3A_72 = tpu.vector_load %arg8[%swap3A_70, %swap3A_71] {strides = array<i32>} : memref<80x128xf32, #tpu.memory_space<vmem>>, vector<1x16xf32>,
      %swap3A_73 = vector.shape_cast %swap3A_72 : vector<1x16xf32> to vector<16xf32>
      %swap3A_74 = vector.shape_cast %broadcast_in_dim3A_0 : vector<16xf32> to vector<1x16xf32>
      tpu.vector_store %arg8[%swap3A_70, %swap3A_71], %swap3A_74 {strides = array<i32>} : memref<80x128xf32, #tpu.memory_space<vmem>>, vector<1x16xf32>,
      %swap3A_75 = arith.index_cast %scan3A_45 : i32 to index
      %swap3A_76 = arith.constant 96 : index
      %swap3A_77 = tpu.vector_load %arg8[%swap3A_75, %swap3A_76] {strides = array<i32>} : memref<80x128xf32, #tpu.memory_space<vmem>>, vector<1x16xf32>,
      %swap3A_78 = vector.shape_cast %swap3A_77 : vector<1x16xf32> to vector<16xf32>
      %swap3A_79 = vector.shape_cast %broadcast_in_dim3A_0 : vector<16xf32> to vector<1x16xf32>
      tpu.vector_store %arg8[%swap3A_75, %swap3A_76], %swap3A_79 {strides = array<i32>} : memref<80x128xf32, #tpu.memory_space<vmem>>, vector<1x16xf32>,
      %swap3A_80 = arith.index_cast %scan3A_45 : i32 to index
      %swap3A_81 = arith.constant 112 : index
      %swap3A_82 = tpu.vector_load %arg8[%swap3A_80, %swap3A_81] {strides = array<i32>} : memref<80x128xf32, #tpu.memory_space<vmem>>, vector<1x16xf32>,
      %swap3A_83 = vector.shape_cast %swap3A_82 : vector<1x16xf32> to vector<16xf32>
      %swap3A_84 = vector.shape_cast %broadcast_in_dim3A_0 : vector<16xf32> to vector<1x16xf32>
      tpu.vector_store %arg8[%swap3A_80, %swap3A_81], %swap3A_84 {strides = array<i32>} : memref<80x128xf32, #tpu.memory_space<vmem>>, vector<1x16xf32>,
    }
    %scan3A_5 = arith.constant 80 : i32
    %mul3A = arith.constant 632 : i32
    %mul3A_6 = arith.muli %arg1, %mul3A : i32
    %add3A = arith.constant 0 : i32
    %add3A_7 = arith.addi %mul3A_6, %add3A : i32
    "tpu.region"() ({
      %run_scoped3A = tpu.sem_alloc : memref<!tpu.dma_semaphore, #tpu.memory_space<semaphore_mem>>
      %dma_start3A = arith.constant 0 : i32
      %dma_start3A_45 = tpu.memref_slice %arg11[%add3A_7, %dma_start3A] : memref<10112x128xf32, #tpu.memory_space<vmem_shared>> -> memref<80x128xf32, #tpu.memory_space<vmem_shared>>
      %dma_start3A_46 = arith.constant 0 : i32
      %dma_start3A_47 = tpu.memref_slice %arg11[%add3A_7, %dma_start3A_46] : memref<10112x128xf32, #tpu.memory_space<vmem_shared>> -> memref<80x128xf32, #tpu.memory_space<vmem_shared>>
      tpu.enqueue_dma source(%arg8 : memref<80x128xf32, #tpu.memory_space<vmem>>) target(%dma_start3A_47 : memref<80x128xf32, #tpu.memory_space<vmem_shared>>) target_semaphore(%run_scoped3A : memref<!tpu.dma_semaphore, #tpu.memory_space<semaphore_mem>>)
      %dma_wait3A = arith.constant 0 : i32
      %dma_wait3A_48 = tpu.memref_slice %arg11[%add3A_7, %dma_wait3A] : memref<10112x128xf32, #tpu.memory_space<vmem_shared>> -> memref<80x128xf32, #tpu.memory_space<vmem_shared>>
      %dma_wait3A_49 = arith.constant 0 : i32
      %dma_wait3A_50 = tpu.memref_slice %arg11[%add3A_7, %dma_wait3A_49] : memref<10112x128xf32, #tpu.memory_space<vmem_shared>> -> memref<80x128xf32, #tpu.memory_space<vmem_shared>>
      tpu.wait_dma2 semaphore(%run_scoped3A : memref<!tpu.dma_semaphore, #tpu.memory_space<semaphore_mem>>) src(%arg8 : memref<80x128xf32, #tpu.memory_space<vmem>>) dst(%dma_wait3A_50 : memref<80x128xf32, #tpu.memory_space<vmem_shared>>)
      tpu.yield
    }) : () -> ()
    %mul3A_8 = arith.constant 632 : i32
    %mul3A_9 = arith.muli %arg1, %mul3A_8 : i32
    %add3A_10 = arith.constant 80 : i32
    %add3A_11 = arith.addi %mul3A_9, %add3A_10 : i32
    "tpu.region"() ({
      %run_scoped3A = tpu.sem_alloc : memref<!tpu.dma_semaphore, #tpu.memory_space<semaphore_mem>>
      %dma_start3A = arith.constant 0 : i32
      %dma_start3A_45 = tpu.memref_slice %arg11[%add3A_11, %dma_start3A] : memref<10112x128xf32, #tpu.memory_space<vmem_shared>> -> memref<80x128xf32, #tpu.memory_space<vmem_shared>>
      %dma_start3A_46 = arith.constant 0 : i32
      %dma_start3A_47 = tpu.memref_slice %arg11[%add3A_11, %dma_start3A_46] : memref<10112x128xf32, #tpu.memory_space<vmem_shared>> -> memref<80x128xf32, #tpu.memory_space<vmem_shared>>
      tpu.enqueue_dma source(%arg8 : memref<80x128xf32, #tpu.memory_space<vmem>>) target(%dma_start3A_47 : memref<80x128xf32, #tpu.memory_space<vmem_shared>>) target_semaphore(%run_scoped3A : memref<!tpu.dma_semaphore, #tpu.memory_space<semaphore_mem>>)
      %dma_wait3A = arith.constant 0 : i32
      %dma_wait3A_48 = tpu.memref_slice %arg11[%add3A_11, %dma_wait3A] : memref<10112x128xf32, #tpu.memory_space<vmem_shared>> -> memref<80x128xf32, #tpu.memory_space<vmem_shared>>
      %dma_wait3A_49 = arith.constant 0 : i32
      %dma_wait3A_50 = tpu.memref_slice %arg11[%add3A_11, %dma_wait3A_49] : memref<10112x128xf32, #tpu.memory_space<vmem_shared>> -> memref<80x128xf32, #tpu.memory_space<vmem_shared>>
      tpu.wait_dma2 semaphore(%run_scoped3A : memref<!tpu.dma_semaphore, #tpu.memory_space<semaphore_mem>>) src(%arg8 : memref<80x128xf32, #tpu.memory_space<vmem>>) dst(%dma_wait3A_50 : memref<80x128xf32, #tpu.memory_space<vmem_shared>>)
      tpu.yield
    }) : () -> ()
    %mul3A_12 = arith.constant 632 : i32
    %mul3A_13 = arith.muli %arg1, %mul3A_12 : i32
    %add3A_14 = arith.constant 160 : i32
    %add3A_15 = arith.addi %mul3A_13, %add3A_14 : i32
    "tpu.region"() ({
      %run_scoped3A = tpu.sem_alloc : memref<!tpu.dma_semaphore, #tpu.memory_space<semaphore_mem>>
      %dma_start3A = arith.constant 0 : i32
      %dma_start3A_45 = tpu.memref_slice %arg11[%add3A_15, %dma_start3A] : memref<10112x128xf32, #tpu.memory_space<vmem_shared>> -> memref<80x128xf32, #tpu.memory_space<vmem_shared>>
      %dma_start3A_46 = arith.constant 0 : i32
      %dma_start3A_47 = tpu.memref_slice %arg11[%add3A_15, %dma_start3A_46] : memref<10112x128xf32, #tpu.memory_space<vmem_shared>> -> memref<80x128xf32, #tpu.memory_space<vmem_shared>>
      tpu.enqueue_dma source(%arg8 : memref<80x128xf32, #tpu.memory_space<vmem>>) target(%dma_start3A_47 : memref<80x128xf32, #tpu.memory_space<vmem_shared>>) target_semaphore(%run_scoped3A : memref<!tpu.dma_semaphore, #tpu.memory_space<semaphore_mem>>)
      %dma_wait3A = arith.constant 0 : i32
      %dma_wait3A_48 = tpu.memref_slice %arg11[%add3A_15, %dma_wait3A] : memref<10112x128xf32, #tpu.memory_space<vmem_shared>> -> memref<80x128xf32, #tpu.memory_space<vmem_shared>>
      %dma_wait3A_49 = arith.constant 0 : i32
      %dma_wait3A_50 = tpu.memref_slice %arg11[%add3A_15, %dma_wait3A_49] : memref<10112x128xf32, #tpu.memory_space<vmem_shared>> -> memref<80x128xf32, #tpu.memory_space<vmem_shared>>
      tpu.wait_dma2 semaphore(%run_scoped3A : memref<!tpu.dma_semaphore, #tpu.memory_space<semaphore_mem>>) src(%arg8 : memref<80x128xf32, #tpu.memory_space<vmem>>) dst(%dma_wait3A_50 : memref<80x128xf32, #tpu.memory_space<vmem_shared>>)
      tpu.yield
    }) : () -> ()
    %mul3A_16 = arith.constant 632 : i32
    %mul3A_17 = arith.muli %arg1, %mul3A_16 : i32
    %add3A_18 = arith.constant 240 : i32
    %add3A_19 = arith.addi %mul3A_17, %add3A_18 : i32
    "tpu.region"() ({
      %run_scoped3A = tpu.sem_alloc : memref<!tpu.dma_semaphore, #tpu.memory_space<semaphore_mem>>
      %dma_start3A = arith.constant 0 : i32
      %dma_start3A_45 = tpu.memref_slice %arg11[%add3A_19, %dma_start3A] : memref<10112x128xf32, #tpu.memory_space<vmem_shared>> -> memref<80x128xf32, #tpu.memory_space<vmem_shared>>
      %dma_start3A_46 = arith.constant 0 : i32
      %dma_start3A_47 = tpu.memref_slice %arg11[%add3A_19, %dma_start3A_46] : memref<10112x128xf32, #tpu.memory_space<vmem_shared>> -> memref<80x128xf32, #tpu.memory_space<vmem_shared>>
      tpu.enqueue_dma source(%arg8 : memref<80x128xf32, #tpu.memory_space<vmem>>) target(%dma_start3A_47 : memref<80x128xf32, #tpu.memory_space<vmem_shared>>) target_semaphore(%run_scoped3A : memref<!tpu.dma_semaphore, #tpu.memory_space<semaphore_mem>>)
      %dma_wait3A = arith.constant 0 : i32
      %dma_wait3A_48 = tpu.memref_slice %arg11[%add3A_19, %dma_wait3A] : memref<10112x128xf32, #tpu.memory_space<vmem_shared>> -> memref<80x128xf32, #tpu.memory_space<vmem_shared>>
      %dma_wait3A_49 = arith.constant 0 : i32
      %dma_wait3A_50 = tpu.memref_slice %arg11[%add3A_19, %dma_wait3A_49] : memref<10112x128xf32, #tpu.memory_space<vmem_shared>> -> memref<80x128xf32, #tpu.memory_space<vmem_shared>>
      tpu.wait_dma2 semaphore(%run_scoped3A : memref<!tpu.dma_semaphore, #tpu.memory_space<semaphore_mem>>) src(%arg8 : memref<80x128xf32, #tpu.memory_space<vmem>>) dst(%dma_wait3A_50 : memref<80x128xf32, #tpu.memory_space<vmem_shared>>)
      tpu.yield
    }) : () -> ()
    %mul3A_20 = arith.constant 632 : i32
    %mul3A_21 = arith.muli %arg1, %mul3A_20 : i32
    %add3A_22 = arith.constant 320 : i32
    %add3A_23 = arith.addi %mul3A_21, %add3A_22 : i32
    "tpu.region"() ({
      %run_scoped3A = tpu.sem_alloc : memref<!tpu.dma_semaphore, #tpu.memory_space<semaphore_mem>>
      %dma_start3A = arith.constant 0 : i32
      %dma_start3A_45 = tpu.memref_slice %arg11[%add3A_23, %dma_start3A] : memref<10112x128xf32, #tpu.memory_space<vmem_shared>> -> memref<80x128xf32, #tpu.memory_space<vmem_shared>>
      %dma_start3A_46 = arith.constant 0 : i32
      %dma_start3A_47 = tpu.memref_slice %arg11[%add3A_23, %dma_start3A_46] : memref<10112x128xf32, #tpu.memory_space<vmem_shared>> -> memref<80x128xf32, #tpu.memory_space<vmem_shared>>
      tpu.enqueue_dma source(%arg8 : memref<80x128xf32, #tpu.memory_space<vmem>>) target(%dma_start3A_47 : memref<80x128xf32, #tpu.memory_space<vmem_shared>>) target_semaphore(%run_scoped3A : memref<!tpu.dma_semaphore, #tpu.memory_space<semaphore_mem>>)
      %dma_wait3A = arith.constant 0 : i32
      %dma_wait3A_48 = tpu.memref_slice %arg11[%add3A_23, %dma_wait3A] : memref<10112x128xf32, #tpu.memory_space<vmem_shared>> -> memref<80x128xf32, #tpu.memory_space<vmem_shared>>
      %dma_wait3A_49 = arith.constant 0 : i32
      %dma_wait3A_50 = tpu.memref_slice %arg11[%add3A_23, %dma_wait3A_49] : memref<10112x128xf32, #tpu.memory_space<vmem_shared>> -> memref<80x128xf32, #tpu.memory_space<vmem_shared>>
      tpu.wait_dma2 semaphore(%run_scoped3A : memref<!tpu.dma_semaphore, #tpu.memory_space<semaphore_mem>>) src(%arg8 : memref<80x128xf32, #tpu.memory_space<vmem>>) dst(%dma_wait3A_50 : memref<80x128xf32, #tpu.memory_space<vmem_shared>>)
      tpu.yield
    }) : () -> ()
    %mul3A_24 = arith.constant 632 : i32
    %mul3A_25 = arith.muli %arg1, %mul3A_24 : i32
    %add3A_26 = arith.constant 400 : i32
    %add3A_27 = arith.addi %mul3A_25, %add3A_26 : i32
    "tpu.region"() ({
      %run_scoped3A = tpu.sem_alloc : memref<!tpu.dma_semaphore, #tpu.memory_space<semaphore_mem>>
      %dma_start3A = arith.constant 0 : i32
      %dma_start3A_45 = tpu.memref_slice %arg11[%add3A_27, %dma_start3A] : memref<10112x128xf32, #tpu.memory_space<vmem_shared>> -> memref<80x128xf32, #tpu.memory_space<vmem_shared>>
      %dma_start3A_46 = arith.constant 0 : i32
      %dma_start3A_47 = tpu.memref_slice %arg11[%add3A_27, %dma_start3A_46] : memref<10112x128xf32, #tpu.memory_space<vmem_shared>> -> memref<80x128xf32, #tpu.memory_space<vmem_shared>>
      tpu.enqueue_dma source(%arg8 : memref<80x128xf32, #tpu.memory_space<vmem>>) target(%dma_start3A_47 : memref<80x128xf32, #tpu.memory_space<vmem_shared>>) target_semaphore(%run_scoped3A : memref<!tpu.dma_semaphore, #tpu.memory_space<semaphore_mem>>)
      %dma_wait3A = arith.constant 0 : i32
      %dma_wait3A_48 = tpu.memref_slice %arg11[%add3A_27, %dma_wait3A] : memref<10112x128xf32, #tpu.memory_space<vmem_shared>> -> memref<80x128xf32, #tpu.memory_space<vmem_shared>>
      %dma_wait3A_49 = arith.constant 0 : i32
      %dma_wait3A_50 = tpu.memref_slice %arg11[%add3A_27, %dma_wait3A_49] : memref<10112x128xf32, #tpu.memory_space<vmem_shared>> -> memref<80x128xf32, #tpu.memory_space<vmem_shared>>
      tpu.wait_dma2 semaphore(%run_scoped3A : memref<!tpu.dma_semaphore, #tpu.memory_space<semaphore_mem>>) src(%arg8 : memref<80x128xf32, #tpu.memory_space<vmem>>) dst(%dma_wait3A_50 : memref<80x128xf32, #tpu.memory_space<vmem_shared>>)
      tpu.yield
    }) : () -> ()
    %mul3A_28 = arith.constant 632 : i32
    %mul3A_29 = arith.muli %arg1, %mul3A_28 : i32
    %add3A_30 = arith.constant 480 : i32
    %add3A_31 = arith.addi %mul3A_29, %add3A_30 : i32
    "tpu.region"() ({
      %run_scoped3A = tpu.sem_alloc : memref<!tpu.dma_semaphore, #tpu.memory_space<semaphore_mem>>
      %dma_start3A = arith.constant 0 : i32
      %dma_start3A_45 = tpu.memref_slice %arg11[%add3A_31, %dma_start3A] : memref<10112x128xf32, #tpu.memory_space<vmem_shared>> -> memref<80x128xf32, #tpu.memory_space<vmem_shared>>
      %dma_start3A_46 = arith.constant 0 : i32
      %dma_start3A_47 = tpu.memref_slice %arg11[%add3A_31, %dma_start3A_46] : memref<10112x128xf32, #tpu.memory_space<vmem_shared>> -> memref<80x128xf32, #tpu.memory_space<vmem_shared>>
      tpu.enqueue_dma source(%arg8 : memref<80x128xf32, #tpu.memory_space<vmem>>) target(%dma_start3A_47 : memref<80x128xf32, #tpu.memory_space<vmem_shared>>) target_semaphore(%run_scoped3A : memref<!tpu.dma_semaphore, #tpu.memory_space<semaphore_mem>>)
      %dma_wait3A = arith.constant 0 : i32
      %dma_wait3A_48 = tpu.memref_slice %arg11[%add3A_31, %dma_wait3A] : memref<10112x128xf32, #tpu.memory_space<vmem_shared>> -> memref<80x128xf32, #tpu.memory_space<vmem_shared>>
      %dma_wait3A_49 = arith.constant 0 : i32
      %dma_wait3A_50 = tpu.memref_slice %arg11[%add3A_31, %dma_wait3A_49] : memref<10112x128xf32, #tpu.memory_space<vmem_shared>> -> memref<80x128xf32, #tpu.memory_space<vmem_shared>>
      tpu.wait_dma2 semaphore(%run_scoped3A : memref<!tpu.dma_semaphore, #tpu.memory_space<semaphore_mem>>) src(%arg8 : memref<80x128xf32, #tpu.memory_space<vmem>>) dst(%dma_wait3A_50 : memref<80x128xf32, #tpu.memory_space<vmem_shared>>)
      tpu.yield
    }) : () -> ()
    %mul3A_32 = arith.constant 632 : i32
    %mul3A_33 = arith.muli %arg1, %mul3A_32 : i32
    %add3A_34 = arith.constant 560 : i32
    %add3A_35 = arith.addi %mul3A_33, %add3A_34 : i32
    "tpu.region"() ({
      %run_scoped3A = tpu.sem_alloc : memref<!tpu.dma_semaphore, #tpu.memory_space<semaphore_mem>>
      %dma_start3A = arith.constant 0 : i32
      %dma_start3A_45 = arith.constant 0 : i32
      %dma_start3A_46 = tpu.memref_slice %arg8[%dma_start3A, %dma_start3A_45] : memref<80x128xf32, #tpu.memory_space<vmem>> -> memref<72x128xf32, #tpu.memory_space<vmem>>
      %dma_start3A_47 = arith.constant 0 : i32
      %dma_start3A_48 = tpu.memref_slice %arg11[%add3A_35, %dma_start3A_47] : memref<10112x128xf32, #tpu.memory_space<vmem_shared>> -> memref<72x128xf32, #tpu.memory_space<vmem_shared>>
      %dma_start3A_49 = arith.constant 0 : i32
      %dma_start3A_50 = tpu.memref_slice %arg11[%add3A_35, %dma_start3A_49] : memref<10112x128xf32, #tpu.memory_space<vmem_shared>> -> memref<72x128xf32, #tpu.memory_space<vmem_shared>>
      %dma_start3A_51 = arith.constant 0 : i32
      %dma_start3A_52 = arith.constant 0 : i32
      %dma_start3A_53 = tpu.memref_slice %arg8[%dma_start3A_51, %dma_start3A_52] : memref<80x128xf32, #tpu.memory_space<vmem>> -> memref<72x128xf32, #tpu.memory_space<vmem>>
      tpu.enqueue_dma source(%dma_start3A_53 : memref<72x128xf32, #tpu.memory_space<vmem>>) target(%dma_start3A_50 : memref<72x128xf32, #tpu.memory_space<vmem_shared>>) target_semaphore(%run_scoped3A : memref<!tpu.dma_semaphore, #tpu.memory_space<semaphore_mem>>)
      %dma_wait3A = arith.constant 0 : i32
      %dma_wait3A_54 = arith.constant 0 : i32
      %dma_wait3A_55 = tpu.memref_slice %arg8[%dma_wait3A, %dma_wait3A_54] : memref<80x128xf32, #tpu.memory_space<vmem>> -> memref<72x128xf32, #tpu.memory_space<vmem>>
      %dma_wait3A_56 = arith.constant 0 : i32
      %dma_wait3A_57 = tpu.memref_slice %arg11[%add3A_35, %dma_wait3A_56] : memref<10112x128xf32, #tpu.memory_space<vmem_shared>> -> memref<72x128xf32, #tpu.memory_space<vmem_shared>>
      %dma_wait3A_58 = arith.constant 0 : i32
      %dma_wait3A_59 = tpu.memref_slice %arg11[%add3A_35, %dma_wait3A_58] : memref<10112x128xf32, #tpu.memory_space<vmem_shared>> -> memref<72x128xf32, #tpu.memory_space<vmem_shared>>
      %dma_wait3A_60 = arith.constant 0 : i32
      %dma_wait3A_61 = arith.constant 0 : i32
      %dma_wait3A_62 = tpu.memref_slice %arg8[%dma_wait3A_60, %dma_wait3A_61] : memref<80x128xf32, #tpu.memory_space<vmem>> -> memref<72x128xf32, #tpu.memory_space<vmem>>
      tpu.wait_dma2 semaphore(%run_scoped3A : memref<!tpu.dma_semaphore, #tpu.memory_space<semaphore_mem>>) src(%dma_wait3A_62 : memref<72x128xf32, #tpu.memory_space<vmem>>) dst(%dma_wait3A_59 : memref<72x128xf32, #tpu.memory_space<vmem_shared>>)
      tpu.yield
    }) : () -> ()
    %barrier3A = arith.constant 0 : index
    tpu.barrier barrier_id(%barrier3A)
    %scan3A_36 = arith.constant 0 : i32
    %scan3A_37 = arith.constant 0 : i32
    %scan3A_38 = arith.constant 5 : i32
    %scan3A_39 = arith.addi %scan3A_37, %scan3A_38 : i32
    %scan3A_40 = arith.constant 1 : i32
    scf.for %scan3A_45 = %scan3A_37 to %scan3A_39 step %scan3A_40  : i32 {
      "tpu.region"() ({
        %run_scoped3A = tpu.sem_alloc : memref<!tpu.dma_semaphore, #tpu.memory_space<semaphore_mem>>
        %dma_start3A_71 = arith.constant 0 : i32
        %dma_start3A_72 = arith.constant 0 : i32
        %dma_start3A_73 = tpu.memref_slice %arg3[%arg1, %scan3A_45, %dma_start3A_71, %dma_start3A_72] : memref<16x5x50x80xi32, #tpu.memory_space<hbm>> -> memref<1x1x50x80xi32, #tpu.memory_space<hbm>>
        %dma_start3A_74 = tpu.memref_squeeze %dma_start3A_73 : memref<1x1x50x80xi32, #tpu.memory_space<hbm>> -> memref<50x80xi32, #tpu.memory_space<hbm>>
        %dma_start3A_75 = arith.constant 0 : i32
        %dma_start3A_76 = arith.constant 0 : i32
        %dma_start3A_77 = tpu.memref_slice %arg3[%arg1, %scan3A_45, %dma_start3A_75, %dma_start3A_76] : memref<16x5x50x80xi32, #tpu.memory_space<hbm>> -> memref<1x1x50x80xi32, #tpu.memory_space<hbm>>
        %dma_start3A_78 = tpu.memref_squeeze %dma_start3A_77 : memref<1x1x50x80xi32, #tpu.memory_space<hbm>> -> memref<50x80xi32, #tpu.memory_space<hbm>>
        tpu.enqueue_dma source(%dma_start3A_78 : memref<50x80xi32, #tpu.memory_space<hbm>>) target(%arg6 : memref<50x80xi32, #tpu.memory_space<vmem>>) target_semaphore(%run_scoped3A : memref<!tpu.dma_semaphore, #tpu.memory_space<semaphore_mem>>)
        %dma_wait3A_79 = arith.constant 0 : i32
        %dma_wait3A_80 = arith.constant 0 : i32
        %dma_wait3A_81 = tpu.memref_slice %arg3[%arg1, %scan3A_45, %dma_wait3A_79, %dma_wait3A_80] : memref<16x5x50x80xi32, #tpu.memory_space<hbm>> -> memref<1x1x50x80xi32, #tpu.memory_space<hbm>>
        %dma_wait3A_82 = tpu.memref_squeeze %dma_wait3A_81 : memref<1x1x50x80xi32, #tpu.memory_space<hbm>> -> memref<50x80xi32, #tpu.memory_space<hbm>>
        %dma_wait3A_83 = arith.constant 0 : i32
        %dma_wait3A_84 = arith.constant 0 : i32
        %dma_wait3A_85 = tpu.memref_slice %arg3[%arg1, %scan3A_45, %dma_wait3A_83, %dma_wait3A_84] : memref<16x5x50x80xi32, #tpu.memory_space<hbm>> -> memref<1x1x50x80xi32, #tpu.memory_space<hbm>>
        %dma_wait3A_86 = tpu.memref_squeeze %dma_wait3A_85 : memref<1x1x50x80xi32, #tpu.memory_space<hbm>> -> memref<50x80xi32, #tpu.memory_space<hbm>>
        tpu.wait_dma2 semaphore(%run_scoped3A : memref<!tpu.dma_semaphore, #tpu.memory_space<semaphore_mem>>) src(%dma_wait3A_86 : memref<50x80xi32, #tpu.memory_space<hbm>>) dst(%arg6 : memref<50x80xi32, #tpu.memory_space<vmem>>)
        tpu.yield
      }) : () -> ()
      "tpu.region"() ({
        %run_scoped3A = tpu.sem_alloc : memref<!tpu.dma_semaphore, #tpu.memory_space<semaphore_mem>>
        %dma_start3A_71 = arith.constant 0 : i32
        %dma_start3A_72 = arith.constant 0 : i32
        %dma_start3A_73 = tpu.memref_slice %arg4[%arg1, %scan3A_45, %dma_start3A_71, %dma_start3A_72] : memref<16x5x50x80xi32, #tpu.memory_space<hbm>> -> memref<1x1x50x80xi32, #tpu.memory_space<hbm>>
        %dma_start3A_74 = tpu.memref_squeeze %dma_start3A_73 : memref<1x1x50x80xi32, #tpu.memory_space<hbm>> -> memref<50x80xi32, #tpu.memory_space<hbm>>
        %dma_start3A_75 = arith.constant 0 : i32
        %dma_start3A_76 = arith.constant 0 : i32
        %dma_start3A_77 = tpu.memref_slice %arg4[%arg1, %scan3A_45, %dma_start3A_75, %dma_start3A_76] : memref<16x5x50x80xi32, #tpu.memory_space<hbm>> -> memref<1x1x50x80xi32, #tpu.memory_space<hbm>>
        %dma_start3A_78 = tpu.memref_squeeze %dma_start3A_77 : memref<1x1x50x80xi32, #tpu.memory_space<hbm>> -> memref<50x80xi32, #tpu.memory_space<hbm>>
        tpu.enqueue_dma source(%dma_start3A_78 : memref<50x80xi32, #tpu.memory_space<hbm>>) target(%arg7 : memref<50x80xi32, #tpu.memory_space<vmem>>) target_semaphore(%run_scoped3A : memref<!tpu.dma_semaphore, #tpu.memory_space<semaphore_mem>>)
        %dma_wait3A_79 = arith.constant 0 : i32
        %dma_wait3A_80 = arith.constant 0 : i32
        %dma_wait3A_81 = tpu.memref_slice %arg4[%arg1, %scan3A_45, %dma_wait3A_79, %dma_wait3A_80] : memref<16x5x50x80xi32, #tpu.memory_space<hbm>> -> memref<1x1x50x80xi32, #tpu.memory_space<hbm>>
        %dma_wait3A_82 = tpu.memref_squeeze %dma_wait3A_81 : memref<1x1x50x80xi32, #tpu.memory_space<hbm>> -> memref<50x80xi32, #tpu.memory_space<hbm>>
        %dma_wait3A_83 = arith.constant 0 : i32
        %dma_wait3A_84 = arith.constant 0 : i32
        %dma_wait3A_85 = tpu.memref_slice %arg4[%arg1, %scan3A_45, %dma_wait3A_83, %dma_wait3A_84] : memref<16x5x50x80xi32, #tpu.memory_space<hbm>> -> memref<1x1x50x80xi32, #tpu.memory_space<hbm>>
        %dma_wait3A_86 = tpu.memref_squeeze %dma_wait3A_85 : memref<1x1x50x80xi32, #tpu.memory_space<hbm>> -> memref<50x80xi32, #tpu.memory_space<hbm>>
        tpu.wait_dma2 semaphore(%run_scoped3A : memref<!tpu.dma_semaphore, #tpu.memory_space<semaphore_mem>>) src(%dma_wait3A_86 : memref<50x80xi32, #tpu.memory_space<hbm>>) dst(%arg7 : memref<50x80xi32, #tpu.memory_space<vmem>>)
        tpu.yield
      }) : () -> ()
      %dma_start3A = arith.constant 0 : i32
      %dma_start3A_46 = arith.constant 0 : i32
      %dma_start3A_47 = tpu.memref_slice %arg6[%dma_start3A, %dma_start3A_46] : memref<50x80xi32, #tpu.memory_space<vmem>> -> memref<1x80xi32, #tpu.memory_space<vmem>>
      %dma_start3A_48 = tpu.memref_squeeze %dma_start3A_47 : memref<1x80xi32, #tpu.memory_space<vmem>> -> memref<80xi32, #tpu.memory_space<vmem>>
      %dma_start3A_49 = arith.constant 0 : i32
      %dma_start3A_50 = arith.constant 0 : i32
      %dma_start3A_51 = tpu.memref_slice %arg2[%dma_start3A_49, %dma_start3A_50] : memref<100000x128xf32, #tpu.memory_space<hbm>> -> memref<100000x128xf32, #tpu.memory_space<hbm>>
      tpu.enqueue_indirect_dma source(%dma_start3A_51 : memref<100000x128xf32, #tpu.memory_space<hbm>>) target(%arg8 : memref<80x128xf32, #tpu.memory_space<vmem>>) offsets(%dma_start3A_48 : memref<80xi32, #tpu.memory_space<vmem>>) semaphore(%arg12 : memref<!tpu.dma_semaphore, #tpu.memory_space<semaphore_mem>>)
      %dma_start3A_52 = arith.constant 1 : i32
      %dma_start3A_53 = arith.constant 0 : i32
      %dma_start3A_54 = tpu.memref_slice %arg6[%dma_start3A_52, %dma_start3A_53] : memref<50x80xi32, #tpu.memory_space<vmem>> -> memref<1x80xi32, #tpu.memory_space<vmem>>
      %dma_start3A_55 = tpu.memref_squeeze %dma_start3A_54 : memref<1x80xi32, #tpu.memory_space<vmem>> -> memref<80xi32, #tpu.memory_space<vmem>>
      %dma_start3A_56 = arith.constant 0 : i32
      %dma_start3A_57 = arith.constant 0 : i32
      %dma_start3A_58 = tpu.memref_slice %arg2[%dma_start3A_56, %dma_start3A_57] : memref<100000x128xf32, #tpu.memory_space<hbm>> -> memref<100000x128xf32, #tpu.memory_space<hbm>>
      tpu.enqueue_indirect_dma source(%dma_start3A_58 : memref<100000x128xf32, #tpu.memory_space<hbm>>) target(%arg9 : memref<80x128xf32, #tpu.memory_space<vmem>>) offsets(%dma_start3A_55 : memref<80xi32, #tpu.memory_space<vmem>>) semaphore(%arg13 : memref<!tpu.dma_semaphore, #tpu.memory_space<semaphore_mem>>)
      %scan3A_59 = arith.constant 0 : i32
      %scan3A_60 = arith.constant 0 : i32
      %scan3A_61 = arith.constant 50 : i32
      %scan3A_62 = arith.addi %scan3A_60, %scan3A_61 : i32
      %scan3A_63 = arith.constant 1 : i32
      scf.for %scan3A_71 = %scan3A_60 to %scan3A_62 step %scan3A_63  : i32 {
        %jit3A = arith.constant 3 : i32
        %eq3A = arith.constant 0 : i32
        %eq3A_72 = arith.cmpi eq, %jit3A, %eq3A : i32
        %jit3A_73 = arith.constant 1 : i32
        %select_n3A = arith.select %eq3A_72, %jit3A_73, %jit3A : i32
        %rem3A = arith.remsi %scan3A_71, %select_n3A : i32
        %ne3A = arith.constant 0 : i32
        %ne3A_74 = arith.cmpi ne, %rem3A, %ne3A : i32
        %lt3A = arith.constant 0 : i32
        %lt3A_75 = arith.cmpi slt, %rem3A, %lt3A : i32
        %lt3A_76 = arith.constant 0 : i32
        %lt3A_77 = arith.cmpi slt, %select_n3A, %lt3A_76 : i32
        %ne3A_78 = arith.xori %lt3A_75, %lt3A_77 : i1
        %and3A = arith.andi %ne3A_78, %ne3A_74 : i1
        %add3A_79 = arith.addi %rem3A, %select_n3A : i32
        %select_n3A_80 = arith.select %and3A, %add3A_79, %rem3A : i32
        %eq3A_81 = arith.constant 0 : i32
        %eq3A_82 = arith.cmpi eq, %select_n3A_80, %eq3A_81 : i32
        %convert_element_type3A = arith.extui %eq3A_82 : i1 to i32
        %cond3A = arith.constant 0 : i32
        %cond3A_83 = arith.cmpi ne, %convert_element_type3A, %cond3A : i32
        scf.if %cond3A_83 {
          %dma_wait3A_126 = arith.constant 0 : i32
          %dma_wait3A_127 = tpu.memref_slice %arg6[%scan3A_71, %dma_wait3A_126] : memref<50x80xi32, #tpu.memory_space<vmem>> -> memref<1x80xi32, #tpu.memory_space<vmem>>
          %dma_wait3A_128 = tpu.memref_squeeze %dma_wait3A_127 : memref<1x80xi32, #tpu.memory_space<vmem>> -> memref<80xi32, #tpu.memory_space<vmem>>
          %dma_wait3A_129 = arith.constant 0 : i32
          %dma_wait3A_130 = arith.constant 0 : i32
          %dma_wait3A_131 = tpu.memref_slice %arg2[%dma_wait3A_129, %dma_wait3A_130] : memref<100000x128xf32, #tpu.memory_space<hbm>> -> memref<100000x128xf32, #tpu.memory_space<hbm>>
          tpu.wait_indirect_dma semaphore(%arg12 : memref<!tpu.dma_semaphore, #tpu.memory_space<semaphore_mem>>) src(%dma_wait3A_131 : memref<100000x128xf32, #tpu.memory_space<hbm>>) dst(%arg8 : memref<80x128xf32, #tpu.memory_space<vmem>>)
          %gt3A = arith.constant 0 : i32
          %gt3A_132 = arith.cmpi sgt, %scan3A_71, %gt3A : i32
          %convert_element_type3A_133 = arith.extui %gt3A_132 : i1 to i32
          %cond3A_134 = arith.constant 0 : i32
          %cond3A_135 = arith.cmpi ne, %convert_element_type3A_133, %cond3A_134 : i32
          scf.if %cond3A_135 {
            %sub3A = arith.constant 1 : i32
            %sub3A_147 = arith.subi %scan3A_71, %sub3A : i32
            %dma_wait3A_148 = arith.constant 0 : i32
            %dma_wait3A_149 = tpu.memref_slice %arg7[%sub3A_147, %dma_wait3A_148] : memref<50x80xi32, #tpu.memory_space<vmem>> -> memref<1x80xi32, #tpu.memory_space<vmem>>
            %dma_wait3A_150 = tpu.memref_squeeze %dma_wait3A_149 : memref<1x80xi32, #tpu.memory_space<vmem>> -> memref<80xi32, #tpu.memory_space<vmem>>
            %dma_wait3A_151 = arith.constant 0 : i32
            %dma_wait3A_152 = arith.constant 0 : i32
            %dma_wait3A_153 = tpu.memref_slice %arg11[%dma_wait3A_151, %dma_wait3A_152] : memref<10112x128xf32, #tpu.memory_space<vmem_shared>> -> memref<10112x128xf32, #tpu.memory_space<vmem_shared>>
            tpu.wait_indirect_dma semaphore(%arg15 : memref<!tpu.dma_semaphore, #tpu.memory_space<semaphore_mem>>) src(%arg10 : memref<80x128xf32, #tpu.memory_space<vmem>>) dst(%dma_wait3A_153 : memref<10112x128xf32, #tpu.memory_space<vmem_shared>>)
          } else {
          }
          %lt3A_136 = arith.constant 48 : i32
          %lt3A_137 = arith.cmpi slt, %scan3A_71, %lt3A_136 : i32
          %convert_element_type3A_138 = arith.extui %lt3A_137 : i1 to i32
          %cond3A_139 = arith.constant 0 : i32
          %cond3A_140 = arith.cmpi ne, %convert_element_type3A_138, %cond3A_139 : i32
          scf.if %cond3A_140 {
            %add3A_147 = arith.constant 2 : i32
            %add3A_148 = arith.addi %scan3A_71, %add3A_147 : i32
            %dma_start3A_149 = arith.constant 0 : i32
            %dma_start3A_150 = tpu.memref_slice %arg6[%add3A_148, %dma_start3A_149] : memref<50x80xi32, #tpu.memory_space<vmem>> -> memref<1x80xi32, #tpu.memory_space<vmem>>
            %dma_start3A_151 = tpu.memref_squeeze %dma_start3A_150 : memref<1x80xi32, #tpu.memory_space<vmem>> -> memref<80xi32, #tpu.memory_space<vmem>>
            %dma_start3A_152 = arith.constant 0 : i32
            %dma_start3A_153 = arith.constant 0 : i32
            %dma_start3A_154 = tpu.memref_slice %arg2[%dma_start3A_152, %dma_start3A_153] : memref<100000x128xf32, #tpu.memory_space<hbm>> -> memref<100000x128xf32, #tpu.memory_space<hbm>>
            tpu.enqueue_indirect_dma source(%dma_start3A_154 : memref<100000x128xf32, #tpu.memory_space<hbm>>) target(%arg10 : memref<80x128xf32, #tpu.memory_space<vmem>>) offsets(%dma_start3A_151 : memref<80xi32, #tpu.memory_space<vmem>>) semaphore(%arg14 : memref<!tpu.dma_semaphore, #tpu.memory_space<semaphore_mem>>)
          } else {
          }
          %dma_start3A_141 = arith.constant 0 : i32
          %dma_start3A_142 = tpu.memref_slice %arg7[%scan3A_71, %dma_start3A_141] : memref<50x80xi32, #tpu.memory_space<vmem>> -> memref<1x80xi32, #tpu.memory_space<vmem>>
          %dma_start3A_143 = tpu.memref_squeeze %dma_start3A_142 : memref<1x80xi32, #tpu.memory_space<vmem>> -> memref<80xi32, #tpu.memory_space<vmem>>
          %dma_start3A_144 = arith.constant 0 : i32
          %dma_start3A_145 = arith.constant 0 : i32
          %dma_start3A_146 = tpu.memref_slice %arg11[%dma_start3A_144, %dma_start3A_145] : memref<10112x128xf32, #tpu.memory_space<vmem_shared>> -> memref<10112x128xf32, #tpu.memory_space<vmem_shared>>
          tpu.enqueue_indirect_dma source(%arg8 : memref<80x128xf32, #tpu.memory_space<vmem>>) target(%dma_start3A_146 : memref<10112x128xf32, #tpu.memory_space<vmem_shared>>) offsets(%dma_start3A_143 : memref<80xi32, #tpu.memory_space<vmem>>) semaphore(%arg15 : memref<!tpu.dma_semaphore, #tpu.memory_space<semaphore_mem>>) {add = true}
        } else {
        }
        %jit3A_84 = arith.constant 3 : i32
        %eq3A_85 = arith.constant 0 : i32
        %eq3A_86 = arith.cmpi eq, %jit3A_84, %eq3A_85 : i32
        %jit3A_87 = arith.constant 1 : i32
        %select_n3A_88 = arith.select %eq3A_86, %jit3A_87, %jit3A_84 : i32
        %rem3A_89 = arith.remsi %scan3A_71, %select_n3A_88 : i32
        %ne3A_90 = arith.constant 0 : i32
        %ne3A_91 = arith.cmpi ne, %rem3A_89, %ne3A_90 : i32
        %lt3A_92 = arith.constant 0 : i32
        %lt3A_93 = arith.cmpi slt, %rem3A_89, %lt3A_92 : i32
        %lt3A_94 = arith.constant 0 : i32
        %lt3A_95 = arith.cmpi slt, %select_n3A_88, %lt3A_94 : i32
        %ne3A_96 = arith.xori %lt3A_93, %lt3A_95 : i1
        %and3A_97 = arith.andi %ne3A_96, %ne3A_91 : i1
        %add3A_98 = arith.addi %rem3A_89, %select_n3A_88 : i32
        %select_n3A_99 = arith.select %and3A_97, %add3A_98, %rem3A_89 : i32
        %eq3A_100 = arith.constant 1 : i32
        %eq3A_101 = arith.cmpi eq, %select_n3A_99, %eq3A_100 : i32
        %convert_element_type3A_102 = arith.extui %eq3A_101 : i1 to i32
        %cond3A_103 = arith.constant 0 : i32
        %cond3A_104 = arith.cmpi ne, %convert_element_type3A_102, %cond3A_103 : i32
        scf.if %cond3A_104 {
          %dma_wait3A_126 = arith.constant 0 : i32
          %dma_wait3A_127 = tpu.memref_slice %arg6[%scan3A_71, %dma_wait3A_126] : memref<50x80xi32, #tpu.memory_space<vmem>> -> memref<1x80xi32, #tpu.memory_space<vmem>>
          %dma_wait3A_128 = tpu.memref_squeeze %dma_wait3A_127 : memref<1x80xi32, #tpu.memory_space<vmem>> -> memref<80xi32, #tpu.memory_space<vmem>>
          %dma_wait3A_129 = arith.constant 0 : i32
          %dma_wait3A_130 = arith.constant 0 : i32
          %dma_wait3A_131 = tpu.memref_slice %arg2[%dma_wait3A_129, %dma_wait3A_130] : memref<100000x128xf32, #tpu.memory_space<hbm>> -> memref<100000x128xf32, #tpu.memory_space<hbm>>
          tpu.wait_indirect_dma semaphore(%arg13 : memref<!tpu.dma_semaphore, #tpu.memory_space<semaphore_mem>>) src(%dma_wait3A_131 : memref<100000x128xf32, #tpu.memory_space<hbm>>) dst(%arg9 : memref<80x128xf32, #tpu.memory_space<vmem>>)
          %gt3A = arith.constant 0 : i32
          %gt3A_132 = arith.cmpi sgt, %scan3A_71, %gt3A : i32
          %convert_element_type3A_133 = arith.extui %gt3A_132 : i1 to i32
          %cond3A_134 = arith.constant 0 : i32
          %cond3A_135 = arith.cmpi ne, %convert_element_type3A_133, %cond3A_134 : i32
          scf.if %cond3A_135 {
            %sub3A = arith.constant 1 : i32
            %sub3A_147 = arith.subi %scan3A_71, %sub3A : i32
            %dma_wait3A_148 = arith.constant 0 : i32
            %dma_wait3A_149 = tpu.memref_slice %arg7[%sub3A_147, %dma_wait3A_148] : memref<50x80xi32, #tpu.memory_space<vmem>> -> memref<1x80xi32, #tpu.memory_space<vmem>>
            %dma_wait3A_150 = tpu.memref_squeeze %dma_wait3A_149 : memref<1x80xi32, #tpu.memory_space<vmem>> -> memref<80xi32, #tpu.memory_space<vmem>>
            %dma_wait3A_151 = arith.constant 0 : i32
            %dma_wait3A_152 = arith.constant 0 : i32
            %dma_wait3A_153 = tpu.memref_slice %arg11[%dma_wait3A_151, %dma_wait3A_152] : memref<10112x128xf32, #tpu.memory_space<vmem_shared>> -> memref<10112x128xf32, #tpu.memory_space<vmem_shared>>
            tpu.wait_indirect_dma semaphore(%arg15 : memref<!tpu.dma_semaphore, #tpu.memory_space<semaphore_mem>>) src(%arg8 : memref<80x128xf32, #tpu.memory_space<vmem>>) dst(%dma_wait3A_153 : memref<10112x128xf32, #tpu.memory_space<vmem_shared>>)
          } else {
          }
          %lt3A_136 = arith.constant 48 : i32
          %lt3A_137 = arith.cmpi slt, %scan3A_71, %lt3A_136 : i32
          %convert_element_type3A_138 = arith.extui %lt3A_137 : i1 to i32
          %cond3A_139 = arith.constant 0 : i32
          %cond3A_140 = arith.cmpi ne, %convert_element_type3A_138, %cond3A_139 : i32
          scf.if %cond3A_140 {
            %add3A_147 = arith.constant 2 : i32
            %add3A_148 = arith.addi %scan3A_71, %add3A_147 : i32
            %dma_start3A_149 = arith.constant 0 : i32
            %dma_start3A_150 = tpu.memref_slice %arg6[%add3A_148, %dma_start3A_149] : memref<50x80xi32, #tpu.memory_space<vmem>> -> memref<1x80xi32, #tpu.memory_space<vmem>>
            %dma_start3A_151 = tpu.memref_squeeze %dma_start3A_150 : memref<1x80xi32, #tpu.memory_space<vmem>> -> memref<80xi32, #tpu.memory_space<vmem>>
            %dma_start3A_152 = arith.constant 0 : i32
            %dma_start3A_153 = arith.constant 0 : i32
            %dma_start3A_154 = tpu.memref_slice %arg2[%dma_start3A_152, %dma_start3A_153] : memref<100000x128xf32, #tpu.memory_space<hbm>> -> memref<100000x128xf32, #tpu.memory_space<hbm>>
            tpu.enqueue_indirect_dma source(%dma_start3A_154 : memref<100000x128xf32, #tpu.memory_space<hbm>>) target(%arg8 : memref<80x128xf32, #tpu.memory_space<vmem>>) offsets(%dma_start3A_151 : memref<80xi32, #tpu.memory_space<vmem>>) semaphore(%arg12 : memref<!tpu.dma_semaphore, #tpu.memory_space<semaphore_mem>>)
          } else {
          }
          %dma_start3A_141 = arith.constant 0 : i32
          %dma_start3A_142 = tpu.memref_slice %arg7[%scan3A_71, %dma_start3A_141] : memref<50x80xi32, #tpu.memory_space<vmem>> -> memref<1x80xi32, #tpu.memory_space<vmem>>
          %dma_start3A_143 = tpu.memref_squeeze %dma_start3A_142 : memref<1x80xi32, #tpu.memory_space<vmem>> -> memref<80xi32, #tpu.memory_space<vmem>>
          %dma_start3A_144 = arith.constant 0 : i32
          %dma_start3A_145 = arith.constant 0 : i32
          %dma_start3A_146 = tpu.memref_slice %arg11[%dma_start3A_144, %dma_start3A_145] : memref<10112x128xf32, #tpu.memory_space<vmem_shared>> -> memref<10112x128xf32, #tpu.memory_space<vmem_shared>>
          tpu.enqueue_indirect_dma source(%arg9 : memref<80x128xf32, #tpu.memory_space<vmem>>) target(%dma_start3A_146 : memref<10112x128xf32, #tpu.memory_space<vmem_shared>>) offsets(%dma_start3A_143 : memref<80xi32, #tpu.memory_space<vmem>>) semaphore(%arg15 : memref<!tpu.dma_semaphore, #tpu.memory_space<semaphore_mem>>) {add = true}
        } else {
        }
        %jit3A_105 = arith.constant 3 : i32
        %eq3A_106 = arith.constant 0 : i32
        %eq3A_107 = arith.cmpi eq, %jit3A_105, %eq3A_106 : i32
        %jit3A_108 = arith.constant 1 : i32
        %select_n3A_109 = arith.select %eq3A_107, %jit3A_108, %jit3A_105 : i32
        %rem3A_110 = arith.remsi %scan3A_71, %select_n3A_109 : i32
        %ne3A_111 = arith.constant 0 : i32
        %ne3A_112 = arith.cmpi ne, %rem3A_110, %ne3A_111 : i32
        %lt3A_113 = arith.constant 0 : i32
        %lt3A_114 = arith.cmpi slt, %rem3A_110, %lt3A_113 : i32
        %lt3A_115 = arith.constant 0 : i32
        %lt3A_116 = arith.cmpi slt, %select_n3A_109, %lt3A_115 : i32
        %ne3A_117 = arith.xori %lt3A_114, %lt3A_116 : i1
        %and3A_118 = arith.andi %ne3A_117, %ne3A_112 : i1
        %add3A_119 = arith.addi %rem3A_110, %select_n3A_109 : i32
        %select_n3A_120 = arith.select %and3A_118, %add3A_119, %rem3A_110 : i32
        %eq3A_121 = arith.constant 2 : i32
        %eq3A_122 = arith.cmpi eq, %select_n3A_120, %eq3A_121 : i32
        %convert_element_type3A_123 = arith.extui %eq3A_122 : i1 to i32
        %cond3A_124 = arith.constant 0 : i32
        %cond3A_125 = arith.cmpi ne, %convert_element_type3A_123, %cond3A_124 : i32
        scf.if %cond3A_125 {
          %dma_wait3A_126 = arith.constant 0 : i32
          %dma_wait3A_127 = tpu.memref_slice %arg6[%scan3A_71, %dma_wait3A_126] : memref<50x80xi32, #tpu.memory_space<vmem>> -> memref<1x80xi32, #tpu.memory_space<vmem>>
          %dma_wait3A_128 = tpu.memref_squeeze %dma_wait3A_127 : memref<1x80xi32, #tpu.memory_space<vmem>> -> memref<80xi32, #tpu.memory_space<vmem>>
          %dma_wait3A_129 = arith.constant 0 : i32
          %dma_wait3A_130 = arith.constant 0 : i32
          %dma_wait3A_131 = tpu.memref_slice %arg2[%dma_wait3A_129, %dma_wait3A_130] : memref<100000x128xf32, #tpu.memory_space<hbm>> -> memref<100000x128xf32, #tpu.memory_space<hbm>>
          tpu.wait_indirect_dma semaphore(%arg14 : memref<!tpu.dma_semaphore, #tpu.memory_space<semaphore_mem>>) src(%dma_wait3A_131 : memref<100000x128xf32, #tpu.memory_space<hbm>>) dst(%arg10 : memref<80x128xf32, #tpu.memory_space<vmem>>)
          %gt3A = arith.constant 0 : i32
          %gt3A_132 = arith.cmpi sgt, %scan3A_71, %gt3A : i32
          %convert_element_type3A_133 = arith.extui %gt3A_132 : i1 to i32
          %cond3A_134 = arith.constant 0 : i32
          %cond3A_135 = arith.cmpi ne, %convert_element_type3A_133, %cond3A_134 : i32
          scf.if %cond3A_135 {
            %sub3A = arith.constant 1 : i32
            %sub3A_147 = arith.subi %scan3A_71, %sub3A : i32
            %dma_wait3A_148 = arith.constant 0 : i32
            %dma_wait3A_149 = tpu.memref_slice %arg7[%sub3A_147, %dma_wait3A_148] : memref<50x80xi32, #tpu.memory_space<vmem>> -> memref<1x80xi32, #tpu.memory_space<vmem>>
            %dma_wait3A_150 = tpu.memref_squeeze %dma_wait3A_149 : memref<1x80xi32, #tpu.memory_space<vmem>> -> memref<80xi32, #tpu.memory_space<vmem>>
            %dma_wait3A_151 = arith.constant 0 : i32
            %dma_wait3A_152 = arith.constant 0 : i32
            %dma_wait3A_153 = tpu.memref_slice %arg11[%dma_wait3A_151, %dma_wait3A_152] : memref<10112x128xf32, #tpu.memory_space<vmem_shared>> -> memref<10112x128xf32, #tpu.memory_space<vmem_shared>>
            tpu.wait_indirect_dma semaphore(%arg15 : memref<!tpu.dma_semaphore, #tpu.memory_space<semaphore_mem>>) src(%arg9 : memref<80x128xf32, #tpu.memory_space<vmem>>) dst(%dma_wait3A_153 : memref<10112x128xf32, #tpu.memory_space<vmem_shared>>)
          } else {
          }
          %lt3A_136 = arith.constant 48 : i32
          %lt3A_137 = arith.cmpi slt, %scan3A_71, %lt3A_136 : i32
          %convert_element_type3A_138 = arith.extui %lt3A_137 : i1 to i32
          %cond3A_139 = arith.constant 0 : i32
          %cond3A_140 = arith.cmpi ne, %convert_element_type3A_138, %cond3A_139 : i32
          scf.if %cond3A_140 {
            %add3A_147 = arith.constant 2 : i32
            %add3A_148 = arith.addi %scan3A_71, %add3A_147 : i32
            %dma_start3A_149 = arith.constant 0 : i32
            %dma_start3A_150 = tpu.memref_slice %arg6[%add3A_148, %dma_start3A_149] : memref<50x80xi32, #tpu.memory_space<vmem>> -> memref<1x80xi32, #tpu.memory_space<vmem>>
            %dma_start3A_151 = tpu.memref_squeeze %dma_start3A_150 : memref<1x80xi32, #tpu.memory_space<vmem>> -> memref<80xi32, #tpu.memory_space<vmem>>
            %dma_start3A_152 = arith.constant 0 : i32
            %dma_start3A_153 = arith.constant 0 : i32
            %dma_start3A_154 = tpu.memref_slice %arg2[%dma_start3A_152, %dma_start3A_153] : memref<100000x128xf32, #tpu.memory_space<hbm>> -> memref<100000x128xf32, #tpu.memory_space<hbm>>
            tpu.enqueue_indirect_dma source(%dma_start3A_154 : memref<100000x128xf32, #tpu.memory_space<hbm>>) target(%arg9 : memref<80x128xf32, #tpu.memory_space<vmem>>) offsets(%dma_start3A_151 : memref<80xi32, #tpu.memory_space<vmem>>) semaphore(%arg13 : memref<!tpu.dma_semaphore, #tpu.memory_space<semaphore_mem>>)
          } else {
          }
          %dma_start3A_141 = arith.constant 0 : i32
          %dma_start3A_142 = tpu.memref_slice %arg7[%scan3A_71, %dma_start3A_141] : memref<50x80xi32, #tpu.memory_space<vmem>> -> memref<1x80xi32, #tpu.memory_space<vmem>>
          %dma_start3A_143 = tpu.memref_squeeze %dma_start3A_142 : memref<1x80xi32, #tpu.memory_space<vmem>> -> memref<80xi32, #tpu.memory_space<vmem>>
          %dma_start3A_144 = arith.constant 0 : i32
          %dma_start3A_145 = arith.constant 0 : i32
          %dma_start3A_146 = tpu.memref_slice %arg11[%dma_start3A_144, %dma_start3A_145] : memref<10112x128xf32, #tpu.memory_space<vmem_shared>> -> memref<10112x128xf32, #tpu.memory_space<vmem_shared>>
          tpu.enqueue_indirect_dma source(%arg10 : memref<80x128xf32, #tpu.memory_space<vmem>>) target(%dma_start3A_146 : memref<10112x128xf32, #tpu.memory_space<vmem_shared>>) offsets(%dma_start3A_143 : memref<80xi32, #tpu.memory_space<vmem>>) semaphore(%arg15 : memref<!tpu.dma_semaphore, #tpu.memory_space<semaphore_mem>>) {add = true}
        } else {
        }
      }
      %scan3A_64 = arith.constant 50 : i32
      %dma_wait3A = arith.constant 49 : i32
      %dma_wait3A_65 = arith.constant 0 : i32
      %dma_wait3A_66 = tpu.memref_slice %arg7[%dma_wait3A, %dma_wait3A_65] : memref<50x80xi32, #tpu.memory_space<vmem>> -> memref<1x80xi32, #tpu.memory_space<vmem>>
      %dma_wait3A_67 = tpu.memref_squeeze %dma_wait3A_66 : memref<1x80xi32, #tpu.memory_space<vmem>> -> memref<80xi32, #tpu.memory_space<vmem>>
      %dma_wait3A_68 = arith.constant 0 : i32
      %dma_wait3A_69 = arith.constant 0 : i32
      %dma_wait3A_70 = tpu.memref_slice %arg11[%dma_wait3A_68, %dma_wait3A_69] : memref<10112x128xf32, #tpu.memory_space<vmem_shared>> -> memref<10112x128xf32, #tpu.memory_space<vmem_shared>>
      tpu.wait_indirect_dma semaphore(%arg15 : memref<!tpu.dma_semaphore, #tpu.memory_space<semaphore_mem>>) src(%arg9 : memref<80x128xf32, #tpu.memory_space<vmem>>) dst(%dma_wait3A_70 : memref<10112x128xf32, #tpu.memory_space<vmem_shared>>)
    }
    %scan3A_41 = arith.constant 5 : i32
    %barrier3A_42 = arith.constant 0 : index
    tpu.barrier barrier_id(%barrier3A_42)
    %mul3A_43 = arith.constant 632 : i32
    %mul3A_44 = arith.muli %arg1, %mul3A_43 : i32
    "tpu.region"() ({
      %run_scoped3A = tpu.sem_alloc : memref<!tpu.dma_semaphore, #tpu.memory_space<semaphore_mem>>
      %dma_start3A = arith.constant 0 : i32
      %dma_start3A_45 = tpu.memref_slice %arg5[%mul3A_44, %dma_start3A] : memref<10112x128xf32, #tpu.memory_space<hbm>> -> memref<632x128xf32, #tpu.memory_space<hbm>>
      %dma_start3A_46 = arith.constant 0 : i32
      %dma_start3A_47 = tpu.memref_slice %arg11[%mul3A_44, %dma_start3A_46] : memref<10112x128xf32, #tpu.memory_space<vmem_shared>> -> memref<632x128xf32, #tpu.memory_space<vmem_shared>>
      tpu.enqueue_dma source(%dma_start3A_47 : memref<632x128xf32, #tpu.memory_space<vmem_shared>>) target(%dma_start3A_45 : memref<632x128xf32, #tpu.memory_space<hbm>>) target_semaphore(%run_scoped3A : memref<!tpu.dma_semaphore, #tpu.memory_space<semaphore_mem>>)
      %dma_wait3A = arith.constant 0 : i32
      %dma_wait3A_48 = tpu.memref_slice %arg5[%mul3A_44, %dma_wait3A] : memref<10112x128xf32, #tpu.memory_space<hbm>> -> memref<632x128xf32, #tpu.memory_space<hbm>>
      %dma_wait3A_49 = arith.constant 0 : i32
      %dma_wait3A_50 = tpu.memref_slice %arg11[%mul3A_44, %dma_wait3A_49] : memref<10112x128xf32, #tpu.memory_space<vmem_shared>> -> memref<632x128xf32, #tpu.memory_space<vmem_shared>>
      tpu.wait_dma2 semaphore(%run_scoped3A : memref<!tpu.dma_semaphore, #tpu.memory_space<semaphore_mem>>) src(%dma_wait3A_50 : memref<632x128xf32, #tpu.memory_space<vmem_shared>>) dst(%dma_wait3A_48 : memref<632x128xf32, #tpu.memory_space<hbm>>)
      tpu.yield
    }) : () -> ()
    return
  }
}

#map = affine_map<(d0, d1) -> (0, 0)>
#map1 = affine_map<(d0, d1) -> (0, 0, 0, 0)>
module attributes {stable_mosaic.version = 14 : i64} {
  func.func @_sc_body(%arg0: i32, %arg1: i32, %arg2: memref<100000x128xf32, #tpu.memory_space<hbm>>, %arg3: memref<16x5x50x80xi32, #tpu.memory_space<hbm>>, %arg4: memref<16x5x50x80xi32, #tpu.memory_space<hbm>>, %arg5: memref<10112x128xf32, #tpu.memory_space<hbm>>, %arg6: memref<50x80xi32, #tpu.memory_space<vmem>>, %arg7: memref<50x80xi32, #tpu.memory_space<vmem>>, %arg8: memref<80x128xf32, #tpu.memory_space<vmem>>, %arg9: memref<80x128xf32, #tpu.memory_space<vmem>>, %arg10: memref<80x128xf32, #tpu.memory_space<vmem>>, %arg11: memref<10112x128xf32, #tpu.memory_space<vmem_shared>>, %arg12: memref<!tpu.dma_semaphore, #tpu.memory_space<semaphore_mem>>, %arg13: memref<!tpu.dma_semaphore, #tpu.memory_space<semaphore_mem>>, %arg14: memref<!tpu.dma_semaphore, #tpu.memory_space<semaphore_mem>>, %arg15: memref<!tpu.dma_semaphore, #tpu.memory_space<semaphore_mem>>) attributes {dimension_semantics = [#tpu.dimension_semantics<core_parallel>, #tpu.dimension_semantics<subcore_parallel>], iteration_bounds = array<i64: 1, 16>, scalar_prefetch = 0 : i64, scratch_operands = 10 : i64, tpu.core_type = #tpu.core_type<sc_vector_subcore>, window_params = [{transform_indices = #map}, {transform_indices = #map1}, {transform_indices = #map1}, {transform_indices = #map}]} {
    %broadcast_in_dim3A = arith.constant 0.000000e+00 : f32
    %broadcast_in_dim3A_0 = vector.broadcast %broadcast_in_dim3A : f32 to vector<16xf32>
    %scan3A = arith.constant 0 : i32
    %scan3A_1 = arith.constant 0 : i32
    %scan3A_2 = arith.constant 80 : i32
    %scan3A_3 = arith.addi %scan3A_1, %scan3A_2 : i32
    %scan3A_4 = arith.constant 1 : i32
    scf.for %scan3A_45 = %scan3A_1 to %scan3A_3 step %scan3A_4  : i32 {
      %swap3A = arith.index_cast %scan3A_45 : i32 to index
      %swap3A_46 = arith.constant 0 : index
      %swap3A_47 = tpu.vector_load %arg8[%swap3A, %swap3A_46] {strides = array<i32>} : memref<80x128xf32, #tpu.memory_space<vmem>>, vector<1x16xf32>,
      %swap3A_48 = vector.shape_cast %swap3A_47 : vector<1x16xf32> to vector<16xf32>
      %swap3A_49 = vector.shape_cast %broadcast_in_dim3A_0 : vector<16xf32> to vector<1x16xf32>
      tpu.vector_store %arg8[%swap3A, %swap3A_46], %swap3A_49 {strides = array<i32>} : memref<80x128xf32, #tpu.memory_space<vmem>>, vector<1x16xf32>,
      %swap3A_50 = arith.index_cast %scan3A_45 : i32 to index
      %swap3A_51 = arith.constant 16 : index
      %swap3A_52 = tpu.vector_load %arg8[%swap3A_50, %swap3A_51] {strides = array<i32>} : memref<80x128xf32, #tpu.memory_space<vmem>>, vector<1x16xf32>,
      %swap3A_53 = vector.shape_cast %swap3A_52 : vector<1x16xf32> to vector<16xf32>
      %swap3A_54 = vector.shape_cast %broadcast_in_dim3A_0 : vector<16xf32> to vector<1x16xf32>
      tpu.vector_store %arg8[%swap3A_50, %swap3A_51], %swap3A_54 {strides = array<i32>} : memref<80x128xf32, #tpu.memory_space<vmem>>, vector<1x16xf32>,
      %swap3A_55 = arith.index_cast %scan3A_45 : i32 to index
      %swap3A_56 = arith.constant 32 : index
      %swap3A_57 = tpu.vector_load %arg8[%swap3A_55, %swap3A_56] {strides = array<i32>} : memref<80x128xf32, #tpu.memory_space<vmem>>, vector<1x16xf32>,
      %swap3A_58 = vector.shape_cast %swap3A_57 : vector<1x16xf32> to vector<16xf32>
      %swap3A_59 = vector.shape_cast %broadcast_in_dim3A_0 : vector<16xf32> to vector<1x16xf32>
      tpu.vector_store %arg8[%swap3A_55, %swap3A_56], %swap3A_59 {strides = array<i32>} : memref<80x128xf32, #tpu.memory_space<vmem>>, vector<1x16xf32>,
      %swap3A_60 = arith.index_cast %scan3A_45 : i32 to index
      %swap3A_61 = arith.constant 48 : index
      %swap3A_62 = tpu.vector_load %arg8[%swap3A_60, %swap3A_61] {strides = array<i32>} : memref<80x128xf32, #tpu.memory_space<vmem>>, vector<1x16xf32>,
      %swap3A_63 = vector.shape_cast %swap3A_62 : vector<1x16xf32> to vector<16xf32>
      %swap3A_64 = vector.shape_cast %broadcast_in_dim3A_0 : vector<16xf32> to vector<1x16xf32>
      tpu.vector_store %arg8[%swap3A_60, %swap3A_61], %swap3A_64 {strides = array<i32>} : memref<80x128xf32, #tpu.memory_space<vmem>>, vector<1x16xf32>,
      %swap3A_65 = arith.index_cast %scan3A_45 : i32 to index
      %swap3A_66 = arith.constant 64 : index
      %swap3A_67 = tpu.vector_load %arg8[%swap3A_65, %swap3A_66] {strides = array<i32>} : memref<80x128xf32, #tpu.memory_space<vmem>>, vector<1x16xf32>,
      %swap3A_68 = vector.shape_cast %swap3A_67 : vector<1x16xf32> to vector<16xf32>
      %swap3A_69 = vector.shape_cast %broadcast_in_dim3A_0 : vector<16xf32> to vector<1x16xf32>
      tpu.vector_store %arg8[%swap3A_65, %swap3A_66], %swap3A_69 {strides = array<i32>} : memref<80x128xf32, #tpu.memory_space<vmem>>, vector<1x16xf32>,
      %swap3A_70 = arith.index_cast %scan3A_45 : i32 to index
      %swap3A_71 = arith.constant 80 : index
      %swap3A_72 = tpu.vector_load %arg8[%swap3A_70, %swap3A_71] {strides = array<i32>} : memref<80x128xf32, #tpu.memory_space<vmem>>, vector<1x16xf32>,
      %swap3A_73 = vector.shape_cast %swap3A_72 : vector<1x16xf32> to vector<16xf32>
      %swap3A_74 = vector.shape_cast %broadcast_in_dim3A_0 : vector<16xf32> to vector<1x16xf32>
      tpu.vector_store %arg8[%swap3A_70, %swap3A_71], %swap3A_74 {strides = array<i32>} : memref<80x128xf32, #tpu.memory_space<vmem>>, vector<1x16xf32>,
      %swap3A_75 = arith.index_cast %scan3A_45 : i32 to index
      %swap3A_76 = arith.constant 96 : index
      %swap3A_77 = tpu.vector_load %arg8[%swap3A_75, %swap3A_76] {strides = array<i32>} : memref<80x128xf32, #tpu.memory_space<vmem>>, vector<1x16xf32>,
      %swap3A_78 = vector.shape_cast %swap3A_77 : vector<1x16xf32> to vector<16xf32>
      %swap3A_79 = vector.shape_cast %broadcast_in_dim3A_0 : vector<16xf32> to vector<1x16xf32>
      tpu.vector_store %arg8[%swap3A_75, %swap3A_76], %swap3A_79 {strides = array<i32>} : memref<80x128xf32, #tpu.memory_space<vmem>>, vector<1x16xf32>,
      %swap3A_80 = arith.index_cast %scan3A_45 : i32 to index
      %swap3A_81 = arith.constant 112 : index
      %swap3A_82 = tpu.vector_load %arg8[%swap3A_80, %swap3A_81] {strides = array<i32>} : memref<80x128xf32, #tpu.memory_space<vmem>>, vector<1x16xf32>,
      %swap3A_83 = vector.shape_cast %swap3A_82 : vector<1x16xf32> to vector<16xf32>
      %swap3A_84 = vector.shape_cast %broadcast_in_dim3A_0 : vector<16xf32> to vector<1x16xf32>
      tpu.vector_store %arg8[%swap3A_80, %swap3A_81], %swap3A_84 {strides = array<i32>} : memref<80x128xf32, #tpu.memory_space<vmem>>, vector<1x16xf32>,
    }
    %scan3A_5 = arith.constant 80 : i32
    %mul3A = arith.constant 632 : i32
    %mul3A_6 = arith.muli %arg1, %mul3A : i32
    %add3A = arith.constant 0 : i32
    %add3A_7 = arith.addi %mul3A_6, %add3A : i32
    "tpu.region"() ({
      %run_scoped3A = tpu.sem_alloc : memref<!tpu.dma_semaphore, #tpu.memory_space<semaphore_mem>>
      %dma_start3A = arith.constant 0 : i32
      %dma_start3A_45 = tpu.memref_slice %arg11[%add3A_7, %dma_start3A] : memref<10112x128xf32, #tpu.memory_space<vmem_shared>> -> memref<80x128xf32, #tpu.memory_space<vmem_shared>>
      %dma_start3A_46 = arith.constant 0 : i32
      %dma_start3A_47 = tpu.memref_slice %arg11[%add3A_7, %dma_start3A_46] : memref<10112x128xf32, #tpu.memory_space<vmem_shared>> -> memref<80x128xf32, #tpu.memory_space<vmem_shared>>
      tpu.enqueue_dma source(%arg8 : memref<80x128xf32, #tpu.memory_space<vmem>>) target(%dma_start3A_47 : memref<80x128xf32, #tpu.memory_space<vmem_shared>>) target_semaphore(%run_scoped3A : memref<!tpu.dma_semaphore, #tpu.memory_space<semaphore_mem>>)
      %dma_wait3A = arith.constant 0 : i32
      %dma_wait3A_48 = tpu.memref_slice %arg11[%add3A_7, %dma_wait3A] : memref<10112x128xf32, #tpu.memory_space<vmem_shared>> -> memref<80x128xf32, #tpu.memory_space<vmem_shared>>
      %dma_wait3A_49 = arith.constant 0 : i32
      %dma_wait3A_50 = tpu.memref_slice %arg11[%add3A_7, %dma_wait3A_49] : memref<10112x128xf32, #tpu.memory_space<vmem_shared>> -> memref<80x128xf32, #tpu.memory_space<vmem_shared>>
      tpu.wait_dma2 semaphore(%run_scoped3A : memref<!tpu.dma_semaphore, #tpu.memory_space<semaphore_mem>>) src(%arg8 : memref<80x128xf32, #tpu.memory_space<vmem>>) dst(%dma_wait3A_50 : memref<80x128xf32, #tpu.memory_space<vmem_shared>>)
      tpu.yield
    }) : () -> ()
    %mul3A_8 = arith.constant 632 : i32
    %mul3A_9 = arith.muli %arg1, %mul3A_8 : i32
    %add3A_10 = arith.constant 80 : i32
    %add3A_11 = arith.addi %mul3A_9, %add3A_10 : i32
    "tpu.region"() ({
      %run_scoped3A = tpu.sem_alloc : memref<!tpu.dma_semaphore, #tpu.memory_space<semaphore_mem>>
      %dma_start3A = arith.constant 0 : i32
      %dma_start3A_45 = tpu.memref_slice %arg11[%add3A_11, %dma_start3A] : memref<10112x128xf32, #tpu.memory_space<vmem_shared>> -> memref<80x128xf32, #tpu.memory_space<vmem_shared>>
      %dma_start3A_46 = arith.constant 0 : i32
      %dma_start3A_47 = tpu.memref_slice %arg11[%add3A_11, %dma_start3A_46] : memref<10112x128xf32, #tpu.memory_space<vmem_shared>> -> memref<80x128xf32, #tpu.memory_space<vmem_shared>>
      tpu.enqueue_dma source(%arg8 : memref<80x128xf32, #tpu.memory_space<vmem>>) target(%dma_start3A_47 : memref<80x128xf32, #tpu.memory_space<vmem_shared>>) target_semaphore(%run_scoped3A : memref<!tpu.dma_semaphore, #tpu.memory_space<semaphore_mem>>)
      %dma_wait3A = arith.constant 0 : i32
      %dma_wait3A_48 = tpu.memref_slice %arg11[%add3A_11, %dma_wait3A] : memref<10112x128xf32, #tpu.memory_space<vmem_shared>> -> memref<80x128xf32, #tpu.memory_space<vmem_shared>>
      %dma_wait3A_49 = arith.constant 0 : i32
      %dma_wait3A_50 = tpu.memref_slice %arg11[%add3A_11, %dma_wait3A_49] : memref<10112x128xf32, #tpu.memory_space<vmem_shared>> -> memref<80x128xf32, #tpu.memory_space<vmem_shared>>
      tpu.wait_dma2 semaphore(%run_scoped3A : memref<!tpu.dma_semaphore, #tpu.memory_space<semaphore_mem>>) src(%arg8 : memref<80x128xf32, #tpu.memory_space<vmem>>) dst(%dma_wait3A_50 : memref<80x128xf32, #tpu.memory_space<vmem_shared>>)
      tpu.yield
    }) : () -> ()
    %mul3A_12 = arith.constant 632 : i32
    %mul3A_13 = arith.muli %arg1, %mul3A_12 : i32
    %add3A_14 = arith.constant 160 : i32
    %add3A_15 = arith.addi %mul3A_13, %add3A_14 : i32
    "tpu.region"() ({
      %run_scoped3A = tpu.sem_alloc : memref<!tpu.dma_semaphore, #tpu.memory_space<semaphore_mem>>
      %dma_start3A = arith.constant 0 : i32
      %dma_start3A_45 = tpu.memref_slice %arg11[%add3A_15, %dma_start3A] : memref<10112x128xf32, #tpu.memory_space<vmem_shared>> -> memref<80x128xf32, #tpu.memory_space<vmem_shared>>
      %dma_start3A_46 = arith.constant 0 : i32
      %dma_start3A_47 = tpu.memref_slice %arg11[%add3A_15, %dma_start3A_46] : memref<10112x128xf32, #tpu.memory_space<vmem_shared>> -> memref<80x128xf32, #tpu.memory_space<vmem_shared>>
      tpu.enqueue_dma source(%arg8 : memref<80x128xf32, #tpu.memory_space<vmem>>) target(%dma_start3A_47 : memref<80x128xf32, #tpu.memory_space<vmem_shared>>) target_semaphore(%run_scoped3A : memref<!tpu.dma_semaphore, #tpu.memory_space<semaphore_mem>>)
      %dma_wait3A = arith.constant 0 : i32
      %dma_wait3A_48 = tpu.memref_slice %arg11[%add3A_15, %dma_wait3A] : memref<10112x128xf32, #tpu.memory_space<vmem_shared>> -> memref<80x128xf32, #tpu.memory_space<vmem_shared>>
      %dma_wait3A_49 = arith.constant 0 : i32
      %dma_wait3A_50 = tpu.memref_slice %arg11[%add3A_15, %dma_wait3A_49] : memref<10112x128xf32, #tpu.memory_space<vmem_shared>> -> memref<80x128xf32, #tpu.memory_space<vmem_shared>>
      tpu.wait_dma2 semaphore(%run_scoped3A : memref<!tpu.dma_semaphore, #tpu.memory_space<semaphore_mem>>) src(%arg8 : memref<80x128xf32, #tpu.memory_space<vmem>>) dst(%dma_wait3A_50 : memref<80x128xf32, #tpu.memory_space<vmem_shared>>)
      tpu.yield
    }) : () -> ()
    %mul3A_16 = arith.constant 632 : i32
    %mul3A_17 = arith.muli %arg1, %mul3A_16 : i32
    %add3A_18 = arith.constant 240 : i32
    %add3A_19 = arith.addi %mul3A_17, %add3A_18 : i32
    "tpu.region"() ({
      %run_scoped3A = tpu.sem_alloc : memref<!tpu.dma_semaphore, #tpu.memory_space<semaphore_mem>>
      %dma_start3A = arith.constant 0 : i32
      %dma_start3A_45 = tpu.memref_slice %arg11[%add3A_19, %dma_start3A] : memref<10112x128xf32, #tpu.memory_space<vmem_shared>> -> memref<80x128xf32, #tpu.memory_space<vmem_shared>>
      %dma_start3A_46 = arith.constant 0 : i32
      %dma_start3A_47 = tpu.memref_slice %arg11[%add3A_19, %dma_start3A_46] : memref<10112x128xf32, #tpu.memory_space<vmem_shared>> -> memref<80x128xf32, #tpu.memory_space<vmem_shared>>
      tpu.enqueue_dma source(%arg8 : memref<80x128xf32, #tpu.memory_space<vmem>>) target(%dma_start3A_47 : memref<80x128xf32, #tpu.memory_space<vmem_shared>>) target_semaphore(%run_scoped3A : memref<!tpu.dma_semaphore, #tpu.memory_space<semaphore_mem>>)
      %dma_wait3A = arith.constant 0 : i32
      %dma_wait3A_48 = tpu.memref_slice %arg11[%add3A_19, %dma_wait3A] : memref<10112x128xf32, #tpu.memory_space<vmem_shared>> -> memref<80x128xf32, #tpu.memory_space<vmem_shared>>
      %dma_wait3A_49 = arith.constant 0 : i32
      %dma_wait3A_50 = tpu.memref_slice %arg11[%add3A_19, %dma_wait3A_49] : memref<10112x128xf32, #tpu.memory_space<vmem_shared>> -> memref<80x128xf32, #tpu.memory_space<vmem_shared>>
      tpu.wait_dma2 semaphore(%run_scoped3A : memref<!tpu.dma_semaphore, #tpu.memory_space<semaphore_mem>>) src(%arg8 : memref<80x128xf32, #tpu.memory_space<vmem>>) dst(%dma_wait3A_50 : memref<80x128xf32, #tpu.memory_space<vmem_shared>>)
      tpu.yield
    }) : () -> ()
    %mul3A_20 = arith.constant 632 : i32
    %mul3A_21 = arith.muli %arg1, %mul3A_20 : i32
    %add3A_22 = arith.constant 320 : i32
    %add3A_23 = arith.addi %mul3A_21, %add3A_22 : i32
    "tpu.region"() ({
      %run_scoped3A = tpu.sem_alloc : memref<!tpu.dma_semaphore, #tpu.memory_space<semaphore_mem>>
      %dma_start3A = arith.constant 0 : i32
      %dma_start3A_45 = tpu.memref_slice %arg11[%add3A_23, %dma_start3A] : memref<10112x128xf32, #tpu.memory_space<vmem_shared>> -> memref<80x128xf32, #tpu.memory_space<vmem_shared>>
      %dma_start3A_46 = arith.constant 0 : i32
      %dma_start3A_47 = tpu.memref_slice %arg11[%add3A_23, %dma_start3A_46] : memref<10112x128xf32, #tpu.memory_space<vmem_shared>> -> memref<80x128xf32, #tpu.memory_space<vmem_shared>>
      tpu.enqueue_dma source(%arg8 : memref<80x128xf32, #tpu.memory_space<vmem>>) target(%dma_start3A_47 : memref<80x128xf32, #tpu.memory_space<vmem_shared>>) target_semaphore(%run_scoped3A : memref<!tpu.dma_semaphore, #tpu.memory_space<semaphore_mem>>)
      %dma_wait3A = arith.constant 0 : i32
      %dma_wait3A_48 = tpu.memref_slice %arg11[%add3A_23, %dma_wait3A] : memref<10112x128xf32, #tpu.memory_space<vmem_shared>> -> memref<80x128xf32, #tpu.memory_space<vmem_shared>>
      %dma_wait3A_49 = arith.constant 0 : i32
      %dma_wait3A_50 = tpu.memref_slice %arg11[%add3A_23, %dma_wait3A_49] : memref<10112x128xf32, #tpu.memory_space<vmem_shared>> -> memref<80x128xf32, #tpu.memory_space<vmem_shared>>
      tpu.wait_dma2 semaphore(%run_scoped3A : memref<!tpu.dma_semaphore, #tpu.memory_space<semaphore_mem>>) src(%arg8 : memref<80x128xf32, #tpu.memory_space<vmem>>) dst(%dma_wait3A_50 : memref<80x128xf32, #tpu.memory_space<vmem_shared>>)
      tpu.yield
    }) : () -> ()
    %mul3A_24 = arith.constant 632 : i32
    %mul3A_25 = arith.muli %arg1, %mul3A_24 : i32
    %add3A_26 = arith.constant 400 : i32
    %add3A_27 = arith.addi %mul3A_25, %add3A_26 : i32
    "tpu.region"() ({
      %run_scoped3A = tpu.sem_alloc : memref<!tpu.dma_semaphore, #tpu.memory_space<semaphore_mem>>
      %dma_start3A = arith.constant 0 : i32
      %dma_start3A_45 = tpu.memref_slice %arg11[%add3A_27, %dma_start3A] : memref<10112x128xf32, #tpu.memory_space<vmem_shared>> -> memref<80x128xf32, #tpu.memory_space<vmem_shared>>
      %dma_start3A_46 = arith.constant 0 : i32
      %dma_start3A_47 = tpu.memref_slice %arg11[%add3A_27, %dma_start3A_46] : memref<10112x128xf32, #tpu.memory_space<vmem_shared>> -> memref<80x128xf32, #tpu.memory_space<vmem_shared>>
      tpu.enqueue_dma source(%arg8 : memref<80x128xf32, #tpu.memory_space<vmem>>) target(%dma_start3A_47 : memref<80x128xf32, #tpu.memory_space<vmem_shared>>) target_semaphore(%run_scoped3A : memref<!tpu.dma_semaphore, #tpu.memory_space<semaphore_mem>>)
      %dma_wait3A = arith.constant 0 : i32
      %dma_wait3A_48 = tpu.memref_slice %arg11[%add3A_27, %dma_wait3A] : memref<10112x128xf32, #tpu.memory_space<vmem_shared>> -> memref<80x128xf32, #tpu.memory_space<vmem_shared>>
      %dma_wait3A_49 = arith.constant 0 : i32
      %dma_wait3A_50 = tpu.memref_slice %arg11[%add3A_27, %dma_wait3A_49] : memref<10112x128xf32, #tpu.memory_space<vmem_shared>> -> memref<80x128xf32, #tpu.memory_space<vmem_shared>>
      tpu.wait_dma2 semaphore(%run_scoped3A : memref<!tpu.dma_semaphore, #tpu.memory_space<semaphore_mem>>) src(%arg8 : memref<80x128xf32, #tpu.memory_space<vmem>>) dst(%dma_wait3A_50 : memref<80x128xf32, #tpu.memory_space<vmem_shared>>)
      tpu.yield
    }) : () -> ()
    %mul3A_28 = arith.constant 632 : i32
    %mul3A_29 = arith.muli %arg1, %mul3A_28 : i32
    %add3A_30 = arith.constant 480 : i32
    %add3A_31 = arith.addi %mul3A_29, %add3A_30 : i32
    "tpu.region"() ({
      %run_scoped3A = tpu.sem_alloc : memref<!tpu.dma_semaphore, #tpu.memory_space<semaphore_mem>>
      %dma_start3A = arith.constant 0 : i32
      %dma_start3A_45 = tpu.memref_slice %arg11[%add3A_31, %dma_start3A] : memref<10112x128xf32, #tpu.memory_space<vmem_shared>> -> memref<80x128xf32, #tpu.memory_space<vmem_shared>>
      %dma_start3A_46 = arith.constant 0 : i32
      %dma_start3A_47 = tpu.memref_slice %arg11[%add3A_31, %dma_start3A_46] : memref<10112x128xf32, #tpu.memory_space<vmem_shared>> -> memref<80x128xf32, #tpu.memory_space<vmem_shared>>
      tpu.enqueue_dma source(%arg8 : memref<80x128xf32, #tpu.memory_space<vmem>>) target(%dma_start3A_47 : memref<80x128xf32, #tpu.memory_space<vmem_shared>>) target_semaphore(%run_scoped3A : memref<!tpu.dma_semaphore, #tpu.memory_space<semaphore_mem>>)
      %dma_wait3A = arith.constant 0 : i32
      %dma_wait3A_48 = tpu.memref_slice %arg11[%add3A_31, %dma_wait3A] : memref<10112x128xf32, #tpu.memory_space<vmem_shared>> -> memref<80x128xf32, #tpu.memory_space<vmem_shared>>
      %dma_wait3A_49 = arith.constant 0 : i32
      %dma_wait3A_50 = tpu.memref_slice %arg11[%add3A_31, %dma_wait3A_49] : memref<10112x128xf32, #tpu.memory_space<vmem_shared>> -> memref<80x128xf32, #tpu.memory_space<vmem_shared>>
      tpu.wait_dma2 semaphore(%run_scoped3A : memref<!tpu.dma_semaphore, #tpu.memory_space<semaphore_mem>>) src(%arg8 : memref<80x128xf32, #tpu.memory_space<vmem>>) dst(%dma_wait3A_50 : memref<80x128xf32, #tpu.memory_space<vmem_shared>>)
      tpu.yield
    }) : () -> ()
    %mul3A_32 = arith.constant 632 : i32
    %mul3A_33 = arith.muli %arg1, %mul3A_32 : i32
    %add3A_34 = arith.constant 560 : i32
    %add3A_35 = arith.addi %mul3A_33, %add3A_34 : i32
    "tpu.region"() ({
      %run_scoped3A = tpu.sem_alloc : memref<!tpu.dma_semaphore, #tpu.memory_space<semaphore_mem>>
      %dma_start3A = arith.constant 0 : i32
      %dma_start3A_45 = arith.constant 0 : i32
      %dma_start3A_46 = tpu.memref_slice %arg8[%dma_start3A, %dma_start3A_45] : memref<80x128xf32, #tpu.memory_space<vmem>> -> memref<72x128xf32, #tpu.memory_space<vmem>>
      %dma_start3A_47 = arith.constant 0 : i32
      %dma_start3A_48 = tpu.memref_slice %arg11[%add3A_35, %dma_start3A_47] : memref<10112x128xf32, #tpu.memory_space<vmem_shared>> -> memref<72x128xf32, #tpu.memory_space<vmem_shared>>
      %dma_start3A_49 = arith.constant 0 : i32
      %dma_start3A_50 = tpu.memref_slice %arg11[%add3A_35, %dma_start3A_49] : memref<10112x128xf32, #tpu.memory_space<vmem_shared>> -> memref<72x128xf32, #tpu.memory_space<vmem_shared>>
      %dma_start3A_51 = arith.constant 0 : i32
      %dma_start3A_52 = arith.constant 0 : i32
      %dma_start3A_53 = tpu.memref_slice %arg8[%dma_start3A_51, %dma_start3A_52] : memref<80x128xf32, #tpu.memory_space<vmem>> -> memref<72x128xf32, #tpu.memory_space<vmem>>
      tpu.enqueue_dma source(%dma_start3A_53 : memref<72x128xf32, #tpu.memory_space<vmem>>) target(%dma_start3A_50 : memref<72x128xf32, #tpu.memory_space<vmem_shared>>) target_semaphore(%run_scoped3A : memref<!tpu.dma_semaphore, #tpu.memory_space<semaphore_mem>>)
      %dma_wait3A = arith.constant 0 : i32
      %dma_wait3A_54 = arith.constant 0 : i32
      %dma_wait3A_55 = tpu.memref_slice %arg8[%dma_wait3A, %dma_wait3A_54] : memref<80x128xf32, #tpu.memory_space<vmem>> -> memref<72x128xf32, #tpu.memory_space<vmem>>
      %dma_wait3A_56 = arith.constant 0 : i32
      %dma_wait3A_57 = tpu.memref_slice %arg11[%add3A_35, %dma_wait3A_56] : memref<10112x128xf32, #tpu.memory_space<vmem_shared>> -> memref<72x128xf32, #tpu.memory_space<vmem_shared>>
      %dma_wait3A_58 = arith.constant 0 : i32
      %dma_wait3A_59 = tpu.memref_slice %arg11[%add3A_35, %dma_wait3A_58] : memref<10112x128xf32, #tpu.memory_space<vmem_shared>> -> memref<72x128xf32, #tpu.memory_space<vmem_shared>>
      %dma_wait3A_60 = arith.constant 0 : i32
      %dma_wait3A_61 = arith.constant 0 : i32
      %dma_wait3A_62 = tpu.memref_slice %arg8[%dma_wait3A_60, %dma_wait3A_61] : memref<80x128xf32, #tpu.memory_space<vmem>> -> memref<72x128xf32, #tpu.memory_space<vmem>>
      tpu.wait_dma2 semaphore(%run_scoped3A : memref<!tpu.dma_semaphore, #tpu.memory_space<semaphore_mem>>) src(%dma_wait3A_62 : memref<72x128xf32, #tpu.memory_space<vmem>>) dst(%dma_wait3A_59 : memref<72x128xf32, #tpu.memory_space<vmem_shared>>)
      tpu.yield
    }) : () -> ()
    %barrier3A = arith.constant 0 : index
    tpu.barrier barrier_id(%barrier3A)
    %scan3A_36 = arith.constant 0 : i32
    %scan3A_37 = arith.constant 0 : i32
    %scan3A_38 = arith.constant 5 : i32
    %scan3A_39 = arith.addi %scan3A_37, %scan3A_38 : i32
    %scan3A_40 = arith.constant 1 : i32
    scf.for %scan3A_45 = %scan3A_37 to %scan3A_39 step %scan3A_40  : i32 {
      "tpu.region"() ({
        %run_scoped3A = tpu.sem_alloc : memref<!tpu.dma_semaphore, #tpu.memory_space<semaphore_mem>>
        %dma_start3A_71 = arith.constant 0 : i32
        %dma_start3A_72 = arith.constant 0 : i32
        %dma_start3A_73 = tpu.memref_slice %arg3[%arg1, %scan3A_45, %dma_start3A_71, %dma_start3A_72] : memref<16x5x50x80xi32, #tpu.memory_space<hbm>> -> memref<1x1x50x80xi32, #tpu.memory_space<hbm>>
        %dma_start3A_74 = tpu.memref_squeeze %dma_start3A_73 : memref<1x1x50x80xi32, #tpu.memory_space<hbm>> -> memref<50x80xi32, #tpu.memory_space<hbm>>
        %dma_start3A_75 = arith.constant 0 : i32
        %dma_start3A_76 = arith.constant 0 : i32
        %dma_start3A_77 = tpu.memref_slice %arg3[%arg1, %scan3A_45, %dma_start3A_75, %dma_start3A_76] : memref<16x5x50x80xi32, #tpu.memory_space<hbm>> -> memref<1x1x50x80xi32, #tpu.memory_space<hbm>>
        %dma_start3A_78 = tpu.memref_squeeze %dma_start3A_77 : memref<1x1x50x80xi32, #tpu.memory_space<hbm>> -> memref<50x80xi32, #tpu.memory_space<hbm>>
        tpu.enqueue_dma source(%dma_start3A_78 : memref<50x80xi32, #tpu.memory_space<hbm>>) target(%arg6 : memref<50x80xi32, #tpu.memory_space<vmem>>) target_semaphore(%run_scoped3A : memref<!tpu.dma_semaphore, #tpu.memory_space<semaphore_mem>>)
        %dma_wait3A_79 = arith.constant 0 : i32
        %dma_wait3A_80 = arith.constant 0 : i32
        %dma_wait3A_81 = tpu.memref_slice %arg3[%arg1, %scan3A_45, %dma_wait3A_79, %dma_wait3A_80] : memref<16x5x50x80xi32, #tpu.memory_space<hbm>> -> memref<1x1x50x80xi32, #tpu.memory_space<hbm>>
        %dma_wait3A_82 = tpu.memref_squeeze %dma_wait3A_81 : memref<1x1x50x80xi32, #tpu.memory_space<hbm>> -> memref<50x80xi32, #tpu.memory_space<hbm>>
        %dma_wait3A_83 = arith.constant 0 : i32
        %dma_wait3A_84 = arith.constant 0 : i32
        %dma_wait3A_85 = tpu.memref_slice %arg3[%arg1, %scan3A_45, %dma_wait3A_83, %dma_wait3A_84] : memref<16x5x50x80xi32, #tpu.memory_space<hbm>> -> memref<1x1x50x80xi32, #tpu.memory_space<hbm>>
        %dma_wait3A_86 = tpu.memref_squeeze %dma_wait3A_85 : memref<1x1x50x80xi32, #tpu.memory_space<hbm>> -> memref<50x80xi32, #tpu.memory_space<hbm>>
        tpu.wait_dma2 semaphore(%run_scoped3A : memref<!tpu.dma_semaphore, #tpu.memory_space<semaphore_mem>>) src(%dma_wait3A_86 : memref<50x80xi32, #tpu.memory_space<hbm>>) dst(%arg6 : memref<50x80xi32, #tpu.memory_space<vmem>>)
        tpu.yield
      }) : () -> ()
      "tpu.region"() ({
        %run_scoped3A = tpu.sem_alloc : memref<!tpu.dma_semaphore, #tpu.memory_space<semaphore_mem>>
        %dma_start3A_71 = arith.constant 0 : i32
        %dma_start3A_72 = arith.constant 0 : i32
        %dma_start3A_73 = tpu.memref_slice %arg4[%arg1, %scan3A_45, %dma_start3A_71, %dma_start3A_72] : memref<16x5x50x80xi32, #tpu.memory_space<hbm>> -> memref<1x1x50x80xi32, #tpu.memory_space<hbm>>
        %dma_start3A_74 = tpu.memref_squeeze %dma_start3A_73 : memref<1x1x50x80xi32, #tpu.memory_space<hbm>> -> memref<50x80xi32, #tpu.memory_space<hbm>>
        %dma_start3A_75 = arith.constant 0 : i32
        %dma_start3A_76 = arith.constant 0 : i32
        %dma_start3A_77 = tpu.memref_slice %arg4[%arg1, %scan3A_45, %dma_start3A_75, %dma_start3A_76] : memref<16x5x50x80xi32, #tpu.memory_space<hbm>> -> memref<1x1x50x80xi32, #tpu.memory_space<hbm>>
        %dma_start3A_78 = tpu.memref_squeeze %dma_start3A_77 : memref<1x1x50x80xi32, #tpu.memory_space<hbm>> -> memref<50x80xi32, #tpu.memory_space<hbm>>
        tpu.enqueue_dma source(%dma_start3A_78 : memref<50x80xi32, #tpu.memory_space<hbm>>) target(%arg7 : memref<50x80xi32, #tpu.memory_space<vmem>>) target_semaphore(%run_scoped3A : memref<!tpu.dma_semaphore, #tpu.memory_space<semaphore_mem>>)
        %dma_wait3A_79 = arith.constant 0 : i32
        %dma_wait3A_80 = arith.constant 0 : i32
        %dma_wait3A_81 = tpu.memref_slice %arg4[%arg1, %scan3A_45, %dma_wait3A_79, %dma_wait3A_80] : memref<16x5x50x80xi32, #tpu.memory_space<hbm>> -> memref<1x1x50x80xi32, #tpu.memory_space<hbm>>
        %dma_wait3A_82 = tpu.memref_squeeze %dma_wait3A_81 : memref<1x1x50x80xi32, #tpu.memory_space<hbm>> -> memref<50x80xi32, #tpu.memory_space<hbm>>
        %dma_wait3A_83 = arith.constant 0 : i32
        %dma_wait3A_84 = arith.constant 0 : i32
        %dma_wait3A_85 = tpu.memref_slice %arg4[%arg1, %scan3A_45, %dma_wait3A_83, %dma_wait3A_84] : memref<16x5x50x80xi32, #tpu.memory_space<hbm>> -> memref<1x1x50x80xi32, #tpu.memory_space<hbm>>
        %dma_wait3A_86 = tpu.memref_squeeze %dma_wait3A_85 : memref<1x1x50x80xi32, #tpu.memory_space<hbm>> -> memref<50x80xi32, #tpu.memory_space<hbm>>
        tpu.wait_dma2 semaphore(%run_scoped3A : memref<!tpu.dma_semaphore, #tpu.memory_space<semaphore_mem>>) src(%dma_wait3A_86 : memref<50x80xi32, #tpu.memory_space<hbm>>) dst(%arg7 : memref<50x80xi32, #tpu.memory_space<vmem>>)
        tpu.yield
      }) : () -> ()
      %dma_start3A = arith.constant 0 : i32
      %dma_start3A_46 = arith.constant 0 : i32
      %dma_start3A_47 = tpu.memref_slice %arg6[%dma_start3A, %dma_start3A_46] : memref<50x80xi32, #tpu.memory_space<vmem>> -> memref<1x80xi32, #tpu.memory_space<vmem>>
      %dma_start3A_48 = tpu.memref_squeeze %dma_start3A_47 : memref<1x80xi32, #tpu.memory_space<vmem>> -> memref<80xi32, #tpu.memory_space<vmem>>
      %dma_start3A_49 = arith.constant 0 : i32
      %dma_start3A_50 = arith.constant 0 : i32
      %dma_start3A_51 = tpu.memref_slice %arg2[%dma_start3A_49, %dma_start3A_50] : memref<100000x128xf32, #tpu.memory_space<hbm>> -> memref<100000x128xf32, #tpu.memory_space<hbm>>
      tpu.enqueue_indirect_dma source(%dma_start3A_51 : memref<100000x128xf32, #tpu.memory_space<hbm>>) target(%arg8 : memref<80x128xf32, #tpu.memory_space<vmem>>) offsets(%dma_start3A_48 : memref<80xi32, #tpu.memory_space<vmem>>) semaphore(%arg12 : memref<!tpu.dma_semaphore, #tpu.memory_space<semaphore_mem>>)
      %dma_start3A_52 = arith.constant 1 : i32
      %dma_start3A_53 = arith.constant 0 : i32
      %dma_start3A_54 = tpu.memref_slice %arg6[%dma_start3A_52, %dma_start3A_53] : memref<50x80xi32, #tpu.memory_space<vmem>> -> memref<1x80xi32, #tpu.memory_space<vmem>>
      %dma_start3A_55 = tpu.memref_squeeze %dma_start3A_54 : memref<1x80xi32, #tpu.memory_space<vmem>> -> memref<80xi32, #tpu.memory_space<vmem>>
      %dma_start3A_56 = arith.constant 0 : i32
      %dma_start3A_57 = arith.constant 0 : i32
      %dma_start3A_58 = tpu.memref_slice %arg2[%dma_start3A_56, %dma_start3A_57] : memref<100000x128xf32, #tpu.memory_space<hbm>> -> memref<100000x128xf32, #tpu.memory_space<hbm>>
      tpu.enqueue_indirect_dma source(%dma_start3A_58 : memref<100000x128xf32, #tpu.memory_space<hbm>>) target(%arg9 : memref<80x128xf32, #tpu.memory_space<vmem>>) offsets(%dma_start3A_55 : memref<80xi32, #tpu.memory_space<vmem>>) semaphore(%arg13 : memref<!tpu.dma_semaphore, #tpu.memory_space<semaphore_mem>>)
      %scan3A_59 = arith.constant 0 : i32
      %scan3A_60 = arith.constant 0 : i32
      %scan3A_61 = arith.constant 50 : i32
      %scan3A_62 = arith.addi %scan3A_60, %scan3A_61 : i32
      %scan3A_63 = arith.constant 1 : i32
      scf.for %scan3A_71 = %scan3A_60 to %scan3A_62 step %scan3A_63  : i32 {
        %jit3A = arith.constant 3 : i32
        %eq3A = arith.constant 0 : i32
        %eq3A_72 = arith.cmpi eq, %jit3A, %eq3A : i32
        %jit3A_73 = arith.constant 1 : i32
        %select_n3A = arith.select %eq3A_72, %jit3A_73, %jit3A : i32
        %rem3A = arith.remsi %scan3A_71, %select_n3A : i32
        %ne3A = arith.constant 0 : i32
        %ne3A_74 = arith.cmpi ne, %rem3A, %ne3A : i32
        %lt3A = arith.constant 0 : i32
        %lt3A_75 = arith.cmpi slt, %rem3A, %lt3A : i32
        %lt3A_76 = arith.constant 0 : i32
        %lt3A_77 = arith.cmpi slt, %select_n3A, %lt3A_76 : i32
        %ne3A_78 = arith.xori %lt3A_75, %lt3A_77 : i1
        %and3A = arith.andi %ne3A_78, %ne3A_74 : i1
        %add3A_79 = arith.addi %rem3A, %select_n3A : i32
        %select_n3A_80 = arith.select %and3A, %add3A_79, %rem3A : i32
        %eq3A_81 = arith.constant 0 : i32
        %eq3A_82 = arith.cmpi eq, %select_n3A_80, %eq3A_81 : i32
        %convert_element_type3A = arith.extui %eq3A_82 : i1 to i32
        %cond3A = arith.constant 0 : i32
        %cond3A_83 = arith.cmpi ne, %convert_element_type3A, %cond3A : i32
        scf.if %cond3A_83 {
          %dma_wait3A_126 = arith.constant 0 : i32
          %dma_wait3A_127 = tpu.memref_slice %arg6[%scan3A_71, %dma_wait3A_126] : memref<50x80xi32, #tpu.memory_space<vmem>> -> memref<1x80xi32, #tpu.memory_space<vmem>>
          %dma_wait3A_128 = tpu.memref_squeeze %dma_wait3A_127 : memref<1x80xi32, #tpu.memory_space<vmem>> -> memref<80xi32, #tpu.memory_space<vmem>>
          %dma_wait3A_129 = arith.constant 0 : i32
          %dma_wait3A_130 = arith.constant 0 : i32
          %dma_wait3A_131 = tpu.memref_slice %arg2[%dma_wait3A_129, %dma_wait3A_130] : memref<100000x128xf32, #tpu.memory_space<hbm>> -> memref<100000x128xf32, #tpu.memory_space<hbm>>
          tpu.wait_indirect_dma semaphore(%arg12 : memref<!tpu.dma_semaphore, #tpu.memory_space<semaphore_mem>>) src(%dma_wait3A_131 : memref<100000x128xf32, #tpu.memory_space<hbm>>) dst(%arg8 : memref<80x128xf32, #tpu.memory_space<vmem>>)
          %gt3A = arith.constant 0 : i32
          %gt3A_132 = arith.cmpi sgt, %scan3A_71, %gt3A : i32
          %convert_element_type3A_133 = arith.extui %gt3A_132 : i1 to i32
          %cond3A_134 = arith.constant 0 : i32
          %cond3A_135 = arith.cmpi ne, %convert_element_type3A_133, %cond3A_134 : i32
          scf.if %cond3A_135 {
            %sub3A = arith.constant 1 : i32
            %sub3A_147 = arith.subi %scan3A_71, %sub3A : i32
            %dma_wait3A_148 = arith.constant 0 : i32
            %dma_wait3A_149 = tpu.memref_slice %arg7[%sub3A_147, %dma_wait3A_148] : memref<50x80xi32, #tpu.memory_space<vmem>> -> memref<1x80xi32, #tpu.memory_space<vmem>>
            %dma_wait3A_150 = tpu.memref_squeeze %dma_wait3A_149 : memref<1x80xi32, #tpu.memory_space<vmem>> -> memref<80xi32, #tpu.memory_space<vmem>>
            %dma_wait3A_151 = arith.constant 0 : i32
            %dma_wait3A_152 = arith.constant 0 : i32
            %dma_wait3A_153 = tpu.memref_slice %arg11[%dma_wait3A_151, %dma_wait3A_152] : memref<10112x128xf32, #tpu.memory_space<vmem_shared>> -> memref<10112x128xf32, #tpu.memory_space<vmem_shared>>
            tpu.wait_indirect_dma semaphore(%arg15 : memref<!tpu.dma_semaphore, #tpu.memory_space<semaphore_mem>>) src(%arg10 : memref<80x128xf32, #tpu.memory_space<vmem>>) dst(%dma_wait3A_153 : memref<10112x128xf32, #tpu.memory_space<vmem_shared>>)
          } else {
          }
          %lt3A_136 = arith.constant 48 : i32
          %lt3A_137 = arith.cmpi slt, %scan3A_71, %lt3A_136 : i32
          %convert_element_type3A_138 = arith.extui %lt3A_137 : i1 to i32
          %cond3A_139 = arith.constant 0 : i32
          %cond3A_140 = arith.cmpi ne, %convert_element_type3A_138, %cond3A_139 : i32
          scf.if %cond3A_140 {
            %add3A_147 = arith.constant 2 : i32
            %add3A_148 = arith.addi %scan3A_71, %add3A_147 : i32
            %dma_start3A_149 = arith.constant 0 : i32
            %dma_start3A_150 = tpu.memref_slice %arg6[%add3A_148, %dma_start3A_149] : memref<50x80xi32, #tpu.memory_space<vmem>> -> memref<1x80xi32, #tpu.memory_space<vmem>>
            %dma_start3A_151 = tpu.memref_squeeze %dma_start3A_150 : memref<1x80xi32, #tpu.memory_space<vmem>> -> memref<80xi32, #tpu.memory_space<vmem>>
            %dma_start3A_152 = arith.constant 0 : i32
            %dma_start3A_153 = arith.constant 0 : i32
            %dma_start3A_154 = tpu.memref_slice %arg2[%dma_start3A_152, %dma_start3A_153] : memref<100000x128xf32, #tpu.memory_space<hbm>> -> memref<100000x128xf32, #tpu.memory_space<hbm>>
            tpu.enqueue_indirect_dma source(%dma_start3A_154 : memref<100000x128xf32, #tpu.memory_space<hbm>>) target(%arg10 : memref<80x128xf32, #tpu.memory_space<vmem>>) offsets(%dma_start3A_151 : memref<80xi32, #tpu.memory_space<vmem>>) semaphore(%arg14 : memref<!tpu.dma_semaphore, #tpu.memory_space<semaphore_mem>>)
          } else {
          }
          %dma_start3A_141 = arith.constant 0 : i32
          %dma_start3A_142 = tpu.memref_slice %arg7[%scan3A_71, %dma_start3A_141] : memref<50x80xi32, #tpu.memory_space<vmem>> -> memref<1x80xi32, #tpu.memory_space<vmem>>
          %dma_start3A_143 = tpu.memref_squeeze %dma_start3A_142 : memref<1x80xi32, #tpu.memory_space<vmem>> -> memref<80xi32, #tpu.memory_space<vmem>>
          %dma_start3A_144 = arith.constant 0 : i32
          %dma_start3A_145 = arith.constant 0 : i32
          %dma_start3A_146 = tpu.memref_slice %arg11[%dma_start3A_144, %dma_start3A_145] : memref<10112x128xf32, #tpu.memory_space<vmem_shared>> -> memref<10112x128xf32, #tpu.memory_space<vmem_shared>>
          tpu.enqueue_indirect_dma source(%arg8 : memref<80x128xf32, #tpu.memory_space<vmem>>) target(%dma_start3A_146 : memref<10112x128xf32, #tpu.memory_space<vmem_shared>>) offsets(%dma_start3A_143 : memref<80xi32, #tpu.memory_space<vmem>>) semaphore(%arg15 : memref<!tpu.dma_semaphore, #tpu.memory_space<semaphore_mem>>) {add = true}
        } else {
        }
        %jit3A_84 = arith.constant 3 : i32
        %eq3A_85 = arith.constant 0 : i32
        %eq3A_86 = arith.cmpi eq, %jit3A_84, %eq3A_85 : i32
        %jit3A_87 = arith.constant 1 : i32
        %select_n3A_88 = arith.select %eq3A_86, %jit3A_87, %jit3A_84 : i32
        %rem3A_89 = arith.remsi %scan3A_71, %select_n3A_88 : i32
        %ne3A_90 = arith.constant 0 : i32
        %ne3A_91 = arith.cmpi ne, %rem3A_89, %ne3A_90 : i32
        %lt3A_92 = arith.constant 0 : i32
        %lt3A_93 = arith.cmpi slt, %rem3A_89, %lt3A_92 : i32
        %lt3A_94 = arith.constant 0 : i32
        %lt3A_95 = arith.cmpi slt, %select_n3A_88, %lt3A_94 : i32
        %ne3A_96 = arith.xori %lt3A_93, %lt3A_95 : i1
        %and3A_97 = arith.andi %ne3A_96, %ne3A_91 : i1
        %add3A_98 = arith.addi %rem3A_89, %select_n3A_88 : i32
        %select_n3A_99 = arith.select %and3A_97, %add3A_98, %rem3A_89 : i32
        %eq3A_100 = arith.constant 1 : i32
        %eq3A_101 = arith.cmpi eq, %select_n3A_99, %eq3A_100 : i32
        %convert_element_type3A_102 = arith.extui %eq3A_101 : i1 to i32
        %cond3A_103 = arith.constant 0 : i32
        %cond3A_104 = arith.cmpi ne, %convert_element_type3A_102, %cond3A_103 : i32
        scf.if %cond3A_104 {
          %dma_wait3A_126 = arith.constant 0 : i32
          %dma_wait3A_127 = tpu.memref_slice %arg6[%scan3A_71, %dma_wait3A_126] : memref<50x80xi32, #tpu.memory_space<vmem>> -> memref<1x80xi32, #tpu.memory_space<vmem>>
          %dma_wait3A_128 = tpu.memref_squeeze %dma_wait3A_127 : memref<1x80xi32, #tpu.memory_space<vmem>> -> memref<80xi32, #tpu.memory_space<vmem>>
          %dma_wait3A_129 = arith.constant 0 : i32
          %dma_wait3A_130 = arith.constant 0 : i32
          %dma_wait3A_131 = tpu.memref_slice %arg2[%dma_wait3A_129, %dma_wait3A_130] : memref<100000x128xf32, #tpu.memory_space<hbm>> -> memref<100000x128xf32, #tpu.memory_space<hbm>>
          tpu.wait_indirect_dma semaphore(%arg13 : memref<!tpu.dma_semaphore, #tpu.memory_space<semaphore_mem>>) src(%dma_wait3A_131 : memref<100000x128xf32, #tpu.memory_space<hbm>>) dst(%arg9 : memref<80x128xf32, #tpu.memory_space<vmem>>)
          %gt3A = arith.constant 0 : i32
          %gt3A_132 = arith.cmpi sgt, %scan3A_71, %gt3A : i32
          %convert_element_type3A_133 = arith.extui %gt3A_132 : i1 to i32
          %cond3A_134 = arith.constant 0 : i32
          %cond3A_135 = arith.cmpi ne, %convert_element_type3A_133, %cond3A_134 : i32
          scf.if %cond3A_135 {
            %sub3A = arith.constant 1 : i32
            %sub3A_147 = arith.subi %scan3A_71, %sub3A : i32
            %dma_wait3A_148 = arith.constant 0 : i32
            %dma_wait3A_149 = tpu.memref_slice %arg7[%sub3A_147, %dma_wait3A_148] : memref<50x80xi32, #tpu.memory_space<vmem>> -> memref<1x80xi32, #tpu.memory_space<vmem>>
            %dma_wait3A_150 = tpu.memref_squeeze %dma_wait3A_149 : memref<1x80xi32, #tpu.memory_space<vmem>> -> memref<80xi32, #tpu.memory_space<vmem>>
            %dma_wait3A_151 = arith.constant 0 : i32
            %dma_wait3A_152 = arith.constant 0 : i32
            %dma_wait3A_153 = tpu.memref_slice %arg11[%dma_wait3A_151, %dma_wait3A_152] : memref<10112x128xf32, #tpu.memory_space<vmem_shared>> -> memref<10112x128xf32, #tpu.memory_space<vmem_shared>>
            tpu.wait_indirect_dma semaphore(%arg15 : memref<!tpu.dma_semaphore, #tpu.memory_space<semaphore_mem>>) src(%arg8 : memref<80x128xf32, #tpu.memory_space<vmem>>) dst(%dma_wait3A_153 : memref<10112x128xf32, #tpu.memory_space<vmem_shared>>)
          } else {
          }
          %lt3A_136 = arith.constant 48 : i32
          %lt3A_137 = arith.cmpi slt, %scan3A_71, %lt3A_136 : i32
          %convert_element_type3A_138 = arith.extui %lt3A_137 : i1 to i32
          %cond3A_139 = arith.constant 0 : i32
          %cond3A_140 = arith.cmpi ne, %convert_element_type3A_138, %cond3A_139 : i32
          scf.if %cond3A_140 {
            %add3A_147 = arith.constant 2 : i32
            %add3A_148 = arith.addi %scan3A_71, %add3A_147 : i32
            %dma_start3A_149 = arith.constant 0 : i32
            %dma_start3A_150 = tpu.memref_slice %arg6[%add3A_148, %dma_start3A_149] : memref<50x80xi32, #tpu.memory_space<vmem>> -> memref<1x80xi32, #tpu.memory_space<vmem>>
            %dma_start3A_151 = tpu.memref_squeeze %dma_start3A_150 : memref<1x80xi32, #tpu.memory_space<vmem>> -> memref<80xi32, #tpu.memory_space<vmem>>
            %dma_start3A_152 = arith.constant 0 : i32
            %dma_start3A_153 = arith.constant 0 : i32
            %dma_start3A_154 = tpu.memref_slice %arg2[%dma_start3A_152, %dma_start3A_153] : memref<100000x128xf32, #tpu.memory_space<hbm>> -> memref<100000x128xf32, #tpu.memory_space<hbm>>
            tpu.enqueue_indirect_dma source(%dma_start3A_154 : memref<100000x128xf32, #tpu.memory_space<hbm>>) target(%arg8 : memref<80x128xf32, #tpu.memory_space<vmem>>) offsets(%dma_start3A_151 : memref<80xi32, #tpu.memory_space<vmem>>) semaphore(%arg12 : memref<!tpu.dma_semaphore, #tpu.memory_space<semaphore_mem>>)
          } else {
          }
          %dma_start3A_141 = arith.constant 0 : i32
          %dma_start3A_142 = tpu.memref_slice %arg7[%scan3A_71, %dma_start3A_141] : memref<50x80xi32, #tpu.memory_space<vmem>> -> memref<1x80xi32, #tpu.memory_space<vmem>>
          %dma_start3A_143 = tpu.memref_squeeze %dma_start3A_142 : memref<1x80xi32, #tpu.memory_space<vmem>> -> memref<80xi32, #tpu.memory_space<vmem>>
          %dma_start3A_144 = arith.constant 0 : i32
          %dma_start3A_145 = arith.constant 0 : i32
          %dma_start3A_146 = tpu.memref_slice %arg11[%dma_start3A_144, %dma_start3A_145] : memref<10112x128xf32, #tpu.memory_space<vmem_shared>> -> memref<10112x128xf32, #tpu.memory_space<vmem_shared>>
          tpu.enqueue_indirect_dma source(%arg9 : memref<80x128xf32, #tpu.memory_space<vmem>>) target(%dma_start3A_146 : memref<10112x128xf32, #tpu.memory_space<vmem_shared>>) offsets(%dma_start3A_143 : memref<80xi32, #tpu.memory_space<vmem>>) semaphore(%arg15 : memref<!tpu.dma_semaphore, #tpu.memory_space<semaphore_mem>>) {add = true}
        } else {
        }
        %jit3A_105 = arith.constant 3 : i32
        %eq3A_106 = arith.constant 0 : i32
        %eq3A_107 = arith.cmpi eq, %jit3A_105, %eq3A_106 : i32
        %jit3A_108 = arith.constant 1 : i32
        %select_n3A_109 = arith.select %eq3A_107, %jit3A_108, %jit3A_105 : i32
        %rem3A_110 = arith.remsi %scan3A_71, %select_n3A_109 : i32
        %ne3A_111 = arith.constant 0 : i32
        %ne3A_112 = arith.cmpi ne, %rem3A_110, %ne3A_111 : i32
        %lt3A_113 = arith.constant 0 : i32
        %lt3A_114 = arith.cmpi slt, %rem3A_110, %lt3A_113 : i32
        %lt3A_115 = arith.constant 0 : i32
        %lt3A_116 = arith.cmpi slt, %select_n3A_109, %lt3A_115 : i32
        %ne3A_117 = arith.xori %lt3A_114, %lt3A_116 : i1
        %and3A_118 = arith.andi %ne3A_117, %ne3A_112 : i1
        %add3A_119 = arith.addi %rem3A_110, %select_n3A_109 : i32
        %select_n3A_120 = arith.select %and3A_118, %add3A_119, %rem3A_110 : i32
        %eq3A_121 = arith.constant 2 : i32
        %eq3A_122 = arith.cmpi eq, %select_n3A_120, %eq3A_121 : i32
        %convert_element_type3A_123 = arith.extui %eq3A_122 : i1 to i32
        %cond3A_124 = arith.constant 0 : i32
        %cond3A_125 = arith.cmpi ne, %convert_element_type3A_123, %cond3A_124 : i32
        scf.if %cond3A_125 {
          %dma_wait3A_126 = arith.constant 0 : i32
          %dma_wait3A_127 = tpu.memref_slice %arg6[%scan3A_71, %dma_wait3A_126] : memref<50x80xi32, #tpu.memory_space<vmem>> -> memref<1x80xi32, #tpu.memory_space<vmem>>
          %dma_wait3A_128 = tpu.memref_squeeze %dma_wait3A_127 : memref<1x80xi32, #tpu.memory_space<vmem>> -> memref<80xi32, #tpu.memory_space<vmem>>
          %dma_wait3A_129 = arith.constant 0 : i32
          %dma_wait3A_130 = arith.constant 0 : i32
          %dma_wait3A_131 = tpu.memref_slice %arg2[%dma_wait3A_129, %dma_wait3A_130] : memref<100000x128xf32, #tpu.memory_space<hbm>> -> memref<100000x128xf32, #tpu.memory_space<hbm>>
          tpu.wait_indirect_dma semaphore(%arg14 : memref<!tpu.dma_semaphore, #tpu.memory_space<semaphore_mem>>) src(%dma_wait3A_131 : memref<100000x128xf32, #tpu.memory_space<hbm>>) dst(%arg10 : memref<80x128xf32, #tpu.memory_space<vmem>>)
          %gt3A = arith.constant 0 : i32
          %gt3A_132 = arith.cmpi sgt, %scan3A_71, %gt3A : i32
          %convert_element_type3A_133 = arith.extui %gt3A_132 : i1 to i32
          %cond3A_134 = arith.constant 0 : i32
          %cond3A_135 = arith.cmpi ne, %convert_element_type3A_133, %cond3A_134 : i32
          scf.if %cond3A_135 {
            %sub3A = arith.constant 1 : i32
            %sub3A_147 = arith.subi %scan3A_71, %sub3A : i32
            %dma_wait3A_148 = arith.constant 0 : i32
            %dma_wait3A_149 = tpu.memref_slice %arg7[%sub3A_147, %dma_wait3A_148] : memref<50x80xi32, #tpu.memory_space<vmem>> -> memref<1x80xi32, #tpu.memory_space<vmem>>
            %dma_wait3A_150 = tpu.memref_squeeze %dma_wait3A_149 : memref<1x80xi32, #tpu.memory_space<vmem>> -> memref<80xi32, #tpu.memory_space<vmem>>
            %dma_wait3A_151 = arith.constant 0 : i32
            %dma_wait3A_152 = arith.constant 0 : i32
            %dma_wait3A_153 = tpu.memref_slice %arg11[%dma_wait3A_151, %dma_wait3A_152] : memref<10112x128xf32, #tpu.memory_space<vmem_shared>> -> memref<10112x128xf32, #tpu.memory_space<vmem_shared>>
            tpu.wait_indirect_dma semaphore(%arg15 : memref<!tpu.dma_semaphore, #tpu.memory_space<semaphore_mem>>) src(%arg9 : memref<80x128xf32, #tpu.memory_space<vmem>>) dst(%dma_wait3A_153 : memref<10112x128xf32, #tpu.memory_space<vmem_shared>>)
          } else {
          }
          %lt3A_136 = arith.constant 48 : i32
          %lt3A_137 = arith.cmpi slt, %scan3A_71, %lt3A_136 : i32
          %convert_element_type3A_138 = arith.extui %lt3A_137 : i1 to i32
          %cond3A_139 = arith.constant 0 : i32
          %cond3A_140 = arith.cmpi ne, %convert_element_type3A_138, %cond3A_139 : i32
          scf.if %cond3A_140 {
            %add3A_147 = arith.constant 2 : i32
            %add3A_148 = arith.addi %scan3A_71, %add3A_147 : i32
            %dma_start3A_149 = arith.constant 0 : i32
            %dma_start3A_150 = tpu.memref_slice %arg6[%add3A_148, %dma_start3A_149] : memref<50x80xi32, #tpu.memory_space<vmem>> -> memref<1x80xi32, #tpu.memory_space<vmem>>
            %dma_start3A_151 = tpu.memref_squeeze %dma_start3A_150 : memref<1x80xi32, #tpu.memory_space<vmem>> -> memref<80xi32, #tpu.memory_space<vmem>>
            %dma_start3A_152 = arith.constant 0 : i32
            %dma_start3A_153 = arith.constant 0 : i32
            %dma_start3A_154 = tpu.memref_slice %arg2[%dma_start3A_152, %dma_start3A_153] : memref<100000x128xf32, #tpu.memory_space<hbm>> -> memref<100000x128xf32, #tpu.memory_space<hbm>>
            tpu.enqueue_indirect_dma source(%dma_start3A_154 : memref<100000x128xf32, #tpu.memory_space<hbm>>) target(%arg9 : memref<80x128xf32, #tpu.memory_space<vmem>>) offsets(%dma_start3A_151 : memref<80xi32, #tpu.memory_space<vmem>>) semaphore(%arg13 : memref<!tpu.dma_semaphore, #tpu.memory_space<semaphore_mem>>)
          } else {
          }
          %dma_start3A_141 = arith.constant 0 : i32
          %dma_start3A_142 = tpu.memref_slice %arg7[%scan3A_71, %dma_start3A_141] : memref<50x80xi32, #tpu.memory_space<vmem>> -> memref<1x80xi32, #tpu.memory_space<vmem>>
          %dma_start3A_143 = tpu.memref_squeeze %dma_start3A_142 : memref<1x80xi32, #tpu.memory_space<vmem>> -> memref<80xi32, #tpu.memory_space<vmem>>
          %dma_start3A_144 = arith.constant 0 : i32
          %dma_start3A_145 = arith.constant 0 : i32
          %dma_start3A_146 = tpu.memref_slice %arg11[%dma_start3A_144, %dma_start3A_145] : memref<10112x128xf32, #tpu.memory_space<vmem_shared>> -> memref<10112x128xf32, #tpu.memory_space<vmem_shared>>
          tpu.enqueue_indirect_dma source(%arg10 : memref<80x128xf32, #tpu.memory_space<vmem>>) target(%dma_start3A_146 : memref<10112x128xf32, #tpu.memory_space<vmem_shared>>) offsets(%dma_start3A_143 : memref<80xi32, #tpu.memory_space<vmem>>) semaphore(%arg15 : memref<!tpu.dma_semaphore, #tpu.memory_space<semaphore_mem>>) {add = true}
        } else {
        }
      }
      %scan3A_64 = arith.constant 50 : i32
      %dma_wait3A = arith.constant 49 : i32
      %dma_wait3A_65 = arith.constant 0 : i32
      %dma_wait3A_66 = tpu.memref_slice %arg7[%dma_wait3A, %dma_wait3A_65] : memref<50x80xi32, #tpu.memory_space<vmem>> -> memref<1x80xi32, #tpu.memory_space<vmem>>
      %dma_wait3A_67 = tpu.memref_squeeze %dma_wait3A_66 : memref<1x80xi32, #tpu.memory_space<vmem>> -> memref<80xi32, #tpu.memory_space<vmem>>
      %dma_wait3A_68 = arith.constant 0 : i32
      %dma_wait3A_69 = arith.constant 0 : i32
      %dma_wait3A_70 = tpu.memref_slice %arg11[%dma_wait3A_68, %dma_wait3A_69] : memref<10112x128xf32, #tpu.memory_space<vmem_shared>> -> memref<10112x128xf32, #tpu.memory_space<vmem_shared>>
      tpu.wait_indirect_dma semaphore(%arg15 : memref<!tpu.dma_semaphore, #tpu.memory_space<semaphore_mem>>) src(%arg9 : memref<80x128xf32, #tpu.memory_space<vmem>>) dst(%dma_wait3A_70 : memref<10112x128xf32, #tpu.memory_space<vmem_shared>>)
    }
    %scan3A_41 = arith.constant 5 : i32
    %barrier3A_42 = arith.constant 0 : index
    tpu.barrier barrier_id(%barrier3A_42)
    %mul3A_43 = arith.constant 632 : i32
    %mul3A_44 = arith.muli %arg1, %mul3A_43 : i32
    "tpu.region"() ({
      %run_scoped3A = tpu.sem_alloc : memref<!tpu.dma_semaphore, #tpu.memory_space<semaphore_mem>>
      %dma_start3A = arith.constant 0 : i32
      %dma_start3A_45 = tpu.memref_slice %arg5[%mul3A_44, %dma_start3A] : memref<10112x128xf32, #tpu.memory_space<hbm>> -> memref<632x128xf32, #tpu.memory_space<hbm>>
      %dma_start3A_46 = arith.constant 0 : i32
      %dma_start3A_47 = tpu.memref_slice %arg11[%mul3A_44, %dma_start3A_46] : memref<10112x128xf32, #tpu.memory_space<vmem_shared>> -> memref<632x128xf32, #tpu.memory_space<vmem_shared>>
      tpu.enqueue_dma source(%dma_start3A_47 : memref<632x128xf32, #tpu.memory_space<vmem_shared>>) target(%dma_start3A_45 : memref<632x128xf32, #tpu.memory_space<hbm>>) target_semaphore(%run_scoped3A : memref<!tpu.dma_semaphore, #tpu.memory_space<semaphore_mem>>)
      %dma_wait3A = arith.constant 0 : i32
      %dma_wait3A_48 = tpu.memref_slice %arg5[%mul3A_44, %dma_wait3A] : memref<10112x128xf32, #tpu.memory_space<hbm>> -> memref<632x128xf32, #tpu.memory_space<hbm>>
      %dma_wait3A_49 = arith.constant 0 : i32
      %dma_wait3A_50 = tpu.memref_slice %arg11[%mul3A_44, %dma_wait3A_49] : memref<10112x128xf32, #tpu.memory_space<vmem_shared>> -> memref<632x128xf32, #tpu.memory_space<vmem_shared>>
      tpu.wait_dma2 semaphore(%run_scoped3A : memref<!tpu.dma_semaphore, #tpu.memory_space<semaphore_mem>>) src(%dma_wait3A_50 : memref<632x128xf32, #tpu.memory_space<vmem_shared>>) dst(%dma_wait3A_48 : memref<632x128xf32, #tpu.memory_space<hbm>>)
      tpu.yield
    }) : () -> ()
    return
  }
}

module attributes {stable_mosaic.version = 14 : i64} {
  func.func @_comb_body(%arg0: memref<2500x128xi32, #tpu.memory_space<vmem>>, %arg1: memref<2500x128xi32, #tpu.memory_space<vmem>>, %arg2: memref<2500x128xi32, #tpu.memory_space<vmem>>) attributes {dimension_semantics = [], scalar_prefetch = 0 : i64, scratch_operands = 0 : i64, tpu.core_type = #tpu.core_type<tc>} {
    %get3A = arith.constant 0 : index
    %get3A_0 = arith.constant 0 : index
    %get3A_1 = vector.load %arg1[%get3A, %get3A_0] : memref<2500x128xi32, #tpu.memory_space<vmem>>, vector<2500x128xi32>
    %mul3A = arith.constant 10000 : i32
    %mul3A_2 = vector.broadcast %mul3A : i32 to vector<2500x128xi32>
    %mul3A_3 = arith.muli %get3A_1, %mul3A_2 : vector<2500x128xi32>
    %get3A_4 = arith.constant 0 : index
    %get3A_5 = arith.constant 0 : index
    %get3A_6 = vector.load %arg0[%get3A_4, %get3A_5] : memref<2500x128xi32, #tpu.memory_space<vmem>>, vector<2500x128xi32>
    %add3A = arith.addi %mul3A_3, %get3A_6 : vector<2500x128xi32>
    %swap3A = arith.constant 0 : index
    %swap3A_7 = arith.constant 0 : index
    %swap3A_8 = vector.load %arg2[%swap3A, %swap3A_7] : memref<2500x128xi32, #tpu.memory_space<vmem>>, vector<2500x128xi32>
    tpu.vector_store %arg2[%swap3A, %swap3A_7], %add3A {strides = array<i32>} : memref<2500x128xi32, #tpu.memory_space<vmem>>, vector<2500x128xi32>,
    return
  }
}

module attributes {stable_mosaic.version = 14 : i64} {
  func.func @_embed_body(%arg0: i32, %arg1: memref<1x1x1000xi32, #tpu.memory_space<vmem>>, %arg2: memref<128x128xf32, #tpu.memory_space<vmem>>, %arg3: memref<16x128xf32, #tpu.memory_space<vmem>>, %arg4: memref<1000x128xf32, #tpu.memory_space<vmem>>, %arg5: memref<10x1000x128xf32, #tpu.memory_space<vmem>>) attributes {dimension_semantics = [#tpu.dimension_semantics<arbitrary>], iteration_bounds = array<i64: 10>, scalar_prefetch = 0 : i64, scratch_operands = 0 : i64, tpu.core_type = #tpu.core_type<tc>, window_params = [{transform_indices = @transform_0, window_bounds = array<i64: 1, 1, 1000>}, {pipeline_mode = #tpu.pipeline_mode<synchronous>, transform_indices = @transform_1, window_bounds = array<i64: 128, 128>}, {pipeline_mode = #tpu.pipeline_mode<synchronous>, transform_indices = @transform_2, window_bounds = array<i64: 16, 128>}, {transform_indices = @transform_3, window_bounds = array<i64: 1000, 128>}, {transform_indices = @transform_4, window_bounds = array<i64: 10, 1000, 128>}]} {
    %get3A = arith.constant 0 : index
    %get3A_0 = arith.constant 0 : index
    %get3A_1 = arith.constant 0 : index
    %get3A_2 = vector.load %arg1[%get3A, %get3A_0, %get3A_1] : memref<1x1x1000xi32, #tpu.memory_space<vmem>>, vector<1x1x1000xi32>
    %get3A_3 = vector.shape_cast %get3A_2 : vector<1x1x1000xi32> to vector<1000xi32>
    %broadcast_in_dim3A = vector.shape_cast %get3A_3 : vector<1000xi32> to vector<1000x1xi32>
    %iota3A = tpu.iota {dimensions = array<i32: 1>} : vector<1000x128xi32>
    %eq3A = vector.broadcast %broadcast_in_dim3A : vector<1000x1xi32> to vector<1000x128xi32>
    %eq3A_4 = arith.cmpi eq, %eq3A, %iota3A : vector<1000x128xi32>
    %convert_element_type3A = arith.extui %eq3A_4 : vector<1000x128xi1> to vector<1000x128xi32>
    %convert_element_type3A_5 = arith.sitofp %convert_element_type3A : vector<1000x128xi32> to vector<1000x128xf32>
    %get3A_6 = arith.constant 0 : index
    %get3A_7 = arith.constant 0 : index
    %get3A_8 = vector.load %arg2[%get3A_6, %get3A_7] : memref<128x128xf32, #tpu.memory_space<vmem>>, vector<128x128xf32>
    %dot_general3A = arith.constant dense<0.000000e+00> : vector<1000x128xf32>
    %dot_general3A_9 = tpu.matmul %convert_element_type3A_5, %get3A_8, %dot_general3A {dimension_numbers = #tpu.dot_dimension_numbers<[1], [0], [0], [1], [0, 0, 1, 1], [], []>, precision = #tpu.contract_precision<fp32>, transpose_lhs_hint = false} : vector<1000x128xf32>, vector<128x128xf32>, vector<1000x128xf32> -> vector<1000x128xf32>
    %swap3A = arith.constant 0 : index
    %swap3A_10 = arith.constant 0 : index
    %swap3A_11 = vector.load %arg4[%swap3A, %swap3A_10] : memref<1000x128xf32, #tpu.memory_space<vmem>>, vector<1000x128xf32>
    tpu.vector_store %arg4[%swap3A, %swap3A_10], %dot_general3A_9 {strides = array<i32>} : memref<1000x128xf32, #tpu.memory_space<vmem>>, vector<1000x128xf32>,
    %get3A_12 = arith.constant 0 : index
    %get3A_13 = arith.constant 0 : index
    %get3A_14 = vector.load %arg3[%get3A_12, %get3A_13] : memref<16x128xf32, #tpu.memory_space<vmem>>, vector<16x128xf32>
    %slice3A = vector.extract_strided_slice %get3A_14 {offsets = [0, 0], sizes = [10, 128], strides = [1, 1]} : vector<16x128xf32> to vector<10x128xf32>
    %broadcast_in_dim3A_15 = vector.shape_cast %slice3A : vector<10x128xf32> to vector<10x1x128xf32>
    %broadcast_in_dim3A_16 = vector.shape_cast %dot_general3A_9 : vector<1000x128xf32> to vector<1x1000x128xf32>
    %add3A = vector.broadcast %broadcast_in_dim3A_15 : vector<10x1x128xf32> to vector<10x1000x128xf32>
    %add3A_17 = vector.broadcast %broadcast_in_dim3A_16 : vector<1x1000x128xf32> to vector<10x1000x128xf32>
    %add3A_18 = arith.addf %add3A, %add3A_17 : vector<10x1000x128xf32>
    %max3A = arith.constant 0.000000e+00 : f32
    %max3A_19 = vector.broadcast %max3A : f32 to vector<10x1000x128xf32>
    %max3A_20 = arith.maximumf %add3A_18, %max3A_19 : vector<10x1000x128xf32>
    %swap3A_21 = arith.constant 0 : index
    %swap3A_22 = arith.constant 0 : index
    %swap3A_23 = arith.constant 0 : index
    %swap3A_24 = vector.load %arg5[%swap3A_21, %swap3A_22, %swap3A_23] : memref<10x1000x128xf32, #tpu.memory_space<vmem>>, vector<10x1000x128xf32>
    tpu.vector_store %arg5[%swap3A_21, %swap3A_22, %swap3A_23], %max3A_20 {strides = array<i32>} : memref<10x1000x128xf32, #tpu.memory_space<vmem>>, vector<10x1000x128xf32>,
    return
  }
  func.func @transform_0(%arg0: i32) -> (i32, i32, i32) {
    %c0_i32 = arith.constant 0 : i32
    %c0_i32_0 = arith.constant 0 : i32
    %c0_i32_1 = arith.constant 0 : i32
    return %arg0, %c0_i32, %c0_i32_0 : i32, i32, i32
  }
  func.func @transform_1(%arg0: i32) -> (i32, i32) {
    %c0_i32 = arith.constant 0 : i32
    %c0_i32_0 = arith.constant 0 : i32
    %c0_i32_1 = arith.constant 0 : i32
    return %c0_i32, %c0_i32_0 : i32, i32
  }
  func.func @transform_2(%arg0: i32) -> (i32, i32) {
    %c0_i32 = arith.constant 0 : i32
    %c0_i32_0 = arith.constant 0 : i32
    %c0_i32_1 = arith.constant 0 : i32
    return %c0_i32, %c0_i32_0 : i32, i32
  }
  func.func @transform_3(%arg0: i32) -> (i32, i32) {
    %c0_i32 = arith.constant 0 : i32
    %c0_i32_0 = arith.constant 0 : i32
    return %arg0, %c0_i32 : i32, i32
  }
  func.func @transform_4(%arg0: i32) -> (i32, i32, i32) {
    %c0_i32 = arith.constant 0 : i32
    %c0_i32_0 = arith.constant 0 : i32
    %c0_i32_1 = arith.constant 0 : i32
    return %c0_i32, %arg0, %c0_i32_0 : i32, i32, i32
  }
}

module attributes {stable_mosaic.version = 14 : i64} {
  func.func @_mlp_aug_body(%arg0: i32, %arg1: memref<1000x128xf32, #tpu.memory_space<vmem>>, %arg2: memref<1000x128xf32, #tpu.memory_space<vmem>>, %arg3: memref<128x128xf32, #tpu.memory_space<vmem>>, %arg4: memref<1x128xf32, #tpu.memory_space<vmem>>, %arg5: memref<128x128xf32, #tpu.memory_space<vmem>>, %arg6: memref<1x128xf32, #tpu.memory_space<vmem>>, %arg7: memref<16x128xf32, #tpu.memory_space<vmem>>, %arg8: memref<1000x128xf32, #tpu.memory_space<vmem>>, %arg9: memref<10x1000x128xf32, #tpu.memory_space<vmem>>) attributes {dimension_semantics = [#tpu.dimension_semantics<arbitrary>], iteration_bounds = array<i64: 10>, scalar_prefetch = 0 : i64, scratch_operands = 0 : i64, tpu.core_type = #tpu.core_type<tc>, window_params = [{transform_indices = @transform_0, window_bounds = array<i64: 1000, 128>}, {transform_indices = @transform_1, window_bounds = array<i64: 1000, 128>}, {pipeline_mode = #tpu.pipeline_mode<synchronous>, transform_indices = @transform_2, window_bounds = array<i64: 128, 128>}, {pipeline_mode = #tpu.pipeline_mode<synchronous>, transform_indices = @transform_3, window_bounds = array<i64: 1, 128>}, {pipeline_mode = #tpu.pipeline_mode<synchronous>, transform_indices = @transform_4, window_bounds = array<i64: 128, 128>}, {pipeline_mode = #tpu.pipeline_mode<synchronous>, transform_indices = @transform_5, window_bounds = array<i64: 1, 128>}, {pipeline_mode = #tpu.pipeline_mode<synchronous>, transform_indices = @transform_6, window_bounds = array<i64: 16, 128>}, {transform_indices = @transform_7, window_bounds = array<i64: 1000, 128>}, {transform_indices = @transform_8, window_bounds = array<i64: 10, 1000, 128>}]} {
    %get3A = arith.constant 0 : index
    %get3A_0 = arith.constant 0 : index
    %get3A_1 = vector.load %arg1[%get3A, %get3A_0] : memref<1000x128xf32, #tpu.memory_space<vmem>>, vector<1000x128xf32>
    %get3A_2 = arith.constant 0 : index
    %get3A_3 = arith.constant 0 : index
    %get3A_4 = vector.load %arg2[%get3A_2, %get3A_3] : memref<1000x128xf32, #tpu.memory_space<vmem>>, vector<1000x128xf32>
    %add3A = arith.addf %get3A_1, %get3A_4 : vector<1000x128xf32>
    %get3A_5 = arith.constant 0 : index
    %get3A_6 = arith.constant 0 : index
    %get3A_7 = vector.load %arg3[%get3A_5, %get3A_6] : memref<128x128xf32, #tpu.memory_space<vmem>>, vector<128x128xf32>
    %dot_general3A = arith.constant dense<0.000000e+00> : vector<1000x128xf32>
    %dot_general3A_8 = tpu.matmul %add3A, %get3A_7, %dot_general3A {dimension_numbers = #tpu.dot_dimension_numbers<[1], [0], [0], [1], [0, 0, 1, 1], [], []>, transpose_lhs_hint = false} : vector<1000x128xf32>, vector<128x128xf32>, vector<1000x128xf32> -> vector<1000x128xf32>
    %get3A_9 = arith.constant 0 : index
    %get3A_10 = arith.constant 0 : index
    %get3A_11 = vector.load %arg4[%get3A_9, %get3A_10] : memref<1x128xf32, #tpu.memory_space<vmem>>, vector<1x128xf32>
    %add3A_12 = vector.broadcast %get3A_11 : vector<1x128xf32> to vector<1000x128xf32>
    %add3A_13 = arith.addf %dot_general3A_8, %add3A_12 : vector<1000x128xf32>
    %max3A = arith.constant 0.000000e+00 : f32
    %max3A_14 = vector.broadcast %max3A : f32 to vector<1000x128xf32>
    %max3A_15 = arith.maximumf %add3A_13, %max3A_14 : vector<1000x128xf32>
    %get3A_16 = arith.constant 0 : index
    %get3A_17 = arith.constant 0 : index
    %get3A_18 = vector.load %arg5[%get3A_16, %get3A_17] : memref<128x128xf32, #tpu.memory_space<vmem>>, vector<128x128xf32>
    %dot_general3A_19 = arith.constant dense<0.000000e+00> : vector<1000x128xf32>
    %dot_general3A_20 = tpu.matmul %max3A_15, %get3A_18, %dot_general3A_19 {dimension_numbers = #tpu.dot_dimension_numbers<[1], [0], [0], [1], [0, 0, 1, 1], [], []>, transpose_lhs_hint = false} : vector<1000x128xf32>, vector<128x128xf32>, vector<1000x128xf32> -> vector<1000x128xf32>
    %get3A_21 = arith.constant 0 : index
    %get3A_22 = arith.constant 0 : index
    %get3A_23 = vector.load %arg6[%get3A_21, %get3A_22] : memref<1x128xf32, #tpu.memory_space<vmem>>, vector<1x128xf32>
    %add3A_24 = vector.broadcast %get3A_23 : vector<1x128xf32> to vector<1000x128xf32>
    %add3A_25 = arith.addf %dot_general3A_20, %add3A_24 : vector<1000x128xf32>
    %swap3A = arith.constant 0 : index
    %swap3A_26 = arith.constant 0 : index
    %swap3A_27 = vector.load %arg8[%swap3A, %swap3A_26] : memref<1000x128xf32, #tpu.memory_space<vmem>>, vector<1000x128xf32>
    tpu.vector_store %arg8[%swap3A, %swap3A_26], %add3A_25 {strides = array<i32>} : memref<1000x128xf32, #tpu.memory_space<vmem>>, vector<1000x128xf32>,
    %get3A_28 = arith.constant 0 : index
    %get3A_29 = arith.constant 0 : index
    %get3A_30 = vector.load %arg7[%get3A_28, %get3A_29] : memref<16x128xf32, #tpu.memory_space<vmem>>, vector<16x128xf32>
    %slice3A = vector.extract_strided_slice %get3A_30 {offsets = [0, 0], sizes = [10, 128], strides = [1, 1]} : vector<16x128xf32> to vector<10x128xf32>
    %broadcast_in_dim3A = vector.shape_cast %slice3A : vector<10x128xf32> to vector<10x1x128xf32>
    %broadcast_in_dim3A_31 = vector.shape_cast %add3A_25 : vector<1000x128xf32> to vector<1x1000x128xf32>
    %add3A_32 = vector.broadcast %broadcast_in_dim3A : vector<10x1x128xf32> to vector<10x1000x128xf32>
    %add3A_33 = vector.broadcast %broadcast_in_dim3A_31 : vector<1x1000x128xf32> to vector<10x1000x128xf32>
    %add3A_34 = arith.addf %add3A_32, %add3A_33 : vector<10x1000x128xf32>
    %max3A_35 = arith.constant 0.000000e+00 : f32
    %max3A_36 = vector.broadcast %max3A_35 : f32 to vector<10x1000x128xf32>
    %max3A_37 = arith.maximumf %add3A_34, %max3A_36 : vector<10x1000x128xf32>
    %swap3A_38 = arith.constant 0 : index
    %swap3A_39 = arith.constant 0 : index
    %swap3A_40 = arith.constant 0 : index
    %swap3A_41 = vector.load %arg9[%swap3A_38, %swap3A_39, %swap3A_40] : memref<10x1000x128xf32, #tpu.memory_space<vmem>>, vector<10x1000x128xf32>
    tpu.vector_store %arg9[%swap3A_38, %swap3A_39, %swap3A_40], %max3A_37 {strides = array<i32>} : memref<10x1000x128xf32, #tpu.memory_space<vmem>>, vector<10x1000x128xf32>,
    return
  }
  func.func @transform_0(%arg0: i32) -> (i32, i32) {
    %c0_i32 = arith.constant 0 : i32
    %c0_i32_0 = arith.constant 0 : i32
    return %arg0, %c0_i32 : i32, i32
  }
  func.func @transform_1(%arg0: i32) -> (i32, i32) {
    %c0_i32 = arith.constant 0 : i32
    %c0_i32_0 = arith.constant 0 : i32
    return %arg0, %c0_i32 : i32, i32
  }
  func.func @transform_2(%arg0: i32) -> (i32, i32) {
    %c0_i32 = arith.constant 0 : i32
    %c0_i32_0 = arith.constant 0 : i32
    %c0_i32_1 = arith.constant 0 : i32
    return %c0_i32, %c0_i32_0 : i32, i32
  }
  func.func @transform_3(%arg0: i32) -> (i32, i32) {
    %c0_i32 = arith.constant 0 : i32
    %c0_i32_0 = arith.constant 0 : i32
    %c0_i32_1 = arith.constant 0 : i32
    return %c0_i32, %c0_i32_0 : i32, i32
  }
  func.func @transform_4(%arg0: i32) -> (i32, i32) {
    %c0_i32 = arith.constant 0 : i32
    %c0_i32_0 = arith.constant 0 : i32
    %c0_i32_1 = arith.constant 0 : i32
    return %c0_i32, %c0_i32_0 : i32, i32
  }
  func.func @transform_5(%arg0: i32) -> (i32, i32) {
    %c0_i32 = arith.constant 0 : i32
    %c0_i32_0 = arith.constant 0 : i32
    %c0_i32_1 = arith.constant 0 : i32
    return %c0_i32, %c0_i32_0 : i32, i32
  }
  func.func @transform_6(%arg0: i32) -> (i32, i32) {
    %c0_i32 = arith.constant 0 : i32
    %c0_i32_0 = arith.constant 0 : i32
    %c0_i32_1 = arith.constant 0 : i32
    return %c0_i32, %c0_i32_0 : i32, i32
  }
  func.func @transform_7(%arg0: i32) -> (i32, i32) {
    %c0_i32 = arith.constant 0 : i32
    %c0_i32_0 = arith.constant 0 : i32
    return %arg0, %c0_i32 : i32, i32
  }
  func.func @transform_8(%arg0: i32) -> (i32, i32, i32) {
    %c0_i32 = arith.constant 0 : i32
    %c0_i32_0 = arith.constant 0 : i32
    %c0_i32_1 = arith.constant 0 : i32
    return %c0_i32, %arg0, %c0_i32_0 : i32, i32, i32
  }
}

module attributes {stable_mosaic.version = 14 : i64} {
  func.func @_mlp_last_body(%arg0: i32, %arg1: memref<1000x128xf32, #tpu.memory_space<vmem>>, %arg2: memref<1000x128xf32, #tpu.memory_space<vmem>>, %arg3: memref<128x128xf32, #tpu.memory_space<vmem>>, %arg4: memref<1x128xf32, #tpu.memory_space<vmem>>, %arg5: memref<128x128xf32, #tpu.memory_space<vmem>>, %arg6: memref<1x128xf32, #tpu.memory_space<vmem>>, %arg7: memref<1000x128xf32, #tpu.memory_space<vmem>>) attributes {dimension_semantics = [#tpu.dimension_semantics<arbitrary>], iteration_bounds = array<i64: 10>, scalar_prefetch = 0 : i64, scratch_operands = 0 : i64, tpu.core_type = #tpu.core_type<tc>, window_params = [{transform_indices = @transform_0, window_bounds = array<i64: 1000, 128>}, {transform_indices = @transform_1, window_bounds = array<i64: 1000, 128>}, {pipeline_mode = #tpu.pipeline_mode<synchronous>, transform_indices = @transform_2, window_bounds = array<i64: 128, 128>}, {pipeline_mode = #tpu.pipeline_mode<synchronous>, transform_indices = @transform_3, window_bounds = array<i64: 1, 128>}, {pipeline_mode = #tpu.pipeline_mode<synchronous>, transform_indices = @transform_4, window_bounds = array<i64: 128, 128>}, {pipeline_mode = #tpu.pipeline_mode<synchronous>, transform_indices = @transform_5, window_bounds = array<i64: 1, 128>}, {transform_indices = @transform_6, window_bounds = array<i64: 1000, 128>}]} {
    %get3A = arith.constant 0 : index
    %get3A_0 = arith.constant 0 : index
    %get3A_1 = vector.load %arg1[%get3A, %get3A_0] : memref<1000x128xf32, #tpu.memory_space<vmem>>, vector<1000x128xf32>
    %get3A_2 = arith.constant 0 : index
    %get3A_3 = arith.constant 0 : index
    %get3A_4 = vector.load %arg2[%get3A_2, %get3A_3] : memref<1000x128xf32, #tpu.memory_space<vmem>>, vector<1000x128xf32>
    %add3A = arith.addf %get3A_1, %get3A_4 : vector<1000x128xf32>
    %get3A_5 = arith.constant 0 : index
    %get3A_6 = arith.constant 0 : index
    %get3A_7 = vector.load %arg3[%get3A_5, %get3A_6] : memref<128x128xf32, #tpu.memory_space<vmem>>, vector<128x128xf32>
    %dot_general3A = arith.constant dense<0.000000e+00> : vector<1000x128xf32>
    %dot_general3A_8 = tpu.matmul %add3A, %get3A_7, %dot_general3A {dimension_numbers = #tpu.dot_dimension_numbers<[1], [0], [0], [1], [0, 0, 1, 1], [], []>, transpose_lhs_hint = false} : vector<1000x128xf32>, vector<128x128xf32>, vector<1000x128xf32> -> vector<1000x128xf32>
    %get3A_9 = arith.constant 0 : index
    %get3A_10 = arith.constant 0 : index
    %get3A_11 = vector.load %arg4[%get3A_9, %get3A_10] : memref<1x128xf32, #tpu.memory_space<vmem>>, vector<1x128xf32>
    %add3A_12 = vector.broadcast %get3A_11 : vector<1x128xf32> to vector<1000x128xf32>
    %add3A_13 = arith.addf %dot_general3A_8, %add3A_12 : vector<1000x128xf32>
    %max3A = arith.constant 0.000000e+00 : f32
    %max3A_14 = vector.broadcast %max3A : f32 to vector<1000x128xf32>
    %max3A_15 = arith.maximumf %add3A_13, %max3A_14 : vector<1000x128xf32>
    %get3A_16 = arith.constant 0 : index
    %get3A_17 = arith.constant 0 : index
    %get3A_18 = vector.load %arg5[%get3A_16, %get3A_17] : memref<128x128xf32, #tpu.memory_space<vmem>>, vector<128x128xf32>
    %dot_general3A_19 = arith.constant dense<0.000000e+00> : vector<1000x128xf32>
    %dot_general3A_20 = tpu.matmul %max3A_15, %get3A_18, %dot_general3A_19 {dimension_numbers = #tpu.dot_dimension_numbers<[1], [0], [0], [1], [0, 0, 1, 1], [], []>, transpose_lhs_hint = false} : vector<1000x128xf32>, vector<128x128xf32>, vector<1000x128xf32> -> vector<1000x128xf32>
    %get3A_21 = arith.constant 0 : index
    %get3A_22 = arith.constant 0 : index
    %get3A_23 = vector.load %arg6[%get3A_21, %get3A_22] : memref<1x128xf32, #tpu.memory_space<vmem>>, vector<1x128xf32>
    %add3A_24 = vector.broadcast %get3A_23 : vector<1x128xf32> to vector<1000x128xf32>
    %add3A_25 = arith.addf %dot_general3A_20, %add3A_24 : vector<1000x128xf32>
    %swap3A = arith.constant 0 : index
    %swap3A_26 = arith.constant 0 : index
    %swap3A_27 = vector.load %arg7[%swap3A, %swap3A_26] : memref<1000x128xf32, #tpu.memory_space<vmem>>, vector<1000x128xf32>
    tpu.vector_store %arg7[%swap3A, %swap3A_26], %add3A_25 {strides = array<i32>} : memref<1000x128xf32, #tpu.memory_space<vmem>>, vector<1000x128xf32>,
    return
  }
  func.func @transform_0(%arg0: i32) -> (i32, i32) {
    %c0_i32 = arith.constant 0 : i32
    %c0_i32_0 = arith.constant 0 : i32
    return %arg0, %c0_i32 : i32, i32
  }
  func.func @transform_1(%arg0: i32) -> (i32, i32) {
    %c0_i32 = arith.constant 0 : i32
    %c0_i32_0 = arith.constant 0 : i32
    return %arg0, %c0_i32 : i32, i32
  }
  func.func @transform_2(%arg0: i32) -> (i32, i32) {
    %c0_i32 = arith.constant 0 : i32
    %c0_i32_0 = arith.constant 0 : i32
    %c0_i32_1 = arith.constant 0 : i32
    return %c0_i32, %c0_i32_0 : i32, i32
  }
  func.func @transform_3(%arg0: i32) -> (i32, i32) {
    %c0_i32 = arith.constant 0 : i32
    %c0_i32_0 = arith.constant 0 : i32
    %c0_i32_1 = arith.constant 0 : i32
    return %c0_i32, %c0_i32_0 : i32, i32
  }
  func.func @transform_4(%arg0: i32) -> (i32, i32) {
    %c0_i32 = arith.constant 0 : i32
    %c0_i32_0 = arith.constant 0 : i32
    %c0_i32_1 = arith.constant 0 : i32
    return %c0_i32, %c0_i32_0 : i32, i32
  }
  func.func @transform_5(%arg0: i32) -> (i32, i32) {
    %c0_i32 = arith.constant 0 : i32
    %c0_i32_0 = arith.constant 0 : i32
    %c0_i32_1 = arith.constant 0 : i32
    return %c0_i32, %c0_i32_0 : i32, i32
  }
  func.func @transform_6(%arg0: i32) -> (i32, i32) {
    %c0_i32 = arith.constant 0 : i32
    %c0_i32_0 = arith.constant 0 : i32
    return %arg0, %c0_i32 : i32, i32
  }
}

module attributes {stable_mosaic.version = 14 : i64} {
  func.func @_readout_body(%arg0: i32, %arg1: memref<1x1x1000xi32, #tpu.memory_space<vmem>>, %arg2: memref<1000x128xf32, #tpu.memory_space<vmem>>, %arg3: memref<128x128xf32, #tpu.memory_space<vmem>>, %arg4: memref<1x128xf32, #tpu.memory_space<vmem>>, %arg5: memref<128x128xf32, #tpu.memory_space<vmem>>, %arg6: memref<1x128xf32, #tpu.memory_space<vmem>>, %arg7: memref<1x128xf32, #tpu.memory_space<vmem>>, %arg8: memref<1x128xf32, #tpu.memory_space<vmem>>, %arg9: memref<128x128xf32, #tpu.memory_space<vmem>>, %arg10: memref<128x128xf32, #tpu.memory_space<vmem>>, %arg11: memref<1x128xf32, #tpu.memory_space<vmem>>) attributes {dimension_semantics = [#tpu.dimension_semantics<arbitrary>], iteration_bounds = array<i64: 10>, scalar_prefetch = 0 : i64, scratch_operands = 2 : i64, tpu.core_type = #tpu.core_type<tc>, window_params = [{transform_indices = @transform_0, window_bounds = array<i64: 1, 1, 1000>}, {transform_indices = @transform_1, window_bounds = array<i64: 1000, 128>}, {pipeline_mode = #tpu.pipeline_mode<synchronous>, transform_indices = @transform_2, window_bounds = array<i64: 128, 128>}, {pipeline_mode = #tpu.pipeline_mode<synchronous>, transform_indices = @transform_3, window_bounds = array<i64: 1, 128>}, {pipeline_mode = #tpu.pipeline_mode<synchronous>, transform_indices = @transform_4, window_bounds = array<i64: 128, 128>}, {pipeline_mode = #tpu.pipeline_mode<synchronous>, transform_indices = @transform_5, window_bounds = array<i64: 1, 128>}, {pipeline_mode = #tpu.pipeline_mode<synchronous>, transform_indices = @transform_6, window_bounds = array<i64: 1, 128>}, {pipeline_mode = #tpu.pipeline_mode<synchronous>, transform_indices = @transform_7, window_bounds = array<i64: 1, 128>}, {pipeline_mode = #tpu.pipeline_mode<synchronous>, transform_indices = @transform_8, window_bounds = array<i64: 128, 128>}]} {
    %eq3A = arith.constant 0 : i32
    %eq3A_0 = arith.cmpi eq, %arg0, %eq3A : i32
    %convert_element_type3A = arith.extui %eq3A_0 : i1 to i32
    %cond3A = arith.constant 0 : i32
    %cond3A_1 = arith.cmpi ne, %convert_element_type3A, %cond3A : i32
    scf.if %cond3A_1 {
      %broadcast_in_dim3A_33 = arith.constant 0.000000e+00 : f32
      %broadcast_in_dim3A_34 = vector.broadcast %broadcast_in_dim3A_33 : f32 to vector<128x128xf32>
      %swap3A_35 = arith.constant 0 : index
      %swap3A_36 = arith.constant 0 : index
      %swap3A_37 = vector.load %arg10[%swap3A_35, %swap3A_36] : memref<128x128xf32, #tpu.memory_space<vmem>>, vector<128x128xf32>
      tpu.vector_store %arg10[%swap3A_35, %swap3A_36], %broadcast_in_dim3A_34 {strides = array<i32>} : memref<128x128xf32, #tpu.memory_space<vmem>>, vector<128x128xf32>,
      %broadcast_in_dim3A_38 = arith.constant 0.000000e+00 : f32
      %broadcast_in_dim3A_39 = vector.broadcast %broadcast_in_dim3A_38 : f32 to vector<1x128xf32>
      %swap3A_40 = arith.constant 0 : index
      %swap3A_41 = arith.constant 0 : index
      %swap3A_42 = vector.load %arg11[%swap3A_40, %swap3A_41] : memref<1x128xf32, #tpu.memory_space<vmem>>, vector<1x128xf32>
      tpu.vector_store %arg11[%swap3A_40, %swap3A_41], %broadcast_in_dim3A_39 {strides = array<i32>} : memref<1x128xf32, #tpu.memory_space<vmem>>, vector<1x128xf32>,
    } else {
    }
    %get3A = arith.constant 0 : index
    %get3A_2 = arith.constant 0 : index
    %get3A_3 = arith.constant 0 : index
    %get3A_4 = vector.load %arg1[%get3A, %get3A_2, %get3A_3] : memref<1x1x1000xi32, #tpu.memory_space<vmem>>, vector<1x1x1000xi32>
    %get3A_5 = vector.shape_cast %get3A_4 : vector<1x1x1000xi32> to vector<1000xi32>
    %broadcast_in_dim3A = vector.shape_cast %get3A_5 : vector<1000xi32> to vector<1000x1xi32>
    %iota3A = tpu.iota {dimensions = array<i32: 1>} : vector<1000x128xi32>
    %eq3A_6 = vector.broadcast %broadcast_in_dim3A : vector<1000x1xi32> to vector<1000x128xi32>
    %eq3A_7 = arith.cmpi eq, %eq3A_6, %iota3A : vector<1000x128xi32>
    %convert_element_type3A_8 = arith.extui %eq3A_7 : vector<1000x128xi1> to vector<1000x128xi32>
    %convert_element_type3A_9 = arith.sitofp %convert_element_type3A_8 : vector<1000x128xi32> to vector<1000x128xf32>
    %get3A_10 = arith.constant 0 : index
    %get3A_11 = arith.constant 0 : index
    %get3A_12 = vector.load %arg10[%get3A_10, %get3A_11] : memref<128x128xf32, #tpu.memory_space<vmem>>, vector<128x128xf32>
    %get3A_13 = arith.constant 0 : index
    %get3A_14 = arith.constant 0 : index
    %get3A_15 = vector.load %arg2[%get3A_13, %get3A_14] : memref<1000x128xf32, #tpu.memory_space<vmem>>, vector<1000x128xf32>
    %dot_general3A = arith.constant dense<0.000000e+00> : vector<128x128xf32>
    %dot_general3A_16 = tpu.matmul %convert_element_type3A_9, %get3A_15, %dot_general3A {dimension_numbers = #tpu.dot_dimension_numbers<[0], [0], [1], [1], [0, 1, 1, 1], [], []>, precision = #tpu.contract_precision<fp32>, transpose_lhs_hint = false} : vector<1000x128xf32>, vector<1000x128xf32>, vector<128x128xf32> -> vector<128x128xf32>
    %add3A = arith.addf %get3A_12, %dot_general3A_16 : vector<128x128xf32>
    %swap3A = arith.constant 0 : index
    %swap3A_17 = arith.constant 0 : index
    %swap3A_18 = vector.load %arg10[%swap3A, %swap3A_17] : memref<128x128xf32, #tpu.memory_space<vmem>>, vector<128x128xf32>
    tpu.vector_store %arg10[%swap3A, %swap3A_17], %add3A {strides = array<i32>} : memref<128x128xf32, #tpu.memory_space<vmem>>, vector<128x128xf32>,
    %get3A_19 = arith.constant 0 : index
    %get3A_20 = arith.constant 0 : index
    %get3A_21 = vector.load %arg11[%get3A_19, %get3A_20] : memref<1x128xf32, #tpu.memory_space<vmem>>, vector<1x128xf32>
    %reduce_sum3A = arith.constant dense<0.000000e+00> : vector<128xf32>
    %reduce_sum3A_22 = vector.multi_reduction <add>, %convert_element_type3A_9, %reduce_sum3A [0] : vector<1000x128xf32> to vector<128xf32>
    %broadcast_in_dim3A_23 = vector.shape_cast %reduce_sum3A_22 : vector<128xf32> to vector<1x128xf32>
    %add3A_24 = arith.addf %get3A_21, %broadcast_in_dim3A_23 : vector<1x128xf32>
    %swap3A_25 = arith.constant 0 : index
    %swap3A_26 = arith.constant 0 : index
    %swap3A_27 = vector.load %arg11[%swap3A_25, %swap3A_26] : memref<1x128xf32, #tpu.memory_space<vmem>>, vector<1x128xf32>
    tpu.vector_store %arg11[%swap3A_25, %swap3A_26], %add3A_24 {strides = array<i32>} : memref<1x128xf32, #tpu.memory_space<vmem>>, vector<1x128xf32>,
    %eq3A_28 = arith.constant 9 : i32
    %eq3A_29 = arith.cmpi eq, %arg0, %eq3A_28 : i32
    %convert_element_type3A_30 = arith.extui %eq3A_29 : i1 to i32
    %cond3A_31 = arith.constant 0 : i32
    %cond3A_32 = arith.cmpi ne, %convert_element_type3A_30, %cond3A_31 : i32
    scf.if %cond3A_32 {
      %get3A_33 = arith.constant 0 : index
      %get3A_34 = arith.constant 0 : index
      %get3A_35 = vector.load %arg10[%get3A_33, %get3A_34] : memref<128x128xf32, #tpu.memory_space<vmem>>, vector<128x128xf32>
      %get3A_36 = arith.constant 0 : index
      %get3A_37 = arith.constant 0 : index
      %get3A_38 = vector.load %arg11[%get3A_36, %get3A_37] : memref<1x128xf32, #tpu.memory_space<vmem>>, vector<1x128xf32>
      %max3A = arith.constant 1.000000e+00 : f32
      %max3A_39 = vector.broadcast %max3A : f32 to vector<1x128xf32>
      %max3A_40 = arith.maximumf %get3A_38, %max3A_39 : vector<1x128xf32>
      %reshape3A = vector.shape_cast %max3A_40 : vector<1x128xf32> to vector<128x1xf32>
      %div3A = vector.broadcast %reshape3A : vector<128x1xf32> to vector<128x128xf32>
      %div3A_41 = arith.divf %get3A_35, %div3A : vector<128x128xf32>
      %get3A_42 = arith.constant 0 : index
      %get3A_43 = arith.constant 0 : index
      %get3A_44 = vector.load %arg3[%get3A_42, %get3A_43] : memref<128x128xf32, #tpu.memory_space<vmem>>, vector<128x128xf32>
      %dot_general3A_45 = arith.constant dense<0.000000e+00> : vector<128x128xf32>
      %dot_general3A_46 = tpu.matmul %div3A_41, %get3A_44, %dot_general3A_45 {dimension_numbers = #tpu.dot_dimension_numbers<[1], [0], [0], [1], [0, 0, 1, 1], [], []>, precision = #tpu.contract_precision<fp32>, transpose_lhs_hint = false} : vector<128x128xf32>, vector<128x128xf32>, vector<128x128xf32> -> vector<128x128xf32>
      %get3A_47 = arith.constant 0 : index
      %get3A_48 = arith.constant 0 : index
      %get3A_49 = vector.load %arg4[%get3A_47, %get3A_48] : memref<1x128xf32, #tpu.memory_space<vmem>>, vector<1x128xf32>
      %add3A_50 = vector.broadcast %get3A_49 : vector<1x128xf32> to vector<128x128xf32>
      %add3A_51 = arith.addf %dot_general3A_46, %add3A_50 : vector<128x128xf32>
      %max3A_52 = arith.constant 0.000000e+00 : f32
      %max3A_53 = vector.broadcast %max3A_52 : f32 to vector<128x128xf32>
      %max3A_54 = arith.maximumf %add3A_51, %max3A_53 : vector<128x128xf32>
      %get3A_55 = arith.constant 0 : index
      %get3A_56 = arith.constant 0 : index
      %get3A_57 = vector.load %arg5[%get3A_55, %get3A_56] : memref<128x128xf32, #tpu.memory_space<vmem>>, vector<128x128xf32>
      %dot_general3A_58 = arith.constant dense<0.000000e+00> : vector<128x128xf32>
      %dot_general3A_59 = tpu.matmul %max3A_54, %get3A_57, %dot_general3A_58 {dimension_numbers = #tpu.dot_dimension_numbers<[1], [0], [0], [1], [0, 0, 1, 1], [], []>, precision = #tpu.contract_precision<fp32>, transpose_lhs_hint = false} : vector<128x128xf32>, vector<128x128xf32>, vector<128x128xf32> -> vector<128x128xf32>
      %get3A_60 = arith.constant 0 : index
      %get3A_61 = arith.constant 0 : index
      %get3A_62 = vector.load %arg6[%get3A_60, %get3A_61] : memref<1x128xf32, #tpu.memory_space<vmem>>, vector<1x128xf32>
      %add3A_63 = vector.broadcast %get3A_62 : vector<1x128xf32> to vector<128x128xf32>
      %add3A_64 = arith.addf %dot_general3A_59, %add3A_63 : vector<128x128xf32>
      %max3A_65 = arith.constant 0.000000e+00 : f32
      %max3A_66 = vector.broadcast %max3A_65 : f32 to vector<128x128xf32>
      %max3A_67 = arith.maximumf %add3A_64, %max3A_66 : vector<128x128xf32>
      %get3A_68 = arith.constant 0 : index
      %get3A_69 = arith.constant 0 : index
      %get3A_70 = vector.load %arg7[%get3A_68, %get3A_69] : memref<1x128xf32, #tpu.memory_space<vmem>>, vector<1x128xf32>
      %mul3A = vector.broadcast %get3A_70 : vector<1x128xf32> to vector<128x128xf32>
      %mul3A_71 = arith.mulf %max3A_67, %mul3A : vector<128x128xf32>
      %reduce_sum3A_72 = arith.constant dense<0.000000e+00> : vector<128xf32>
      %reduce_sum3A_73 = vector.multi_reduction <add>, %mul3A_71, %reduce_sum3A_72 [1] : vector<128x128xf32> to vector<128xf32>
      %broadcast_in_dim3A_74 = vector.shape_cast %reduce_sum3A_73 : vector<128xf32> to vector<128x1xf32>
      %get3A_75 = arith.constant 0 : index
      %get3A_76 = arith.constant 0 : index
      %get3A_77 = vector.load %arg8[%get3A_75, %get3A_76] : memref<1x128xf32, #tpu.memory_space<vmem>>, vector<1x128xf32>
      %add3A_78 = vector.broadcast %broadcast_in_dim3A_74 : vector<128x1xf32> to vector<128x128xf32>
      %add3A_79 = vector.broadcast %get3A_77 : vector<1x128xf32> to vector<128x128xf32>
      %add3A_80 = arith.addf %add3A_78, %add3A_79 : vector<128x128xf32>
      %swap3A_81 = arith.constant 0 : index
      %swap3A_82 = arith.constant 0 : index
      %swap3A_83 = vector.load %arg9[%swap3A_81, %swap3A_82] : memref<128x128xf32, #tpu.memory_space<vmem>>, vector<128x128xf32>
      tpu.vector_store %arg9[%swap3A_81, %swap3A_82], %add3A_80 {strides = array<i32>} : memref<128x128xf32, #tpu.memory_space<vmem>>, vector<128x128xf32>,
    } else {
    }
    return
  }
  func.func @transform_0(%arg0: i32) -> (i32, i32, i32) {
    %c0_i32 = arith.constant 0 : i32
    %c0_i32_0 = arith.constant 0 : i32
    %c0_i32_1 = arith.constant 0 : i32
    return %arg0, %c0_i32, %c0_i32_0 : i32, i32, i32
  }
  func.func @transform_1(%arg0: i32) -> (i32, i32) {
    %c0_i32 = arith.constant 0 : i32
    %c0_i32_0 = arith.constant 0 : i32
    return %arg0, %c0_i32 : i32, i32
  }
  func.func @transform_2(%arg0: i32) -> (i32, i32) {
    %c0_i32 = arith.constant 0 : i32
    %c0_i32_0 = arith.constant 0 : i32
    %c0_i32_1 = arith.constant 0 : i32
    return %c0_i32, %c0_i32_0 : i32, i32
  }
  func.func @transform_3(%arg0: i32) -> (i32, i32) {
    %c0_i32 = arith.constant 0 : i32
    %c0_i32_0 = arith.constant 0 : i32
    %c0_i32_1 = arith.constant 0 : i32
    return %c0_i32, %c0_i32_0 : i32, i32
  }
  func.func @transform_4(%arg0: i32) -> (i32, i32) {
    %c0_i32 = arith.constant 0 : i32
    %c0_i32_0 = arith.constant 0 : i32
    %c0_i32_1 = arith.constant 0 : i32
    return %c0_i32, %c0_i32_0 : i32, i32
  }
  func.func @transform_5(%arg0: i32) -> (i32, i32) {
    %c0_i32 = arith.constant 0 : i32
    %c0_i32_0 = arith.constant 0 : i32
    %c0_i32_1 = arith.constant 0 : i32
    return %c0_i32, %c0_i32_0 : i32, i32
  }
  func.func @transform_6(%arg0: i32) -> (i32, i32) {
    %c0_i32 = arith.constant 0 : i32
    %c0_i32_0 = arith.constant 0 : i32
    %c0_i32_1 = arith.constant 0 : i32
    return %c0_i32, %c0_i32_0 : i32, i32
  }
  func.func @transform_7(%arg0: i32) -> (i32, i32) {
    %c0_i32 = arith.constant 0 : i32
    %c0_i32_0 = arith.constant 0 : i32
    %c0_i32_1 = arith.constant 0 : i32
    return %c0_i32, %c0_i32_0 : i32, i32
  }
  func.func @transform_8(%arg0: i32) -> (i32, i32) {
    %c0_i32 = arith.constant 0 : i32
    %c0_i32_0 = arith.constant 0 : i32
    %c0_i32_1 = arith.constant 0 : i32
    return %c0_i32, %c0_i32_0 : i32, i32
  }
}

</mosaic_0001>

<sc_bundles>
// kernel: kernel.13.cloned.1.call-start
scs
__scs_entry_jumppad:
0x0: {  	(pc) =	sbr.rel $0x88, $3  }
0x1: {  	(tag) =	ssettag $0x0;
	lr =	simm.s32 $0x1  }
0x2: {  	[smem:$0x3F91] =	sst lr;
	_ =	strace $0xD0000000  }
0x3: {  	_ = 	snop  }
0x4: {  	_ = 	snop  }
0x5: {  	_ = 	snop  }
0x6: {  	_ = 	snop  }
0x7: {  	_ = 	snop  }
__scs_overlays_trampoline_lowered:
0x8: {  	[smem:$0x3FA0] =	sst s0  }
0x9: {  	[smem:$0x3FA1] =	sst s1  }
0xa: {  	[smem:$0x3FA2] =	sst s2  }
0xb: {  	[smem:$0x3FA3] =	sst s3  }
0xc: {  	[smem:$0x3FA4] =	sst s4  }
0xd: {  	[smem:$0x3FA5] =	sst s5  }
0xe: {  	[smem:$0x3FA6] =	sst s6  }
0xf: {  	[smem:$0x3FA7] =	sst s7  }
0x10: {  	[smem:$0x3FA8] =	sst s8  }
0x11: {  	[smem:$0x3FA9] =	sst s9;
	s0 =	simm.s32 @!p0 $0x0  }
0x12: {  	s1 =	sld [smem:$0x3F8F];
	s0 =	simm.s32 @p0 $0x1  }
0x13: {  	[smem:$0x3FAA] =	sst s0;
	s0 =	simm.s32 @!p1 $0x0  }
0x14: {  	s2 =	sld [smem:$0x3F8E];
	s0 =	simm.s32 @p1 $0x1  }
0x15: {  	[smem:$0x3FAB] =	sst s0;
	s0 =	simm.s32 @!p2 $0x0  }
0x16: {  	s3 =	sld [smem:$0x3FDB];
	s0 =	simm.s32 @p2 $0x1  }
0x17: {  	s4 =	simm.s32 $0x1BF5;
	[smem:$0x3FAD] =	sst s0  }
0x18: {  	s0 =	sld [smem:$0x3F90];
	_ =	swait.ge [sflag:s4], $0x0  }
0x19: {  	s7 =	sld [smem:$0x3F91]  }
0x1a: {  	s8 =	sadd.s32 $0xFFFFE003, lr  }
0x1b: {  	s9 =	sadd.s32 $0xFFFFFEF7, lr;
	s5 =	simm.s32 $0xFFFFFFFF;
	p2 =	slt.u32 s8, $0xFFFFF086  }
0x1c: {  	p1 =	slt.u32 s9, $0xF7A;
	s5 =	simm.s32 @!p2 $0x0  }
0x1d: {  	s5 =	simm.s32 @p1 $0x1;
	p0 =	seq.s32 s7, s2  }
0x1e: {  	s7 =	smul.u32 @!p0 $0xF7A, s2;
	p2 =	seq.s32 @!p0 s5, $0x0  }
0x1f: {  	s9 =	smul.u32 $0xF7A, s1;
	s8 =	simm.s32 @!p0 $0x1BF5;
	p2 =	por !p2, p0  }
0x20: {  	[sflag:s8] =	ssyncset.s32 @!p0 $0xFFFFF086;
	s6 =	sadd.s32 @!p0 s3, s7;
	s7 =	simm.s32 @!p0 $0x108  }
0x21: {  	s3 =	sadd.s32 s3, s9;
	s6 =	sadd.s32 @!p0 $0x88, s6;
	s7 =	simm.s32 @p2 $0x1082  }
0x22: {  	[simem:s7], [sflag:s8] =	dma.local @!p0 [hbm:s6], $0xF7A  }
0x23: {  	s9 =	sor.u32 $0xD0000000, s2;
	s6 =	simm.s32 $0x108;
	_ =	swait.ge @!p0 [sflag:s8], $0x0  }
0x24: {  	s3 =	sadd.s32 $0x88, s3;
	s6 =	simm.s32 @!p1 $0x1082;
	[sflag:s4] =	ssyncset.s32 $0xFFFFF086  }
0x25: {  	[simem:s6], [sflag:s4] =	dma.local [hbm:s3], $0xF7A  }
0x26: {  	[smem:$0x3F91] =	sst s1;
	(tag) =	ssettag s2;
	_ =	strace s9  }
0x27: {  	s1 =	sld [smem:$0x3FA1]  }
0x28: {  	s2 =	sld [smem:$0x3FA2]  }
0x29: {  	s4 =	sld [smem:$0x3FA4]  }
0x2a: {  	p0 =	seq.s32 s5, $0x0;
	s5 =	sld [smem:$0x3FA5]  }
0x2b: {  	s6 =	sld [smem:$0x3FA6]  }
0x2c: {  	s7 =	sld [smem:$0x3FA7]  }
0x2d: {  	s3 =	simm.s32 $0x108;
	s8 =	sld [smem:$0x3FA8]  }
0x2e: {  	s3 =	simm.s32 @!p0 $0x1082;
	s9 =	sld [smem:$0x3FA9]  }
0x2f: {  	lr =	sadd.s32 s0, s3;
	s0 =	sld [smem:$0x3FA0]  }
0x30: {  	s3 =	sld [smem:$0x3FA3]  }
0x31: {  	[smem:$0x3FAC] =	sst s10  }
0x32: {  	s10 =	sld [smem:$0x3FAA];
	_ =	sdelay $0x3  }
0x33: {  	p0 =	seq.s32 s10, $0x1;
	s10 =	sld [smem:$0x3FAC];
	_ =	sdelay $0x3  }
0x34: {  	[smem:$0x3FAC] =	sst s10  }
0x35: {  	s10 =	sld [smem:$0x3FAB];
	_ =	sdelay $0x3  }
0x36: {  	p1 =	seq.s32 s10, $0x1;
	s10 =	sld [smem:$0x3FAC];
	_ =	sdelay $0x3  }
0x37: {  	[smem:$0x3FAC] =	sst s10  }
0x38: {  	s10 =	sld [smem:$0x3FAD]  }
0x39: {  	_ = 	snop;
	(pc) =	sbr.ind lr, $3  }
0x3a: {  	_ = 	snop  }
0x3b: {  	_ = 	snop  }
0x3c: {  	p2 =	seq.s32 s10, $0x1;
	s10 =	sld [smem:$0x3FAC]  }
0x3d: {  	_ =	shalt  }
0x3e: {  	_ =	shalt  }
0x3f: {  	_ =	shalt  }
0x40: {  	_ =	shalt  }
0x41: {  	_ =	shalt  }
0x42: {  	_ =	shalt  }
0x43: {  	_ =	shalt  }
0x44: {  	_ =	shalt  }
0x45: {  	_ =	shalt  }
0x46: {  	_ =	shalt  }
0x47: {  	_ =	shalt  }
0x48: {  	_ =	shalt  }
0x49: {  	_ =	shalt  }
0x4a: {  	_ =	shalt  }
0x4b: {  	_ =	shalt  }
0x4c: {  	_ =	shalt  }
0x4d: {  	_ =	shalt  }
0x4e: {  	_ =	shalt  }
0x4f: {  	_ =	shalt  }
0x50: {  	_ =	shalt  }
0x51: {  	_ =	shalt  }
0x52: {  	_ =	shalt  }
0x53: {  	_ =	shalt  }
0x54: {  	_ =	shalt  }
0x55: {  	_ =	shalt  }
0x56: {  	_ =	shalt  }
0x57: {  	_ =	shalt  }
0x58: {  	_ =	shalt  }
0x59: {  	_ =	shalt  }
0x5a: {  	_ =	shalt  }
0x5b: {  	_ =	shalt  }
0x5c: {  	_ =	shalt  }
0x5d: {  	_ =	shalt  }
0x5e: {  	_ =	shalt  }
0x5f: {  	_ =	shalt  }
0x60: {  	_ =	shalt  }
0x61: {  	_ =	shalt  }
0x62: {  	_ =	shalt  }
0x63: {  	_ =	shalt  }
0x64: {  	_ =	shalt  }
0x65: {  	_ =	shalt  }
0x66: {  	_ =	shalt  }
0x67: {  	_ =	shalt  }
0x68: {  	_ =	shalt  }
0x69: {  	_ =	shalt  }
0x6a: {  	_ =	shalt  }
0x6b: {  	_ =	shalt  }
0x6c: {  	_ =	shalt  }
0x6d: {  	_ =	shalt  }
0x6e: {  	_ =	shalt  }
0x6f: {  	_ =	shalt  }
0x70: {  	_ =	shalt  }
0x71: {  	_ =	shalt  }
0x72: {  	_ =	shalt  }
0x73: {  	_ =	shalt  }
0x74: {  	_ =	shalt  }
0x75: {  	_ =	shalt  }
0x76: {  	_ =	shalt  }
0x77: {  	_ =	shalt  }
0x78: {  	_ =	shalt  }
0x79: {  	_ =	shalt  }
0x7a: {  	_ =	shalt  }
0x7b: {  	_ =	shalt  }
0x7c: {  	_ =	shalt  }
0x7d: {  	_ =	shalt  }
0x7e: {  	_ =	shalt  }
0x7f: {  	_ =	shalt  }
0x80: {  	_ =	shalt  }
0x81: {  	_ =	shalt  }
0x82: {  	_ =	shalt  }
0x83: {  	_ =	shalt  }
0x84: {  	_ =	shalt  }
0x85: {  	_ =	shalt  }
0x86: {  	_ =	shalt  }
0x87: {  	_ =	shalt  }
.Lfunc_end0:
.L_simem_size_0:
called_computation_lowered:
.L_overlay_start_0:
0x88: {  	s0 =	sld [smem:$0x3FD9]  }
0x89: {  	s1 =	sld [smem:$0x3FFE];
	_ =	sdelay $0x3  }
0x8a: {  	s0 =	sadd.s32 s1, s0  }
0x8b: {  	[smem:$0x3FB8] =	sst s0  }
0x8c: {  	_ = 	snop  }
0x8d: {  	(tm) =	ssettm $0x1  }
0x8e: {  	s15 =	sld [smem:$0x3FFB];
	_ =	sdelay $0x3  }
0x8f: {  	_ =	strace s15  }
0x90: {  	s0 =	sld [smem:$0x3FFC];
	_ =	sdelay $0x3  }
0x91: {  	_ =	strace s0  }
0x92: {  	s0 =	sld [smem:$0x3FFD];
	_ =	sdelay $0x3  }
0x93: {  	_ =	strace s0  }
0x94: {  	_ =	strace $0x8FFFFFFF  }
0x95: {  	s16 =	sld [smem:$0x3FDB];
	_ =	sdelay $0x1  }
0x96: {  	s17 =	simm.s32 $_scs_section_size  }
0x97: {  	s2 =	simm.s32 $_size__tile_overlayer_lowered;
	s3 =	simm.s32 $_tile_overlayer_lowered  }
0x98: {  	s20 =	simm.s32 $0x1BFF;
	s19 =	sshll.u32 s3, $0x1;
	s0 =	sadd.s32 s17, s16  }
0x99: {  	s4 =	simm.s32 $0x0;
	s18 =	sshll.u32 s2, $0x1;
	s2 =	sadd.s32 s19, s0  }
0x9a: {  	[timem:s4], [sflag:s20] =	dma.local [hbm:s2], s18  }
0x9b: {  	_ =	swait.ge [sflag:s20], s18  }
0x9c: {  	s1 =	ssub.s32 $0x0, s18;
	[sflag:s20] =	ssyncset.done $0x0  }
0x9d: {  	[sflag:s20] =	ssyncadd.s32 s1;
	_ =	sdelay $0x1  }
0x9e: {  	s21 =	simm.s32 $0x1B8B  }
0x9f: {  	_ =	swait.ge [sflag:s21], $0x1  }
0xa0: {  	[sflag:s21] =	ssyncset.done $0x0  }
0xa1: {  	s23 =	simm.s32 $0x1B8E;
	s22 =	sld [smem:$0x3FFE];
	[sflag:s21] =	ssyncadd.s32 $0xFFFFFFFF  }
0xa2: {  	s24 =	simm.s32 $execute0_lowered;
	[smem:$0x3FD2] =	sst s23  }
0xa3: {  	s2 =	sshll.u32 s24, $0x1;
	_ =	strace $0x80000046;
	[dreg:$0x1] =	wrdreg $0xFFFFFFFF  }
0xa4: {  	s25 =	simm.s32 $_size_execute0_lowered;
	s0 =	sadd.s32 s0, s2;
	[dreg:$0x0] =	wrdreg $0x0  }
0xa5: {  	s2 =	sshll.u32 s25, $0x1;
	[dreg:$0x2] =	wrdreg s0  }
0xa6: {  	[dreg:$0x3] =	wrdreg s2  }
0xa7: {  	[dreg:$0x4] =	wrdreg $0xC0  }
0xa8: {  	_ =	task [dreg:s4], $0x5FFFF  }
0xa9: {  	[dreg:$0x1] =	wrdreg $0xFFFFFFFF  }
0xaa: {  	[dreg:$0x0] =	wrdreg $0x60  }
0xab: {  	[dreg:$0x2] =	wrdreg s22  }
0xac: {  	[dreg:$0x3] =	wrdreg $0xB0000  }
0xad: {  	[dreg:$0x4] =	wrdreg $0x9  }
0xae: {  	_ =	task.clear_ibuf [dreg:s4], $0x5FFFF;
	_ =	strace $0x90000046  }
0xaf: {  	s26 =	simm.s32 $0x9;
	_ =	strace $0x80000048  }
0xb0: {  	_ =	swait.ge [sflag:s26], $0x1  }
0xb1: {  	[sflag:s26] =	ssyncadd.s32 $0xFFFFFFFF  }
0xb2: {  	_ =	strace $0x90000048  }
0xb3: {  	_ =	sfence  }
0xb4: {  	s28 =	sld [smem:$0x0];
	_ =	sdelay $0x1  }
0xb5: {  	s29 =	srdreg.scid  }
0xb6: {  	s30 =	sshll.u32 s29, $0xD;
	s31 =	sshrl.u32 s29, $0x2  }
0xb7: {  	s1 =	sand.u32 $0x1, s29;
	s2 =	sand.u32 $0x4000, s30;
	s0 =	sadd.s32 s31, s28  }
0xb8: {  	s1 =	sor.u32 s2, s1;
	s0 =	sshll.u32 s0, $0x11  }
0xb9: {  	s0 =	sor.u32 s0, s1  }
0xba: {  	s0 =	sadd.s32 $0x8F2B, s0  }
0xbb: {  	[sflag:s0] =	ssyncadd.remote.s32 $0x1  }
0xbc: {  	_ =	sfence.sel $0xFFFF  }
0xbd: {  	[dreg:$0x0] =	wrdreg $0xFFFFFFFF;
	(pc) =	sbr.abs _section_cstart, $3  }
0xbe: {  	[dreg:$0x1] =	wrdreg $0xFFFFFFFF  }
0xbf: {  	_ =	task.clear_ibuf [dreg:s4], $0x2FFFF;
	_ =	strace $0x9FFFFFFF  }
0xc0: {  	(tm) =	ssettm $0x7FFFFFFF  }
0xc1: {  	_ =	shalt  }
tec
execute0_lowered:
.L_overlay_start_1:
0x0: {  	(tag) =	ssettag $0x1  }
0x1: {  	s1 =	rddreg [dreg:$0x0]  }
0x2: {  	s2 =	rddreg [dreg:$0x1]  }
0x3: {  	s0 =	rddreg [dreg:$0x2];
	s3 =	simm.s32 $0x0  }
0x4: {  	s6 =	simm.s32 $0x0;
	s7 =	simm.s32 $0x200;
	[smem:$0x7FF] =	sst s3  }
0x5: {  	s3 =	sadd.s32 $0x25E00, s1;
	s4 =	sadd.s32 $0x2E00, s1;
	s5 =	sadd.s32 $0x14600, s1  }
0x6: {  	v0 =	vimm.f32 $0.0e+00;
	s9 =	sadd.s32 $0x1AC800, s1;
	s1 =	stileid.u32;
	_ =	strace $0x80000047  }
.LBB2_1:
0x7: {  	p0 =	sne.s32 s7, $0x9E00;
	[tilespmem:s6+$0x3870] =	vst v0  }
0x8: {  	[tilespmem:s6+$0x3800] =	vst v0  }
0x9: {  	[tilespmem:s6+$0x3810] =	vst v0  }
.Ltmp0:
0xa: {  	[tilespmem:s6+$0x3820] =	vst v0;
	(pc) =	sbr.rel @p0 .LBB2_1-.Ltmp0, $4  }
0xb: {  	[tilespmem:s6+$0x3830] =	vst v0  }
0xc: {  	[tilespmem:s6+$0x3840] =	vst v0  }
0xd: {  	[tilespmem:s6+$0x3850] =	vst v0  }
0xe: {  	[tilespmem:s6+$0x3860] =	vst v0;
	s6 =	sshra.s32 s7, $0x2;
	s7 =	sadd.s32 $0x200, s7  }
0xf: {  	[tilespmem:s6+$0x3870] =	vst v0  }
0x10: {  	[tilespmem:s6+$0x3800] =	vst v0  }
0x11: {  	[tilespmem:s6+$0x3810] =	vst v0  }
0x12: {  	[tilespmem:s6+$0x3820] =	vst v0  }
0x13: {  	[tilespmem:s6+$0x3830] =	vst v0;
	s7 =	smul.u32 $0x4F000, s1  }
0x14: {  	[tilespmem:s6+$0x3840] =	vst v0  }
0x15: {  	[tilespmem:s6+$0x3850] =	vst v0;
	s7 =	sshrl.u32 s7, $0x2  }
0x16: {  	[tilespmem:s6+$0x3860] =	vst v0;
	s8 =	simm.s32 $0x5;
	s6 =	sadd.s32 s7, s2;
	s7 =	simm.s32 $0x3800  }
0x17: {  	[spmem:s6] =	stream.linear.scatter [tilespmem:s7], [sflag:$0x5], $0x2800, $0x38;
	[tilespmem:$0x1EC00] =	vst v63  }
0x18: {  	_ =	swait.ge [sflag:s8], $0x2800  }
0x19: {  	[sflag:s8] =	ssyncset.done $0x0  }
0x1a: {  	s10 =	sadd.s32 $0x2800, s6;
	[sflag:s8] =	ssyncadd.s32 $0xFFFFD800  }
0x1b: {  	[spmem:s10] =	stream.linear.scatter [tilespmem:s7], [sflag:$0x5], $0x2800, $0x38;
	[tilespmem:$0x1EC00] =	vst v63  }
0x1c: {  	_ =	swait.ge [sflag:s8], $0x2800  }
0x1d: {  	[sflag:s8] =	ssyncset.done $0x0  }
0x1e: {  	s25 =	sadd.s32 $0x5000, s6;
	[sflag:s8] =	ssyncadd.s32 $0xFFFFD800  }
0x1f: {  	[spmem:s25] =	stream.linear.scatter [tilespmem:s7], [sflag:$0x5], $0x2800, $0x38;
	[tilespmem:$0x1EC00] =	vst v63  }
0x20: {  	_ =	swait.ge [sflag:s8], $0x2800  }
0x21: {  	[sflag:s8] =	ssyncset.done $0x0  }
0x22: {  	s26 =	sadd.s32 $0x7800, s6;
	[sflag:s8] =	ssyncadd.s32 $0xFFFFD800  }
0x23: {  	[spmem:s26] =	stream.linear.scatter [tilespmem:s7], [sflag:$0x5], $0x2800, $0x38;
	[tilespmem:$0x1EC00] =	vst v63  }
0x24: {  	_ =	swait.ge [sflag:s8], $0x2800  }
0x25: {  	[sflag:s8] =	ssyncset.done $0x0  }
0x26: {  	s28 =	sadd.s32 $0xA000, s6;
	[sflag:s8] =	ssyncadd.s32 $0xFFFFD800  }
0x27: {  	[spmem:s28] =	stream.linear.scatter [tilespmem:s7], [sflag:$0x5], $0x2800, $0x38;
	[tilespmem:$0x1EC00] =	vst v63  }
0x28: {  	_ =	swait.ge [sflag:s8], $0x2800  }
0x29: {  	[sflag:s8] =	ssyncset.done $0x0  }
0x2a: {  	s29 =	sadd.s32 $0xC800, s6;
	[sflag:s8] =	ssyncadd.s32 $0xFFFFD800  }
0x2b: {  	[spmem:s29] =	stream.linear.scatter [tilespmem:s7], [sflag:$0x5], $0x2800, $0x38;
	[tilespmem:$0x1EC00] =	vst v63  }
0x2c: {  	_ =	swait.ge [sflag:s8], $0x2800  }
0x2d: {  	[sflag:s8] =	ssyncset.done $0x0  }
0x2e: {  	s30 =	sadd.s32 $0xF000, s6;
	[sflag:s8] =	ssyncadd.s32 $0xFFFFD800  }
0x2f: {  	[spmem:s30] =	stream.linear.scatter [tilespmem:s7], [sflag:$0x5], $0x2800, $0x38;
	[tilespmem:$0x1EC00] =	vst v63  }
0x30: {  	_ =	swait.ge [sflag:s8], $0x2800  }
0x31: {  	s11 =	smul.u32 $0x2780, s1;
	s12 =	simm.s32 $0x50;
	[sflag:s8] =	ssyncset.done $0x0  }
0x32: {  	s13 =	simm.s32 $0x80;
	s31 =	sadd.s32 $0x11800, s6;
	[sflag:s8] =	ssyncadd.s32 $0xFFFFD800  }
0x33: {  	[spmem:s31] =	stream.linear.scatter [tilespmem:s7], [sflag:$0x5], $0x2400, $0x38;
	[tilespmem:$0x1EC00] =	vst v63  }
.Ltmp1:
0x34: {  	s14 =	simm.s32 $0x6000;
	_ =	swait.ge [sflag:s8], $0x2400;
	(pc) =	sbr.rel .LBB2_3-.Ltmp1, $4  }
0x35: {  	s15 =	simm.s32 $0x3;
	s16 =	simm.s32 $0x4;
	[sflag:s8] =	ssyncset.done $0x0  }
0x36: {  	s17 =	simm.s32 $0x8800;
	s18 =	simm.s32 $0x2;
	[sflag:s8] =	ssyncadd.s32 $0xFFFFDC00  }
0x37: {  	s19 =	simm.s32 $0x1;
	s20 =	simm.s32 $0x0;
	[bflag:$0x0] =	sbarrier.arrive $0xFFFF  }
0x38: {  	s9 =	sadd.s32 s9, s11;
	s11 =	simm.s32 $0x0;
	s10 =	smul.u32 $0x8C00, s1  }
.LBB2_11:
0x39: {  	s20 =	sadd.s32 $0x1, s20  }
0x3a: {  	p0 =	sne.s32 s20, $0x5  }
.Ltmp2:
0x3b: {  	_ = 	snop;
	(pc) =	sbr.rel @!p0 .LBB2_12-.Ltmp2, $4  }
0x3c: {  	_ = 	snop  }
0x3d: {  	_ =	swait.ge [sflag:s16], $0x2800  }
0x3e: {  	[sflag:s16] =	ssyncset.done $0x0  }
0x3f: {  	[sflag:s16] =	ssyncadd.s32 $0xFFFFD800  }
.LBB2_3:
0x40: {  	s21 =	smul.u32 $0x1C00, s20;
	_ =	sdelay $0x1  }
0x41: {  	s21 =	sadd.s32 s10, s21  }
0x42: {  	s21 =	sshrl.u32 s21, $0x3  }
0x43: {  	s22 =	sadd.s32 s4, s21  }
0x44: {  	[tilespmem:s11], [sflag:$0x5] =	stream.linear.gather [hbm4b:s22+s11], $0x1900, $0x38;
	[tilespmem:$0x1EC00] =	vst v63  }
0x45: {  	_ =	swait.ge [sflag:s8], $0x1900  }
0x46: {  	[sflag:s8] =	ssyncset.done $0x0  }
0x47: {  	s31 =	sadd.s32 s5, s21;
	s21 =	simm.s32 $0x1C00;
	[sflag:s8] =	ssyncadd.s32 $0xFFFFE700  }
0x48: {  	[tilespmem:s21], [sflag:$0x5] =	stream.linear.gather [hbm4b:s31+s11], $0x1900, $0x38;
	[tilespmem:$0x1EC00] =	vst v63  }
0x49: {  	_ =	swait.ge [sflag:s8], $0x1900  }
.Ltmp3:
0x4a: {  	[sflag:s8] =	ssyncset.done $0x0;
	(pc) =	sbr.rel .LBB2_4-.Ltmp3, $4  }
0x4b: {  	[sflag:s8] =	ssyncadd.s32 $0xFFFFE700  }
0x4c: {  	[tilespmem:s7], [sflag:$0x1] =	stream.indirect.gather [hbm4b:s3+s12], $0x80, s11, s12, $0xb8;
	[tilespmem:$0x1EC00] =	vst v63  }
0x4d: {  	s23 =	simm.s32 $0x0;
	s22 =	simm.s32 $0x100  }
0x4e: {  	[tilespmem:s14], [sflag:$0x2] =	stream.indirect.gather [hbm4b:s3+s12], $0x80, s13, s12, $0xb8;
	[tilespmem:$0x1EC00] =	vst v63  }
.LBB2_9:
0x4f: {  	_ =	swait.ge [sflag:s15], $0x2800  }
0x50: {  	[sflag:s15] =	ssyncset.done $0x0  }
0x51: {  	[sflag:s15] =	ssyncadd.s32 $0xFFFFD800  }
0x52: {  	_ =	swait.ge [sflag:s16], $0x2800  }
0x53: {  	p0 =	sgt.u32 s23, $0x2F;
	[sflag:s16] =	ssyncset.done $0x0  }
0x54: {  	s24 =	simm.s32 @!p0 $0x50;
	s25 =	simm.s32 @!p0 $0x6000;
	[sflag:s16] =	ssyncadd.s32 $0xFFFFD800  }
0x55: {  	[tilespmem:s25], [sflag:$0x2] =	stream.indirect.gather @!p0 [hbm4b:s3+s24], $0x80, s22, s24, $0xb8;
	[tilespmem:$0x1EC00] =	vst v63  }
0x56: {  	s24 =	simm.s32 @!p0 $0x8800  }
0x57: {  	s24 =	simm.s32 @p0 $0x8800  }
.LBB2_10:
0x58: {  	s23 =	sadd.s32 $0x1, s23  }
0x59: {  	p0 =	sne.s32 s23, $0x32  }
.Ltmp4:
0x5a: {  	_ = 	snop;
	(pc) =	sbr.rel @!p0 .LBB2_11-.Ltmp4, $3  }
0x5b: {  	_ =	sdelay $0x1  }
0x5c: {  	[spmem:s2] =	stream.indirect.scatter.add.f32 [tilespmem:s24], [sflag:$0x4], $0x80, s21, s12, $0xb8;
	[tilespmem:$0x1EC00] =	vst v63  }
0x5d: {  	s21 =	sadd.s32 $0x80, s21;
	s22 =	sadd.s32 $0x80, s22  }
.LBB2_4:
0x5e: {  	s24 =	smul.u32 $0xAB, s23;
	_ =	sdelay $0x1  }
0x5f: {  	s24 =	sshrl.u32 s24, $0x9  }
0x60: {  	s24 =	sand.u32 $0x7F, s24  }
0x61: {  	s24 =	smul.u32 $0x3, s24;
	_ =	sdelay $0x1  }
0x62: {  	s24 =	ssub.s32 s23, s24  }
0x63: {  	s24 =	sand.u32 $0xFF, s24  }
0x64: {  	p0 =	seq.s32 s24, $0x2  }
.Ltmp5:
0x65: {  	_ = 	snop;
	(pc) =	sbr.rel @p0 .LBB2_9-.Ltmp5, $1  }
0x66: {  	_ =	sdelay $0x3  }
0x67: {  	p0 =	seq.s32 s24, $0x1  }
.Ltmp6:
0x68: {  	_ = 	snop;
	(pc) =	sbr.rel @!p0 .LBB2_6-.Ltmp6, $1  }
0x69: {  	_ =	sdelay $0x3  }
0x6a: {  	_ =	swait.ge [sflag:s18], $0x2800  }
0x6b: {  	[sflag:s18] =	ssyncset.done $0x0  }
0x6c: {  	[sflag:s18] =	ssyncadd.s32 $0xFFFFD800  }
0x6d: {  	_ =	swait.ge [sflag:s16], $0x2800  }
.Ltmp7:
0x6e: {  	p0 =	sgt.u32 s23, $0x2F;
	[sflag:s16] =	ssyncset.done $0x0;
	(pc) =	sbr.rel .LBB2_10-.Ltmp7, $4  }
0x6f: {  	s24 =	simm.s32 @!p0 $0x50;
	s25 =	simm.s32 @!p0 $0x3800;
	[sflag:s16] =	ssyncadd.s32 $0xFFFFD800  }
0x70: {  	[tilespmem:s25], [sflag:$0x1] =	stream.indirect.gather @!p0 [hbm4b:s3+s24], $0x80, s22, s24, $0xb8;
	[tilespmem:$0x1EC00] =	vst v63  }
0x71: {  	s24 =	simm.s32 @!p0 $0x6000  }
0x72: {  	s24 =	simm.s32 @p0 $0x6000  }
.LBB2_6:
0x73: {  	p0 =	seq.s32 s23, $0x0  }
0x74: {  	p1 =	sgt.u32 @!p0 s23, $0x2F  }
0x75: {  	_ =	swait.ge [sflag:s19], $0x2800;
	p1 =	por p0, !p1  }
.Ltmp8:
0x76: {  	[sflag:s19] =	ssyncset.done $0x0;
	(pc) =	sbr.rel @!p1 .LBB2_10-.Ltmp8, $4  }
0x77: {  	s24 =	simm.s32 @!p0 $0x4;
	[sflag:s19] =	ssyncadd.s32 $0xFFFFD800  }
0x78: {  	_ =	swait.ge @!p0 [sflag:s24], $0x2800  }
0x79: {  	[sflag:s24] =	ssyncset.done @!p0 $0x0  }
0x7a: {  	[sflag:s24] =	ssyncadd.s32 @!p0 $0xFFFFD800;
	s24 =	simm.s32 @!p0 $0x3800  }
.Ltmp9:
0x7b: {  	(pc) =	sbr.rel .LBB2_10-.Ltmp9, $3  }
0x7c: {  	_ =	sdelay $0x1  }
0x7d: {  	[tilespmem:s17], [sflag:$0x3] =	stream.indirect.gather [hbm4b:s3+s12], $0x80, s22, s12, $0xb8;
	[tilespmem:$0x1EC00] =	vst v63  }
0x7e: {  	s24 =	simm.s32 $0x3800  }
.LBB2_12:
0x7f: {  	s2 =	sshll.u32 s1, $0x6;
	[bflag:$0x0] =	sbarrier.arrive $0xFFFF  }
0x80: {  	s3 =	sshrl.u32 s6, $0x3;
	s31 =	simm.s32 $0x5;
	s2 =	sor.u32 $0x1C05, s2  }
0x81: {  	[hbm:s9], [sflag:s2] =	dma.local [spmem:s3], $0x2780  }
0x82: {  	_ =	swait.ge [sflag:s31], $0x2780  }
0x83: {  	[sflag:s31] =	ssyncset.done $0x0  }
0x84: {  	[sflag:s31] =	ssyncadd.s32 $0xFFFFD880  }
0x85: {  	_ =	sfence.sel $0x180000  }
0x86: {  	[bflag:$0x0] =	sbarrier.arrive $0xFFFF  }
0x87: {  	p0 =	sne.s32 s1, $0x0;
	_ =	strace $0x90000047  }
0x88: {  	s0 =	sadd.s32 @!p0 $0x100000, s0;
	[bflag:$0x2] =	sbarrier.arrive $0xFFFF  }
0x89: {  	[sflag:s0] =	ssyncadd.tile.s32 @!p0 $0x1;
	_ =	shalt  }
.Lfunc_end2:
_tile_overlayer_lowered:
.L_overlay_start_2:
0x8a: {  	(tag) =	ssettag $0x2  }
0x8b: {  	s0 =	rddreg [dreg:$0x0];
	s2 =	stileid.u32  }
0x8c: {  	s1 =	rddreg [dreg:$0x1];
	p0 =	sne.s32 s2, $0x0  }
0x8d: {  	s3 =	rddreg [dreg:$0x2];
	[bflag:$0x3] =	sbarrier.arrive $0xFFFF;
	s2 =	simm.s32 @!p0 $0x1C05  }
0x8e: {  	[timem:s3], [sflag:s2] =	dma.local @!p0 [hbm:s0], s1  }
0x8f: {  	s0 =	simm.s32 @!p0 $0x5  }
0x90: {  	_ =	swait.ge @!p0 [sflag:s0], s1  }
0x91: {  	s1 =	ssub.s32 @!p0 $0x0, s1;
	[sflag:s0] =	ssyncset.done @!p0 $0x0  }
0x92: {  	[sflag:s0] =	ssyncadd.s32 @!p0 s1  }
0x93: {  	[bflag:$0x3] =	sbarrier.arrive $0xFFFF  }
0x94: {  	_ =	shalt  }

// kernel: kernel.16.cloned.1.call-start
scs
__scs_entry_jumppad:
0x0: {  	(pc) =	sbr.rel $0x88, $3  }
0x1: {  	(tag) =	ssettag $0x0;
	lr =	simm.s32 $0x1  }
0x2: {  	[smem:$0x3F91] =	sst lr;
	_ =	strace $0xD0000000  }
0x3: {  	_ = 	snop  }
0x4: {  	_ = 	snop  }
0x5: {  	_ = 	snop  }
0x6: {  	_ = 	snop  }
0x7: {  	_ = 	snop  }
__scs_overlays_trampoline_lowered:
0x8: {  	[smem:$0x3FA0] =	sst s0  }
0x9: {  	[smem:$0x3FA1] =	sst s1  }
0xa: {  	[smem:$0x3FA2] =	sst s2  }
0xb: {  	[smem:$0x3FA3] =	sst s3  }
0xc: {  	[smem:$0x3FA4] =	sst s4  }
0xd: {  	[smem:$0x3FA5] =	sst s5  }
0xe: {  	[smem:$0x3FA6] =	sst s6  }
0xf: {  	[smem:$0x3FA7] =	sst s7  }
0x10: {  	[smem:$0x3FA8] =	sst s8  }
0x11: {  	[smem:$0x3FA9] =	sst s9;
	s0 =	simm.s32 @!p0 $0x0  }
0x12: {  	s1 =	sld [smem:$0x3F8F];
	s0 =	simm.s32 @p0 $0x1  }
0x13: {  	[smem:$0x3FAA] =	sst s0;
	s0 =	simm.s32 @!p1 $0x0  }
0x14: {  	s2 =	sld [smem:$0x3F8E];
	s0 =	simm.s32 @p1 $0x1  }
0x15: {  	[smem:$0x3FAB] =	sst s0;
	s0 =	simm.s32 @!p2 $0x0  }
0x16: {  	s3 =	sld [smem:$0x3FDB];
	s0 =	simm.s32 @p2 $0x1  }
0x17: {  	s4 =	simm.s32 $0x1BF5;
	[smem:$0x3FAD] =	sst s0  }
0x18: {  	s0 =	sld [smem:$0x3F90];
	_ =	swait.ge [sflag:s4], $0x0  }
0x19: {  	s7 =	sld [smem:$0x3F91]  }
0x1a: {  	s8 =	sadd.s32 $0xFFFFE003, lr  }
0x1b: {  	s9 =	sadd.s32 $0xFFFFFEF7, lr;
	s5 =	simm.s32 $0xFFFFFFFF;
	p2 =	slt.u32 s8, $0xFFFFF086  }
0x1c: {  	p1 =	slt.u32 s9, $0xF7A;
	s5 =	simm.s32 @!p2 $0x0  }
0x1d: {  	s5 =	simm.s32 @p1 $0x1;
	p0 =	seq.s32 s7, s2  }
0x1e: {  	s7 =	smul.u32 @!p0 $0xF7A, s2;
	p2 =	seq.s32 @!p0 s5, $0x0  }
0x1f: {  	s9 =	smul.u32 $0xF7A, s1;
	s8 =	simm.s32 @!p0 $0x1BF5;
	p2 =	por !p2, p0  }
0x20: {  	[sflag:s8] =	ssyncset.s32 @!p0 $0xFFFFF086;
	s6 =	sadd.s32 @!p0 s3, s7;
	s7 =	simm.s32 @!p0 $0x108  }
0x21: {  	s3 =	sadd.s32 s3, s9;
	s6 =	sadd.s32 @!p0 $0x88, s6;
	s7 =	simm.s32 @p2 $0x1082  }
0x22: {  	[simem:s7], [sflag:s8] =	dma.local @!p0 [hbm:s6], $0xF7A  }
0x23: {  	s9 =	sor.u32 $0xD0000000, s2;
	s6 =	simm.s32 $0x108;
	_ =	swait.ge @!p0 [sflag:s8], $0x0  }
0x24: {  	s3 =	sadd.s32 $0x88, s3;
	s6 =	simm.s32 @!p1 $0x1082;
	[sflag:s4] =	ssyncset.s32 $0xFFFFF086  }
0x25: {  	[simem:s6], [sflag:s4] =	dma.local [hbm:s3], $0xF7A  }
0x26: {  	[smem:$0x3F91] =	sst s1;
	(tag) =	ssettag s2;
	_ =	strace s9  }
0x27: {  	s1 =	sld [smem:$0x3FA1]  }
0x28: {  	s2 =	sld [smem:$0x3FA2]  }
0x29: {  	s4 =	sld [smem:$0x3FA4]  }
0x2a: {  	p0 =	seq.s32 s5, $0x0;
	s5 =	sld [smem:$0x3FA5]  }
0x2b: {  	s6 =	sld [smem:$0x3FA6]  }
0x2c: {  	s7 =	sld [smem:$0x3FA7]  }
0x2d: {  	s3 =	simm.s32 $0x108;
	s8 =	sld [smem:$0x3FA8]  }
0x2e: {  	s3 =	simm.s32 @!p0 $0x1082;
	s9 =	sld [smem:$0x3FA9]  }
0x2f: {  	lr =	sadd.s32 s0, s3;
	s0 =	sld [smem:$0x3FA0]  }
0x30: {  	s3 =	sld [smem:$0x3FA3]  }
0x31: {  	[smem:$0x3FAC] =	sst s10  }
0x32: {  	s10 =	sld [smem:$0x3FAA];
	_ =	sdelay $0x3  }
0x33: {  	p0 =	seq.s32 s10, $0x1;
	s10 =	sld [smem:$0x3FAC];
	_ =	sdelay $0x3  }
0x34: {  	[smem:$0x3FAC] =	sst s10  }
0x35: {  	s10 =	sld [smem:$0x3FAB];
	_ =	sdelay $0x3  }
0x36: {  	p1 =	seq.s32 s10, $0x1;
	s10 =	sld [smem:$0x3FAC];
	_ =	sdelay $0x3  }
0x37: {  	[smem:$0x3FAC] =	sst s10  }
0x38: {  	s10 =	sld [smem:$0x3FAD]  }
0x39: {  	_ = 	snop;
	(pc) =	sbr.ind lr, $3  }
0x3a: {  	_ = 	snop  }
0x3b: {  	_ = 	snop  }
0x3c: {  	p2 =	seq.s32 s10, $0x1;
	s10 =	sld [smem:$0x3FAC]  }
0x3d: {  	_ =	shalt  }
0x3e: {  	_ =	shalt  }
0x3f: {  	_ =	shalt  }
0x40: {  	_ =	shalt  }
0x41: {  	_ =	shalt  }
0x42: {  	_ =	shalt  }
0x43: {  	_ =	shalt  }
0x44: {  	_ =	shalt  }
0x45: {  	_ =	shalt  }
0x46: {  	_ =	shalt  }
0x47: {  	_ =	shalt  }
0x48: {  	_ =	shalt  }
0x49: {  	_ =	shalt  }
0x4a: {  	_ =	shalt  }
0x4b: {  	_ =	shalt  }
0x4c: {  	_ =	shalt  }
0x4d: {  	_ =	shalt  }
0x4e: {  	_ =	shalt  }
0x4f: {  	_ =	shalt  }
0x50: {  	_ =	shalt  }
0x51: {  	_ =	shalt  }
0x52: {  	_ =	shalt  }
0x53: {  	_ =	shalt  }
0x54: {  	_ =	shalt  }
0x55: {  	_ =	shalt  }
0x56: {  	_ =	shalt  }
0x57: {  	_ =	shalt  }
0x58: {  	_ =	shalt  }
0x59: {  	_ =	shalt  }
0x5a: {  	_ =	shalt  }
0x5b: {  	_ =	shalt  }
0x5c: {  	_ =	shalt  }
0x5d: {  	_ =	shalt  }
0x5e: {  	_ =	shalt  }
0x5f: {  	_ =	shalt  }
0x60: {  	_ =	shalt  }
0x61: {  	_ =	shalt  }
0x62: {  	_ =	shalt  }
0x63: {  	_ =	shalt  }
0x64: {  	_ =	shalt  }
0x65: {  	_ =	shalt  }
0x66: {  	_ =	shalt  }
0x67: {  	_ =	shalt  }
0x68: {  	_ =	shalt  }
0x69: {  	_ =	shalt  }
0x6a: {  	_ =	shalt  }
0x6b: {  	_ =	shalt  }
0x6c: {  	_ =	shalt  }
0x6d: {  	_ =	shalt  }
0x6e: {  	_ =	shalt  }
0x6f: {  	_ =	shalt  }
0x70: {  	_ =	shalt  }
0x71: {  	_ =	shalt  }
0x72: {  	_ =	shalt  }
0x73: {  	_ =	shalt  }
0x74: {  	_ =	shalt  }
0x75: {  	_ =	shalt  }
0x76: {  	_ =	shalt  }
0x77: {  	_ =	shalt  }
0x78: {  	_ =	shalt  }
0x79: {  	_ =	shalt  }
0x7a: {  	_ =	shalt  }
0x7b: {  	_ =	shalt  }
0x7c: {  	_ =	shalt  }
0x7d: {  	_ =	shalt  }
0x7e: {  	_ =	shalt  }
0x7f: {  	_ =	shalt  }
0x80: {  	_ =	shalt  }
0x81: {  	_ =	shalt  }
0x82: {  	_ =	shalt  }
0x83: {  	_ =	shalt  }
0x84: {  	_ =	shalt  }
0x85: {  	_ =	shalt  }
0x86: {  	_ =	shalt  }
0x87: {  	_ =	shalt  }
.Lfunc_end0:
.L_simem_size_0:
called_computation.1_lowered:
.L_overlay_start_0:
0x88: {  	s0 =	sld [smem:$0x3FD9]  }
0x89: {  	s1 =	sld [smem:$0x3FFE];
	_ =	sdelay $0x3  }
0x8a: {  	s0 =	sadd.s32 s1, s0  }
0x8b: {  	[smem:$0x3FB8] =	sst s0  }
0x8c: {  	_ = 	snop  }
0x8d: {  	(tm) =	ssettm $0x1  }
0x8e: {  	s15 =	sld [smem:$0x3FFB];
	_ =	sdelay $0x3  }
0x8f: {  	_ =	strace s15  }
0x90: {  	s0 =	sld [smem:$0x3FFC];
	_ =	sdelay $0x3  }
0x91: {  	_ =	strace s0  }
0x92: {  	s0 =	sld [smem:$0x3FFD];
	_ =	sdelay $0x3  }
0x93: {  	_ =	strace s0  }
0x94: {  	_ =	strace $0x8FFFFFFF  }
0x95: {  	s16 =	sld [smem:$0x3FDB];
	_ =	sdelay $0x1  }
0x96: {  	s17 =	simm.s32 $_scs_section_size  }
0x97: {  	s2 =	simm.s32 $_size__tile_overlayer_lowered;
	s3 =	simm.s32 $_tile_overlayer_lowered  }
0x98: {  	s20 =	simm.s32 $0x1BFF;
	s19 =	sshll.u32 s3, $0x1;
	s0 =	sadd.s32 s17, s16  }
0x99: {  	s4 =	simm.s32 $0x0;
	s18 =	sshll.u32 s2, $0x1;
	s2 =	sadd.s32 s19, s0  }
0x9a: {  	[timem:s4], [sflag:s20] =	dma.local [hbm:s2], s18  }
0x9b: {  	_ =	swait.ge [sflag:s20], s18  }
0x9c: {  	s1 =	ssub.s32 $0x0, s18;
	[sflag:s20] =	ssyncset.done $0x0  }
0x9d: {  	[sflag:s20] =	ssyncadd.s32 s1;
	_ =	sdelay $0x1  }
0x9e: {  	s21 =	simm.s32 $0x1B8B  }
0x9f: {  	_ =	swait.ge [sflag:s21], $0x1  }
0xa0: {  	[sflag:s21] =	ssyncset.done $0x0  }
0xa1: {  	s23 =	simm.s32 $0x1B8E;
	s22 =	sld [smem:$0x3FFE];
	[sflag:s21] =	ssyncadd.s32 $0xFFFFFFFF  }
0xa2: {  	s24 =	simm.s32 $execute0_lowered;
	[smem:$0x3FD2] =	sst s23  }
0xa3: {  	s2 =	sshll.u32 s24, $0x1;
	_ =	strace $0x80000049;
	[dreg:$0x1] =	wrdreg $0xFFFFFFFF  }
0xa4: {  	s25 =	simm.s32 $_size_execute0_lowered;
	s0 =	sadd.s32 s0, s2;
	[dreg:$0x0] =	wrdreg $0x0  }
0xa5: {  	s2 =	sshll.u32 s25, $0x1;
	[dreg:$0x2] =	wrdreg s0  }
0xa6: {  	[dreg:$0x3] =	wrdreg s2  }
0xa7: {  	[dreg:$0x4] =	wrdreg $0xC0  }
0xa8: {  	_ =	task [dreg:s4], $0x5FFFF  }
0xa9: {  	[dreg:$0x1] =	wrdreg $0xFFFFFFFF  }
0xaa: {  	[dreg:$0x0] =	wrdreg $0x60  }
0xab: {  	[dreg:$0x2] =	wrdreg s22  }
0xac: {  	[dreg:$0x3] =	wrdreg $0xB0000  }
0xad: {  	[dreg:$0x4] =	wrdreg $0x9  }
0xae: {  	_ =	task.clear_ibuf [dreg:s4], $0x5FFFF;
	_ =	strace $0x90000049  }
0xaf: {  	s26 =	simm.s32 $0x9;
	_ =	strace $0x8000004B  }
0xb0: {  	_ =	swait.ge [sflag:s26], $0x1  }
0xb1: {  	[sflag:s26] =	ssyncadd.s32 $0xFFFFFFFF  }
0xb2: {  	_ =	strace $0x9000004B  }
0xb3: {  	_ =	sfence  }
0xb4: {  	s28 =	sld [smem:$0x0];
	_ =	sdelay $0x1  }
0xb5: {  	s29 =	srdreg.scid  }
0xb6: {  	s30 =	sshll.u32 s29, $0xD;
	s31 =	sshrl.u32 s29, $0x2  }
0xb7: {  	s1 =	sand.u32 $0x1, s29;
	s2 =	sand.u32 $0x4000, s30;
	s0 =	sadd.s32 s31, s28  }
0xb8: {  	s1 =	sor.u32 s2, s1;
	s0 =	sshll.u32 s0, $0x11  }
0xb9: {  	s0 =	sor.u32 s0, s1  }
0xba: {  	s0 =	sadd.s32 $0x8F2B, s0  }
0xbb: {  	[sflag:s0] =	ssyncadd.remote.s32 $0x1  }
0xbc: {  	_ =	sfence.sel $0xFFFF  }
0xbd: {  	[dreg:$0x0] =	wrdreg $0xFFFFFFFF;
	(pc) =	sbr.abs _section_cstart, $3  }
0xbe: {  	[dreg:$0x1] =	wrdreg $0xFFFFFFFF  }
0xbf: {  	_ =	task.clear_ibuf [dreg:s4], $0x2FFFF;
	_ =	strace $0x9FFFFFFF  }
0xc0: {  	(tm) =	ssettm $0x7FFFFFFF  }
0xc1: {  	_ =	shalt  }
tec
execute0_lowered:
.L_overlay_start_1:
0x0: {  	(tag) =	ssettag $0x1  }
0x1: {  	s1 =	rddreg [dreg:$0x0]  }
0x2: {  	s2 =	rddreg [dreg:$0x1]  }
0x3: {  	s0 =	rddreg [dreg:$0x2];
	s3 =	simm.s32 $0x0  }
0x4: {  	s6 =	simm.s32 $0x0;
	s7 =	simm.s32 $0x200;
	[smem:$0x7FF] =	sst s3  }
0x5: {  	s3 =	sadd.s32 $0x25E00, s1;
	s4 =	sadd.s32 $0x2E00, s1;
	s5 =	sadd.s32 $0x14600, s1  }
0x6: {  	v0 =	vimm.f32 $0.0e+00;
	s9 =	sadd.s32 $0x1AC800, s1;
	s1 =	stileid.u32;
	_ =	strace $0x8000004A  }
.LBB2_1:
0x7: {  	p0 =	sne.s32 s7, $0x9E00;
	[tilespmem:s6+$0x3870] =	vst v0  }
0x8: {  	[tilespmem:s6+$0x3800] =	vst v0  }
0x9: {  	[tilespmem:s6+$0x3810] =	vst v0  }
.Ltmp0:
0xa: {  	[tilespmem:s6+$0x3820] =	vst v0;
	(pc) =	sbr.rel @p0 .LBB2_1-.Ltmp0, $4  }
0xb: {  	[tilespmem:s6+$0x3830] =	vst v0  }
0xc: {  	[tilespmem:s6+$0x3840] =	vst v0  }
0xd: {  	[tilespmem:s6+$0x3850] =	vst v0  }
0xe: {  	[tilespmem:s6+$0x3860] =	vst v0;
	s6 =	sshra.s32 s7, $0x2;
	s7 =	sadd.s32 $0x200, s7  }
0xf: {  	[tilespmem:s6+$0x3870] =	vst v0  }
0x10: {  	[tilespmem:s6+$0x3800] =	vst v0  }
0x11: {  	[tilespmem:s6+$0x3810] =	vst v0  }
0x12: {  	[tilespmem:s6+$0x3820] =	vst v0  }
0x13: {  	[tilespmem:s6+$0x3830] =	vst v0;
	s7 =	smul.u32 $0x4F000, s1  }
0x14: {  	[tilespmem:s6+$0x3840] =	vst v0  }
0x15: {  	[tilespmem:s6+$0x3850] =	vst v0;
	s7 =	sshrl.u32 s7, $0x2  }
0x16: {  	[tilespmem:s6+$0x3860] =	vst v0;
	s8 =	simm.s32 $0x5;
	s6 =	sadd.s32 s7, s2;
	s7 =	simm.s32 $0x3800  }
0x17: {  	[spmem:s6] =	stream.linear.scatter [tilespmem:s7], [sflag:$0x5], $0x2800, $0x38;
	[tilespmem:$0x1EC00] =	vst v63  }
0x18: {  	_ =	swait.ge [sflag:s8], $0x2800  }
0x19: {  	[sflag:s8] =	ssyncset.done $0x0  }
0x1a: {  	s10 =	sadd.s32 $0x2800, s6;
	[sflag:s8] =	ssyncadd.s32 $0xFFFFD800  }
0x1b: {  	[spmem:s10] =	stream.linear.scatter [tilespmem:s7], [sflag:$0x5], $0x2800, $0x38;
	[tilespmem:$0x1EC00] =	vst v63  }
0x1c: {  	_ =	swait.ge [sflag:s8], $0x2800  }
0x1d: {  	[sflag:s8] =	ssyncset.done $0x0  }
0x1e: {  	s25 =	sadd.s32 $0x5000, s6;
	[sflag:s8] =	ssyncadd.s32 $0xFFFFD800  }
0x1f: {  	[spmem:s25] =	stream.linear.scatter [tilespmem:s7], [sflag:$0x5], $0x2800, $0x38;
	[tilespmem:$0x1EC00] =	vst v63  }
0x20: {  	_ =	swait.ge [sflag:s8], $0x2800  }
0x21: {  	[sflag:s8] =	ssyncset.done $0x0  }
0x22: {  	s26 =	sadd.s32 $0x7800, s6;
	[sflag:s8] =	ssyncadd.s32 $0xFFFFD800  }
0x23: {  	[spmem:s26] =	stream.linear.scatter [tilespmem:s7], [sflag:$0x5], $0x2800, $0x38;
	[tilespmem:$0x1EC00] =	vst v63  }
0x24: {  	_ =	swait.ge [sflag:s8], $0x2800  }
0x25: {  	[sflag:s8] =	ssyncset.done $0x0  }
0x26: {  	s28 =	sadd.s32 $0xA000, s6;
	[sflag:s8] =	ssyncadd.s32 $0xFFFFD800  }
0x27: {  	[spmem:s28] =	stream.linear.scatter [tilespmem:s7], [sflag:$0x5], $0x2800, $0x38;
	[tilespmem:$0x1EC00] =	vst v63  }
0x28: {  	_ =	swait.ge [sflag:s8], $0x2800  }
0x29: {  	[sflag:s8] =	ssyncset.done $0x0  }
0x2a: {  	s29 =	sadd.s32 $0xC800, s6;
	[sflag:s8] =	ssyncadd.s32 $0xFFFFD800  }
0x2b: {  	[spmem:s29] =	stream.linear.scatter [tilespmem:s7], [sflag:$0x5], $0x2800, $0x38;
	[tilespmem:$0x1EC00] =	vst v63  }
0x2c: {  	_ =	swait.ge [sflag:s8], $0x2800  }
0x2d: {  	[sflag:s8] =	ssyncset.done $0x0  }
0x2e: {  	s30 =	sadd.s32 $0xF000, s6;
	[sflag:s8] =	ssyncadd.s32 $0xFFFFD800  }
0x2f: {  	[spmem:s30] =	stream.linear.scatter [tilespmem:s7], [sflag:$0x5], $0x2800, $0x38;
	[tilespmem:$0x1EC00] =	vst v63  }
0x30: {  	_ =	swait.ge [sflag:s8], $0x2800  }
0x31: {  	s11 =	smul.u32 $0x2780, s1;
	s12 =	simm.s32 $0x50;
	[sflag:s8] =	ssyncset.done $0x0  }
0x32: {  	s13 =	simm.s32 $0x80;
	s31 =	sadd.s32 $0x11800, s6;
	[sflag:s8] =	ssyncadd.s32 $0xFFFFD800  }
0x33: {  	[spmem:s31] =	stream.linear.scatter [tilespmem:s7], [sflag:$0x5], $0x2400, $0x38;
	[tilespmem:$0x1EC00] =	vst v63  }
.Ltmp1:
0x34: {  	s14 =	simm.s32 $0x6000;
	_ =	swait.ge [sflag:s8], $0x2400;
	(pc) =	sbr.rel .LBB2_3-.Ltmp1, $4  }
0x35: {  	s15 =	simm.s32 $0x3;
	s16 =	simm.s32 $0x4;
	[sflag:s8] =	ssyncset.done $0x0  }
0x36: {  	s17 =	simm.s32 $0x8800;
	s18 =	simm.s32 $0x2;
	[sflag:s8] =	ssyncadd.s32 $0xFFFFDC00  }
0x37: {  	s19 =	simm.s32 $0x1;
	s20 =	simm.s32 $0x0;
	[bflag:$0x0] =	sbarrier.arrive $0xFFFF  }
0x38: {  	s9 =	sadd.s32 s9, s11;
	s11 =	simm.s32 $0x0;
	s10 =	smul.u32 $0x8C00, s1  }
.LBB2_11:
0x39: {  	s20 =	sadd.s32 $0x1, s20  }
0x3a: {  	p0 =	sne.s32 s20, $0x5  }
.Ltmp2:
0x3b: {  	_ = 	snop;
	(pc) =	sbr.rel @!p0 .LBB2_12-.Ltmp2, $4  }
0x3c: {  	_ = 	snop  }
0x3d: {  	_ =	swait.ge [sflag:s16], $0x2800  }
0x3e: {  	[sflag:s16] =	ssyncset.done $0x0  }
0x3f: {  	[sflag:s16] =	ssyncadd.s32 $0xFFFFD800  }
.LBB2_3:
0x40: {  	s21 =	smul.u32 $0x1C00, s20;
	_ =	sdelay $0x1  }
0x41: {  	s21 =	sadd.s32 s10, s21  }
0x42: {  	s21 =	sshrl.u32 s21, $0x3  }
0x43: {  	s22 =	sadd.s32 s4, s21  }
0x44: {  	[tilespmem:s11], [sflag:$0x5] =	stream.linear.gather [hbm4b:s22+s11], $0x1900, $0x38;
	[tilespmem:$0x1EC00] =	vst v63  }
0x45: {  	_ =	swait.ge [sflag:s8], $0x1900  }
0x46: {  	[sflag:s8] =	ssyncset.done $0x0  }
0x47: {  	s31 =	sadd.s32 s5, s21;
	s21 =	simm.s32 $0x1C00;
	[sflag:s8] =	ssyncadd.s32 $0xFFFFE700  }
0x48: {  	[tilespmem:s21], [sflag:$0x5] =	stream.linear.gather [hbm4b:s31+s11], $0x1900, $0x38;
	[tilespmem:$0x1EC00] =	vst v63  }
0x49: {  	_ =	swait.ge [sflag:s8], $0x1900  }
.Ltmp3:
0x4a: {  	[sflag:s8] =	ssyncset.done $0x0;
	(pc) =	sbr.rel .LBB2_4-.Ltmp3, $4  }
0x4b: {  	[sflag:s8] =	ssyncadd.s32 $0xFFFFE700  }
0x4c: {  	[tilespmem:s7], [sflag:$0x1] =	stream.indirect.gather [hbm4b:s3+s12], $0x80, s11, s12, $0xb8;
	[tilespmem:$0x1EC00] =	vst v63  }
0x4d: {  	s23 =	simm.s32 $0x0;
	s22 =	simm.s32 $0x100  }
0x4e: {  	[tilespmem:s14], [sflag:$0x2] =	stream.indirect.gather [hbm4b:s3+s12], $0x80, s13, s12, $0xb8;
	[tilespmem:$0x1EC00] =	vst v63  }
.LBB2_9:
0x4f: {  	_ =	swait.ge [sflag:s15], $0x2800  }
0x50: {  	[sflag:s15] =	ssyncset.done $0x0  }
0x51: {  	[sflag:s15] =	ssyncadd.s32 $0xFFFFD800  }
0x52: {  	_ =	swait.ge [sflag:s16], $0x2800  }
0x53: {  	p0 =	sgt.u32 s23, $0x2F;
	[sflag:s16] =	ssyncset.done $0x0  }
0x54: {  	s24 =	simm.s32 @!p0 $0x50;
	s25 =	simm.s32 @!p0 $0x6000;
	[sflag:s16] =	ssyncadd.s32 $0xFFFFD800  }
0x55: {  	[tilespmem:s25], [sflag:$0x2] =	stream.indirect.gather @!p0 [hbm4b:s3+s24], $0x80, s22, s24, $0xb8;
	[tilespmem:$0x1EC00] =	vst v63  }
0x56: {  	s24 =	simm.s32 @!p0 $0x8800  }
0x57: {  	s24 =	simm.s32 @p0 $0x8800  }
.LBB2_10:
0x58: {  	s23 =	sadd.s32 $0x1, s23  }
0x59: {  	p0 =	sne.s32 s23, $0x32  }
.Ltmp4:
0x5a: {  	_ = 	snop;
	(pc) =	sbr.rel @!p0 .LBB2_11-.Ltmp4, $3  }
0x5b: {  	_ =	sdelay $0x1  }
0x5c: {  	[spmem:s2] =	stream.indirect.scatter.add.f32 [tilespmem:s24], [sflag:$0x4], $0x80, s21, s12, $0xb8;
	[tilespmem:$0x1EC00] =	vst v63  }
0x5d: {  	s21 =	sadd.s32 $0x80, s21;
	s22 =	sadd.s32 $0x80, s22  }
.LBB2_4:
0x5e: {  	s24 =	smul.u32 $0xAB, s23;
	_ =	sdelay $0x1  }
0x5f: {  	s24 =	sshrl.u32 s24, $0x9  }
0x60: {  	s24 =	sand.u32 $0x7F, s24  }
0x61: {  	s24 =	smul.u32 $0x3, s24;
	_ =	sdelay $0x1  }
0x62: {  	s24 =	ssub.s32 s23, s24  }
0x63: {  	s24 =	sand.u32 $0xFF, s24  }
0x64: {  	p0 =	seq.s32 s24, $0x2  }
.Ltmp5:
0x65: {  	_ = 	snop;
	(pc) =	sbr.rel @p0 .LBB2_9-.Ltmp5, $1  }
0x66: {  	_ =	sdelay $0x3  }
0x67: {  	p0 =	seq.s32 s24, $0x1  }
.Ltmp6:
0x68: {  	_ = 	snop;
	(pc) =	sbr.rel @!p0 .LBB2_6-.Ltmp6, $1  }
0x69: {  	_ =	sdelay $0x3  }
0x6a: {  	_ =	swait.ge [sflag:s18], $0x2800  }
0x6b: {  	[sflag:s18] =	ssyncset.done $0x0  }
0x6c: {  	[sflag:s18] =	ssyncadd.s32 $0xFFFFD800  }
0x6d: {  	_ =	swait.ge [sflag:s16], $0x2800  }
.Ltmp7:
0x6e: {  	p0 =	sgt.u32 s23, $0x2F;
	[sflag:s16] =	ssyncset.done $0x0;
	(pc) =	sbr.rel .LBB2_10-.Ltmp7, $4  }
0x6f: {  	s24 =	simm.s32 @!p0 $0x50;
	s25 =	simm.s32 @!p0 $0x3800;
	[sflag:s16] =	ssyncadd.s32 $0xFFFFD800  }
0x70: {  	[tilespmem:s25], [sflag:$0x1] =	stream.indirect.gather @!p0 [hbm4b:s3+s24], $0x80, s22, s24, $0xb8;
	[tilespmem:$0x1EC00] =	vst v63  }
0x71: {  	s24 =	simm.s32 @!p0 $0x6000  }
0x72: {  	s24 =	simm.s32 @p0 $0x6000  }
.LBB2_6:
0x73: {  	p0 =	seq.s32 s23, $0x0  }
0x74: {  	p1 =	sgt.u32 @!p0 s23, $0x2F  }
0x75: {  	_ =	swait.ge [sflag:s19], $0x2800;
	p1 =	por p0, !p1  }
.Ltmp8:
0x76: {  	[sflag:s19] =	ssyncset.done $0x0;
	(pc) =	sbr.rel @!p1 .LBB2_10-.Ltmp8, $4  }
0x77: {  	s24 =	simm.s32 @!p0 $0x4;
	[sflag:s19] =	ssyncadd.s32 $0xFFFFD800  }
0x78: {  	_ =	swait.ge @!p0 [sflag:s24], $0x2800  }
0x79: {  	[sflag:s24] =	ssyncset.done @!p0 $0x0  }
0x7a: {  	[sflag:s24] =	ssyncadd.s32 @!p0 $0xFFFFD800;
	s24 =	simm.s32 @!p0 $0x3800  }
.Ltmp9:
0x7b: {  	(pc) =	sbr.rel .LBB2_10-.Ltmp9, $3  }
0x7c: {  	_ =	sdelay $0x1  }
0x7d: {  	[tilespmem:s17], [sflag:$0x3] =	stream.indirect.gather [hbm4b:s3+s12], $0x80, s22, s12, $0xb8;
	[tilespmem:$0x1EC00] =	vst v63  }
0x7e: {  	s24 =	simm.s32 $0x3800  }
.LBB2_12:
0x7f: {  	s2 =	sshll.u32 s1, $0x6;
	[bflag:$0x0] =	sbarrier.arrive $0xFFFF  }
0x80: {  	s3 =	sshrl.u32 s6, $0x3;
	s31 =	simm.s32 $0x5;
	s2 =	sor.u32 $0x1C05, s2  }
0x81: {  	[hbm:s9], [sflag:s2] =	dma.local [spmem:s3], $0x2780  }
0x82: {  	_ =	swait.ge [sflag:s31], $0x2780  }
0x83: {  	[sflag:s31] =	ssyncset.done $0x0  }
0x84: {  	[sflag:s31] =	ssyncadd.s32 $0xFFFFD880  }
0x85: {  	_ =	sfence.sel $0x180000  }
0x86: {  	[bflag:$0x0] =	sbarrier.arrive $0xFFFF  }
0x87: {  	p0 =	sne.s32 s1, $0x0;
	_ =	strace $0x9000004A  }
0x88: {  	s0 =	sadd.s32 @!p0 $0x100000, s0;
	[bflag:$0x2] =	sbarrier.arrive $0xFFFF  }
0x89: {  	[sflag:s0] =	ssyncadd.tile.s32 @!p0 $0x1;
	_ =	shalt  }
.Lfunc_end2:
_tile_overlayer_lowered:
.L_overlay_start_2:
0x8a: {  	(tag) =	ssettag $0x2  }
0x8b: {  	s0 =	rddreg [dreg:$0x0];
	s2 =	stileid.u32  }
0x8c: {  	s1 =	rddreg [dreg:$0x1];
	p0 =	sne.s32 s2, $0x0  }
0x8d: {  	s3 =	rddreg [dreg:$0x2];
	[bflag:$0x3] =	sbarrier.arrive $0xFFFF;
	s2 =	simm.s32 @!p0 $0x1C05  }
0x8e: {  	[timem:s3], [sflag:s2] =	dma.local @!p0 [hbm:s0], s1  }
0x8f: {  	s0 =	simm.s32 @!p0 $0x5  }
0x90: {  	_ =	swait.ge @!p0 [sflag:s0], s1  }
0x91: {  	s1 =	ssub.s32 @!p0 $0x0, s1;
	[sflag:s0] =	ssyncset.done @!p0 $0x0  }
0x92: {  	[sflag:s0] =	ssyncadd.s32 @!p0 s1  }
0x93: {  	[bflag:$0x3] =	sbarrier.arrive $0xFFFF  }
0x94: {  	_ =	shalt  }

// kernel: kernel.19.cloned.1.call-start
scs
__scs_entry_jumppad:
0x0: {  	(pc) =	sbr.rel $0x88, $3  }
0x1: {  	(tag) =	ssettag $0x0;
	lr =	simm.s32 $0x1  }
0x2: {  	[smem:$0x3F91] =	sst lr;
	_ =	strace $0xD0000000  }
0x3: {  	_ = 	snop  }
0x4: {  	_ = 	snop  }
0x5: {  	_ = 	snop  }
0x6: {  	_ = 	snop  }
0x7: {  	_ = 	snop  }
__scs_overlays_trampoline_lowered:
0x8: {  	[smem:$0x3FA0] =	sst s0  }
0x9: {  	[smem:$0x3FA1] =	sst s1  }
0xa: {  	[smem:$0x3FA2] =	sst s2  }
0xb: {  	[smem:$0x3FA3] =	sst s3  }
0xc: {  	[smem:$0x3FA4] =	sst s4  }
0xd: {  	[smem:$0x3FA5] =	sst s5  }
0xe: {  	[smem:$0x3FA6] =	sst s6  }
0xf: {  	[smem:$0x3FA7] =	sst s7  }
0x10: {  	[smem:$0x3FA8] =	sst s8  }
0x11: {  	[smem:$0x3FA9] =	sst s9;
	s0 =	simm.s32 @!p0 $0x0  }
0x12: {  	s1 =	sld [smem:$0x3F8F];
	s0 =	simm.s32 @p0 $0x1  }
0x13: {  	[smem:$0x3FAA] =	sst s0;
	s0 =	simm.s32 @!p1 $0x0  }
0x14: {  	s2 =	sld [smem:$0x3F8E];
	s0 =	simm.s32 @p1 $0x1  }
0x15: {  	[smem:$0x3FAB] =	sst s0;
	s0 =	simm.s32 @!p2 $0x0  }
0x16: {  	s3 =	sld [smem:$0x3FDB];
	s0 =	simm.s32 @p2 $0x1  }
0x17: {  	s4 =	simm.s32 $0x1BF5;
	[smem:$0x3FAD] =	sst s0  }
0x18: {  	s0 =	sld [smem:$0x3F90];
	_ =	swait.ge [sflag:s4], $0x0  }
0x19: {  	s7 =	sld [smem:$0x3F91]  }
0x1a: {  	s8 =	sadd.s32 $0xFFFFE003, lr  }
0x1b: {  	s9 =	sadd.s32 $0xFFFFFEF7, lr;
	s5 =	simm.s32 $0xFFFFFFFF;
	p2 =	slt.u32 s8, $0xFFFFF086  }
0x1c: {  	p1 =	slt.u32 s9, $0xF7A;
	s5 =	simm.s32 @!p2 $0x0  }
0x1d: {  	s5 =	simm.s32 @p1 $0x1;
	p0 =	seq.s32 s7, s2  }
0x1e: {  	s7 =	smul.u32 @!p0 $0xF7A, s2;
	p2 =	seq.s32 @!p0 s5, $0x0  }
0x1f: {  	s9 =	smul.u32 $0xF7A, s1;
	s8 =	simm.s32 @!p0 $0x1BF5;
	p2 =	por !p2, p0  }
0x20: {  	[sflag:s8] =	ssyncset.s32 @!p0 $0xFFFFF086;
	s6 =	sadd.s32 @!p0 s3, s7;
	s7 =	simm.s32 @!p0 $0x108  }
0x21: {  	s3 =	sadd.s32 s3, s9;
	s6 =	sadd.s32 @!p0 $0x88, s6;
	s7 =	simm.s32 @p2 $0x1082  }
0x22: {  	[simem:s7], [sflag:s8] =	dma.local @!p0 [hbm:s6], $0xF7A  }
0x23: {  	s9 =	sor.u32 $0xD0000000, s2;
	s6 =	simm.s32 $0x108;
	_ =	swait.ge @!p0 [sflag:s8], $0x0  }
0x24: {  	s3 =	sadd.s32 $0x88, s3;
	s6 =	simm.s32 @!p1 $0x1082;
	[sflag:s4] =	ssyncset.s32 $0xFFFFF086  }
0x25: {  	[simem:s6], [sflag:s4] =	dma.local [hbm:s3], $0xF7A  }
0x26: {  	[smem:$0x3F91] =	sst s1;
	(tag) =	ssettag s2;
	_ =	strace s9  }
0x27: {  	s1 =	sld [smem:$0x3FA1]  }
0x28: {  	s2 =	sld [smem:$0x3FA2]  }
0x29: {  	s4 =	sld [smem:$0x3FA4]  }
0x2a: {  	p0 =	seq.s32 s5, $0x0;
	s5 =	sld [smem:$0x3FA5]  }
0x2b: {  	s6 =	sld [smem:$0x3FA6]  }
0x2c: {  	s7 =	sld [smem:$0x3FA7]  }
0x2d: {  	s3 =	simm.s32 $0x108;
	s8 =	sld [smem:$0x3FA8]  }
0x2e: {  	s3 =	simm.s32 @!p0 $0x1082;
	s9 =	sld [smem:$0x3FA9]  }
0x2f: {  	lr =	sadd.s32 s0, s3;
	s0 =	sld [smem:$0x3FA0]  }
0x30: {  	s3 =	sld [smem:$0x3FA3]  }
0x31: {  	[smem:$0x3FAC] =	sst s10  }
0x32: {  	s10 =	sld [smem:$0x3FAA];
	_ =	sdelay $0x3  }
0x33: {  	p0 =	seq.s32 s10, $0x1;
	s10 =	sld [smem:$0x3FAC];
	_ =	sdelay $0x3  }
0x34: {  	[smem:$0x3FAC] =	sst s10  }
0x35: {  	s10 =	sld [smem:$0x3FAB];
	_ =	sdelay $0x3  }
0x36: {  	p1 =	seq.s32 s10, $0x1;
	s10 =	sld [smem:$0x3FAC];
	_ =	sdelay $0x3  }
0x37: {  	[smem:$0x3FAC] =	sst s10  }
0x38: {  	s10 =	sld [smem:$0x3FAD]  }
0x39: {  	_ = 	snop;
	(pc) =	sbr.ind lr, $3  }
0x3a: {  	_ = 	snop  }
0x3b: {  	_ = 	snop  }
0x3c: {  	p2 =	seq.s32 s10, $0x1;
	s10 =	sld [smem:$0x3FAC]  }
0x3d: {  	_ =	shalt  }
0x3e: {  	_ =	shalt  }
0x3f: {  	_ =	shalt  }
0x40: {  	_ =	shalt  }
0x41: {  	_ =	shalt  }
0x42: {  	_ =	shalt  }
0x43: {  	_ =	shalt  }
0x44: {  	_ =	shalt  }
0x45: {  	_ =	shalt  }
0x46: {  	_ =	shalt  }
0x47: {  	_ =	shalt  }
0x48: {  	_ =	shalt  }
0x49: {  	_ =	shalt  }
0x4a: {  	_ =	shalt  }
0x4b: {  	_ =	shalt  }
0x4c: {  	_ =	shalt  }
0x4d: {  	_ =	shalt  }
0x4e: {  	_ =	shalt  }
0x4f: {  	_ =	shalt  }
0x50: {  	_ =	shalt  }
0x51: {  	_ =	shalt  }
0x52: {  	_ =	shalt  }
0x53: {  	_ =	shalt  }
0x54: {  	_ =	shalt  }
0x55: {  	_ =	shalt  }
0x56: {  	_ =	shalt  }
0x57: {  	_ =	shalt  }
0x58: {  	_ =	shalt  }
0x59: {  	_ =	shalt  }
0x5a: {  	_ =	shalt  }
0x5b: {  	_ =	shalt  }
0x5c: {  	_ =	shalt  }
0x5d: {  	_ =	shalt  }
0x5e: {  	_ =	shalt  }
0x5f: {  	_ =	shalt  }
0x60: {  	_ =	shalt  }
0x61: {  	_ =	shalt  }
0x62: {  	_ =	shalt  }
0x63: {  	_ =	shalt  }
0x64: {  	_ =	shalt  }
0x65: {  	_ =	shalt  }
0x66: {  	_ =	shalt  }
0x67: {  	_ =	shalt  }
0x68: {  	_ =	shalt  }
0x69: {  	_ =	shalt  }
0x6a: {  	_ =	shalt  }
0x6b: {  	_ =	shalt  }
0x6c: {  	_ =	shalt  }
0x6d: {  	_ =	shalt  }
0x6e: {  	_ =	shalt  }
0x6f: {  	_ =	shalt  }
0x70: {  	_ =	shalt  }
0x71: {  	_ =	shalt  }
0x72: {  	_ =	shalt  }
0x73: {  	_ =	shalt  }
0x74: {  	_ =	shalt  }
0x75: {  	_ =	shalt  }
0x76: {  	_ =	shalt  }
0x77: {  	_ =	shalt  }
0x78: {  	_ =	shalt  }
0x79: {  	_ =	shalt  }
0x7a: {  	_ =	shalt  }
0x7b: {  	_ =	shalt  }
0x7c: {  	_ =	shalt  }
0x7d: {  	_ =	shalt  }
0x7e: {  	_ =	shalt  }
0x7f: {  	_ =	shalt  }
0x80: {  	_ =	shalt  }
0x81: {  	_ =	shalt  }
0x82: {  	_ =	shalt  }
0x83: {  	_ =	shalt  }
0x84: {  	_ =	shalt  }
0x85: {  	_ =	shalt  }
0x86: {  	_ =	shalt  }
0x87: {  	_ =	shalt  }
.Lfunc_end0:
.L_simem_size_0:
called_computation.2_lowered:
.L_overlay_start_0:
0x88: {  	s0 =	sld [smem:$0x3FD9]  }
0x89: {  	s1 =	sld [smem:$0x3FFE];
	_ =	sdelay $0x3  }
0x8a: {  	s0 =	sadd.s32 s1, s0  }
0x8b: {  	[smem:$0x3FB8] =	sst s0  }
0x8c: {  	_ = 	snop  }
0x8d: {  	(tm) =	ssettm $0x1  }
0x8e: {  	s15 =	sld [smem:$0x3FFB];
	_ =	sdelay $0x3  }
0x8f: {  	_ =	strace s15  }
0x90: {  	s0 =	sld [smem:$0x3FFC];
	_ =	sdelay $0x3  }
0x91: {  	_ =	strace s0  }
0x92: {  	s0 =	sld [smem:$0x3FFD];
	_ =	sdelay $0x3  }
0x93: {  	_ =	strace s0  }
0x94: {  	_ =	strace $0x8FFFFFFF  }
0x95: {  	s16 =	sld [smem:$0x3FDB];
	_ =	sdelay $0x1  }
0x96: {  	s17 =	simm.s32 $_scs_section_size  }
0x97: {  	s2 =	simm.s32 $_size__tile_overlayer_lowered;
	s3 =	simm.s32 $_tile_overlayer_lowered  }
0x98: {  	s20 =	simm.s32 $0x1BFF;
	s19 =	sshll.u32 s3, $0x1;
	s0 =	sadd.s32 s17, s16  }
0x99: {  	s4 =	simm.s32 $0x0;
	s18 =	sshll.u32 s2, $0x1;
	s2 =	sadd.s32 s19, s0  }
0x9a: {  	[timem:s4], [sflag:s20] =	dma.local [hbm:s2], s18  }
0x9b: {  	_ =	swait.ge [sflag:s20], s18  }
0x9c: {  	s1 =	ssub.s32 $0x0, s18;
	[sflag:s20] =	ssyncset.done $0x0  }
0x9d: {  	[sflag:s20] =	ssyncadd.s32 s1;
	_ =	sdelay $0x1  }
0x9e: {  	s21 =	simm.s32 $0x1B8B  }
0x9f: {  	_ =	swait.ge [sflag:s21], $0x1  }
0xa0: {  	[sflag:s21] =	ssyncset.done $0x0  }
0xa1: {  	s23 =	simm.s32 $0x1B8E;
	s22 =	sld [smem:$0x3FFE];
	[sflag:s21] =	ssyncadd.s32 $0xFFFFFFFF  }
0xa2: {  	s24 =	simm.s32 $execute0_lowered;
	[smem:$0x3FD2] =	sst s23  }
0xa3: {  	s2 =	sshll.u32 s24, $0x1;
	_ =	strace $0x8000004C;
	[dreg:$0x1] =	wrdreg $0xFFFFFFFF  }
0xa4: {  	s25 =	simm.s32 $_size_execute0_lowered;
	s0 =	sadd.s32 s0, s2;
	[dreg:$0x0] =	wrdreg $0x0  }
0xa5: {  	s2 =	sshll.u32 s25, $0x1;
	[dreg:$0x2] =	wrdreg s0  }
0xa6: {  	[dreg:$0x3] =	wrdreg s2  }
0xa7: {  	[dreg:$0x4] =	wrdreg $0xC0  }
0xa8: {  	_ =	task [dreg:s4], $0x5FFFF  }
0xa9: {  	[dreg:$0x1] =	wrdreg $0xFFFFFFFF  }
0xaa: {  	[dreg:$0x0] =	wrdreg $0x60  }
0xab: {  	[dreg:$0x2] =	wrdreg s22  }
0xac: {  	[dreg:$0x3] =	wrdreg $0xB0000  }
0xad: {  	[dreg:$0x4] =	wrdreg $0x9  }
0xae: {  	_ =	task.clear_ibuf [dreg:s4], $0x5FFFF;
	_ =	strace $0x9000004C  }
0xaf: {  	s26 =	simm.s32 $0x9;
	_ =	strace $0x8000004E  }
0xb0: {  	_ =	swait.ge [sflag:s26], $0x1  }
0xb1: {  	[sflag:s26] =	ssyncadd.s32 $0xFFFFFFFF  }
0xb2: {  	_ =	strace $0x9000004E  }
0xb3: {  	_ =	sfence  }
0xb4: {  	s28 =	sld [smem:$0x0];
	_ =	sdelay $0x1  }
0xb5: {  	s29 =	srdreg.scid  }
0xb6: {  	s30 =	sshll.u32 s29, $0xD;
	s31 =	sshrl.u32 s29, $0x2  }
0xb7: {  	s1 =	sand.u32 $0x1, s29;
	s2 =	sand.u32 $0x4000, s30;
	s0 =	sadd.s32 s31, s28  }
0xb8: {  	s1 =	sor.u32 s2, s1;
	s0 =	sshll.u32 s0, $0x11  }
0xb9: {  	s0 =	sor.u32 s0, s1  }
0xba: {  	s0 =	sadd.s32 $0x8F2B, s0  }
0xbb: {  	[sflag:s0] =	ssyncadd.remote.s32 $0x1  }
0xbc: {  	_ =	sfence.sel $0xFFFF  }
0xbd: {  	[dreg:$0x0] =	wrdreg $0xFFFFFFFF;
	(pc) =	sbr.abs _section_cstart, $3  }
0xbe: {  	[dreg:$0x1] =	wrdreg $0xFFFFFFFF  }
0xbf: {  	_ =	task.clear_ibuf [dreg:s4], $0x2FFFF;
	_ =	strace $0x9FFFFFFF  }
0xc0: {  	(tm) =	ssettm $0x7FFFFFFF  }
0xc1: {  	_ =	shalt  }
tec
execute0_lowered:
.L_overlay_start_1:
0x0: {  	(tag) =	ssettag $0x1  }
0x1: {  	s1 =	rddreg [dreg:$0x0]  }
0x2: {  	s2 =	rddreg [dreg:$0x1]  }
0x3: {  	s0 =	rddreg [dreg:$0x2];
	s3 =	simm.s32 $0x0  }
0x4: {  	s6 =	simm.s32 $0x0;
	s7 =	simm.s32 $0x200;
	[smem:$0x7FF] =	sst s3  }
0x5: {  	s3 =	sadd.s32 $0x25E00, s1;
	s4 =	sadd.s32 $0x2E00, s1;
	s5 =	sadd.s32 $0x14600, s1  }
0x6: {  	v0 =	vimm.f32 $0.0e+00;
	s9 =	sadd.s32 $0x1AC800, s1;
	s1 =	stileid.u32;
	_ =	strace $0x8000004D  }
.LBB2_1:
0x7: {  	p0 =	sne.s32 s7, $0x9E00;
	[tilespmem:s6+$0x3870] =	vst v0  }
0x8: {  	[tilespmem:s6+$0x3800] =	vst v0  }
0x9: {  	[tilespmem:s6+$0x3810] =	vst v0  }
.Ltmp0:
0xa: {  	[tilespmem:s6+$0x3820] =	vst v0;
	(pc) =	sbr.rel @p0 .LBB2_1-.Ltmp0, $4  }
0xb: {  	[tilespmem:s6+$0x3830] =	vst v0  }
0xc: {  	[tilespmem:s6+$0x3840] =	vst v0  }
0xd: {  	[tilespmem:s6+$0x3850] =	vst v0  }
0xe: {  	[tilespmem:s6+$0x3860] =	vst v0;
	s6 =	sshra.s32 s7, $0x2;
	s7 =	sadd.s32 $0x200, s7  }
0xf: {  	[tilespmem:s6+$0x3870] =	vst v0  }
0x10: {  	[tilespmem:s6+$0x3800] =	vst v0  }
0x11: {  	[tilespmem:s6+$0x3810] =	vst v0  }
0x12: {  	[tilespmem:s6+$0x3820] =	vst v0  }
0x13: {  	[tilespmem:s6+$0x3830] =	vst v0;
	s7 =	smul.u32 $0x4F000, s1  }
0x14: {  	[tilespmem:s6+$0x3840] =	vst v0  }
0x15: {  	[tilespmem:s6+$0x3850] =	vst v0;
	s7 =	sshrl.u32 s7, $0x2  }
0x16: {  	[tilespmem:s6+$0x3860] =	vst v0;
	s8 =	simm.s32 $0x5;
	s6 =	sadd.s32 s7, s2;
	s7 =	simm.s32 $0x3800  }
0x17: {  	[spmem:s6] =	stream.linear.scatter [tilespmem:s7], [sflag:$0x5], $0x2800, $0x38;
	[tilespmem:$0x1EC00] =	vst v63  }
0x18: {  	_ =	swait.ge [sflag:s8], $0x2800  }
0x19: {  	[sflag:s8] =	ssyncset.done $0x0  }
0x1a: {  	s10 =	sadd.s32 $0x2800, s6;
	[sflag:s8] =	ssyncadd.s32 $0xFFFFD800  }
0x1b: {  	[spmem:s10] =	stream.linear.scatter [tilespmem:s7], [sflag:$0x5], $0x2800, $0x38;
	[tilespmem:$0x1EC00] =	vst v63  }
0x1c: {  	_ =	swait.ge [sflag:s8], $0x2800  }
0x1d: {  	[sflag:s8] =	ssyncset.done $0x0  }
0x1e: {  	s25 =	sadd.s32 $0x5000, s6;
	[sflag:s8] =	ssyncadd.s32 $0xFFFFD800  }
0x1f: {  	[spmem:s25] =	stream.linear.scatter [tilespmem:s7], [sflag:$0x5], $0x2800, $0x38;
	[tilespmem:$0x1EC00] =	vst v63  }
0x20: {  	_ =	swait.ge [sflag:s8], $0x2800  }
0x21: {  	[sflag:s8] =	ssyncset.done $0x0  }
0x22: {  	s26 =	sadd.s32 $0x7800, s6;
	[sflag:s8] =	ssyncadd.s32 $0xFFFFD800  }
0x23: {  	[spmem:s26] =	stream.linear.scatter [tilespmem:s7], [sflag:$0x5], $0x2800, $0x38;
	[tilespmem:$0x1EC00] =	vst v63  }
0x24: {  	_ =	swait.ge [sflag:s8], $0x2800  }
0x25: {  	[sflag:s8] =	ssyncset.done $0x0  }
0x26: {  	s28 =	sadd.s32 $0xA000, s6;
	[sflag:s8] =	ssyncadd.s32 $0xFFFFD800  }
0x27: {  	[spmem:s28] =	stream.linear.scatter [tilespmem:s7], [sflag:$0x5], $0x2800, $0x38;
	[tilespmem:$0x1EC00] =	vst v63  }
0x28: {  	_ =	swait.ge [sflag:s8], $0x2800  }
0x29: {  	[sflag:s8] =	ssyncset.done $0x0  }
0x2a: {  	s29 =	sadd.s32 $0xC800, s6;
	[sflag:s8] =	ssyncadd.s32 $0xFFFFD800  }
0x2b: {  	[spmem:s29] =	stream.linear.scatter [tilespmem:s7], [sflag:$0x5], $0x2800, $0x38;
	[tilespmem:$0x1EC00] =	vst v63  }
0x2c: {  	_ =	swait.ge [sflag:s8], $0x2800  }
0x2d: {  	[sflag:s8] =	ssyncset.done $0x0  }
0x2e: {  	s30 =	sadd.s32 $0xF000, s6;
	[sflag:s8] =	ssyncadd.s32 $0xFFFFD800  }
0x2f: {  	[spmem:s30] =	stream.linear.scatter [tilespmem:s7], [sflag:$0x5], $0x2800, $0x38;
	[tilespmem:$0x1EC00] =	vst v63  }
0x30: {  	_ =	swait.ge [sflag:s8], $0x2800  }
0x31: {  	s11 =	smul.u32 $0x2780, s1;
	s12 =	simm.s32 $0x50;
	[sflag:s8] =	ssyncset.done $0x0  }
0x32: {  	s13 =	simm.s32 $0x80;
	s31 =	sadd.s32 $0x11800, s6;
	[sflag:s8] =	ssyncadd.s32 $0xFFFFD800  }
0x33: {  	[spmem:s31] =	stream.linear.scatter [tilespmem:s7], [sflag:$0x5], $0x2400, $0x38;
	[tilespmem:$0x1EC00] =	vst v63  }
.Ltmp1:
0x34: {  	s14 =	simm.s32 $0x6000;
	_ =	swait.ge [sflag:s8], $0x2400;
	(pc) =	sbr.rel .LBB2_3-.Ltmp1, $4  }
0x35: {  	s15 =	simm.s32 $0x3;
	s16 =	simm.s32 $0x4;
	[sflag:s8] =	ssyncset.done $0x0  }
0x36: {  	s17 =	simm.s32 $0x8800;
	s18 =	simm.s32 $0x2;
	[sflag:s8] =	ssyncadd.s32 $0xFFFFDC00  }
0x37: {  	s19 =	simm.s32 $0x1;
	s20 =	simm.s32 $0x0;
	[bflag:$0x0] =	sbarrier.arrive $0xFFFF  }
0x38: {  	s9 =	sadd.s32 s9, s11;
	s11 =	simm.s32 $0x0;
	s10 =	smul.u32 $0x8C00, s1  }
.LBB2_11:
0x39: {  	s20 =	sadd.s32 $0x1, s20  }
0x3a: {  	p0 =	sne.s32 s20, $0x5  }
.Ltmp2:
0x3b: {  	_ = 	snop;
	(pc) =	sbr.rel @!p0 .LBB2_12-.Ltmp2, $4  }
0x3c: {  	_ = 	snop  }
0x3d: {  	_ =	swait.ge [sflag:s16], $0x2800  }
0x3e: {  	[sflag:s16] =	ssyncset.done $0x0  }
0x3f: {  	[sflag:s16] =	ssyncadd.s32 $0xFFFFD800  }
.LBB2_3:
0x40: {  	s21 =	smul.u32 $0x1C00, s20;
	_ =	sdelay $0x1  }
0x41: {  	s21 =	sadd.s32 s10, s21  }
0x42: {  	s21 =	sshrl.u32 s21, $0x3  }
0x43: {  	s22 =	sadd.s32 s4, s21  }
0x44: {  	[tilespmem:s11], [sflag:$0x5] =	stream.linear.gather [hbm4b:s22+s11], $0x1900, $0x38;
	[tilespmem:$0x1EC00] =	vst v63  }
0x45: {  	_ =	swait.ge [sflag:s8], $0x1900  }
0x46: {  	[sflag:s8] =	ssyncset.done $0x0  }
0x47: {  	s31 =	sadd.s32 s5, s21;
	s21 =	simm.s32 $0x1C00;
	[sflag:s8] =	ssyncadd.s32 $0xFFFFE700  }
0x48: {  	[tilespmem:s21], [sflag:$0x5] =	stream.linear.gather [hbm4b:s31+s11], $0x1900, $0x38;
	[tilespmem:$0x1EC00] =	vst v63  }
0x49: {  	_ =	swait.ge [sflag:s8], $0x1900  }
.Ltmp3:
0x4a: {  	[sflag:s8] =	ssyncset.done $0x0;
	(pc) =	sbr.rel .LBB2_4-.Ltmp3, $4  }
0x4b: {  	[sflag:s8] =	ssyncadd.s32 $0xFFFFE700  }
0x4c: {  	[tilespmem:s7], [sflag:$0x1] =	stream.indirect.gather [hbm4b:s3+s12], $0x80, s11, s12, $0xb8;
	[tilespmem:$0x1EC00] =	vst v63  }
0x4d: {  	s23 =	simm.s32 $0x0;
	s22 =	simm.s32 $0x100  }
0x4e: {  	[tilespmem:s14], [sflag:$0x2] =	stream.indirect.gather [hbm4b:s3+s12], $0x80, s13, s12, $0xb8;
	[tilespmem:$0x1EC00] =	vst v63  }
.LBB2_9:
0x4f: {  	_ =	swait.ge [sflag:s15], $0x2800  }
0x50: {  	[sflag:s15] =	ssyncset.done $0x0  }
0x51: {  	[sflag:s15] =	ssyncadd.s32 $0xFFFFD800  }
0x52: {  	_ =	swait.ge [sflag:s16], $0x2800  }
0x53: {  	p0 =	sgt.u32 s23, $0x2F;
	[sflag:s16] =	ssyncset.done $0x0  }
0x54: {  	s24 =	simm.s32 @!p0 $0x50;
	s25 =	simm.s32 @!p0 $0x6000;
	[sflag:s16] =	ssyncadd.s32 $0xFFFFD800  }
0x55: {  	[tilespmem:s25], [sflag:$0x2] =	stream.indirect.gather @!p0 [hbm4b:s3+s24], $0x80, s22, s24, $0xb8;
	[tilespmem:$0x1EC00] =	vst v63  }
0x56: {  	s24 =	simm.s32 @!p0 $0x8800  }
0x57: {  	s24 =	simm.s32 @p0 $0x8800  }
.LBB2_10:
0x58: {  	s23 =	sadd.s32 $0x1, s23  }
0x59: {  	p0 =	sne.s32 s23, $0x32  }
.Ltmp4:
0x5a: {  	_ = 	snop;
	(pc) =	sbr.rel @!p0 .LBB2_11-.Ltmp4, $3  }
0x5b: {  	_ =	sdelay $0x1  }
0x5c: {  	[spmem:s2] =	stream.indirect.scatter.add.f32 [tilespmem:s24], [sflag:$0x4], $0x80, s21, s12, $0xb8;
	[tilespmem:$0x1EC00] =	vst v63  }
0x5d: {  	s21 =	sadd.s32 $0x80, s21;
	s22 =	sadd.s32 $0x80, s22  }
.LBB2_4:
0x5e: {  	s24 =	smul.u32 $0xAB, s23;
	_ =	sdelay $0x1  }
0x5f: {  	s24 =	sshrl.u32 s24, $0x9  }
0x60: {  	s24 =	sand.u32 $0x7F, s24  }
0x61: {  	s24 =	smul.u32 $0x3, s24;
	_ =	sdelay $0x1  }
0x62: {  	s24 =	ssub.s32 s23, s24  }
0x63: {  	s24 =	sand.u32 $0xFF, s24  }
0x64: {  	p0 =	seq.s32 s24, $0x2  }
.Ltmp5:
0x65: {  	_ = 	snop;
	(pc) =	sbr.rel @p0 .LBB2_9-.Ltmp5, $1  }
0x66: {  	_ =	sdelay $0x3  }
0x67: {  	p0 =	seq.s32 s24, $0x1  }
.Ltmp6:
0x68: {  	_ = 	snop;
	(pc) =	sbr.rel @!p0 .LBB2_6-.Ltmp6, $1  }
0x69: {  	_ =	sdelay $0x3  }
0x6a: {  	_ =	swait.ge [sflag:s18], $0x2800  }
0x6b: {  	[sflag:s18] =	ssyncset.done $0x0  }
0x6c: {  	[sflag:s18] =	ssyncadd.s32 $0xFFFFD800  }
0x6d: {  	_ =	swait.ge [sflag:s16], $0x2800  }
.Ltmp7:
0x6e: {  	p0 =	sgt.u32 s23, $0x2F;
	[sflag:s16] =	ssyncset.done $0x0;
	(pc) =	sbr.rel .LBB2_10-.Ltmp7, $4  }
0x6f: {  	s24 =	simm.s32 @!p0 $0x50;
	s25 =	simm.s32 @!p0 $0x3800;
	[sflag:s16] =	ssyncadd.s32 $0xFFFFD800  }
0x70: {  	[tilespmem:s25], [sflag:$0x1] =	stream.indirect.gather @!p0 [hbm4b:s3+s24], $0x80, s22, s24, $0xb8;
	[tilespmem:$0x1EC00] =	vst v63  }
0x71: {  	s24 =	simm.s32 @!p0 $0x6000  }
0x72: {  	s24 =	simm.s32 @p0 $0x6000  }
.LBB2_6:
0x73: {  	p0 =	seq.s32 s23, $0x0  }
0x74: {  	p1 =	sgt.u32 @!p0 s23, $0x2F  }
0x75: {  	_ =	swait.ge [sflag:s19], $0x2800;
	p1 =	por p0, !p1  }
.Ltmp8:
0x76: {  	[sflag:s19] =	ssyncset.done $0x0;
	(pc) =	sbr.rel @!p1 .LBB2_10-.Ltmp8, $4  }
0x77: {  	s24 =	simm.s32 @!p0 $0x4;
	[sflag:s19] =	ssyncadd.s32 $0xFFFFD800  }
0x78: {  	_ =	swait.ge @!p0 [sflag:s24], $0x2800  }
0x79: {  	[sflag:s24] =	ssyncset.done @!p0 $0x0  }
0x7a: {  	[sflag:s24] =	ssyncadd.s32 @!p0 $0xFFFFD800;
	s24 =	simm.s32 @!p0 $0x3800  }
.Ltmp9:
0x7b: {  	(pc) =	sbr.rel .LBB2_10-.Ltmp9, $3  }
0x7c: {  	_ =	sdelay $0x1  }
0x7d: {  	[tilespmem:s17], [sflag:$0x3] =	stream.indirect.gather [hbm4b:s3+s12], $0x80, s22, s12, $0xb8;
	[tilespmem:$0x1EC00] =	vst v63  }
0x7e: {  	s24 =	simm.s32 $0x3800  }
.LBB2_12:
0x7f: {  	s2 =	sshll.u32 s1, $0x6;
	[bflag:$0x0] =	sbarrier.arrive $0xFFFF  }
0x80: {  	s3 =	sshrl.u32 s6, $0x3;
	s31 =	simm.s32 $0x5;
	s2 =	sor.u32 $0x1C05, s2  }
0x81: {  	[hbm:s9], [sflag:s2] =	dma.local [spmem:s3], $0x2780  }
0x82: {  	_ =	swait.ge [sflag:s31], $0x2780  }
0x83: {  	[sflag:s31] =	ssyncset.done $0x0  }
0x84: {  	[sflag:s31] =	ssyncadd.s32 $0xFFFFD880  }
0x85: {  	_ =	sfence.sel $0x180000  }
0x86: {  	[bflag:$0x0] =	sbarrier.arrive $0xFFFF  }
0x87: {  	p0 =	sne.s32 s1, $0x0;
	_ =	strace $0x9000004D  }
0x88: {  	s0 =	sadd.s32 @!p0 $0x100000, s0;
	[bflag:$0x2] =	sbarrier.arrive $0xFFFF  }
0x89: {  	[sflag:s0] =	ssyncadd.tile.s32 @!p0 $0x1;
	_ =	shalt  }
.Lfunc_end2:
_tile_overlayer_lowered:
.L_overlay_start_2:
0x8a: {  	(tag) =	ssettag $0x2  }
0x8b: {  	s0 =	rddreg [dreg:$0x0];
	s2 =	stileid.u32  }
0x8c: {  	s1 =	rddreg [dreg:$0x1];
	p0 =	sne.s32 s2, $0x0  }
0x8d: {  	s3 =	rddreg [dreg:$0x2];
	[bflag:$0x3] =	sbarrier.arrive $0xFFFF;
	s2 =	simm.s32 @!p0 $0x1C05  }
0x8e: {  	[timem:s3], [sflag:s2] =	dma.local @!p0 [hbm:s0], s1  }
0x8f: {  	s0 =	simm.s32 @!p0 $0x5  }
0x90: {  	_ =	swait.ge @!p0 [sflag:s0], s1  }
0x91: {  	s1 =	ssub.s32 @!p0 $0x0, s1;
	[sflag:s0] =	ssyncset.done @!p0 $0x0  }
0x92: {  	[sflag:s0] =	ssyncadd.s32 @!p0 s1  }
0x93: {  	[bflag:$0x3] =	sbarrier.arrive $0xFFFF  }
0x94: {  	_ =	shalt  }

// kernel: kernel.22.cloned.1.call-start
scs
__scs_entry_jumppad:
0x0: {  	(pc) =	sbr.rel $0x88, $3  }
0x1: {  	(tag) =	ssettag $0x0;
	lr =	simm.s32 $0x1  }
0x2: {  	[smem:$0x3F91] =	sst lr;
	_ =	strace $0xD0000000  }
0x3: {  	_ = 	snop  }
0x4: {  	_ = 	snop  }
0x5: {  	_ = 	snop  }
0x6: {  	_ = 	snop  }
0x7: {  	_ = 	snop  }
__scs_overlays_trampoline_lowered:
0x8: {  	[smem:$0x3FA0] =	sst s0  }
0x9: {  	[smem:$0x3FA1] =	sst s1  }
0xa: {  	[smem:$0x3FA2] =	sst s2  }
0xb: {  	[smem:$0x3FA3] =	sst s3  }
0xc: {  	[smem:$0x3FA4] =	sst s4  }
0xd: {  	[smem:$0x3FA5] =	sst s5  }
0xe: {  	[smem:$0x3FA6] =	sst s6  }
0xf: {  	[smem:$0x3FA7] =	sst s7  }
0x10: {  	[smem:$0x3FA8] =	sst s8  }
0x11: {  	[smem:$0x3FA9] =	sst s9;
	s0 =	simm.s32 @!p0 $0x0  }
0x12: {  	s1 =	sld [smem:$0x3F8F];
	s0 =	simm.s32 @p0 $0x1  }
0x13: {  	[smem:$0x3FAA] =	sst s0;
	s0 =	simm.s32 @!p1 $0x0  }
0x14: {  	s2 =	sld [smem:$0x3F8E];
	s0 =	simm.s32 @p1 $0x1  }
0x15: {  	[smem:$0x3FAB] =	sst s0;
	s0 =	simm.s32 @!p2 $0x0  }
0x16: {  	s3 =	sld [smem:$0x3FDB];
	s0 =	simm.s32 @p2 $0x1  }
0x17: {  	s4 =	simm.s32 $0x1BF5;
	[smem:$0x3FAD] =	sst s0  }
0x18: {  	s0 =	sld [smem:$0x3F90];
	_ =	swait.ge [sflag:s4], $0x0  }
0x19: {  	s7 =	sld [smem:$0x3F91]  }
0x1a: {  	s8 =	sadd.s32 $0xFFFFE003, lr  }
0x1b: {  	s9 =	sadd.s32 $0xFFFFFEF7, lr;
	s5 =	simm.s32 $0xFFFFFFFF;
	p2 =	slt.u32 s8, $0xFFFFF086  }
0x1c: {  	p1 =	slt.u32 s9, $0xF7A;
	s5 =	simm.s32 @!p2 $0x0  }
0x1d: {  	s5 =	simm.s32 @p1 $0x1;
	p0 =	seq.s32 s7, s2  }
0x1e: {  	s7 =	smul.u32 @!p0 $0xF7A, s2;
	p2 =	seq.s32 @!p0 s5, $0x0  }
0x1f: {  	s9 =	smul.u32 $0xF7A, s1;
	s8 =	simm.s32 @!p0 $0x1BF5;
	p2 =	por !p2, p0  }
0x20: {  	[sflag:s8] =	ssyncset.s32 @!p0 $0xFFFFF086;
	s6 =	sadd.s32 @!p0 s3, s7;
	s7 =	simm.s32 @!p0 $0x108  }
0x21: {  	s3 =	sadd.s32 s3, s9;
	s6 =	sadd.s32 @!p0 $0x88, s6;
	s7 =	simm.s32 @p2 $0x1082  }
0x22: {  	[simem:s7], [sflag:s8] =	dma.local @!p0 [hbm:s6], $0xF7A  }
0x23: {  	s9 =	sor.u32 $0xD0000000, s2;
	s6 =	simm.s32 $0x108;
	_ =	swait.ge @!p0 [sflag:s8], $0x0  }
0x24: {  	s3 =	sadd.s32 $0x88, s3;
	s6 =	simm.s32 @!p1 $0x1082;
	[sflag:s4] =	ssyncset.s32 $0xFFFFF086  }
0x25: {  	[simem:s6], [sflag:s4] =	dma.local [hbm:s3], $0xF7A  }
0x26: {  	[smem:$0x3F91] =	sst s1;
	(tag) =	ssettag s2;
	_ =	strace s9  }
0x27: {  	s1 =	sld [smem:$0x3FA1]  }
0x28: {  	s2 =	sld [smem:$0x3FA2]  }
0x29: {  	s4 =	sld [smem:$0x3FA4]  }
0x2a: {  	p0 =	seq.s32 s5, $0x0;
	s5 =	sld [smem:$0x3FA5]  }
0x2b: {  	s6 =	sld [smem:$0x3FA6]  }
0x2c: {  	s7 =	sld [smem:$0x3FA7]  }
0x2d: {  	s3 =	simm.s32 $0x108;
	s8 =	sld [smem:$0x3FA8]  }
0x2e: {  	s3 =	simm.s32 @!p0 $0x1082;
	s9 =	sld [smem:$0x3FA9]  }
0x2f: {  	lr =	sadd.s32 s0, s3;
	s0 =	sld [smem:$0x3FA0]  }
0x30: {  	s3 =	sld [smem:$0x3FA3]  }
0x31: {  	[smem:$0x3FAC] =	sst s10  }
0x32: {  	s10 =	sld [smem:$0x3FAA];
	_ =	sdelay $0x3  }
0x33: {  	p0 =	seq.s32 s10, $0x1;
	s10 =	sld [smem:$0x3FAC];
	_ =	sdelay $0x3  }
0x34: {  	[smem:$0x3FAC] =	sst s10  }
0x35: {  	s10 =	sld [smem:$0x3FAB];
	_ =	sdelay $0x3  }
0x36: {  	p1 =	seq.s32 s10, $0x1;
	s10 =	sld [smem:$0x3FAC];
	_ =	sdelay $0x3  }
0x37: {  	[smem:$0x3FAC] =	sst s10  }
0x38: {  	s10 =	sld [smem:$0x3FAD]  }
0x39: {  	_ = 	snop;
	(pc) =	sbr.ind lr, $3  }
0x3a: {  	_ = 	snop  }
0x3b: {  	_ = 	snop  }
0x3c: {  	p2 =	seq.s32 s10, $0x1;
	s10 =	sld [smem:$0x3FAC]  }
0x3d: {  	_ =	shalt  }
0x3e: {  	_ =	shalt  }
0x3f: {  	_ =	shalt  }
0x40: {  	_ =	shalt  }
0x41: {  	_ =	shalt  }
0x42: {  	_ =	shalt  }
0x43: {  	_ =	shalt  }
0x44: {  	_ =	shalt  }
0x45: {  	_ =	shalt  }
0x46: {  	_ =	shalt  }
0x47: {  	_ =	shalt  }
0x48: {  	_ =	shalt  }
0x49: {  	_ =	shalt  }
0x4a: {  	_ =	shalt  }
0x4b: {  	_ =	shalt  }
0x4c: {  	_ =	shalt  }
0x4d: {  	_ =	shalt  }
0x4e: {  	_ =	shalt  }
0x4f: {  	_ =	shalt  }
0x50: {  	_ =	shalt  }
0x51: {  	_ =	shalt  }
0x52: {  	_ =	shalt  }
0x53: {  	_ =	shalt  }
0x54: {  	_ =	shalt  }
0x55: {  	_ =	shalt  }
0x56: {  	_ =	shalt  }
0x57: {  	_ =	shalt  }
0x58: {  	_ =	shalt  }
0x59: {  	_ =	shalt  }
0x5a: {  	_ =	shalt  }
0x5b: {  	_ =	shalt  }
0x5c: {  	_ =	shalt  }
0x5d: {  	_ =	shalt  }
0x5e: {  	_ =	shalt  }
0x5f: {  	_ =	shalt  }
0x60: {  	_ =	shalt  }
0x61: {  	_ =	shalt  }
0x62: {  	_ =	shalt  }
0x63: {  	_ =	shalt  }
0x64: {  	_ =	shalt  }
0x65: {  	_ =	shalt  }
0x66: {  	_ =	shalt  }
0x67: {  	_ =	shalt  }
0x68: {  	_ =	shalt  }
0x69: {  	_ =	shalt  }
0x6a: {  	_ =	shalt  }
0x6b: {  	_ =	shalt  }
0x6c: {  	_ =	shalt  }
0x6d: {  	_ =	shalt  }
0x6e: {  	_ =	shalt  }
0x6f: {  	_ =	shalt  }
0x70: {  	_ =	shalt  }
0x71: {  	_ =	shalt  }
0x72: {  	_ =	shalt  }
0x73: {  	_ =	shalt  }
0x74: {  	_ =	shalt  }
0x75: {  	_ =	shalt  }
0x76: {  	_ =	shalt  }
0x77: {  	_ =	shalt  }
0x78: {  	_ =	shalt  }
0x79: {  	_ =	shalt  }
0x7a: {  	_ =	shalt  }
0x7b: {  	_ =	shalt  }
0x7c: {  	_ =	shalt  }
0x7d: {  	_ =	shalt  }
0x7e: {  	_ =	shalt  }
0x7f: {  	_ =	shalt  }
0x80: {  	_ =	shalt  }
0x81: {  	_ =	shalt  }
0x82: {  	_ =	shalt  }
0x83: {  	_ =	shalt  }
0x84: {  	_ =	shalt  }
0x85: {  	_ =	shalt  }
0x86: {  	_ =	shalt  }
0x87: {  	_ =	shalt  }
.Lfunc_end0:
.L_simem_size_0:
called_computation.3_lowered:
.L_overlay_start_0:
0x88: {  	s0 =	sld [smem:$0x3FD9]  }
0x89: {  	s1 =	sld [smem:$0x3FFE];
	_ =	sdelay $0x3  }
0x8a: {  	s0 =	sadd.s32 s1, s0  }
0x8b: {  	[smem:$0x3FB8] =	sst s0  }
0x8c: {  	_ = 	snop  }
0x8d: {  	(tm) =	ssettm $0x1  }
0x8e: {  	s15 =	sld [smem:$0x3FFB];
	_ =	sdelay $0x3  }
0x8f: {  	_ =	strace s15  }
0x90: {  	s0 =	sld [smem:$0x3FFC];
	_ =	sdelay $0x3  }
0x91: {  	_ =	strace s0  }
0x92: {  	s0 =	sld [smem:$0x3FFD];
	_ =	sdelay $0x3  }
0x93: {  	_ =	strace s0  }
0x94: {  	_ =	strace $0x8FFFFFFF  }
0x95: {  	s16 =	sld [smem:$0x3FDB];
	_ =	sdelay $0x1  }
0x96: {  	s17 =	simm.s32 $_scs_section_size  }
0x97: {  	s2 =	simm.s32 $_size__tile_overlayer_lowered;
	s3 =	simm.s32 $_tile_overlayer_lowered  }
0x98: {  	s20 =	simm.s32 $0x1BFF;
	s19 =	sshll.u32 s3, $0x1;
	s0 =	sadd.s32 s17, s16  }
0x99: {  	s4 =	simm.s32 $0x0;
	s18 =	sshll.u32 s2, $0x1;
	s2 =	sadd.s32 s19, s0  }
0x9a: {  	[timem:s4], [sflag:s20] =	dma.local [hbm:s2], s18  }
0x9b: {  	_ =	swait.ge [sflag:s20], s18  }
0x9c: {  	s1 =	ssub.s32 $0x0, s18;
	[sflag:s20] =	ssyncset.done $0x0  }
0x9d: {  	[sflag:s20] =	ssyncadd.s32 s1;
	_ =	sdelay $0x1  }
0x9e: {  	s21 =	simm.s32 $0x1B8B  }
0x9f: {  	_ =	swait.ge [sflag:s21], $0x1  }
0xa0: {  	[sflag:s21] =	ssyncset.done $0x0  }
0xa1: {  	s23 =	simm.s32 $0x1B8E;
	s22 =	sld [smem:$0x3FFE];
	[sflag:s21] =	ssyncadd.s32 $0xFFFFFFFF  }
0xa2: {  	s24 =	simm.s32 $execute0_lowered;
	[smem:$0x3FD2] =	sst s23  }
0xa3: {  	s2 =	sshll.u32 s24, $0x1;
	_ =	strace $0x8000004F;
	[dreg:$0x1] =	wrdreg $0xFFFFFFFF  }
0xa4: {  	s25 =	simm.s32 $_size_execute0_lowered;
	s0 =	sadd.s32 s0, s2;
	[dreg:$0x0] =	wrdreg $0x0  }
0xa5: {  	s2 =	sshll.u32 s25, $0x1;
	[dreg:$0x2] =	wrdreg s0  }
0xa6: {  	[dreg:$0x3] =	wrdreg s2  }
0xa7: {  	[dreg:$0x4] =	wrdreg $0xC0  }
0xa8: {  	_ =	task [dreg:s4], $0x5FFFF  }
0xa9: {  	[dreg:$0x1] =	wrdreg $0xFFFFFFFF  }
0xaa: {  	[dreg:$0x0] =	wrdreg $0x60  }
0xab: {  	[dreg:$0x2] =	wrdreg s22  }
0xac: {  	[dreg:$0x3] =	wrdreg $0xB0000  }
0xad: {  	[dreg:$0x4] =	wrdreg $0x9  }
0xae: {  	_ =	task.clear_ibuf [dreg:s4], $0x5FFFF;
	_ =	strace $0x9000004F  }
0xaf: {  	s26 =	simm.s32 $0x9;
	_ =	strace $0x80000051  }
0xb0: {  	_ =	swait.ge [sflag:s26], $0x1  }
0xb1: {  	[sflag:s26] =	ssyncadd.s32 $0xFFFFFFFF  }
0xb2: {  	_ =	strace $0x90000051  }
0xb3: {  	_ =	sfence  }
0xb4: {  	s28 =	sld [smem:$0x0];
	_ =	sdelay $0x1  }
0xb5: {  	s29 =	srdreg.scid  }
0xb6: {  	s30 =	sshll.u32 s29, $0xD;
	s31 =	sshrl.u32 s29, $0x2  }
0xb7: {  	s1 =	sand.u32 $0x1, s29;
	s2 =	sand.u32 $0x4000, s30;
	s0 =	sadd.s32 s31, s28  }
0xb8: {  	s1 =	sor.u32 s2, s1;
	s0 =	sshll.u32 s0, $0x11  }
0xb9: {  	s0 =	sor.u32 s0, s1  }
0xba: {  	s0 =	sadd.s32 $0x8F2B, s0  }
0xbb: {  	[sflag:s0] =	ssyncadd.remote.s32 $0x1  }
0xbc: {  	_ =	sfence.sel $0xFFFF  }
0xbd: {  	[dreg:$0x0] =	wrdreg $0xFFFFFFFF;
	(pc) =	sbr.abs _section_cstart, $3  }
0xbe: {  	[dreg:$0x1] =	wrdreg $0xFFFFFFFF  }
0xbf: {  	_ =	task.clear_ibuf [dreg:s4], $0x2FFFF;
	_ =	strace $0x9FFFFFFF  }
0xc0: {  	(tm) =	ssettm $0x7FFFFFFF  }
0xc1: {  	_ =	shalt  }
tec
execute0_lowered:
.L_overlay_start_1:
0x0: {  	(tag) =	ssettag $0x1  }
0x1: {  	s1 =	rddreg [dreg:$0x0]  }
0x2: {  	s2 =	rddreg [dreg:$0x1]  }
0x3: {  	s0 =	rddreg [dreg:$0x2];
	s3 =	simm.s32 $0x0  }
0x4: {  	s6 =	simm.s32 $0x0;
	s7 =	simm.s32 $0x200;
	[smem:$0x7FF] =	sst s3  }
0x5: {  	s3 =	sadd.s32 $0x25E00, s1;
	s4 =	sadd.s32 $0x2E00, s1;
	s5 =	sadd.s32 $0x14600, s1  }
0x6: {  	v0 =	vimm.f32 $0.0e+00;
	s9 =	sadd.s32 $0x1AC800, s1;
	s1 =	stileid.u32;
	_ =	strace $0x80000050  }
.LBB2_1:
0x7: {  	p0 =	sne.s32 s7, $0x9E00;
	[tilespmem:s6+$0x3870] =	vst v0  }
0x8: {  	[tilespmem:s6+$0x3800] =	vst v0  }
0x9: {  	[tilespmem:s6+$0x3810] =	vst v0  }
.Ltmp0:
0xa: {  	[tilespmem:s6+$0x3820] =	vst v0;
	(pc) =	sbr.rel @p0 .LBB2_1-.Ltmp0, $4  }
0xb: {  	[tilespmem:s6+$0x3830] =	vst v0  }
0xc: {  	[tilespmem:s6+$0x3840] =	vst v0  }
0xd: {  	[tilespmem:s6+$0x3850] =	vst v0  }
0xe: {  	[tilespmem:s6+$0x3860] =	vst v0;
	s6 =	sshra.s32 s7, $0x2;
	s7 =	sadd.s32 $0x200, s7  }
0xf: {  	[tilespmem:s6+$0x3870] =	vst v0  }
0x10: {  	[tilespmem:s6+$0x3800] =	vst v0  }
0x11: {  	[tilespmem:s6+$0x3810] =	vst v0  }
0x12: {  	[tilespmem:s6+$0x3820] =	vst v0  }
0x13: {  	[tilespmem:s6+$0x3830] =	vst v0;
	s7 =	smul.u32 $0x4F000, s1  }
0x14: {  	[tilespmem:s6+$0x3840] =	vst v0  }
0x15: {  	[tilespmem:s6+$0x3850] =	vst v0;
	s7 =	sshrl.u32 s7, $0x2  }
0x16: {  	[tilespmem:s6+$0x3860] =	vst v0;
	s8 =	simm.s32 $0x5;
	s6 =	sadd.s32 s7, s2;
	s7 =	simm.s32 $0x3800  }
0x17: {  	[spmem:s6] =	stream.linear.scatter [tilespmem:s7], [sflag:$0x5], $0x2800, $0x38;
	[tilespmem:$0x1EC00] =	vst v63  }
0x18: {  	_ =	swait.ge [sflag:s8], $0x2800  }
0x19: {  	[sflag:s8] =	ssyncset.done $0x0  }
0x1a: {  	s10 =	sadd.s32 $0x2800, s6;
	[sflag:s8] =	ssyncadd.s32 $0xFFFFD800  }
0x1b: {  	[spmem:s10] =	stream.linear.scatter [tilespmem:s7], [sflag:$0x5], $0x2800, $0x38;
	[tilespmem:$0x1EC00] =	vst v63  }
0x1c: {  	_ =	swait.ge [sflag:s8], $0x2800  }
0x1d: {  	[sflag:s8] =	ssyncset.done $0x0  }
0x1e: {  	s25 =	sadd.s32 $0x5000, s6;
	[sflag:s8] =	ssyncadd.s32 $0xFFFFD800  }
0x1f: {  	[spmem:s25] =	stream.linear.scatter [tilespmem:s7], [sflag:$0x5], $0x2800, $0x38;
	[tilespmem:$0x1EC00] =	vst v63  }
0x20: {  	_ =	swait.ge [sflag:s8], $0x2800  }
0x21: {  	[sflag:s8] =	ssyncset.done $0x0  }
0x22: {  	s26 =	sadd.s32 $0x7800, s6;
	[sflag:s8] =	ssyncadd.s32 $0xFFFFD800  }
0x23: {  	[spmem:s26] =	stream.linear.scatter [tilespmem:s7], [sflag:$0x5], $0x2800, $0x38;
	[tilespmem:$0x1EC00] =	vst v63  }
0x24: {  	_ =	swait.ge [sflag:s8], $0x2800  }
0x25: {  	[sflag:s8] =	ssyncset.done $0x0  }
0x26: {  	s28 =	sadd.s32 $0xA000, s6;
	[sflag:s8] =	ssyncadd.s32 $0xFFFFD800  }
0x27: {  	[spmem:s28] =	stream.linear.scatter [tilespmem:s7], [sflag:$0x5], $0x2800, $0x38;
	[tilespmem:$0x1EC00] =	vst v63  }
0x28: {  	_ =	swait.ge [sflag:s8], $0x2800  }
0x29: {  	[sflag:s8] =	ssyncset.done $0x0  }
0x2a: {  	s29 =	sadd.s32 $0xC800, s6;
	[sflag:s8] =	ssyncadd.s32 $0xFFFFD800  }
0x2b: {  	[spmem:s29] =	stream.linear.scatter [tilespmem:s7], [sflag:$0x5], $0x2800, $0x38;
	[tilespmem:$0x1EC00] =	vst v63  }
0x2c: {  	_ =	swait.ge [sflag:s8], $0x2800  }
0x2d: {  	[sflag:s8] =	ssyncset.done $0x0  }
0x2e: {  	s30 =	sadd.s32 $0xF000, s6;
	[sflag:s8] =	ssyncadd.s32 $0xFFFFD800  }
0x2f: {  	[spmem:s30] =	stream.linear.scatter [tilespmem:s7], [sflag:$0x5], $0x2800, $0x38;
	[tilespmem:$0x1EC00] =	vst v63  }
0x30: {  	_ =	swait.ge [sflag:s8], $0x2800  }
0x31: {  	s11 =	smul.u32 $0x2780, s1;
	s12 =	simm.s32 $0x50;
	[sflag:s8] =	ssyncset.done $0x0  }
0x32: {  	s13 =	simm.s32 $0x80;
	s31 =	sadd.s32 $0x11800, s6;
	[sflag:s8] =	ssyncadd.s32 $0xFFFFD800  }
0x33: {  	[spmem:s31] =	stream.linear.scatter [tilespmem:s7], [sflag:$0x5], $0x2400, $0x38;
	[tilespmem:$0x1EC00] =	vst v63  }
.Ltmp1:
0x34: {  	s14 =	simm.s32 $0x6000;
	_ =	swait.ge [sflag:s8], $0x2400;
	(pc) =	sbr.rel .LBB2_3-.Ltmp1, $4  }
0x35: {  	s15 =	simm.s32 $0x3;
	s16 =	simm.s32 $0x4;
	[sflag:s8] =	ssyncset.done $0x0  }
0x36: {  	s17 =	simm.s32 $0x8800;
	s18 =	simm.s32 $0x2;
	[sflag:s8] =	ssyncadd.s32 $0xFFFFDC00  }
0x37: {  	s19 =	simm.s32 $0x1;
	s20 =	simm.s32 $0x0;
	[bflag:$0x0] =	sbarrier.arrive $0xFFFF  }
0x38: {  	s9 =	sadd.s32 s9, s11;
	s11 =	simm.s32 $0x0;
	s10 =	smul.u32 $0x8C00, s1  }
.LBB2_11:
0x39: {  	s20 =	sadd.s32 $0x1, s20  }
0x3a: {  	p0 =	sne.s32 s20, $0x5  }
.Ltmp2:
0x3b: {  	_ = 	snop;
	(pc) =	sbr.rel @!p0 .LBB2_12-.Ltmp2, $4  }
0x3c: {  	_ = 	snop  }
0x3d: {  	_ =	swait.ge [sflag:s16], $0x2800  }
0x3e: {  	[sflag:s16] =	ssyncset.done $0x0  }
0x3f: {  	[sflag:s16] =	ssyncadd.s32 $0xFFFFD800  }
.LBB2_3:
0x40: {  	s21 =	smul.u32 $0x1C00, s20;
	_ =	sdelay $0x1  }
0x41: {  	s21 =	sadd.s32 s10, s21  }
0x42: {  	s21 =	sshrl.u32 s21, $0x3  }
0x43: {  	s22 =	sadd.s32 s4, s21  }
0x44: {  	[tilespmem:s11], [sflag:$0x5] =	stream.linear.gather [hbm4b:s22+s11], $0x1900, $0x38;
	[tilespmem:$0x1EC00] =	vst v63  }
0x45: {  	_ =	swait.ge [sflag:s8], $0x1900  }
0x46: {  	[sflag:s8] =	ssyncset.done $0x0  }
0x47: {  	s31 =	sadd.s32 s5, s21;
	s21 =	simm.s32 $0x1C00;
	[sflag:s8] =	ssyncadd.s32 $0xFFFFE700  }
0x48: {  	[tilespmem:s21], [sflag:$0x5] =	stream.linear.gather [hbm4b:s31+s11], $0x1900, $0x38;
	[tilespmem:$0x1EC00] =	vst v63  }
0x49: {  	_ =	swait.ge [sflag:s8], $0x1900  }
.Ltmp3:
0x4a: {  	[sflag:s8] =	ssyncset.done $0x0;
	(pc) =	sbr.rel .LBB2_4-.Ltmp3, $4  }
0x4b: {  	[sflag:s8] =	ssyncadd.s32 $0xFFFFE700  }
0x4c: {  	[tilespmem:s7], [sflag:$0x1] =	stream.indirect.gather [hbm4b:s3+s12], $0x80, s11, s12, $0xb8;
	[tilespmem:$0x1EC00] =	vst v63  }
0x4d: {  	s23 =	simm.s32 $0x0;
	s22 =	simm.s32 $0x100  }
0x4e: {  	[tilespmem:s14], [sflag:$0x2] =	stream.indirect.gather [hbm4b:s3+s12], $0x80, s13, s12, $0xb8;
	[tilespmem:$0x1EC00] =	vst v63  }
.LBB2_9:
0x4f: {  	_ =	swait.ge [sflag:s15], $0x2800  }
0x50: {  	[sflag:s15] =	ssyncset.done $0x0  }
0x51: {  	[sflag:s15] =	ssyncadd.s32 $0xFFFFD800  }
0x52: {  	_ =	swait.ge [sflag:s16], $0x2800  }
0x53: {  	p0 =	sgt.u32 s23, $0x2F;
	[sflag:s16] =	ssyncset.done $0x0  }
0x54: {  	s24 =	simm.s32 @!p0 $0x50;
	s25 =	simm.s32 @!p0 $0x6000;
	[sflag:s16] =	ssyncadd.s32 $0xFFFFD800  }
0x55: {  	[tilespmem:s25], [sflag:$0x2] =	stream.indirect.gather @!p0 [hbm4b:s3+s24], $0x80, s22, s24, $0xb8;
	[tilespmem:$0x1EC00] =	vst v63  }
0x56: {  	s24 =	simm.s32 @!p0 $0x8800  }
0x57: {  	s24 =	simm.s32 @p0 $0x8800  }
.LBB2_10:
0x58: {  	s23 =	sadd.s32 $0x1, s23  }
0x59: {  	p0 =	sne.s32 s23, $0x32  }
.Ltmp4:
0x5a: {  	_ = 	snop;
	(pc) =	sbr.rel @!p0 .LBB2_11-.Ltmp4, $3  }
0x5b: {  	_ =	sdelay $0x1  }
0x5c: {  	[spmem:s2] =	stream.indirect.scatter.add.f32 [tilespmem:s24], [sflag:$0x4], $0x80, s21, s12, $0xb8;
	[tilespmem:$0x1EC00] =	vst v63  }
0x5d: {  	s21 =	sadd.s32 $0x80, s21;
	s22 =	sadd.s32 $0x80, s22  }
.LBB2_4:
0x5e: {  	s24 =	smul.u32 $0xAB, s23;
	_ =	sdelay $0x1  }
0x5f: {  	s24 =	sshrl.u32 s24, $0x9  }
0x60: {  	s24 =	sand.u32 $0x7F, s24  }
0x61: {  	s24 =	smul.u32 $0x3, s24;
	_ =	sdelay $0x1  }
0x62: {  	s24 =	ssub.s32 s23, s24  }
0x63: {  	s24 =	sand.u32 $0xFF, s24  }
0x64: {  	p0 =	seq.s32 s24, $0x2  }
.Ltmp5:
0x65: {  	_ = 	snop;
	(pc) =	sbr.rel @p0 .LBB2_9-.Ltmp5, $1  }
0x66: {  	_ =	sdelay $0x3  }
0x67: {  	p0 =	seq.s32 s24, $0x1  }
.Ltmp6:
0x68: {  	_ = 	snop;
	(pc) =	sbr.rel @!p0 .LBB2_6-.Ltmp6, $1  }
0x69: {  	_ =	sdelay $0x3  }
0x6a: {  	_ =	swait.ge [sflag:s18], $0x2800  }
0x6b: {  	[sflag:s18] =	ssyncset.done $0x0  }
0x6c: {  	[sflag:s18] =	ssyncadd.s32 $0xFFFFD800  }
0x6d: {  	_ =	swait.ge [sflag:s16], $0x2800  }
.Ltmp7:
0x6e: {  	p0 =	sgt.u32 s23, $0x2F;
	[sflag:s16] =	ssyncset.done $0x0;
	(pc) =	sbr.rel .LBB2_10-.Ltmp7, $4  }
0x6f: {  	s24 =	simm.s32 @!p0 $0x50;
	s25 =	simm.s32 @!p0 $0x3800;
	[sflag:s16] =	ssyncadd.s32 $0xFFFFD800  }
0x70: {  	[tilespmem:s25], [sflag:$0x1] =	stream.indirect.gather @!p0 [hbm4b:s3+s24], $0x80, s22, s24, $0xb8;
	[tilespmem:$0x1EC00] =	vst v63  }
0x71: {  	s24 =	simm.s32 @!p0 $0x6000  }
0x72: {  	s24 =	simm.s32 @p0 $0x6000  }
.LBB2_6:
0x73: {  	p0 =	seq.s32 s23, $0x0  }
0x74: {  	p1 =	sgt.u32 @!p0 s23, $0x2F  }
0x75: {  	_ =	swait.ge [sflag:s19], $0x2800;
	p1 =	por p0, !p1  }
.Ltmp8:
0x76: {  	[sflag:s19] =	ssyncset.done $0x0;
	(pc) =	sbr.rel @!p1 .LBB2_10-.Ltmp8, $4  }
0x77: {  	s24 =	simm.s32 @!p0 $0x4;
	[sflag:s19] =	ssyncadd.s32 $0xFFFFD800  }
0x78: {  	_ =	swait.ge @!p0 [sflag:s24], $0x2800  }
0x79: {  	[sflag:s24] =	ssyncset.done @!p0 $0x0  }
0x7a: {  	[sflag:s24] =	ssyncadd.s32 @!p0 $0xFFFFD800;
	s24 =	simm.s32 @!p0 $0x3800  }
.Ltmp9:
0x7b: {  	(pc) =	sbr.rel .LBB2_10-.Ltmp9, $3  }
0x7c: {  	_ =	sdelay $0x1  }
0x7d: {  	[tilespmem:s17], [sflag:$0x3] =	stream.indirect.gather [hbm4b:s3+s12], $0x80, s22, s12, $0xb8;
	[tilespmem:$0x1EC00] =	vst v63  }
0x7e: {  	s24 =	simm.s32 $0x3800  }
.LBB2_12:
0x7f: {  	s2 =	sshll.u32 s1, $0x6;
	[bflag:$0x0] =	sbarrier.arrive $0xFFFF  }
0x80: {  	s3 =	sshrl.u32 s6, $0x3;
	s31 =	simm.s32 $0x5;
	s2 =	sor.u32 $0x1C05, s2  }
0x81: {  	[hbm:s9], [sflag:s2] =	dma.local [spmem:s3], $0x2780  }
0x82: {  	_ =	swait.ge [sflag:s31], $0x2780  }
0x83: {  	[sflag:s31] =	ssyncset.done $0x0  }
0x84: {  	[sflag:s31] =	ssyncadd.s32 $0xFFFFD880  }
0x85: {  	_ =	sfence.sel $0x180000  }
0x86: {  	[bflag:$0x0] =	sbarrier.arrive $0xFFFF  }
0x87: {  	p0 =	sne.s32 s1, $0x0;
	_ =	strace $0x90000050  }
0x88: {  	s0 =	sadd.s32 @!p0 $0x100000, s0;
	[bflag:$0x2] =	sbarrier.arrive $0xFFFF  }
0x89: {  	[sflag:s0] =	ssyncadd.tile.s32 @!p0 $0x1;
	_ =	shalt  }
.Lfunc_end2:
_tile_overlayer_lowered:
.L_overlay_start_2:
0x8a: {  	(tag) =	ssettag $0x2  }
0x8b: {  	s0 =	rddreg [dreg:$0x0];
	s2 =	stileid.u32  }
0x8c: {  	s1 =	rddreg [dreg:$0x1];
	p0 =	sne.s32 s2, $0x0  }
0x8d: {  	s3 =	rddreg [dreg:$0x2];
	[bflag:$0x3] =	sbarrier.arrive $0xFFFF;
	s2 =	simm.s32 @!p0 $0x1C05  }
0x8e: {  	[timem:s3], [sflag:s2] =	dma.local @!p0 [hbm:s0], s1  }
0x8f: {  	s0 =	simm.s32 @!p0 $0x5  }
0x90: {  	_ =	swait.ge @!p0 [sflag:s0], s1  }
0x91: {  	s1 =	ssub.s32 @!p0 $0x0, s1;
	[sflag:s0] =	ssyncset.done @!p0 $0x0  }
0x92: {  	[sflag:s0] =	ssyncadd.s32 @!p0 s1  }
0x93: {  	[bflag:$0x3] =	sbarrier.arrive $0xFFFF  }
0x94: {  	_ =	shalt  }

</sc_bundles>
